<compile_context>
chip_gen: v7x
topology: tpu7x:2x2x1
jax: 0.10.2.dev20260603
libtpu: 0.0.44.dev20260713+nightly
codegen_flags: <defaults>
</compile_context>

<pallas_src>
import functools

import jax
import jax.numpy as jnp
from jax import lax
from jax.experimental import pallas as pl
from jax.experimental.pallas import tpu as pltpu
from jax.experimental.pallas import tpu_sc as plsc

L = 16
NC = 2
NS = 16
KB = 512
KU = 1
ZR = 6256
RB = 800


def _sc_mesh():
    return plsc.VectorSubcoreMesh(
        core_axis_name="c", subcore_axis_name="s", num_cores=NC, num_subcores=NS
    )


def _wb_rows(n):
    return ((n + NS * 8 - 1) // (NS * 8)) * 8


def _make_deg(n, rows2d):
    rpt = rows2d // (NC * NS)
    nch = rpt // KU
    wb = _wb_rows(n)
    n_pad = NS * wb
    racc = NS * ZR

    @functools.partial(
        pl.kernel,
        out_type=jax.ShapeDtypeStruct((2 * n_pad, L), jnp.float32),
        mesh=_sc_mesh(),
        scratch_types=[
            pltpu.VMEM((KU, KB), jnp.int32),
            pltpu.VMEM((KB, L), jnp.float32),
            pltpu.VMEM_SHARED((racc, L), jnp.float32),
        ],
        compiler_params=pltpu.CompilerParams(use_tc_tiling_on_sc=False),
    )
    def deg_kernel(dst2, zrs, ones_h, out, didx, ones_v, acc):
        c = lax.axis_index("c")
        s = lax.axis_index("s")
        pltpu.sync_copy(ones_h, ones_v)
        pltpu.sync_copy(zrs, acc.at[pl.ds(s * ZR, ZR)])
        plsc.subcore_barrier()

        def body(i, carry):
            r0 = c * (rpt * NS) + s * rpt + i * KU
            pltpu.sync_copy(dst2.at[pl.ds(r0, KU)], didx)
            for j in range(KU):
                pltpu.sync_copy(ones_v, acc.at[didx.at[j]], add=True)
            return carry

        lax.fori_loop(0, nch, body, None)
        plsc.subcore_barrier()
        pltpu.sync_copy(acc.at[pl.ds(s * wb, wb)],
                        out.at[pl.ds(c * n_pad + s * wb, wb)])

    return deg_kernel


def _make_conv(g_total, n, rows2d):
    rpt = rows2d // NS
    nch = rpt // KU
    gh = g_total // NC
    wb = _wb_rows(n)
    n_pad = NS * wb
    racc = NS * ZR

    @functools.partial(
        pl.kernel,
        out_type=jax.ShapeDtypeStruct((g_total * n_pad, L), jnp.float32),
        mesh=_sc_mesh(),
        scratch_types=[
            pltpu.VMEM((KU, KB), jnp.int32),
            pltpu.VMEM((KU, KB), jnp.int32),
            pltpu.VMEM((KU, KB), jnp.int32),
            pltpu.VMEM((KU, KB), jnp.int32),
            pltpu.VMEM((KU, KB, L), jnp.float32),
            pltpu.VMEM((KU, KB, L), jnp.float32),
            pltpu.SemaphoreType.DMA,
            pltpu.SemaphoreType.DMA,
            pltpu.SemaphoreType.DMA,
            pltpu.SemaphoreType.DMA,
            pltpu.VMEM_SHARED((racc, L), jnp.float32),
        ],
        compiler_params=pltpu.CompilerParams(use_tc_tiling_on_sc=False),
    )
    def conv_kernel(tbl, src2, dst2, out,
                    sidx0, didx0, sidx1, didx1, rows0, rows1,
                    gsem0, gsem1, isem0, isem1, acc):
        c = lax.axis_index("c")
        s = lax.axis_index("s")
        base = s * rpt

        def fire_idx(i_clamped, sref, dref, sem):
            r0 = base + i_clamped * KU
            pltpu.async_copy(src2.at[pl.ds(r0, KU)], sref, sem)
            pltpu.async_copy(dst2.at[pl.ds(r0, KU)], dref, sem)

        def wait_idx(sref, dref, sem):
            pltpu.make_async_copy(src2.at[pl.ds(base, KU)], sref, sem).wait()
            pltpu.make_async_copy(dst2.at[pl.ds(base, KU)], dref, sem).wait()

        def fire_gathers(tblg, sref, rbuf, sem):
            for j in range(KU):
                pltpu.async_copy(tblg.at[sref.at[j]], rbuf.at[j], sem)

        def wait_gathers(tblg, sref, rbuf, sem):
            for j in range(KU):
                pltpu.make_async_copy(tblg.at[sref.at[j]], rbuf.at[j],
                                      sem).wait()

        def scatter(dref, rbuf):
            for j in range(KU):
                pltpu.sync_copy(rbuf.at[j], acc.at[dref.at[j]], add=True)

        for p in range(gh):
            g = c * gh + p
            tblg = tbl.at[g]
            pltpu.sync_copy(tblg.at[pl.ds(s * wb, wb)], acc.at[pl.ds(s * wb, wb)])
            plsc.subcore_barrier()

            pltpu.sync_copy(src2.at[pl.ds(base, KU)], sidx0)
            pltpu.sync_copy(dst2.at[pl.ds(base, KU)], didx0)
            fire_gathers(tblg, sidx0, rows0, gsem0)
            fire_idx(jnp.int32(1), sidx1, didx1, isem1)

            def body(k, carry):
                i2 = jnp.minimum(2 * k + 2, nch - 1)
                i3 = jnp.minimum(2 * k + 3, nch - 1)
                wait_idx(sidx1, didx1, isem1)
                fire_gathers(tblg, sidx1, rows1, gsem1)
                wait_gathers(tblg, sidx0, rows0, gsem0)
                scatter(didx0, rows0)
                fire_idx(i2, sidx0, didx0, isem0)
                wait_idx(sidx0, didx0, isem0)
                fire_gathers(tblg, sidx0, rows0, gsem0)
                wait_gathers(tblg, sidx1, rows1, gsem1)
                scatter(didx1, rows1)
                fire_idx(i3, sidx1, didx1, isem1)
                return carry

            lax.fori_loop(0, nch // 2, body, None)
            wait_gathers(tblg, sidx0, rows0, gsem0)
            wait_idx(sidx1, didx1, isem1)

            plsc.subcore_barrier()
            ob = g * n_pad + s * wb
            pltpu.sync_copy(acc.at[pl.ds(s * wb, wb)], out.at[pl.ds(ob, wb)])
            plsc.subcore_barrier()

    return conv_kernel


def _tc_prep(x, w1, degr, n, n_pad):
    f_in = x.shape[1]
    d1 = w1.shape[1]
    g1 = d1 // L
    grid = n // RB

    def body(x_ref, w_ref, d0_ref, d1_ref, hng_ref, dinv_ref):
        deg = d0_ref[0, :, 0:1] + d1_ref[0, :, 0:1] + 1.0
        dinv = lax.rsqrt(deg)
        h = jnp.dot(x_ref[...], w_ref[...], preferred_element_type=jnp.float32)
        hn = h * dinv
        hng_ref[...] = jnp.stack([hn[:, g * L:(g + 1) * L] for g in range(g1)], 0)
        dinv_ref[...] = dinv

    return pl.pallas_call(
        body,
        grid=(grid,),
        in_specs=[
            pl.BlockSpec((RB, f_in), lambda i: (i, 0)),
            pl.BlockSpec((f_in, d1), lambda i: (0, 0)),
            pl.BlockSpec((1, RB, L), lambda i: (0, i, 0)),
            pl.BlockSpec((1, RB, L), lambda i: (1, i, 0)),
        ],
        out_specs=[
            pl.BlockSpec((g1, RB, L), lambda i: (0, i, 0)),
            pl.BlockSpec((RB, 1), lambda i: (i, 0)),
        ],
        out_shape=[
            jax.ShapeDtypeStruct((g1, n_pad, L), jnp.float32),
            jax.ShapeDtypeStruct((n, 1), jnp.float32),
        ],
    )(x, w1, degr, degr)


def _tc_mid(accr, dinv, b1r, w2, n, n_pad):
    g1 = accr.shape[0]
    d1 = g1 * L
    d2 = w2.shape[1]
    g2 = d2 // L
    grid = n // RB

    def body(a_ref, dinv_ref, b_ref, w_ref, out_ref):
        tot = a_ref[...]
        cat = jnp.concatenate([tot[g] for g in range(g1)], axis=1)
        z = jnp.maximum(cat * dinv_ref[...] + b_ref[...], 0.0)
        h2 = jnp.dot(z, w_ref[...], preferred_element_type=jnp.float32)
        hn2 = h2 * dinv_ref[...]
        out_ref[...] = jnp.stack([hn2[:, g * L:(g + 1) * L] for g in range(g2)], 0)

    return pl.pallas_call(
        body,
        grid=(grid,),
        in_specs=[
            pl.BlockSpec((g1, RB, L), lambda i: (0, i, 0)),
            pl.BlockSpec((RB, 1), lambda i: (i, 0)),
            pl.BlockSpec((1, d1), lambda i: (0, 0)),
            pl.BlockSpec((d1, d2), lambda i: (0, 0)),
        ],
        out_specs=pl.BlockSpec((g2, RB, L), lambda i: (0, i, 0)),
        out_shape=jax.ShapeDtypeStruct((g2, n_pad, L), jnp.float32),
    )(accr, dinv, b1r, w2)


def _tc_final(accr, dinv, b2r, n):
    g2 = accr.shape[0]
    d2 = g2 * L
    grid = n // RB

    def body(a_ref, dinv_ref, b_ref, out_ref):
        tot = a_ref[...]
        o = jnp.concatenate([tot[g] for g in range(g2)], axis=1)
        o = o * dinv_ref[...] + b_ref[...]
        m = jnp.max(o, axis=1, keepdims=True)
        lse = jnp.log(jnp.sum(jnp.exp(o - m), axis=1, keepdims=True)) + m
        out_ref[...] = o - lse

    return pl.pallas_call(
        body,
        grid=(grid,),
        in_specs=[
            pl.BlockSpec((g2, RB, L), lambda i: (0, i, 0)),
            pl.BlockSpec((RB, 1), lambda i: (i, 0)),
            pl.BlockSpec((1, d2), lambda i: (0, 0)),
        ],
        out_specs=pl.BlockSpec((RB, d2), lambda i: (i, 0)),
        out_shape=jax.ShapeDtypeStruct((n, d2), jnp.float32),
    )(accr, dinv, b2r)


def kernel(x, edge_index, W1, b1, W2, b2):
    n = x.shape[0]
    e = edge_index.shape[1]
    d1 = W1.shape[1]
    d2 = W2.shape[1]
    g1, g2 = d1 // L, d2 // L

    ei = edge_index.astype(jnp.int32)
    src, dst = ei[0], ei[1]

    grain = 2 * NS * 2 * KU * KB
    e_pad = ((e + grain - 1) // grain) * grain
    pad = e_pad - e
    srcp = jnp.concatenate([src, jnp.zeros((pad,), jnp.int32)])
    dstp = jnp.concatenate([dst, jnp.full((pad,), n, jnp.int32)])
    src2 = srcp.reshape(-1, KB)
    dst2 = dstp.reshape(-1, KB)
    rows2d = src2.shape[0]

    zrs = jnp.zeros((ZR, L), jnp.float32)
    ones_h = jnp.ones((KB, L), jnp.float32)

    n_pad = NS * _wb_rows(n)

    degf = _make_deg(n, rows2d)(dst2, zrs, ones_h)
    degr = degf.reshape(2, n_pad, L)

    hng1, dinv = _tc_prep(x, W1, degr, n, n_pad)

    acc1 = _make_conv(g1, n, rows2d)(hng1, src2, dst2)
    hng2 = _tc_mid(acc1.reshape(g1, n_pad, L), dinv,
                   b1.reshape(1, d1), W2, n, n_pad)

    acc2 = _make_conv(g2, n, rows2d)(hng2, src2, dst2)
    return _tc_final(acc2.reshape(g2, n_pad, L), dinv,
                     b2.reshape(1, d2), n)

# --- scband reference (transcript-rebuilt; emitter-appended) ---
"""Pipeline reference for scband-gcnmodel-43834436223248 (READ-ONLY COPY).

The authoritative reference and input builder live on the scoring server;
editing this copy changes nothing except your own understanding.
"""

import jax, jax.numpy as jnp
import numpy as np

N_NODES = 100000
N_EDGES = 1600000

def _gcn_conv(x, edge_index, W, b):
    n = x.shape[0]
    src = edge_index[0]
    dst = edge_index[1]
    loop = jnp.arange(n, dtype=edge_index.dtype)
    src = jnp.concatenate([src, loop])
    dst = jnp.concatenate([dst, loop])
    deg = jnp.zeros((n,), dtype=x.dtype).at[dst].add(1.0)
    dinv = jnp.where(deg > 0, deg ** -0.5, 0.0)
    norm = dinv[src] * dinv[dst]
    h = x @ W
    msg = h[src] * norm[:, None]
    out = jnp.zeros((n, W.shape[1]), dtype=x.dtype).at[dst].add(msg)
    return out + b

def setup_inputs(seed: int = 0) -> dict:
    key = jax.random.key(seed)
    k1, k2, k3, k4, k5 = jax.random.split(key, 5)
    x = jax.random.normal(k1, (N_NODES, 32), dtype=jnp.float32)
    edge_index = jax.random.randint(k2, (2, N_EDGES), 0, N_NODES, dtype=jnp.int64)
    W1 = jax.random.normal(k3, (32, 64), dtype=jnp.float32) * (1.0 / np.sqrt(32))
    b1 = jnp.zeros((64,), dtype=jnp.float32)
    W2 = jax.random.normal(k4, (64, 128), dtype=jnp.float32) * (1.0 / np.sqrt(64))
    b2 = jnp.zeros((128,), dtype=jnp.float32)
    return {"x": x, "edge_index": edge_index, "W1": W1, "b1": b1, "W2": W2, "b2": b2}

def reference(x, edge_index, W1, b1, W2, b2):
    h = _gcn_conv(x, edge_index, W1, b1)
    h = jax.nn.relu(h)
    h = _gcn_conv(h, edge_index, W2, b2)
    return jax.nn.log_softmax(h, axis=1)

if __name__ == "__main__":
    import jax
    _d = setup_inputs()
    print(jax.jit(kernel)(*tuple(_d.values())))

</pallas_src>

<mosaic_0001>
#map = affine_map<(d0, d1) -> (0, 0, 0)>
#map1 = affine_map<(d0, d1) -> (0, 0)>
module attributes {stable_mosaic.version = 14 : i64} {
  func.func @conv_kernel(%arg0: i32, %arg1: i32, %arg2: memref<4x100096x16xf32, #tpu.memory_space<hbm>>, %arg3: memref<3136x512xi32, #tpu.memory_space<hbm>>, %arg4: memref<3136x512xi32, #tpu.memory_space<hbm>>, %arg5: memref<400384x16xf32, #tpu.memory_space<hbm>>, %arg6: memref<1x512xi32, #tpu.memory_space<vmem>>, %arg7: memref<1x512xi32, #tpu.memory_space<vmem>>, %arg8: memref<1x512xi32, #tpu.memory_space<vmem>>, %arg9: memref<1x512xi32, #tpu.memory_space<vmem>>, %arg10: memref<1x512x16xf32, #tpu.memory_space<vmem>>, %arg11: memref<1x512x16xf32, #tpu.memory_space<vmem>>, %arg12: memref<!tpu.dma_semaphore, #tpu.memory_space<semaphore_mem>>, %arg13: memref<!tpu.dma_semaphore, #tpu.memory_space<semaphore_mem>>, %arg14: memref<!tpu.dma_semaphore, #tpu.memory_space<semaphore_mem>>, %arg15: memref<!tpu.dma_semaphore, #tpu.memory_space<semaphore_mem>>, %arg16: memref<100096x16xf32, #tpu.memory_space<vmem_shared>>) attributes {dimension_semantics = [#tpu.dimension_semantics<core_parallel>, #tpu.dimension_semantics<subcore_parallel>], iteration_bounds = array<i64: 2, 16>, scalar_prefetch = 0 : i64, scratch_operands = 11 : i64, tpu.core_type = #tpu.core_type<sc_vector_subcore>, window_params = [{transform_indices = #map}, {transform_indices = #map1}, {transform_indices = #map1}, {transform_indices = #map1}]} {
    %mul3A = arith.constant 196 : i32
    %mul3A_0 = arith.muli %arg1, %mul3A : i32
    %mul3A_1 = arith.constant 2 : i32
    %mul3A_2 = arith.muli %arg0, %mul3A_1 : i32
    %add3A = arith.constant 0 : i32
    %add3A_3 = arith.addi %mul3A_2, %add3A : i32
    %mul3A_4 = arith.constant 6256 : i32
    %mul3A_5 = arith.muli %arg1, %mul3A_4 : i32
    %mul3A_6 = arith.constant 6256 : i32
    %mul3A_7 = arith.muli %arg1, %mul3A_6 : i32
    "tpu.region"() ({
      %run_scoped3A = tpu.sem_alloc : memref<!tpu.dma_semaphore, #tpu.memory_space<semaphore_mem>>
      %dma_start3A_146 = arith.constant 0 : i32
      %dma_start3A_147 = tpu.memref_slice %arg16[%mul3A_7, %dma_start3A_146] : memref<100096x16xf32, #tpu.memory_space<vmem_shared>> -> memref<6256x16xf32, #tpu.memory_space<vmem_shared>>
      %dma_start3A_148 = arith.constant 0 : i32
      %dma_start3A_149 = arith.constant 0 : i32
      %dma_start3A_150 = tpu.memref_slice %arg2[%add3A_3, %dma_start3A_148, %dma_start3A_149] : memref<4x100096x16xf32, #tpu.memory_space<hbm>> -> memref<1x100096x16xf32, #tpu.memory_space<hbm>>
      %dma_start3A_151 = tpu.memref_squeeze %dma_start3A_150 : memref<1x100096x16xf32, #tpu.memory_space<hbm>> -> memref<100096x16xf32, #tpu.memory_space<hbm>>
      %dma_start3A_152 = arith.constant 0 : i32
      %dma_start3A_153 = tpu.memref_slice %dma_start3A_151[%mul3A_5, %dma_start3A_152] : memref<100096x16xf32, #tpu.memory_space<hbm>> -> memref<6256x16xf32, #tpu.memory_space<hbm>>
      tpu.enqueue_dma source(%dma_start3A_153 : memref<6256x16xf32, #tpu.memory_space<hbm>>) target(%dma_start3A_147 : memref<6256x16xf32, #tpu.memory_space<vmem_shared>>) target_semaphore(%run_scoped3A : memref<!tpu.dma_semaphore, #tpu.memory_space<semaphore_mem>>)
      %dma_wait3A_154 = arith.constant 0 : i32
      %dma_wait3A_155 = tpu.memref_slice %arg16[%mul3A_7, %dma_wait3A_154] : memref<100096x16xf32, #tpu.memory_space<vmem_shared>> -> memref<6256x16xf32, #tpu.memory_space<vmem_shared>>
      %dma_wait3A_156 = arith.constant 0 : i32
      %dma_wait3A_157 = arith.constant 0 : i32
      %dma_wait3A_158 = tpu.memref_slice %arg2[%add3A_3, %dma_wait3A_156, %dma_wait3A_157] : memref<4x100096x16xf32, #tpu.memory_space<hbm>> -> memref<1x100096x16xf32, #tpu.memory_space<hbm>>
      %dma_wait3A_159 = tpu.memref_squeeze %dma_wait3A_158 : memref<1x100096x16xf32, #tpu.memory_space<hbm>> -> memref<100096x16xf32, #tpu.memory_space<hbm>>
      %dma_wait3A_160 = arith.constant 0 : i32
      %dma_wait3A_161 = tpu.memref_slice %dma_wait3A_159[%mul3A_5, %dma_wait3A_160] : memref<100096x16xf32, #tpu.memory_space<hbm>> -> memref<6256x16xf32, #tpu.memory_space<hbm>>
      tpu.wait_dma2 semaphore(%run_scoped3A : memref<!tpu.dma_semaphore, #tpu.memory_space<semaphore_mem>>) src(%dma_wait3A_161 : memref<6256x16xf32, #tpu.memory_space<hbm>>) dst(%dma_wait3A_155 : memref<6256x16xf32, #tpu.memory_space<vmem_shared>>)
      tpu.yield
    }) : () -> ()
    %barrier3A = arith.constant 0 : index
    tpu.barrier barrier_id(%barrier3A)
    "tpu.region"() ({
      %run_scoped3A = tpu.sem_alloc : memref<!tpu.dma_semaphore, #tpu.memory_space<semaphore_mem>>
      %dma_start3A_146 = arith.constant 0 : i32
      %dma_start3A_147 = tpu.memref_slice %arg3[%mul3A_0, %dma_start3A_146] : memref<3136x512xi32, #tpu.memory_space<hbm>> -> memref<1x512xi32, #tpu.memory_space<hbm>>
      %dma_start3A_148 = arith.constant 0 : i32
      %dma_start3A_149 = tpu.memref_slice %arg3[%mul3A_0, %dma_start3A_148] : memref<3136x512xi32, #tpu.memory_space<hbm>> -> memref<1x512xi32, #tpu.memory_space<hbm>>
      tpu.enqueue_dma source(%dma_start3A_149 : memref<1x512xi32, #tpu.memory_space<hbm>>) target(%arg6 : memref<1x512xi32, #tpu.memory_space<vmem>>) target_semaphore(%run_scoped3A : memref<!tpu.dma_semaphore, #tpu.memory_space<semaphore_mem>>)
      %dma_wait3A_150 = arith.constant 0 : i32
      %dma_wait3A_151 = tpu.memref_slice %arg3[%mul3A_0, %dma_wait3A_150] : memref<3136x512xi32, #tpu.memory_space<hbm>> -> memref<1x512xi32, #tpu.memory_space<hbm>>
      %dma_wait3A_152 = arith.constant 0 : i32
      %dma_wait3A_153 = tpu.memref_slice %arg3[%mul3A_0, %dma_wait3A_152] : memref<3136x512xi32, #tpu.memory_space<hbm>> -> memref<1x512xi32, #tpu.memory_space<hbm>>
      tpu.wait_dma2 semaphore(%run_scoped3A : memref<!tpu.dma_semaphore, #tpu.memory_space<semaphore_mem>>) src(%dma_wait3A_153 : memref<1x512xi32, #tpu.memory_space<hbm>>) dst(%arg6 : memref<1x512xi32, #tpu.memory_space<vmem>>)
      tpu.yield
    }) : () -> ()
    "tpu.region"() ({
      %run_scoped3A = tpu.sem_alloc : memref<!tpu.dma_semaphore, #tpu.memory_space<semaphore_mem>>
      %dma_start3A_146 = arith.constant 0 : i32
      %dma_start3A_147 = tpu.memref_slice %arg4[%mul3A_0, %dma_start3A_146] : memref<3136x512xi32, #tpu.memory_space<hbm>> -> memref<1x512xi32, #tpu.memory_space<hbm>>
      %dma_start3A_148 = arith.constant 0 : i32
      %dma_start3A_149 = tpu.memref_slice %arg4[%mul3A_0, %dma_start3A_148] : memref<3136x512xi32, #tpu.memory_space<hbm>> -> memref<1x512xi32, #tpu.memory_space<hbm>>
      tpu.enqueue_dma source(%dma_start3A_149 : memref<1x512xi32, #tpu.memory_space<hbm>>) target(%arg7 : memref<1x512xi32, #tpu.memory_space<vmem>>) target_semaphore(%run_scoped3A : memref<!tpu.dma_semaphore, #tpu.memory_space<semaphore_mem>>)
      %dma_wait3A_150 = arith.constant 0 : i32
      %dma_wait3A_151 = tpu.memref_slice %arg4[%mul3A_0, %dma_wait3A_150] : memref<3136x512xi32, #tpu.memory_space<hbm>> -> memref<1x512xi32, #tpu.memory_space<hbm>>
      %dma_wait3A_152 = arith.constant 0 : i32
      %dma_wait3A_153 = tpu.memref_slice %arg4[%mul3A_0, %dma_wait3A_152] : memref<3136x512xi32, #tpu.memory_space<hbm>> -> memref<1x512xi32, #tpu.memory_space<hbm>>
      tpu.wait_dma2 semaphore(%run_scoped3A : memref<!tpu.dma_semaphore, #tpu.memory_space<semaphore_mem>>) src(%dma_wait3A_153 : memref<1x512xi32, #tpu.memory_space<hbm>>) dst(%arg7 : memref<1x512xi32, #tpu.memory_space<vmem>>)
      tpu.yield
    }) : () -> ()
    %dma_start3A = arith.constant 0 : i32
    %dma_start3A_8 = arith.constant 0 : i32
    %dma_start3A_9 = arith.constant 0 : i32
    %dma_start3A_10 = arith.constant 0 : i32
    %dma_start3A_11 = tpu.memref_slice %arg10[%dma_start3A_8, %dma_start3A_9, %dma_start3A_10] : memref<1x512x16xf32, #tpu.memory_space<vmem>> -> memref<1x512x16xf32, #tpu.memory_space<vmem>>
    %dma_start3A_12 = tpu.memref_squeeze %dma_start3A_11 : memref<1x512x16xf32, #tpu.memory_space<vmem>> -> memref<512x16xf32, #tpu.memory_space<vmem>>
    %dma_start3A_13 = arith.constant 0 : i32
    %dma_start3A_14 = tpu.memref_slice %arg6[%dma_start3A, %dma_start3A_13] : memref<1x512xi32, #tpu.memory_space<vmem>> -> memref<1x512xi32, #tpu.memory_space<vmem>>
    %dma_start3A_15 = tpu.memref_squeeze %dma_start3A_14 : memref<1x512xi32, #tpu.memory_space<vmem>> -> memref<512xi32, #tpu.memory_space<vmem>>
    %dma_start3A_16 = arith.constant 0 : i32
    %dma_start3A_17 = arith.constant 0 : i32
    %dma_start3A_18 = tpu.memref_slice %arg2[%add3A_3, %dma_start3A_16, %dma_start3A_17] : memref<4x100096x16xf32, #tpu.memory_space<hbm>> -> memref<1x100096x16xf32, #tpu.memory_space<hbm>>
    %dma_start3A_19 = tpu.memref_squeeze %dma_start3A_18 : memref<1x100096x16xf32, #tpu.memory_space<hbm>> -> memref<100096x16xf32, #tpu.memory_space<hbm>>
    %dma_start3A_20 = arith.constant 0 : i32
    %dma_start3A_21 = arith.constant 0 : i32
    %dma_start3A_22 = tpu.memref_slice %dma_start3A_19[%dma_start3A_20, %dma_start3A_21] : memref<100096x16xf32, #tpu.memory_space<hbm>> -> memref<100096x16xf32, #tpu.memory_space<hbm>>
    tpu.enqueue_indirect_dma source(%dma_start3A_22 : memref<100096x16xf32, #tpu.memory_space<hbm>>) target(%dma_start3A_12 : memref<512x16xf32, #tpu.memory_space<vmem>>) offsets(%dma_start3A_15 : memref<512xi32, #tpu.memory_space<vmem>>) semaphore(%arg12 : memref<!tpu.dma_semaphore, #tpu.memory_space<semaphore_mem>>)
    %mul3A_23 = arith.constant 1 : i32
    %mul3A_24 = arith.constant 1 : i32
    %mul3A_25 = arith.muli %mul3A_23, %mul3A_24 : i32
    %add3A_26 = arith.addi %mul3A_0, %mul3A_25 : i32
    %dma_start3A_27 = arith.constant 0 : i32
    %dma_start3A_28 = tpu.memref_slice %arg3[%add3A_26, %dma_start3A_27] : memref<3136x512xi32, #tpu.memory_space<hbm>> -> memref<1x512xi32, #tpu.memory_space<hbm>>
    %dma_start3A_29 = arith.constant 0 : i32
    %dma_start3A_30 = tpu.memref_slice %arg3[%add3A_26, %dma_start3A_29] : memref<3136x512xi32, #tpu.memory_space<hbm>> -> memref<1x512xi32, #tpu.memory_space<hbm>>
    tpu.enqueue_dma source(%dma_start3A_30 : memref<1x512xi32, #tpu.memory_space<hbm>>) target(%arg8 : memref<1x512xi32, #tpu.memory_space<vmem>>) target_semaphore(%arg15 : memref<!tpu.dma_semaphore, #tpu.memory_space<semaphore_mem>>)
    %dma_start3A_31 = arith.constant 0 : i32
    %dma_start3A_32 = tpu.memref_slice %arg4[%add3A_26, %dma_start3A_31] : memref<3136x512xi32, #tpu.memory_space<hbm>> -> memref<1x512xi32, #tpu.memory_space<hbm>>
    %dma_start3A_33 = arith.constant 0 : i32
    %dma_start3A_34 = tpu.memref_slice %arg4[%add3A_26, %dma_start3A_33] : memref<3136x512xi32, #tpu.memory_space<hbm>> -> memref<1x512xi32, #tpu.memory_space<hbm>>
    tpu.enqueue_dma source(%dma_start3A_34 : memref<1x512xi32, #tpu.memory_space<hbm>>) target(%arg9 : memref<1x512xi32, #tpu.memory_space<vmem>>) target_semaphore(%arg15 : memref<!tpu.dma_semaphore, #tpu.memory_space<semaphore_mem>>)
    %scan3A = arith.constant 0 : i32
    %scan3A_35 = arith.constant 98 : i32
    %scan3A_36 = arith.addi %scan3A, %scan3A_35 : i32
    %scan3A_37 = arith.constant 1 : i32
    scf.for %scan3A_146 = %scan3A to %scan3A_36 step %scan3A_37  : i32 {
      %mul3A_147 = arith.constant 2 : i32
      %mul3A_148 = arith.muli %mul3A_147, %scan3A_146 : i32
      %add3A_149 = arith.constant 2 : i32
      %add3A_150 = arith.addi %mul3A_148, %add3A_149 : i32
      %min3A = arith.constant 195 : i32
      %min3A_151 = arith.minsi %add3A_150, %min3A : i32
      %mul3A_152 = arith.constant 2 : i32
      %mul3A_153 = arith.muli %mul3A_152, %scan3A_146 : i32
      %add3A_154 = arith.constant 3 : i32
      %add3A_155 = arith.addi %mul3A_153, %add3A_154 : i32
      %min3A_156 = arith.constant 195 : i32
      %min3A_157 = arith.minsi %add3A_155, %min3A_156 : i32
      %dma_wait3A_158 = arith.constant 0 : i32
      %dma_wait3A_159 = tpu.memref_slice %arg3[%mul3A_0, %dma_wait3A_158] : memref<3136x512xi32, #tpu.memory_space<hbm>> -> memref<1x512xi32, #tpu.memory_space<hbm>>
      %dma_wait3A_160 = arith.constant 0 : i32
      %dma_wait3A_161 = tpu.memref_slice %arg3[%mul3A_0, %dma_wait3A_160] : memref<3136x512xi32, #tpu.memory_space<hbm>> -> memref<1x512xi32, #tpu.memory_space<hbm>>
      tpu.wait_dma2 semaphore(%arg15 : memref<!tpu.dma_semaphore, #tpu.memory_space<semaphore_mem>>) src(%dma_wait3A_161 : memref<1x512xi32, #tpu.memory_space<hbm>>) dst(%arg8 : memref<1x512xi32, #tpu.memory_space<vmem>>)
      %dma_wait3A_162 = arith.constant 0 : i32
      %dma_wait3A_163 = tpu.memref_slice %arg4[%mul3A_0, %dma_wait3A_162] : memref<3136x512xi32, #tpu.memory_space<hbm>> -> memref<1x512xi32, #tpu.memory_space<hbm>>
      %dma_wait3A_164 = arith.constant 0 : i32
      %dma_wait3A_165 = tpu.memref_slice %arg4[%mul3A_0, %dma_wait3A_164] : memref<3136x512xi32, #tpu.memory_space<hbm>> -> memref<1x512xi32, #tpu.memory_space<hbm>>
      tpu.wait_dma2 semaphore(%arg15 : memref<!tpu.dma_semaphore, #tpu.memory_space<semaphore_mem>>) src(%dma_wait3A_165 : memref<1x512xi32, #tpu.memory_space<hbm>>) dst(%arg9 : memref<1x512xi32, #tpu.memory_space<vmem>>)
      %dma_start3A_166 = arith.constant 0 : i32
      %dma_start3A_167 = arith.constant 0 : i32
      %dma_start3A_168 = arith.constant 0 : i32
      %dma_start3A_169 = arith.constant 0 : i32
      %dma_start3A_170 = tpu.memref_slice %arg11[%dma_start3A_167, %dma_start3A_168, %dma_start3A_169] : memref<1x512x16xf32, #tpu.memory_space<vmem>> -> memref<1x512x16xf32, #tpu.memory_space<vmem>>
      %dma_start3A_171 = tpu.memref_squeeze %dma_start3A_170 : memref<1x512x16xf32, #tpu.memory_space<vmem>> -> memref<512x16xf32, #tpu.memory_space<vmem>>
      %dma_start3A_172 = arith.constant 0 : i32
      %dma_start3A_173 = tpu.memref_slice %arg8[%dma_start3A_166, %dma_start3A_172] : memref<1x512xi32, #tpu.memory_space<vmem>> -> memref<1x512xi32, #tpu.memory_space<vmem>>
      %dma_start3A_174 = tpu.memref_squeeze %dma_start3A_173 : memref<1x512xi32, #tpu.memory_space<vmem>> -> memref<512xi32, #tpu.memory_space<vmem>>
      %dma_start3A_175 = arith.constant 0 : i32
      %dma_start3A_176 = arith.constant 0 : i32
      %dma_start3A_177 = tpu.memref_slice %arg2[%add3A_3, %dma_start3A_175, %dma_start3A_176] : memref<4x100096x16xf32, #tpu.memory_space<hbm>> -> memref<1x100096x16xf32, #tpu.memory_space<hbm>>
      %dma_start3A_178 = tpu.memref_squeeze %dma_start3A_177 : memref<1x100096x16xf32, #tpu.memory_space<hbm>> -> memref<100096x16xf32, #tpu.memory_space<hbm>>
      %dma_start3A_179 = arith.constant 0 : i32
      %dma_start3A_180 = arith.constant 0 : i32
      %dma_start3A_181 = tpu.memref_slice %dma_start3A_178[%dma_start3A_179, %dma_start3A_180] : memref<100096x16xf32, #tpu.memory_space<hbm>> -> memref<100096x16xf32, #tpu.memory_space<hbm>>
      tpu.enqueue_indirect_dma source(%dma_start3A_181 : memref<100096x16xf32, #tpu.memory_space<hbm>>) target(%dma_start3A_171 : memref<512x16xf32, #tpu.memory_space<vmem>>) offsets(%dma_start3A_174 : memref<512xi32, #tpu.memory_space<vmem>>) semaphore(%arg13 : memref<!tpu.dma_semaphore, #tpu.memory_space<semaphore_mem>>)
      %dma_wait3A_182 = arith.constant 0 : i32
      %dma_wait3A_183 = arith.constant 0 : i32
      %dma_wait3A_184 = arith.constant 0 : i32
      %dma_wait3A_185 = arith.constant 0 : i32
      %dma_wait3A_186 = tpu.memref_slice %arg10[%dma_wait3A_183, %dma_wait3A_184, %dma_wait3A_185] : memref<1x512x16xf32, #tpu.memory_space<vmem>> -> memref<1x512x16xf32, #tpu.memory_space<vmem>>
      %dma_wait3A_187 = tpu.memref_squeeze %dma_wait3A_186 : memref<1x512x16xf32, #tpu.memory_space<vmem>> -> memref<512x16xf32, #tpu.memory_space<vmem>>
      %dma_wait3A_188 = arith.constant 0 : i32
      %dma_wait3A_189 = tpu.memref_slice %arg6[%dma_wait3A_182, %dma_wait3A_188] : memref<1x512xi32, #tpu.memory_space<vmem>> -> memref<1x512xi32, #tpu.memory_space<vmem>>
      %dma_wait3A_190 = tpu.memref_squeeze %dma_wait3A_189 : memref<1x512xi32, #tpu.memory_space<vmem>> -> memref<512xi32, #tpu.memory_space<vmem>>
      %dma_wait3A_191 = arith.constant 0 : i32
      %dma_wait3A_192 = arith.constant 0 : i32
      %dma_wait3A_193 = tpu.memref_slice %arg2[%add3A_3, %dma_wait3A_191, %dma_wait3A_192] : memref<4x100096x16xf32, #tpu.memory_space<hbm>> -> memref<1x100096x16xf32, #tpu.memory_space<hbm>>
      %dma_wait3A_194 = tpu.memref_squeeze %dma_wait3A_193 : memref<1x100096x16xf32, #tpu.memory_space<hbm>> -> memref<100096x16xf32, #tpu.memory_space<hbm>>
      %dma_wait3A_195 = arith.constant 0 : i32
      %dma_wait3A_196 = arith.constant 0 : i32
      %dma_wait3A_197 = tpu.memref_slice %dma_wait3A_194[%dma_wait3A_195, %dma_wait3A_196] : memref<100096x16xf32, #tpu.memory_space<hbm>> -> memref<100096x16xf32, #tpu.memory_space<hbm>>
      tpu.wait_indirect_dma semaphore(%arg12 : memref<!tpu.dma_semaphore, #tpu.memory_space<semaphore_mem>>) src(%dma_wait3A_197 : memref<100096x16xf32, #tpu.memory_space<hbm>>) dst(%dma_wait3A_187 : memref<512x16xf32, #tpu.memory_space<vmem>>)
      %run_scoped3A = arith.constant 0 : i32
      %run_scoped3A_198 = arith.constant 0 : i32
      "tpu.region"() ({
        %run_scoped3A_263 = tpu.sem_alloc : memref<!tpu.dma_semaphore, #tpu.memory_space<semaphore_mem>>
        %dma_start3A_264 = arith.constant 0 : i32
        %dma_start3A_265 = arith.constant 0 : i32
        %dma_start3A_266 = tpu.memref_slice %arg10[%run_scoped3A, %dma_start3A_264, %dma_start3A_265] : memref<1x512x16xf32, #tpu.memory_space<vmem>> -> memref<1x512x16xf32, #tpu.memory_space<vmem>>
        %dma_start3A_267 = tpu.memref_squeeze %dma_start3A_266 : memref<1x512x16xf32, #tpu.memory_space<vmem>> -> memref<512x16xf32, #tpu.memory_space<vmem>>
        %dma_start3A_268 = arith.constant 0 : i32
        %dma_start3A_269 = tpu.memref_slice %arg7[%run_scoped3A_198, %dma_start3A_268] : memref<1x512xi32, #tpu.memory_space<vmem>> -> memref<1x512xi32, #tpu.memory_space<vmem>>
        %dma_start3A_270 = tpu.memref_squeeze %dma_start3A_269 : memref<1x512xi32, #tpu.memory_space<vmem>> -> memref<512xi32, #tpu.memory_space<vmem>>
        %dma_start3A_271 = arith.constant 0 : i32
        %dma_start3A_272 = arith.constant 0 : i32
        %dma_start3A_273 = tpu.memref_slice %arg16[%dma_start3A_271, %dma_start3A_272] : memref<100096x16xf32, #tpu.memory_space<vmem_shared>> -> memref<100096x16xf32, #tpu.memory_space<vmem_shared>>
        tpu.enqueue_indirect_dma source(%dma_start3A_267 : memref<512x16xf32, #tpu.memory_space<vmem>>) target(%dma_start3A_273 : memref<100096x16xf32, #tpu.memory_space<vmem_shared>>) offsets(%dma_start3A_270 : memref<512xi32, #tpu.memory_space<vmem>>) semaphore(%run_scoped3A_263 : memref<!tpu.dma_semaphore, #tpu.memory_space<semaphore_mem>>) {add = true}
        %dma_wait3A_274 = arith.constant 0 : i32
        %dma_wait3A_275 = arith.constant 0 : i32
        %dma_wait3A_276 = tpu.memref_slice %arg10[%run_scoped3A, %dma_wait3A_274, %dma_wait3A_275] : memref<1x512x16xf32, #tpu.memory_space<vmem>> -> memref<1x512x16xf32, #tpu.memory_space<vmem>>
        %dma_wait3A_277 = tpu.memref_squeeze %dma_wait3A_276 : memref<1x512x16xf32, #tpu.memory_space<vmem>> -> memref<512x16xf32, #tpu.memory_space<vmem>>
        %dma_wait3A_278 = arith.constant 0 : i32
        %dma_wait3A_279 = tpu.memref_slice %arg7[%run_scoped3A_198, %dma_wait3A_278] : memref<1x512xi32, #tpu.memory_space<vmem>> -> memref<1x512xi32, #tpu.memory_space<vmem>>
        %dma_wait3A_280 = tpu.memref_squeeze %dma_wait3A_279 : memref<1x512xi32, #tpu.memory_space<vmem>> -> memref<512xi32, #tpu.memory_space<vmem>>
        %dma_wait3A_281 = arith.constant 0 : i32
        %dma_wait3A_282 = arith.constant 0 : i32
        %dma_wait3A_283 = tpu.memref_slice %arg16[%dma_wait3A_281, %dma_wait3A_282] : memref<100096x16xf32, #tpu.memory_space<vmem_shared>> -> memref<100096x16xf32, #tpu.memory_space<vmem_shared>>
        tpu.wait_indirect_dma semaphore(%run_scoped3A_263 : memref<!tpu.dma_semaphore, #tpu.memory_space<semaphore_mem>>) src(%dma_wait3A_277 : memref<512x16xf32, #tpu.memory_space<vmem>>) dst(%dma_wait3A_283 : memref<100096x16xf32, #tpu.memory_space<vmem_shared>>)
        tpu.yield
      }) : () -> ()
      %mul3A_199 = arith.constant 1 : i32
      %mul3A_200 = arith.muli %min3A_151, %mul3A_199 : i32
      %add3A_201 = arith.addi %mul3A_0, %mul3A_200 : i32
      %dma_start3A_202 = arith.constant 0 : i32
      %dma_start3A_203 = tpu.memref_slice %arg3[%add3A_201, %dma_start3A_202] : memref<3136x512xi32, #tpu.memory_space<hbm>> -> memref<1x512xi32, #tpu.memory_space<hbm>>
      %dma_start3A_204 = arith.constant 0 : i32
      %dma_start3A_205 = tpu.memref_slice %arg3[%add3A_201, %dma_start3A_204] : memref<3136x512xi32, #tpu.memory_space<hbm>> -> memref<1x512xi32, #tpu.memory_space<hbm>>
      tpu.enqueue_dma source(%dma_start3A_205 : memref<1x512xi32, #tpu.memory_space<hbm>>) target(%arg6 : memref<1x512xi32, #tpu.memory_space<vmem>>) target_semaphore(%arg14 : memref<!tpu.dma_semaphore, #tpu.memory_space<semaphore_mem>>)
      %dma_start3A_206 = arith.constant 0 : i32
      %dma_start3A_207 = tpu.memref_slice %arg4[%add3A_201, %dma_start3A_206] : memref<3136x512xi32, #tpu.memory_space<hbm>> -> memref<1x512xi32, #tpu.memory_space<hbm>>
      %dma_start3A_208 = arith.constant 0 : i32
      %dma_start3A_209 = tpu.memref_slice %arg4[%add3A_201, %dma_start3A_208] : memref<3136x512xi32, #tpu.memory_space<hbm>> -> memref<1x512xi32, #tpu.memory_space<hbm>>
      tpu.enqueue_dma source(%dma_start3A_209 : memref<1x512xi32, #tpu.memory_space<hbm>>) target(%arg7 : memref<1x512xi32, #tpu.memory_space<vmem>>) target_semaphore(%arg14 : memref<!tpu.dma_semaphore, #tpu.memory_space<semaphore_mem>>)
      %dma_wait3A_210 = arith.constant 0 : i32
      %dma_wait3A_211 = tpu.memref_slice %arg3[%mul3A_0, %dma_wait3A_210] : memref<3136x512xi32, #tpu.memory_space<hbm>> -> memref<1x512xi32, #tpu.memory_space<hbm>>
      %dma_wait3A_212 = arith.constant 0 : i32
      %dma_wait3A_213 = tpu.memref_slice %arg3[%mul3A_0, %dma_wait3A_212] : memref<3136x512xi32, #tpu.memory_space<hbm>> -> memref<1x512xi32, #tpu.memory_space<hbm>>
      tpu.wait_dma2 semaphore(%arg14 : memref<!tpu.dma_semaphore, #tpu.memory_space<semaphore_mem>>) src(%dma_wait3A_213 : memref<1x512xi32, #tpu.memory_space<hbm>>) dst(%arg6 : memref<1x512xi32, #tpu.memory_space<vmem>>)
      %dma_wait3A_214 = arith.constant 0 : i32
      %dma_wait3A_215 = tpu.memref_slice %arg4[%mul3A_0, %dma_wait3A_214] : memref<3136x512xi32, #tpu.memory_space<hbm>> -> memref<1x512xi32, #tpu.memory_space<hbm>>
      %dma_wait3A_216 = arith.constant 0 : i32
      %dma_wait3A_217 = tpu.memref_slice %arg4[%mul3A_0, %dma_wait3A_216] : memref<3136x512xi32, #tpu.memory_space<hbm>> -> memref<1x512xi32, #tpu.memory_space<hbm>>
      tpu.wait_dma2 semaphore(%arg14 : memref<!tpu.dma_semaphore, #tpu.memory_space<semaphore_mem>>) src(%dma_wait3A_217 : memref<1x512xi32, #tpu.memory_space<hbm>>) dst(%arg7 : memref<1x512xi32, #tpu.memory_space<vmem>>)
      %dma_start3A_218 = arith.constant 0 : i32
      %dma_start3A_219 = arith.constant 0 : i32
      %dma_start3A_220 = arith.constant 0 : i32
      %dma_start3A_221 = arith.constant 0 : i32
      %dma_start3A_222 = tpu.memref_slice %arg10[%dma_start3A_219, %dma_start3A_220, %dma_start3A_221] : memref<1x512x16xf32, #tpu.memory_space<vmem>> -> memref<1x512x16xf32, #tpu.memory_space<vmem>>
      %dma_start3A_223 = tpu.memref_squeeze %dma_start3A_222 : memref<1x512x16xf32, #tpu.memory_space<vmem>> -> memref<512x16xf32, #tpu.memory_space<vmem>>
      %dma_start3A_224 = arith.constant 0 : i32
      %dma_start3A_225 = tpu.memref_slice %arg6[%dma_start3A_218, %dma_start3A_224] : memref<1x512xi32, #tpu.memory_space<vmem>> -> memref<1x512xi32, #tpu.memory_space<vmem>>
      %dma_start3A_226 = tpu.memref_squeeze %dma_start3A_225 : memref<1x512xi32, #tpu.memory_space<vmem>> -> memref<512xi32, #tpu.memory_space<vmem>>
      %dma_start3A_227 = arith.constant 0 : i32
      %dma_start3A_228 = arith.constant 0 : i32
      %dma_start3A_229 = tpu.memref_slice %arg2[%add3A_3, %dma_start3A_227, %dma_start3A_228] : memref<4x100096x16xf32, #tpu.memory_space<hbm>> -> memref<1x100096x16xf32, #tpu.memory_space<hbm>>
      %dma_start3A_230 = tpu.memref_squeeze %dma_start3A_229 : memref<1x100096x16xf32, #tpu.memory_space<hbm>> -> memref<100096x16xf32, #tpu.memory_space<hbm>>
      %dma_start3A_231 = arith.constant 0 : i32
      %dma_start3A_232 = arith.constant 0 : i32
      %dma_start3A_233 = tpu.memref_slice %dma_start3A_230[%dma_start3A_231, %dma_start3A_232] : memref<100096x16xf32, #tpu.memory_space<hbm>> -> memref<100096x16xf32, #tpu.memory_space<hbm>>
      tpu.enqueue_indirect_dma source(%dma_start3A_233 : memref<100096x16xf32, #tpu.memory_space<hbm>>) target(%dma_start3A_223 : memref<512x16xf32, #tpu.memory_space<vmem>>) offsets(%dma_start3A_226 : memref<512xi32, #tpu.memory_space<vmem>>) semaphore(%arg12 : memref<!tpu.dma_semaphore, #tpu.memory_space<semaphore_mem>>)
      %dma_wait3A_234 = arith.constant 0 : i32
      %dma_wait3A_235 = arith.constant 0 : i32
      %dma_wait3A_236 = arith.constant 0 : i32
      %dma_wait3A_237 = arith.constant 0 : i32
      %dma_wait3A_238 = tpu.memref_slice %arg11[%dma_wait3A_235, %dma_wait3A_236, %dma_wait3A_237] : memref<1x512x16xf32, #tpu.memory_space<vmem>> -> memref<1x512x16xf32, #tpu.memory_space<vmem>>
      %dma_wait3A_239 = tpu.memref_squeeze %dma_wait3A_238 : memref<1x512x16xf32, #tpu.memory_space<vmem>> -> memref<512x16xf32, #tpu.memory_space<vmem>>
      %dma_wait3A_240 = arith.constant 0 : i32
      %dma_wait3A_241 = tpu.memref_slice %arg8[%dma_wait3A_234, %dma_wait3A_240] : memref<1x512xi32, #tpu.memory_space<vmem>> -> memref<1x512xi32, #tpu.memory_space<vmem>>
      %dma_wait3A_242 = tpu.memref_squeeze %dma_wait3A_241 : memref<1x512xi32, #tpu.memory_space<vmem>> -> memref<512xi32, #tpu.memory_space<vmem>>
      %dma_wait3A_243 = arith.constant 0 : i32
      %dma_wait3A_244 = arith.constant 0 : i32
      %dma_wait3A_245 = tpu.memref_slice %arg2[%add3A_3, %dma_wait3A_243, %dma_wait3A_244] : memref<4x100096x16xf32, #tpu.memory_space<hbm>> -> memref<1x100096x16xf32, #tpu.memory_space<hbm>>
      %dma_wait3A_246 = tpu.memref_squeeze %dma_wait3A_245 : memref<1x100096x16xf32, #tpu.memory_space<hbm>> -> memref<100096x16xf32, #tpu.memory_space<hbm>>
      %dma_wait3A_247 = arith.constant 0 : i32
      %dma_wait3A_248 = arith.constant 0 : i32
      %dma_wait3A_249 = tpu.memref_slice %dma_wait3A_246[%dma_wait3A_247, %dma_wait3A_248] : memref<100096x16xf32, #tpu.memory_space<hbm>> -> memref<100096x16xf32, #tpu.memory_space<hbm>>
      tpu.wait_indirect_dma semaphore(%arg13 : memref<!tpu.dma_semaphore, #tpu.memory_space<semaphore_mem>>) src(%dma_wait3A_249 : memref<100096x16xf32, #tpu.memory_space<hbm>>) dst(%dma_wait3A_239 : memref<512x16xf32, #tpu.memory_space<vmem>>)
      %run_scoped3A_250 = arith.constant 0 : i32
      %run_scoped3A_251 = arith.constant 0 : i32
      "tpu.region"() ({
        %run_scoped3A_263 = tpu.sem_alloc : memref<!tpu.dma_semaphore, #tpu.memory_space<semaphore_mem>>
        %dma_start3A_264 = arith.constant 0 : i32
        %dma_start3A_265 = arith.constant 0 : i32
        %dma_start3A_266 = tpu.memref_slice %arg11[%run_scoped3A_250, %dma_start3A_264, %dma_start3A_265] : memref<1x512x16xf32, #tpu.memory_space<vmem>> -> memref<1x512x16xf32, #tpu.memory_space<vmem>>
        %dma_start3A_267 = tpu.memref_squeeze %dma_start3A_266 : memref<1x512x16xf32, #tpu.memory_space<vmem>> -> memref<512x16xf32, #tpu.memory_space<vmem>>
        %dma_start3A_268 = arith.constant 0 : i32
        %dma_start3A_269 = tpu.memref_slice %arg9[%run_scoped3A_251, %dma_start3A_268] : memref<1x512xi32, #tpu.memory_space<vmem>> -> memref<1x512xi32, #tpu.memory_space<vmem>>
        %dma_start3A_270 = tpu.memref_squeeze %dma_start3A_269 : memref<1x512xi32, #tpu.memory_space<vmem>> -> memref<512xi32, #tpu.memory_space<vmem>>
        %dma_start3A_271 = arith.constant 0 : i32
        %dma_start3A_272 = arith.constant 0 : i32
        %dma_start3A_273 = tpu.memref_slice %arg16[%dma_start3A_271, %dma_start3A_272] : memref<100096x16xf32, #tpu.memory_space<vmem_shared>> -> memref<100096x16xf32, #tpu.memory_space<vmem_shared>>
        tpu.enqueue_indirect_dma source(%dma_start3A_267 : memref<512x16xf32, #tpu.memory_space<vmem>>) target(%dma_start3A_273 : memref<100096x16xf32, #tpu.memory_space<vmem_shared>>) offsets(%dma_start3A_270 : memref<512xi32, #tpu.memory_space<vmem>>) semaphore(%run_scoped3A_263 : memref<!tpu.dma_semaphore, #tpu.memory_space<semaphore_mem>>) {add = true}
        %dma_wait3A_274 = arith.constant 0 : i32
        %dma_wait3A_275 = arith.constant 0 : i32
        %dma_wait3A_276 = tpu.memref_slice %arg11[%run_scoped3A_250, %dma_wait3A_274, %dma_wait3A_275] : memref<1x512x16xf32, #tpu.memory_space<vmem>> -> memref<1x512x16xf32, #tpu.memory_space<vmem>>
        %dma_wait3A_277 = tpu.memref_squeeze %dma_wait3A_276 : memref<1x512x16xf32, #tpu.memory_space<vmem>> -> memref<512x16xf32, #tpu.memory_space<vmem>>
        %dma_wait3A_278 = arith.constant 0 : i32
        %dma_wait3A_279 = tpu.memref_slice %arg9[%run_scoped3A_251, %dma_wait3A_278] : memref<1x512xi32, #tpu.memory_space<vmem>> -> memref<1x512xi32, #tpu.memory_space<vmem>>
        %dma_wait3A_280 = tpu.memref_squeeze %dma_wait3A_279 : memref<1x512xi32, #tpu.memory_space<vmem>> -> memref<512xi32, #tpu.memory_space<vmem>>
        %dma_wait3A_281 = arith.constant 0 : i32
        %dma_wait3A_282 = arith.constant 0 : i32
        %dma_wait3A_283 = tpu.memref_slice %arg16[%dma_wait3A_281, %dma_wait3A_282] : memref<100096x16xf32, #tpu.memory_space<vmem_shared>> -> memref<100096x16xf32, #tpu.memory_space<vmem_shared>>
        tpu.wait_indirect_dma semaphore(%run_scoped3A_263 : memref<!tpu.dma_semaphore, #tpu.memory_space<semaphore_mem>>) src(%dma_wait3A_277 : memref<512x16xf32, #tpu.memory_space<vmem>>) dst(%dma_wait3A_283 : memref<100096x16xf32, #tpu.memory_space<vmem_shared>>)
        tpu.yield
      }) : () -> ()
      %mul3A_252 = arith.constant 1 : i32
      %mul3A_253 = arith.muli %min3A_157, %mul3A_252 : i32
      %add3A_254 = arith.addi %mul3A_0, %mul3A_253 : i32
      %dma_start3A_255 = arith.constant 0 : i32
      %dma_start3A_256 = tpu.memref_slice %arg3[%add3A_254, %dma_start3A_255] : memref<3136x512xi32, #tpu.memory_space<hbm>> -> memref<1x512xi32, #tpu.memory_space<hbm>>
      %dma_start3A_257 = arith.constant 0 : i32
      %dma_start3A_258 = tpu.memref_slice %arg3[%add3A_254, %dma_start3A_257] : memref<3136x512xi32, #tpu.memory_space<hbm>> -> memref<1x512xi32, #tpu.memory_space<hbm>>
      tpu.enqueue_dma source(%dma_start3A_258 : memref<1x512xi32, #tpu.memory_space<hbm>>) target(%arg8 : memref<1x512xi32, #tpu.memory_space<vmem>>) target_semaphore(%arg15 : memref<!tpu.dma_semaphore, #tpu.memory_space<semaphore_mem>>)
      %dma_start3A_259 = arith.constant 0 : i32
      %dma_start3A_260 = tpu.memref_slice %arg4[%add3A_254, %dma_start3A_259] : memref<3136x512xi32, #tpu.memory_space<hbm>> -> memref<1x512xi32, #tpu.memory_space<hbm>>
      %dma_start3A_261 = arith.constant 0 : i32
      %dma_start3A_262 = tpu.memref_slice %arg4[%add3A_254, %dma_start3A_261] : memref<3136x512xi32, #tpu.memory_space<hbm>> -> memref<1x512xi32, #tpu.memory_space<hbm>>
      tpu.enqueue_dma source(%dma_start3A_262 : memref<1x512xi32, #tpu.memory_space<hbm>>) target(%arg9 : memref<1x512xi32, #tpu.memory_space<vmem>>) target_semaphore(%arg15 : memref<!tpu.dma_semaphore, #tpu.memory_space<semaphore_mem>>)
    }
    %scan3A_38 = arith.constant 98 : i32
    %dma_wait3A = arith.constant 0 : i32
    %dma_wait3A_39 = arith.constant 0 : i32
    %dma_wait3A_40 = arith.constant 0 : i32
    %dma_wait3A_41 = arith.constant 0 : i32
    %dma_wait3A_42 = tpu.memref_slice %arg10[%dma_wait3A_39, %dma_wait3A_40, %dma_wait3A_41] : memref<1x512x16xf32, #tpu.memory_space<vmem>> -> memref<1x512x16xf32, #tpu.memory_space<vmem>>
    %dma_wait3A_43 = tpu.memref_squeeze %dma_wait3A_42 : memref<1x512x16xf32, #tpu.memory_space<vmem>> -> memref<512x16xf32, #tpu.memory_space<vmem>>
    %dma_wait3A_44 = arith.constant 0 : i32
    %dma_wait3A_45 = tpu.memref_slice %arg6[%dma_wait3A, %dma_wait3A_44] : memref<1x512xi32, #tpu.memory_space<vmem>> -> memref<1x512xi32, #tpu.memory_space<vmem>>
    %dma_wait3A_46 = tpu.memref_squeeze %dma_wait3A_45 : memref<1x512xi32, #tpu.memory_space<vmem>> -> memref<512xi32, #tpu.memory_space<vmem>>
    %dma_wait3A_47 = arith.constant 0 : i32
    %dma_wait3A_48 = arith.constant 0 : i32
    %dma_wait3A_49 = tpu.memref_slice %arg2[%add3A_3, %dma_wait3A_47, %dma_wait3A_48] : memref<4x100096x16xf32, #tpu.memory_space<hbm>> -> memref<1x100096x16xf32, #tpu.memory_space<hbm>>
    %dma_wait3A_50 = tpu.memref_squeeze %dma_wait3A_49 : memref<1x100096x16xf32, #tpu.memory_space<hbm>> -> memref<100096x16xf32, #tpu.memory_space<hbm>>
    %dma_wait3A_51 = arith.constant 0 : i32
    %dma_wait3A_52 = arith.constant 0 : i32
    %dma_wait3A_53 = tpu.memref_slice %dma_wait3A_50[%dma_wait3A_51, %dma_wait3A_52] : memref<100096x16xf32, #tpu.memory_space<hbm>> -> memref<100096x16xf32, #tpu.memory_space<hbm>>
    tpu.wait_indirect_dma semaphore(%arg12 : memref<!tpu.dma_semaphore, #tpu.memory_space<semaphore_mem>>) src(%dma_wait3A_53 : memref<100096x16xf32, #tpu.memory_space<hbm>>) dst(%dma_wait3A_43 : memref<512x16xf32, #tpu.memory_space<vmem>>)
    %dma_wait3A_54 = arith.constant 0 : i32
    %dma_wait3A_55 = tpu.memref_slice %arg3[%mul3A_0, %dma_wait3A_54] : memref<3136x512xi32, #tpu.memory_space<hbm>> -> memref<1x512xi32, #tpu.memory_space<hbm>>
    %dma_wait3A_56 = arith.constant 0 : i32
    %dma_wait3A_57 = tpu.memref_slice %arg3[%mul3A_0, %dma_wait3A_56] : memref<3136x512xi32, #tpu.memory_space<hbm>> -> memref<1x512xi32, #tpu.memory_space<hbm>>
    tpu.wait_dma2 semaphore(%arg15 : memref<!tpu.dma_semaphore, #tpu.memory_space<semaphore_mem>>) src(%dma_wait3A_57 : memref<1x512xi32, #tpu.memory_space<hbm>>) dst(%arg8 : memref<1x512xi32, #tpu.memory_space<vmem>>)
    %dma_wait3A_58 = arith.constant 0 : i32
    %dma_wait3A_59 = tpu.memref_slice %arg4[%mul3A_0, %dma_wait3A_58] : memref<3136x512xi32, #tpu.memory_space<hbm>> -> memref<1x512xi32, #tpu.memory_space<hbm>>
    %dma_wait3A_60 = arith.constant 0 : i32
    %dma_wait3A_61 = tpu.memref_slice %arg4[%mul3A_0, %dma_wait3A_60] : memref<3136x512xi32, #tpu.memory_space<hbm>> -> memref<1x512xi32, #tpu.memory_space<hbm>>
    tpu.wait_dma2 semaphore(%arg15 : memref<!tpu.dma_semaphore, #tpu.memory_space<semaphore_mem>>) src(%dma_wait3A_61 : memref<1x512xi32, #tpu.memory_space<hbm>>) dst(%arg9 : memref<1x512xi32, #tpu.memory_space<vmem>>)
    %barrier3A_62 = arith.constant 0 : index
    tpu.barrier barrier_id(%barrier3A_62)
    %mul3A_63 = arith.constant 100096 : i32
    %mul3A_64 = arith.muli %add3A_3, %mul3A_63 : i32
    %mul3A_65 = arith.constant 6256 : i32
    %mul3A_66 = arith.muli %arg1, %mul3A_65 : i32
    %add3A_67 = arith.addi %mul3A_64, %mul3A_66 : i32
    %mul3A_68 = arith.constant 6256 : i32
    %mul3A_69 = arith.muli %arg1, %mul3A_68 : i32
    "tpu.region"() ({
      %run_scoped3A = tpu.sem_alloc : memref<!tpu.dma_semaphore, #tpu.memory_space<semaphore_mem>>
      %dma_start3A_146 = arith.constant 0 : i32
      %dma_start3A_147 = tpu.memref_slice %arg5[%add3A_67, %dma_start3A_146] : memref<400384x16xf32, #tpu.memory_space<hbm>> -> memref<6256x16xf32, #tpu.memory_space<hbm>>
      %dma_start3A_148 = arith.constant 0 : i32
      %dma_start3A_149 = tpu.memref_slice %arg16[%mul3A_69, %dma_start3A_148] : memref<100096x16xf32, #tpu.memory_space<vmem_shared>> -> memref<6256x16xf32, #tpu.memory_space<vmem_shared>>
      tpu.enqueue_dma source(%dma_start3A_149 : memref<6256x16xf32, #tpu.memory_space<vmem_shared>>) target(%dma_start3A_147 : memref<6256x16xf32, #tpu.memory_space<hbm>>) target_semaphore(%run_scoped3A : memref<!tpu.dma_semaphore, #tpu.memory_space<semaphore_mem>>)
      %dma_wait3A_150 = arith.constant 0 : i32
      %dma_wait3A_151 = tpu.memref_slice %arg5[%add3A_67, %dma_wait3A_150] : memref<400384x16xf32, #tpu.memory_space<hbm>> -> memref<6256x16xf32, #tpu.memory_space<hbm>>
      %dma_wait3A_152 = arith.constant 0 : i32
      %dma_wait3A_153 = tpu.memref_slice %arg16[%mul3A_69, %dma_wait3A_152] : memref<100096x16xf32, #tpu.memory_space<vmem_shared>> -> memref<6256x16xf32, #tpu.memory_space<vmem_shared>>
      tpu.wait_dma2 semaphore(%run_scoped3A : memref<!tpu.dma_semaphore, #tpu.memory_space<semaphore_mem>>) src(%dma_wait3A_153 : memref<6256x16xf32, #tpu.memory_space<vmem_shared>>) dst(%dma_wait3A_151 : memref<6256x16xf32, #tpu.memory_space<hbm>>)
      tpu.yield
    }) : () -> ()
    %barrier3A_70 = arith.constant 0 : index
    tpu.barrier barrier_id(%barrier3A_70)
    %mul3A_71 = arith.constant 2 : i32
    %mul3A_72 = arith.muli %arg0, %mul3A_71 : i32
    %add3A_73 = arith.constant 1 : i32
    %add3A_74 = arith.addi %mul3A_72, %add3A_73 : i32
    %mul3A_75 = arith.constant 6256 : i32
    %mul3A_76 = arith.muli %arg1, %mul3A_75 : i32
    %mul3A_77 = arith.constant 6256 : i32
    %mul3A_78 = arith.muli %arg1, %mul3A_77 : i32
    "tpu.region"() ({
      %run_scoped3A = tpu.sem_alloc : memref<!tpu.dma_semaphore, #tpu.memory_space<semaphore_mem>>
      %dma_start3A_146 = arith.constant 0 : i32
      %dma_start3A_147 = tpu.memref_slice %arg16[%mul3A_78, %dma_start3A_146] : memref<100096x16xf32, #tpu.memory_space<vmem_shared>> -> memref<6256x16xf32, #tpu.memory_space<vmem_shared>>
      %dma_start3A_148 = arith.constant 0 : i32
      %dma_start3A_149 = arith.constant 0 : i32
      %dma_start3A_150 = tpu.memref_slice %arg2[%add3A_74, %dma_start3A_148, %dma_start3A_149] : memref<4x100096x16xf32, #tpu.memory_space<hbm>> -> memref<1x100096x16xf32, #tpu.memory_space<hbm>>
      %dma_start3A_151 = tpu.memref_squeeze %dma_start3A_150 : memref<1x100096x16xf32, #tpu.memory_space<hbm>> -> memref<100096x16xf32, #tpu.memory_space<hbm>>
      %dma_start3A_152 = arith.constant 0 : i32
      %dma_start3A_153 = tpu.memref_slice %dma_start3A_151[%mul3A_76, %dma_start3A_152] : memref<100096x16xf32, #tpu.memory_space<hbm>> -> memref<6256x16xf32, #tpu.memory_space<hbm>>
      tpu.enqueue_dma source(%dma_start3A_153 : memref<6256x16xf32, #tpu.memory_space<hbm>>) target(%dma_start3A_147 : memref<6256x16xf32, #tpu.memory_space<vmem_shared>>) target_semaphore(%run_scoped3A : memref<!tpu.dma_semaphore, #tpu.memory_space<semaphore_mem>>)
      %dma_wait3A_154 = arith.constant 0 : i32
      %dma_wait3A_155 = tpu.memref_slice %arg16[%mul3A_78, %dma_wait3A_154] : memref<100096x16xf32, #tpu.memory_space<vmem_shared>> -> memref<6256x16xf32, #tpu.memory_space<vmem_shared>>
      %dma_wait3A_156 = arith.constant 0 : i32
      %dma_wait3A_157 = arith.constant 0 : i32
      %dma_wait3A_158 = tpu.memref_slice %arg2[%add3A_74, %dma_wait3A_156, %dma_wait3A_157] : memref<4x100096x16xf32, #tpu.memory_space<hbm>> -> memref<1x100096x16xf32, #tpu.memory_space<hbm>>
      %dma_wait3A_159 = tpu.memref_squeeze %dma_wait3A_158 : memref<1x100096x16xf32, #tpu.memory_space<hbm>> -> memref<100096x16xf32, #tpu.memory_space<hbm>>
      %dma_wait3A_160 = arith.constant 0 : i32
      %dma_wait3A_161 = tpu.memref_slice %dma_wait3A_159[%mul3A_76, %dma_wait3A_160] : memref<100096x16xf32, #tpu.memory_space<hbm>> -> memref<6256x16xf32, #tpu.memory_space<hbm>>
      tpu.wait_dma2 semaphore(%run_scoped3A : memref<!tpu.dma_semaphore, #tpu.memory_space<semaphore_mem>>) src(%dma_wait3A_161 : memref<6256x16xf32, #tpu.memory_space<hbm>>) dst(%dma_wait3A_155 : memref<6256x16xf32, #tpu.memory_space<vmem_shared>>)
      tpu.yield
    }) : () -> ()
    %barrier3A_79 = arith.constant 0 : index
    tpu.barrier barrier_id(%barrier3A_79)
    "tpu.region"() ({
      %run_scoped3A = tpu.sem_alloc : memref<!tpu.dma_semaphore, #tpu.memory_space<semaphore_mem>>
      %dma_start3A_146 = arith.constant 0 : i32
      %dma_start3A_147 = tpu.memref_slice %arg3[%mul3A_0, %dma_start3A_146] : memref<3136x512xi32, #tpu.memory_space<hbm>> -> memref<1x512xi32, #tpu.memory_space<hbm>>
      %dma_start3A_148 = arith.constant 0 : i32
      %dma_start3A_149 = tpu.memref_slice %arg3[%mul3A_0, %dma_start3A_148] : memref<3136x512xi32, #tpu.memory_space<hbm>> -> memref<1x512xi32, #tpu.memory_space<hbm>>
      tpu.enqueue_dma source(%dma_start3A_149 : memref<1x512xi32, #tpu.memory_space<hbm>>) target(%arg6 : memref<1x512xi32, #tpu.memory_space<vmem>>) target_semaphore(%run_scoped3A : memref<!tpu.dma_semaphore, #tpu.memory_space<semaphore_mem>>)
      %dma_wait3A_150 = arith.constant 0 : i32
      %dma_wait3A_151 = tpu.memref_slice %arg3[%mul3A_0, %dma_wait3A_150] : memref<3136x512xi32, #tpu.memory_space<hbm>> -> memref<1x512xi32, #tpu.memory_space<hbm>>
      %dma_wait3A_152 = arith.constant 0 : i32
      %dma_wait3A_153 = tpu.memref_slice %arg3[%mul3A_0, %dma_wait3A_152] : memref<3136x512xi32, #tpu.memory_space<hbm>> -> memref<1x512xi32, #tpu.memory_space<hbm>>
      tpu.wait_dma2 semaphore(%run_scoped3A : memref<!tpu.dma_semaphore, #tpu.memory_space<semaphore_mem>>) src(%dma_wait3A_153 : memref<1x512xi32, #tpu.memory_space<hbm>>) dst(%arg6 : memref<1x512xi32, #tpu.memory_space<vmem>>)
      tpu.yield
    }) : () -> ()
    "tpu.region"() ({
      %run_scoped3A = tpu.sem_alloc : memref<!tpu.dma_semaphore, #tpu.memory_space<semaphore_mem>>
      %dma_start3A_146 = arith.constant 0 : i32
      %dma_start3A_147 = tpu.memref_slice %arg4[%mul3A_0, %dma_start3A_146] : memref<3136x512xi32, #tpu.memory_space<hbm>> -> memref<1x512xi32, #tpu.memory_space<hbm>>
      %dma_start3A_148 = arith.constant 0 : i32
      %dma_start3A_149 = tpu.memref_slice %arg4[%mul3A_0, %dma_start3A_148] : memref<3136x512xi32, #tpu.memory_space<hbm>> -> memref<1x512xi32, #tpu.memory_space<hbm>>
      tpu.enqueue_dma source(%dma_start3A_149 : memref<1x512xi32, #tpu.memory_space<hbm>>) target(%arg7 : memref<1x512xi32, #tpu.memory_space<vmem>>) target_semaphore(%run_scoped3A : memref<!tpu.dma_semaphore, #tpu.memory_space<semaphore_mem>>)
      %dma_wait3A_150 = arith.constant 0 : i32
      %dma_wait3A_151 = tpu.memref_slice %arg4[%mul3A_0, %dma_wait3A_150] : memref<3136x512xi32, #tpu.memory_space<hbm>> -> memref<1x512xi32, #tpu.memory_space<hbm>>
      %dma_wait3A_152 = arith.constant 0 : i32
      %dma_wait3A_153 = tpu.memref_slice %arg4[%mul3A_0, %dma_wait3A_152] : memref<3136x512xi32, #tpu.memory_space<hbm>> -> memref<1x512xi32, #tpu.memory_space<hbm>>
      tpu.wait_dma2 semaphore(%run_scoped3A : memref<!tpu.dma_semaphore, #tpu.memory_space<semaphore_mem>>) src(%dma_wait3A_153 : memref<1x512xi32, #tpu.memory_space<hbm>>) dst(%arg7 : memref<1x512xi32, #tpu.memory_space<vmem>>)
      tpu.yield
    }) : () -> ()
    %dma_start3A_80 = arith.constant 0 : i32
    %dma_start3A_81 = arith.constant 0 : i32
    %dma_start3A_82 = arith.constant 0 : i32
    %dma_start3A_83 = arith.constant 0 : i32
    %dma_start3A_84 = tpu.memref_slice %arg10[%dma_start3A_81, %dma_start3A_82, %dma_start3A_83] : memref<1x512x16xf32, #tpu.memory_space<vmem>> -> memref<1x512x16xf32, #tpu.memory_space<vmem>>
    %dma_start3A_85 = tpu.memref_squeeze %dma_start3A_84 : memref<1x512x16xf32, #tpu.memory_space<vmem>> -> memref<512x16xf32, #tpu.memory_space<vmem>>
    %dma_start3A_86 = arith.constant 0 : i32
    %dma_start3A_87 = tpu.memref_slice %arg6[%dma_start3A_80, %dma_start3A_86] : memref<1x512xi32, #tpu.memory_space<vmem>> -> memref<1x512xi32, #tpu.memory_space<vmem>>
    %dma_start3A_88 = tpu.memref_squeeze %dma_start3A_87 : memref<1x512xi32, #tpu.memory_space<vmem>> -> memref<512xi32, #tpu.memory_space<vmem>>
    %dma_start3A_89 = arith.constant 0 : i32
    %dma_start3A_90 = arith.constant 0 : i32
    %dma_start3A_91 = tpu.memref_slice %arg2[%add3A_74, %dma_start3A_89, %dma_start3A_90] : memref<4x100096x16xf32, #tpu.memory_space<hbm>> -> memref<1x100096x16xf32, #tpu.memory_space<hbm>>
    %dma_start3A_92 = tpu.memref_squeeze %dma_start3A_91 : memref<1x100096x16xf32, #tpu.memory_space<hbm>> -> memref<100096x16xf32, #tpu.memory_space<hbm>>
    %dma_start3A_93 = arith.constant 0 : i32
    %dma_start3A_94 = arith.constant 0 : i32
    %dma_start3A_95 = tpu.memref_slice %dma_start3A_92[%dma_start3A_93, %dma_start3A_94] : memref<100096x16xf32, #tpu.memory_space<hbm>> -> memref<100096x16xf32, #tpu.memory_space<hbm>>
    tpu.enqueue_indirect_dma source(%dma_start3A_95 : memref<100096x16xf32, #tpu.memory_space<hbm>>) target(%dma_start3A_85 : memref<512x16xf32, #tpu.memory_space<vmem>>) offsets(%dma_start3A_88 : memref<512xi32, #tpu.memory_space<vmem>>) semaphore(%arg12 : memref<!tpu.dma_semaphore, #tpu.memory_space<semaphore_mem>>)
    %mul3A_96 = arith.constant 1 : i32
    %mul3A_97 = arith.constant 1 : i32
    %mul3A_98 = arith.muli %mul3A_96, %mul3A_97 : i32
    %add3A_99 = arith.addi %mul3A_0, %mul3A_98 : i32
    %dma_start3A_100 = arith.constant 0 : i32
    %dma_start3A_101 = tpu.memref_slice %arg3[%add3A_99, %dma_start3A_100] : memref<3136x512xi32, #tpu.memory_space<hbm>> -> memref<1x512xi32, #tpu.memory_space<hbm>>
    %dma_start3A_102 = arith.constant 0 : i32
    %dma_start3A_103 = tpu.memref_slice %arg3[%add3A_99, %dma_start3A_102] : memref<3136x512xi32, #tpu.memory_space<hbm>> -> memref<1x512xi32, #tpu.memory_space<hbm>>
    tpu.enqueue_dma source(%dma_start3A_103 : memref<1x512xi32, #tpu.memory_space<hbm>>) target(%arg8 : memref<1x512xi32, #tpu.memory_space<vmem>>) target_semaphore(%arg15 : memref<!tpu.dma_semaphore, #tpu.memory_space<semaphore_mem>>)
    %dma_start3A_104 = arith.constant 0 : i32
    %dma_start3A_105 = tpu.memref_slice %arg4[%add3A_99, %dma_start3A_104] : memref<3136x512xi32, #tpu.memory_space<hbm>> -> memref<1x512xi32, #tpu.memory_space<hbm>>
    %dma_start3A_106 = arith.constant 0 : i32
    %dma_start3A_107 = tpu.memref_slice %arg4[%add3A_99, %dma_start3A_106] : memref<3136x512xi32, #tpu.memory_space<hbm>> -> memref<1x512xi32, #tpu.memory_space<hbm>>
    tpu.enqueue_dma source(%dma_start3A_107 : memref<1x512xi32, #tpu.memory_space<hbm>>) target(%arg9 : memref<1x512xi32, #tpu.memory_space<vmem>>) target_semaphore(%arg15 : memref<!tpu.dma_semaphore, #tpu.memory_space<semaphore_mem>>)
    %scan3A_108 = arith.constant 0 : i32
    %scan3A_109 = arith.constant 98 : i32
    %scan3A_110 = arith.addi %scan3A_108, %scan3A_109 : i32
    %scan3A_111 = arith.constant 1 : i32
    scf.for %scan3A_146 = %scan3A_108 to %scan3A_110 step %scan3A_111  : i32 {
      %mul3A_147 = arith.constant 2 : i32
      %mul3A_148 = arith.muli %mul3A_147, %scan3A_146 : i32
      %add3A_149 = arith.constant 2 : i32
      %add3A_150 = arith.addi %mul3A_148, %add3A_149 : i32
      %min3A = arith.constant 195 : i32
      %min3A_151 = arith.minsi %add3A_150, %min3A : i32
      %mul3A_152 = arith.constant 2 : i32
      %mul3A_153 = arith.muli %mul3A_152, %scan3A_146 : i32
      %add3A_154 = arith.constant 3 : i32
      %add3A_155 = arith.addi %mul3A_153, %add3A_154 : i32
      %min3A_156 = arith.constant 195 : i32
      %min3A_157 = arith.minsi %add3A_155, %min3A_156 : i32
      %dma_wait3A_158 = arith.constant 0 : i32
      %dma_wait3A_159 = tpu.memref_slice %arg3[%mul3A_0, %dma_wait3A_158] : memref<3136x512xi32, #tpu.memory_space<hbm>> -> memref<1x512xi32, #tpu.memory_space<hbm>>
      %dma_wait3A_160 = arith.constant 0 : i32
      %dma_wait3A_161 = tpu.memref_slice %arg3[%mul3A_0, %dma_wait3A_160] : memref<3136x512xi32, #tpu.memory_space<hbm>> -> memref<1x512xi32, #tpu.memory_space<hbm>>
      tpu.wait_dma2 semaphore(%arg15 : memref<!tpu.dma_semaphore, #tpu.memory_space<semaphore_mem>>) src(%dma_wait3A_161 : memref<1x512xi32, #tpu.memory_space<hbm>>) dst(%arg8 : memref<1x512xi32, #tpu.memory_space<vmem>>)
      %dma_wait3A_162 = arith.constant 0 : i32
      %dma_wait3A_163 = tpu.memref_slice %arg4[%mul3A_0, %dma_wait3A_162] : memref<3136x512xi32, #tpu.memory_space<hbm>> -> memref<1x512xi32, #tpu.memory_space<hbm>>
      %dma_wait3A_164 = arith.constant 0 : i32
      %dma_wait3A_165 = tpu.memref_slice %arg4[%mul3A_0, %dma_wait3A_164] : memref<3136x512xi32, #tpu.memory_space<hbm>> -> memref<1x512xi32, #tpu.memory_space<hbm>>
      tpu.wait_dma2 semaphore(%arg15 : memref<!tpu.dma_semaphore, #tpu.memory_space<semaphore_mem>>) src(%dma_wait3A_165 : memref<1x512xi32, #tpu.memory_space<hbm>>) dst(%arg9 : memref<1x512xi32, #tpu.memory_space<vmem>>)
      %dma_start3A_166 = arith.constant 0 : i32
      %dma_start3A_167 = arith.constant 0 : i32
      %dma_start3A_168 = arith.constant 0 : i32
      %dma_start3A_169 = arith.constant 0 : i32
      %dma_start3A_170 = tpu.memref_slice %arg11[%dma_start3A_167, %dma_start3A_168, %dma_start3A_169] : memref<1x512x16xf32, #tpu.memory_space<vmem>> -> memref<1x512x16xf32, #tpu.memory_space<vmem>>
      %dma_start3A_171 = tpu.memref_squeeze %dma_start3A_170 : memref<1x512x16xf32, #tpu.memory_space<vmem>> -> memref<512x16xf32, #tpu.memory_space<vmem>>
      %dma_start3A_172 = arith.constant 0 : i32
      %dma_start3A_173 = tpu.memref_slice %arg8[%dma_start3A_166, %dma_start3A_172] : memref<1x512xi32, #tpu.memory_space<vmem>> -> memref<1x512xi32, #tpu.memory_space<vmem>>
      %dma_start3A_174 = tpu.memref_squeeze %dma_start3A_173 : memref<1x512xi32, #tpu.memory_space<vmem>> -> memref<512xi32, #tpu.memory_space<vmem>>
      %dma_start3A_175 = arith.constant 0 : i32
      %dma_start3A_176 = arith.constant 0 : i32
      %dma_start3A_177 = tpu.memref_slice %arg2[%add3A_74, %dma_start3A_175, %dma_start3A_176] : memref<4x100096x16xf32, #tpu.memory_space<hbm>> -> memref<1x100096x16xf32, #tpu.memory_space<hbm>>
      %dma_start3A_178 = tpu.memref_squeeze %dma_start3A_177 : memref<1x100096x16xf32, #tpu.memory_space<hbm>> -> memref<100096x16xf32, #tpu.memory_space<hbm>>
      %dma_start3A_179 = arith.constant 0 : i32
      %dma_start3A_180 = arith.constant 0 : i32
      %dma_start3A_181 = tpu.memref_slice %dma_start3A_178[%dma_start3A_179, %dma_start3A_180] : memref<100096x16xf32, #tpu.memory_space<hbm>> -> memref<100096x16xf32, #tpu.memory_space<hbm>>
      tpu.enqueue_indirect_dma source(%dma_start3A_181 : memref<100096x16xf32, #tpu.memory_space<hbm>>) target(%dma_start3A_171 : memref<512x16xf32, #tpu.memory_space<vmem>>) offsets(%dma_start3A_174 : memref<512xi32, #tpu.memory_space<vmem>>) semaphore(%arg13 : memref<!tpu.dma_semaphore, #tpu.memory_space<semaphore_mem>>)
      %dma_wait3A_182 = arith.constant 0 : i32
      %dma_wait3A_183 = arith.constant 0 : i32
      %dma_wait3A_184 = arith.constant 0 : i32
      %dma_wait3A_185 = arith.constant 0 : i32
      %dma_wait3A_186 = tpu.memref_slice %arg10[%dma_wait3A_183, %dma_wait3A_184, %dma_wait3A_185] : memref<1x512x16xf32, #tpu.memory_space<vmem>> -> memref<1x512x16xf32, #tpu.memory_space<vmem>>
      %dma_wait3A_187 = tpu.memref_squeeze %dma_wait3A_186 : memref<1x512x16xf32, #tpu.memory_space<vmem>> -> memref<512x16xf32, #tpu.memory_space<vmem>>
      %dma_wait3A_188 = arith.constant 0 : i32
      %dma_wait3A_189 = tpu.memref_slice %arg6[%dma_wait3A_182, %dma_wait3A_188] : memref<1x512xi32, #tpu.memory_space<vmem>> -> memref<1x512xi32, #tpu.memory_space<vmem>>
      %dma_wait3A_190 = tpu.memref_squeeze %dma_wait3A_189 : memref<1x512xi32, #tpu.memory_space<vmem>> -> memref<512xi32, #tpu.memory_space<vmem>>
      %dma_wait3A_191 = arith.constant 0 : i32
      %dma_wait3A_192 = arith.constant 0 : i32
      %dma_wait3A_193 = tpu.memref_slice %arg2[%add3A_74, %dma_wait3A_191, %dma_wait3A_192] : memref<4x100096x16xf32, #tpu.memory_space<hbm>> -> memref<1x100096x16xf32, #tpu.memory_space<hbm>>
      %dma_wait3A_194 = tpu.memref_squeeze %dma_wait3A_193 : memref<1x100096x16xf32, #tpu.memory_space<hbm>> -> memref<100096x16xf32, #tpu.memory_space<hbm>>
      %dma_wait3A_195 = arith.constant 0 : i32
      %dma_wait3A_196 = arith.constant 0 : i32
      %dma_wait3A_197 = tpu.memref_slice %dma_wait3A_194[%dma_wait3A_195, %dma_wait3A_196] : memref<100096x16xf32, #tpu.memory_space<hbm>> -> memref<100096x16xf32, #tpu.memory_space<hbm>>
      tpu.wait_indirect_dma semaphore(%arg12 : memref<!tpu.dma_semaphore, #tpu.memory_space<semaphore_mem>>) src(%dma_wait3A_197 : memref<100096x16xf32, #tpu.memory_space<hbm>>) dst(%dma_wait3A_187 : memref<512x16xf32, #tpu.memory_space<vmem>>)
      %run_scoped3A = arith.constant 0 : i32
      %run_scoped3A_198 = arith.constant 0 : i32
      "tpu.region"() ({
        %run_scoped3A_263 = tpu.sem_alloc : memref<!tpu.dma_semaphore, #tpu.memory_space<semaphore_mem>>
        %dma_start3A_264 = arith.constant 0 : i32
        %dma_start3A_265 = arith.constant 0 : i32
        %dma_start3A_266 = tpu.memref_slice %arg10[%run_scoped3A, %dma_start3A_264, %dma_start3A_265] : memref<1x512x16xf32, #tpu.memory_space<vmem>> -> memref<1x512x16xf32, #tpu.memory_space<vmem>>
        %dma_start3A_267 = tpu.memref_squeeze %dma_start3A_266 : memref<1x512x16xf32, #tpu.memory_space<vmem>> -> memref<512x16xf32, #tpu.memory_space<vmem>>
        %dma_start3A_268 = arith.constant 0 : i32
        %dma_start3A_269 = tpu.memref_slice %arg7[%run_scoped3A_198, %dma_start3A_268] : memref<1x512xi32, #tpu.memory_space<vmem>> -> memref<1x512xi32, #tpu.memory_space<vmem>>
        %dma_start3A_270 = tpu.memref_squeeze %dma_start3A_269 : memref<1x512xi32, #tpu.memory_space<vmem>> -> memref<512xi32, #tpu.memory_space<vmem>>
        %dma_start3A_271 = arith.constant 0 : i32
        %dma_start3A_272 = arith.constant 0 : i32
        %dma_start3A_273 = tpu.memref_slice %arg16[%dma_start3A_271, %dma_start3A_272] : memref<100096x16xf32, #tpu.memory_space<vmem_shared>> -> memref<100096x16xf32, #tpu.memory_space<vmem_shared>>
        tpu.enqueue_indirect_dma source(%dma_start3A_267 : memref<512x16xf32, #tpu.memory_space<vmem>>) target(%dma_start3A_273 : memref<100096x16xf32, #tpu.memory_space<vmem_shared>>) offsets(%dma_start3A_270 : memref<512xi32, #tpu.memory_space<vmem>>) semaphore(%run_scoped3A_263 : memref<!tpu.dma_semaphore, #tpu.memory_space<semaphore_mem>>) {add = true}
        %dma_wait3A_274 = arith.constant 0 : i32
        %dma_wait3A_275 = arith.constant 0 : i32
        %dma_wait3A_276 = tpu.memref_slice %arg10[%run_scoped3A, %dma_wait3A_274, %dma_wait3A_275] : memref<1x512x16xf32, #tpu.memory_space<vmem>> -> memref<1x512x16xf32, #tpu.memory_space<vmem>>
        %dma_wait3A_277 = tpu.memref_squeeze %dma_wait3A_276 : memref<1x512x16xf32, #tpu.memory_space<vmem>> -> memref<512x16xf32, #tpu.memory_space<vmem>>
        %dma_wait3A_278 = arith.constant 0 : i32
        %dma_wait3A_279 = tpu.memref_slice %arg7[%run_scoped3A_198, %dma_wait3A_278] : memref<1x512xi32, #tpu.memory_space<vmem>> -> memref<1x512xi32, #tpu.memory_space<vmem>>
        %dma_wait3A_280 = tpu.memref_squeeze %dma_wait3A_279 : memref<1x512xi32, #tpu.memory_space<vmem>> -> memref<512xi32, #tpu.memory_space<vmem>>
        %dma_wait3A_281 = arith.constant 0 : i32
        %dma_wait3A_282 = arith.constant 0 : i32
        %dma_wait3A_283 = tpu.memref_slice %arg16[%dma_wait3A_281, %dma_wait3A_282] : memref<100096x16xf32, #tpu.memory_space<vmem_shared>> -> memref<100096x16xf32, #tpu.memory_space<vmem_shared>>
        tpu.wait_indirect_dma semaphore(%run_scoped3A_263 : memref<!tpu.dma_semaphore, #tpu.memory_space<semaphore_mem>>) src(%dma_wait3A_277 : memref<512x16xf32, #tpu.memory_space<vmem>>) dst(%dma_wait3A_283 : memref<100096x16xf32, #tpu.memory_space<vmem_shared>>)
        tpu.yield
      }) : () -> ()
      %mul3A_199 = arith.constant 1 : i32
      %mul3A_200 = arith.muli %min3A_151, %mul3A_199 : i32
      %add3A_201 = arith.addi %mul3A_0, %mul3A_200 : i32
      %dma_start3A_202 = arith.constant 0 : i32
      %dma_start3A_203 = tpu.memref_slice %arg3[%add3A_201, %dma_start3A_202] : memref<3136x512xi32, #tpu.memory_space<hbm>> -> memref<1x512xi32, #tpu.memory_space<hbm>>
      %dma_start3A_204 = arith.constant 0 : i32
      %dma_start3A_205 = tpu.memref_slice %arg3[%add3A_201, %dma_start3A_204] : memref<3136x512xi32, #tpu.memory_space<hbm>> -> memref<1x512xi32, #tpu.memory_space<hbm>>
      tpu.enqueue_dma source(%dma_start3A_205 : memref<1x512xi32, #tpu.memory_space<hbm>>) target(%arg6 : memref<1x512xi32, #tpu.memory_space<vmem>>) target_semaphore(%arg14 : memref<!tpu.dma_semaphore, #tpu.memory_space<semaphore_mem>>)
      %dma_start3A_206 = arith.constant 0 : i32
      %dma_start3A_207 = tpu.memref_slice %arg4[%add3A_201, %dma_start3A_206] : memref<3136x512xi32, #tpu.memory_space<hbm>> -> memref<1x512xi32, #tpu.memory_space<hbm>>
      %dma_start3A_208 = arith.constant 0 : i32
      %dma_start3A_209 = tpu.memref_slice %arg4[%add3A_201, %dma_start3A_208] : memref<3136x512xi32, #tpu.memory_space<hbm>> -> memref<1x512xi32, #tpu.memory_space<hbm>>
      tpu.enqueue_dma source(%dma_start3A_209 : memref<1x512xi32, #tpu.memory_space<hbm>>) target(%arg7 : memref<1x512xi32, #tpu.memory_space<vmem>>) target_semaphore(%arg14 : memref<!tpu.dma_semaphore, #tpu.memory_space<semaphore_mem>>)
      %dma_wait3A_210 = arith.constant 0 : i32
      %dma_wait3A_211 = tpu.memref_slice %arg3[%mul3A_0, %dma_wait3A_210] : memref<3136x512xi32, #tpu.memory_space<hbm>> -> memref<1x512xi32, #tpu.memory_space<hbm>>
      %dma_wait3A_212 = arith.constant 0 : i32
      %dma_wait3A_213 = tpu.memref_slice %arg3[%mul3A_0, %dma_wait3A_212] : memref<3136x512xi32, #tpu.memory_space<hbm>> -> memref<1x512xi32, #tpu.memory_space<hbm>>
      tpu.wait_dma2 semaphore(%arg14 : memref<!tpu.dma_semaphore, #tpu.memory_space<semaphore_mem>>) src(%dma_wait3A_213 : memref<1x512xi32, #tpu.memory_space<hbm>>) dst(%arg6 : memref<1x512xi32, #tpu.memory_space<vmem>>)
      %dma_wait3A_214 = arith.constant 0 : i32
      %dma_wait3A_215 = tpu.memref_slice %arg4[%mul3A_0, %dma_wait3A_214] : memref<3136x512xi32, #tpu.memory_space<hbm>> -> memref<1x512xi32, #tpu.memory_space<hbm>>
      %dma_wait3A_216 = arith.constant 0 : i32
      %dma_wait3A_217 = tpu.memref_slice %arg4[%mul3A_0, %dma_wait3A_216] : memref<3136x512xi32, #tpu.memory_space<hbm>> -> memref<1x512xi32, #tpu.memory_space<hbm>>
      tpu.wait_dma2 semaphore(%arg14 : memref<!tpu.dma_semaphore, #tpu.memory_space<semaphore_mem>>) src(%dma_wait3A_217 : memref<1x512xi32, #tpu.memory_space<hbm>>) dst(%arg7 : memref<1x512xi32, #tpu.memory_space<vmem>>)
      %dma_start3A_218 = arith.constant 0 : i32
      %dma_start3A_219 = arith.constant 0 : i32
      %dma_start3A_220 = arith.constant 0 : i32
      %dma_start3A_221 = arith.constant 0 : i32
      %dma_start3A_222 = tpu.memref_slice %arg10[%dma_start3A_219, %dma_start3A_220, %dma_start3A_221] : memref<1x512x16xf32, #tpu.memory_space<vmem>> -> memref<1x512x16xf32, #tpu.memory_space<vmem>>
      %dma_start3A_223 = tpu.memref_squeeze %dma_start3A_222 : memref<1x512x16xf32, #tpu.memory_space<vmem>> -> memref<512x16xf32, #tpu.memory_space<vmem>>
      %dma_start3A_224 = arith.constant 0 : i32
      %dma_start3A_225 = tpu.memref_slice %arg6[%dma_start3A_218, %dma_start3A_224] : memref<1x512xi32, #tpu.memory_space<vmem>> -> memref<1x512xi32, #tpu.memory_space<vmem>>
      %dma_start3A_226 = tpu.memref_squeeze %dma_start3A_225 : memref<1x512xi32, #tpu.memory_space<vmem>> -> memref<512xi32, #tpu.memory_space<vmem>>
      %dma_start3A_227 = arith.constant 0 : i32
      %dma_start3A_228 = arith.constant 0 : i32
      %dma_start3A_229 = tpu.memref_slice %arg2[%add3A_74, %dma_start3A_227, %dma_start3A_228] : memref<4x100096x16xf32, #tpu.memory_space<hbm>> -> memref<1x100096x16xf32, #tpu.memory_space<hbm>>
      %dma_start3A_230 = tpu.memref_squeeze %dma_start3A_229 : memref<1x100096x16xf32, #tpu.memory_space<hbm>> -> memref<100096x16xf32, #tpu.memory_space<hbm>>
      %dma_start3A_231 = arith.constant 0 : i32
      %dma_start3A_232 = arith.constant 0 : i32
      %dma_start3A_233 = tpu.memref_slice %dma_start3A_230[%dma_start3A_231, %dma_start3A_232] : memref<100096x16xf32, #tpu.memory_space<hbm>> -> memref<100096x16xf32, #tpu.memory_space<hbm>>
      tpu.enqueue_indirect_dma source(%dma_start3A_233 : memref<100096x16xf32, #tpu.memory_space<hbm>>) target(%dma_start3A_223 : memref<512x16xf32, #tpu.memory_space<vmem>>) offsets(%dma_start3A_226 : memref<512xi32, #tpu.memory_space<vmem>>) semaphore(%arg12 : memref<!tpu.dma_semaphore, #tpu.memory_space<semaphore_mem>>)
      %dma_wait3A_234 = arith.constant 0 : i32
      %dma_wait3A_235 = arith.constant 0 : i32
      %dma_wait3A_236 = arith.constant 0 : i32
      %dma_wait3A_237 = arith.constant 0 : i32
      %dma_wait3A_238 = tpu.memref_slice %arg11[%dma_wait3A_235, %dma_wait3A_236, %dma_wait3A_237] : memref<1x512x16xf32, #tpu.memory_space<vmem>> -> memref<1x512x16xf32, #tpu.memory_space<vmem>>
      %dma_wait3A_239 = tpu.memref_squeeze %dma_wait3A_238 : memref<1x512x16xf32, #tpu.memory_space<vmem>> -> memref<512x16xf32, #tpu.memory_space<vmem>>
      %dma_wait3A_240 = arith.constant 0 : i32
      %dma_wait3A_241 = tpu.memref_slice %arg8[%dma_wait3A_234, %dma_wait3A_240] : memref<1x512xi32, #tpu.memory_space<vmem>> -> memref<1x512xi32, #tpu.memory_space<vmem>>
      %dma_wait3A_242 = tpu.memref_squeeze %dma_wait3A_241 : memref<1x512xi32, #tpu.memory_space<vmem>> -> memref<512xi32, #tpu.memory_space<vmem>>
      %dma_wait3A_243 = arith.constant 0 : i32
      %dma_wait3A_244 = arith.constant 0 : i32
      %dma_wait3A_245 = tpu.memref_slice %arg2[%add3A_74, %dma_wait3A_243, %dma_wait3A_244] : memref<4x100096x16xf32, #tpu.memory_space<hbm>> -> memref<1x100096x16xf32, #tpu.memory_space<hbm>>
      %dma_wait3A_246 = tpu.memref_squeeze %dma_wait3A_245 : memref<1x100096x16xf32, #tpu.memory_space<hbm>> -> memref<100096x16xf32, #tpu.memory_space<hbm>>
      %dma_wait3A_247 = arith.constant 0 : i32
      %dma_wait3A_248 = arith.constant 0 : i32
      %dma_wait3A_249 = tpu.memref_slice %dma_wait3A_246[%dma_wait3A_247, %dma_wait3A_248] : memref<100096x16xf32, #tpu.memory_space<hbm>> -> memref<100096x16xf32, #tpu.memory_space<hbm>>
      tpu.wait_indirect_dma semaphore(%arg13 : memref<!tpu.dma_semaphore, #tpu.memory_space<semaphore_mem>>) src(%dma_wait3A_249 : memref<100096x16xf32, #tpu.memory_space<hbm>>) dst(%dma_wait3A_239 : memref<512x16xf32, #tpu.memory_space<vmem>>)
      %run_scoped3A_250 = arith.constant 0 : i32
      %run_scoped3A_251 = arith.constant 0 : i32
      "tpu.region"() ({
        %run_scoped3A_263 = tpu.sem_alloc : memref<!tpu.dma_semaphore, #tpu.memory_space<semaphore_mem>>
        %dma_start3A_264 = arith.constant 0 : i32
        %dma_start3A_265 = arith.constant 0 : i32
        %dma_start3A_266 = tpu.memref_slice %arg11[%run_scoped3A_250, %dma_start3A_264, %dma_start3A_265] : memref<1x512x16xf32, #tpu.memory_space<vmem>> -> memref<1x512x16xf32, #tpu.memory_space<vmem>>
        %dma_start3A_267 = tpu.memref_squeeze %dma_start3A_266 : memref<1x512x16xf32, #tpu.memory_space<vmem>> -> memref<512x16xf32, #tpu.memory_space<vmem>>
        %dma_start3A_268 = arith.constant 0 : i32
        %dma_start3A_269 = tpu.memref_slice %arg9[%run_scoped3A_251, %dma_start3A_268] : memref<1x512xi32, #tpu.memory_space<vmem>> -> memref<1x512xi32, #tpu.memory_space<vmem>>
        %dma_start3A_270 = tpu.memref_squeeze %dma_start3A_269 : memref<1x512xi32, #tpu.memory_space<vmem>> -> memref<512xi32, #tpu.memory_space<vmem>>
        %dma_start3A_271 = arith.constant 0 : i32
        %dma_start3A_272 = arith.constant 0 : i32
        %dma_start3A_273 = tpu.memref_slice %arg16[%dma_start3A_271, %dma_start3A_272] : memref<100096x16xf32, #tpu.memory_space<vmem_shared>> -> memref<100096x16xf32, #tpu.memory_space<vmem_shared>>
        tpu.enqueue_indirect_dma source(%dma_start3A_267 : memref<512x16xf32, #tpu.memory_space<vmem>>) target(%dma_start3A_273 : memref<100096x16xf32, #tpu.memory_space<vmem_shared>>) offsets(%dma_start3A_270 : memref<512xi32, #tpu.memory_space<vmem>>) semaphore(%run_scoped3A_263 : memref<!tpu.dma_semaphore, #tpu.memory_space<semaphore_mem>>) {add = true}
        %dma_wait3A_274 = arith.constant 0 : i32
        %dma_wait3A_275 = arith.constant 0 : i32
        %dma_wait3A_276 = tpu.memref_slice %arg11[%run_scoped3A_250, %dma_wait3A_274, %dma_wait3A_275] : memref<1x512x16xf32, #tpu.memory_space<vmem>> -> memref<1x512x16xf32, #tpu.memory_space<vmem>>
        %dma_wait3A_277 = tpu.memref_squeeze %dma_wait3A_276 : memref<1x512x16xf32, #tpu.memory_space<vmem>> -> memref<512x16xf32, #tpu.memory_space<vmem>>
        %dma_wait3A_278 = arith.constant 0 : i32
        %dma_wait3A_279 = tpu.memref_slice %arg9[%run_scoped3A_251, %dma_wait3A_278] : memref<1x512xi32, #tpu.memory_space<vmem>> -> memref<1x512xi32, #tpu.memory_space<vmem>>
        %dma_wait3A_280 = tpu.memref_squeeze %dma_wait3A_279 : memref<1x512xi32, #tpu.memory_space<vmem>> -> memref<512xi32, #tpu.memory_space<vmem>>
        %dma_wait3A_281 = arith.constant 0 : i32
        %dma_wait3A_282 = arith.constant 0 : i32
        %dma_wait3A_283 = tpu.memref_slice %arg16[%dma_wait3A_281, %dma_wait3A_282] : memref<100096x16xf32, #tpu.memory_space<vmem_shared>> -> memref<100096x16xf32, #tpu.memory_space<vmem_shared>>
        tpu.wait_indirect_dma semaphore(%run_scoped3A_263 : memref<!tpu.dma_semaphore, #tpu.memory_space<semaphore_mem>>) src(%dma_wait3A_277 : memref<512x16xf32, #tpu.memory_space<vmem>>) dst(%dma_wait3A_283 : memref<100096x16xf32, #tpu.memory_space<vmem_shared>>)
        tpu.yield
      }) : () -> ()
      %mul3A_252 = arith.constant 1 : i32
      %mul3A_253 = arith.muli %min3A_157, %mul3A_252 : i32
      %add3A_254 = arith.addi %mul3A_0, %mul3A_253 : i32
      %dma_start3A_255 = arith.constant 0 : i32
      %dma_start3A_256 = tpu.memref_slice %arg3[%add3A_254, %dma_start3A_255] : memref<3136x512xi32, #tpu.memory_space<hbm>> -> memref<1x512xi32, #tpu.memory_space<hbm>>
      %dma_start3A_257 = arith.constant 0 : i32
      %dma_start3A_258 = tpu.memref_slice %arg3[%add3A_254, %dma_start3A_257] : memref<3136x512xi32, #tpu.memory_space<hbm>> -> memref<1x512xi32, #tpu.memory_space<hbm>>
      tpu.enqueue_dma source(%dma_start3A_258 : memref<1x512xi32, #tpu.memory_space<hbm>>) target(%arg8 : memref<1x512xi32, #tpu.memory_space<vmem>>) target_semaphore(%arg15 : memref<!tpu.dma_semaphore, #tpu.memory_space<semaphore_mem>>)
      %dma_start3A_259 = arith.constant 0 : i32
      %dma_start3A_260 = tpu.memref_slice %arg4[%add3A_254, %dma_start3A_259] : memref<3136x512xi32, #tpu.memory_space<hbm>> -> memref<1x512xi32, #tpu.memory_space<hbm>>
      %dma_start3A_261 = arith.constant 0 : i32
      %dma_start3A_262 = tpu.memref_slice %arg4[%add3A_254, %dma_start3A_261] : memref<3136x512xi32, #tpu.memory_space<hbm>> -> memref<1x512xi32, #tpu.memory_space<hbm>>
      tpu.enqueue_dma source(%dma_start3A_262 : memref<1x512xi32, #tpu.memory_space<hbm>>) target(%arg9 : memref<1x512xi32, #tpu.memory_space<vmem>>) target_semaphore(%arg15 : memref<!tpu.dma_semaphore, #tpu.memory_space<semaphore_mem>>)
    }
    %scan3A_112 = arith.constant 98 : i32
    %dma_wait3A_113 = arith.constant 0 : i32
    %dma_wait3A_114 = arith.constant 0 : i32
    %dma_wait3A_115 = arith.constant 0 : i32
    %dma_wait3A_116 = arith.constant 0 : i32
    %dma_wait3A_117 = tpu.memref_slice %arg10[%dma_wait3A_114, %dma_wait3A_115, %dma_wait3A_116] : memref<1x512x16xf32, #tpu.memory_space<vmem>> -> memref<1x512x16xf32, #tpu.memory_space<vmem>>
    %dma_wait3A_118 = tpu.memref_squeeze %dma_wait3A_117 : memref<1x512x16xf32, #tpu.memory_space<vmem>> -> memref<512x16xf32, #tpu.memory_space<vmem>>
    %dma_wait3A_119 = arith.constant 0 : i32
    %dma_wait3A_120 = tpu.memref_slice %arg6[%dma_wait3A_113, %dma_wait3A_119] : memref<1x512xi32, #tpu.memory_space<vmem>> -> memref<1x512xi32, #tpu.memory_space<vmem>>
    %dma_wait3A_121 = tpu.memref_squeeze %dma_wait3A_120 : memref<1x512xi32, #tpu.memory_space<vmem>> -> memref<512xi32, #tpu.memory_space<vmem>>
    %dma_wait3A_122 = arith.constant 0 : i32
    %dma_wait3A_123 = arith.constant 0 : i32
    %dma_wait3A_124 = tpu.memref_slice %arg2[%add3A_74, %dma_wait3A_122, %dma_wait3A_123] : memref<4x100096x16xf32, #tpu.memory_space<hbm>> -> memref<1x100096x16xf32, #tpu.memory_space<hbm>>
    %dma_wait3A_125 = tpu.memref_squeeze %dma_wait3A_124 : memref<1x100096x16xf32, #tpu.memory_space<hbm>> -> memref<100096x16xf32, #tpu.memory_space<hbm>>
    %dma_wait3A_126 = arith.constant 0 : i32
    %dma_wait3A_127 = arith.constant 0 : i32
    %dma_wait3A_128 = tpu.memref_slice %dma_wait3A_125[%dma_wait3A_126, %dma_wait3A_127] : memref<100096x16xf32, #tpu.memory_space<hbm>> -> memref<100096x16xf32, #tpu.memory_space<hbm>>
    tpu.wait_indirect_dma semaphore(%arg12 : memref<!tpu.dma_semaphore, #tpu.memory_space<semaphore_mem>>) src(%dma_wait3A_128 : memref<100096x16xf32, #tpu.memory_space<hbm>>) dst(%dma_wait3A_118 : memref<512x16xf32, #tpu.memory_space<vmem>>)
    %dma_wait3A_129 = arith.constant 0 : i32
    %dma_wait3A_130 = tpu.memref_slice %arg3[%mul3A_0, %dma_wait3A_129] : memref<3136x512xi32, #tpu.memory_space<hbm>> -> memref<1x512xi32, #tpu.memory_space<hbm>>
    %dma_wait3A_131 = arith.constant 0 : i32
    %dma_wait3A_132 = tpu.memref_slice %arg3[%mul3A_0, %dma_wait3A_131] : memref<3136x512xi32, #tpu.memory_space<hbm>> -> memref<1x512xi32, #tpu.memory_space<hbm>>
    tpu.wait_dma2 semaphore(%arg15 : memref<!tpu.dma_semaphore, #tpu.memory_space<semaphore_mem>>) src(%dma_wait3A_132 : memref<1x512xi32, #tpu.memory_space<hbm>>) dst(%arg8 : memref<1x512xi32, #tpu.memory_space<vmem>>)
    %dma_wait3A_133 = arith.constant 0 : i32
    %dma_wait3A_134 = tpu.memref_slice %arg4[%mul3A_0, %dma_wait3A_133] : memref<3136x512xi32, #tpu.memory_space<hbm>> -> memref<1x512xi32, #tpu.memory_space<hbm>>
    %dma_wait3A_135 = arith.constant 0 : i32
    %dma_wait3A_136 = tpu.memref_slice %arg4[%mul3A_0, %dma_wait3A_135] : memref<3136x512xi32, #tpu.memory_space<hbm>> -> memref<1x512xi32, #tpu.memory_space<hbm>>
    tpu.wait_dma2 semaphore(%arg15 : memref<!tpu.dma_semaphore, #tpu.memory_space<semaphore_mem>>) src(%dma_wait3A_136 : memref<1x512xi32, #tpu.memory_space<hbm>>) dst(%arg9 : memref<1x512xi32, #tpu.memory_space<vmem>>)
    %barrier3A_137 = arith.constant 0 : index
    tpu.barrier barrier_id(%barrier3A_137)
    %mul3A_138 = arith.constant 100096 : i32
    %mul3A_139 = arith.muli %add3A_74, %mul3A_138 : i32
    %mul3A_140 = arith.constant 6256 : i32
    %mul3A_141 = arith.muli %arg1, %mul3A_140 : i32
    %add3A_142 = arith.addi %mul3A_139, %mul3A_141 : i32
    %mul3A_143 = arith.constant 6256 : i32
    %mul3A_144 = arith.muli %arg1, %mul3A_143 : i32
    "tpu.region"() ({
      %run_scoped3A = tpu.sem_alloc : memref<!tpu.dma_semaphore, #tpu.memory_space<semaphore_mem>>
      %dma_start3A_146 = arith.constant 0 : i32
      %dma_start3A_147 = tpu.memref_slice %arg5[%add3A_142, %dma_start3A_146] : memref<400384x16xf32, #tpu.memory_space<hbm>> -> memref<6256x16xf32, #tpu.memory_space<hbm>>
      %dma_start3A_148 = arith.constant 0 : i32
      %dma_start3A_149 = tpu.memref_slice %arg16[%mul3A_144, %dma_start3A_148] : memref<100096x16xf32, #tpu.memory_space<vmem_shared>> -> memref<6256x16xf32, #tpu.memory_space<vmem_shared>>
      tpu.enqueue_dma source(%dma_start3A_149 : memref<6256x16xf32, #tpu.memory_space<vmem_shared>>) target(%dma_start3A_147 : memref<6256x16xf32, #tpu.memory_space<hbm>>) target_semaphore(%run_scoped3A : memref<!tpu.dma_semaphore, #tpu.memory_space<semaphore_mem>>)
      %dma_wait3A_150 = arith.constant 0 : i32
      %dma_wait3A_151 = tpu.memref_slice %arg5[%add3A_142, %dma_wait3A_150] : memref<400384x16xf32, #tpu.memory_space<hbm>> -> memref<6256x16xf32, #tpu.memory_space<hbm>>
      %dma_wait3A_152 = arith.constant 0 : i32
      %dma_wait3A_153 = tpu.memref_slice %arg16[%mul3A_144, %dma_wait3A_152] : memref<100096x16xf32, #tpu.memory_space<vmem_shared>> -> memref<6256x16xf32, #tpu.memory_space<vmem_shared>>
      tpu.wait_dma2 semaphore(%run_scoped3A : memref<!tpu.dma_semaphore, #tpu.memory_space<semaphore_mem>>) src(%dma_wait3A_153 : memref<6256x16xf32, #tpu.memory_space<vmem_shared>>) dst(%dma_wait3A_151 : memref<6256x16xf32, #tpu.memory_space<hbm>>)
      tpu.yield
    }) : () -> ()
    %barrier3A_145 = arith.constant 0 : index
    tpu.barrier barrier_id(%barrier3A_145)
    return
  }
}

#map = affine_map<(d0, d1) -> (0, 0)>
module attributes {stable_mosaic.version = 14 : i64} {
  func.func @deg_kernel(%arg0: i32, %arg1: i32, %arg2: memref<3136x512xi32, #tpu.memory_space<hbm>>, %arg3: memref<6256x16xf32, #tpu.memory_space<hbm>>, %arg4: memref<512x16xf32, #tpu.memory_space<hbm>>, %arg5: memref<200192x16xf32, #tpu.memory_space<hbm>>, %arg6: memref<1x512xi32, #tpu.memory_space<vmem>>, %arg7: memref<512x16xf32, #tpu.memory_space<vmem>>, %arg8: memref<100096x16xf32, #tpu.memory_space<vmem_shared>>) attributes {dimension_semantics = [#tpu.dimension_semantics<core_parallel>, #tpu.dimension_semantics<subcore_parallel>], iteration_bounds = array<i64: 2, 16>, scalar_prefetch = 0 : i64, scratch_operands = 3 : i64, tpu.core_type = #tpu.core_type<sc_vector_subcore>, window_params = [{transform_indices = #map}, {transform_indices = #map}, {transform_indices = #map}, {transform_indices = #map}]} {
    "tpu.region"() ({
      %run_scoped3A = tpu.sem_alloc : memref<!tpu.dma_semaphore, #tpu.memory_space<semaphore_mem>>
      tpu.enqueue_dma source(%arg4 : memref<512x16xf32, #tpu.memory_space<hbm>>) target(%arg7 : memref<512x16xf32, #tpu.memory_space<vmem>>) target_semaphore(%run_scoped3A : memref<!tpu.dma_semaphore, #tpu.memory_space<semaphore_mem>>)
      tpu.wait_dma2 semaphore(%run_scoped3A : memref<!tpu.dma_semaphore, #tpu.memory_space<semaphore_mem>>) src(%arg4 : memref<512x16xf32, #tpu.memory_space<hbm>>) dst(%arg7 : memref<512x16xf32, #tpu.memory_space<vmem>>)
      tpu.yield
    }) : () -> ()
    %mul3A = arith.constant 6256 : i32
    %mul3A_0 = arith.muli %arg1, %mul3A : i32
    "tpu.region"() ({
      %run_scoped3A = tpu.sem_alloc : memref<!tpu.dma_semaphore, #tpu.memory_space<semaphore_mem>>
      %dma_start3A = arith.constant 0 : i32
      %dma_start3A_12 = tpu.memref_slice %arg8[%mul3A_0, %dma_start3A] : memref<100096x16xf32, #tpu.memory_space<vmem_shared>> -> memref<6256x16xf32, #tpu.memory_space<vmem_shared>>
      tpu.enqueue_dma source(%arg3 : memref<6256x16xf32, #tpu.memory_space<hbm>>) target(%dma_start3A_12 : memref<6256x16xf32, #tpu.memory_space<vmem_shared>>) target_semaphore(%run_scoped3A : memref<!tpu.dma_semaphore, #tpu.memory_space<semaphore_mem>>)
      %dma_wait3A = arith.constant 0 : i32
      %dma_wait3A_13 = tpu.memref_slice %arg8[%mul3A_0, %dma_wait3A] : memref<100096x16xf32, #tpu.memory_space<vmem_shared>> -> memref<6256x16xf32, #tpu.memory_space<vmem_shared>>
      tpu.wait_dma2 semaphore(%run_scoped3A : memref<!tpu.dma_semaphore, #tpu.memory_space<semaphore_mem>>) src(%arg3 : memref<6256x16xf32, #tpu.memory_space<hbm>>) dst(%dma_wait3A_13 : memref<6256x16xf32, #tpu.memory_space<vmem_shared>>)
      tpu.yield
    }) : () -> ()
    %barrier3A = arith.constant 0 : index
    tpu.barrier barrier_id(%barrier3A)
    %scan3A = arith.constant 0 : i32
    %scan3A_1 = arith.constant 98 : i32
    %scan3A_2 = arith.addi %scan3A, %scan3A_1 : i32
    %scan3A_3 = arith.constant 1 : i32
    scf.for %scan3A_12 = %scan3A to %scan3A_2 step %scan3A_3  : i32 {
      %mul3A_13 = arith.constant 1568 : i32
      %mul3A_14 = arith.muli %arg0, %mul3A_13 : i32
      %mul3A_15 = arith.constant 98 : i32
      %mul3A_16 = arith.muli %arg1, %mul3A_15 : i32
      %add3A_17 = arith.addi %mul3A_14, %mul3A_16 : i32
      %mul3A_18 = arith.constant 1 : i32
      %mul3A_19 = arith.muli %scan3A_12, %mul3A_18 : i32
      %add3A_20 = arith.addi %add3A_17, %mul3A_19 : i32
      "tpu.region"() ({
        %run_scoped3A_21 = tpu.sem_alloc : memref<!tpu.dma_semaphore, #tpu.memory_space<semaphore_mem>>
        %dma_start3A = arith.constant 0 : i32
        %dma_start3A_22 = tpu.memref_slice %arg2[%add3A_20, %dma_start3A] : memref<3136x512xi32, #tpu.memory_space<hbm>> -> memref<1x512xi32, #tpu.memory_space<hbm>>
        %dma_start3A_23 = arith.constant 0 : i32
        %dma_start3A_24 = tpu.memref_slice %arg2[%add3A_20, %dma_start3A_23] : memref<3136x512xi32, #tpu.memory_space<hbm>> -> memref<1x512xi32, #tpu.memory_space<hbm>>
        tpu.enqueue_dma source(%dma_start3A_24 : memref<1x512xi32, #tpu.memory_space<hbm>>) target(%arg6 : memref<1x512xi32, #tpu.memory_space<vmem>>) target_semaphore(%run_scoped3A_21 : memref<!tpu.dma_semaphore, #tpu.memory_space<semaphore_mem>>)
        %dma_wait3A = arith.constant 0 : i32
        %dma_wait3A_25 = tpu.memref_slice %arg2[%add3A_20, %dma_wait3A] : memref<3136x512xi32, #tpu.memory_space<hbm>> -> memref<1x512xi32, #tpu.memory_space<hbm>>
        %dma_wait3A_26 = arith.constant 0 : i32
        %dma_wait3A_27 = tpu.memref_slice %arg2[%add3A_20, %dma_wait3A_26] : memref<3136x512xi32, #tpu.memory_space<hbm>> -> memref<1x512xi32, #tpu.memory_space<hbm>>
        tpu.wait_dma2 semaphore(%run_scoped3A_21 : memref<!tpu.dma_semaphore, #tpu.memory_space<semaphore_mem>>) src(%dma_wait3A_27 : memref<1x512xi32, #tpu.memory_space<hbm>>) dst(%arg6 : memref<1x512xi32, #tpu.memory_space<vmem>>)
        tpu.yield
      }) : () -> ()
      %run_scoped3A = arith.constant 0 : i32
      "tpu.region"() ({
        %run_scoped3A_21 = tpu.sem_alloc : memref<!tpu.dma_semaphore, #tpu.memory_space<semaphore_mem>>
        %dma_start3A = arith.constant 0 : i32
        %dma_start3A_22 = tpu.memref_slice %arg6[%run_scoped3A, %dma_start3A] : memref<1x512xi32, #tpu.memory_space<vmem>> -> memref<1x512xi32, #tpu.memory_space<vmem>>
        %dma_start3A_23 = tpu.memref_squeeze %dma_start3A_22 : memref<1x512xi32, #tpu.memory_space<vmem>> -> memref<512xi32, #tpu.memory_space<vmem>>
        %dma_start3A_24 = arith.constant 0 : i32
        %dma_start3A_25 = arith.constant 0 : i32
        %dma_start3A_26 = tpu.memref_slice %arg8[%dma_start3A_24, %dma_start3A_25] : memref<100096x16xf32, #tpu.memory_space<vmem_shared>> -> memref<100096x16xf32, #tpu.memory_space<vmem_shared>>
        tpu.enqueue_indirect_dma source(%arg7 : memref<512x16xf32, #tpu.memory_space<vmem>>) target(%dma_start3A_26 : memref<100096x16xf32, #tpu.memory_space<vmem_shared>>) offsets(%dma_start3A_23 : memref<512xi32, #tpu.memory_space<vmem>>) semaphore(%run_scoped3A_21 : memref<!tpu.dma_semaphore, #tpu.memory_space<semaphore_mem>>) {add = true}
        %dma_wait3A = arith.constant 0 : i32
        %dma_wait3A_27 = tpu.memref_slice %arg6[%run_scoped3A, %dma_wait3A] : memref<1x512xi32, #tpu.memory_space<vmem>> -> memref<1x512xi32, #tpu.memory_space<vmem>>
        %dma_wait3A_28 = tpu.memref_squeeze %dma_wait3A_27 : memref<1x512xi32, #tpu.memory_space<vmem>> -> memref<512xi32, #tpu.memory_space<vmem>>
        %dma_wait3A_29 = arith.constant 0 : i32
        %dma_wait3A_30 = arith.constant 0 : i32
        %dma_wait3A_31 = tpu.memref_slice %arg8[%dma_wait3A_29, %dma_wait3A_30] : memref<100096x16xf32, #tpu.memory_space<vmem_shared>> -> memref<100096x16xf32, #tpu.memory_space<vmem_shared>>
        tpu.wait_indirect_dma semaphore(%run_scoped3A_21 : memref<!tpu.dma_semaphore, #tpu.memory_space<semaphore_mem>>) src(%arg7 : memref<512x16xf32, #tpu.memory_space<vmem>>) dst(%dma_wait3A_31 : memref<100096x16xf32, #tpu.memory_space<vmem_shared>>)
        tpu.yield
      }) : () -> ()
    }
    %scan3A_4 = arith.constant 98 : i32
    %barrier3A_5 = arith.constant 0 : index
    tpu.barrier barrier_id(%barrier3A_5)
    %mul3A_6 = arith.constant 6256 : i32
    %mul3A_7 = arith.muli %arg1, %mul3A_6 : i32
    %mul3A_8 = arith.constant 100096 : i32
    %mul3A_9 = arith.muli %arg0, %mul3A_8 : i32
    %mul3A_10 = arith.constant 6256 : i32
    %mul3A_11 = arith.muli %arg1, %mul3A_10 : i32
    %add3A = arith.addi %mul3A_9, %mul3A_11 : i32
    "tpu.region"() ({
      %run_scoped3A = tpu.sem_alloc : memref<!tpu.dma_semaphore, #tpu.memory_space<semaphore_mem>>
      %dma_start3A = arith.constant 0 : i32
      %dma_start3A_12 = tpu.memref_slice %arg5[%add3A, %dma_start3A] : memref<200192x16xf32, #tpu.memory_space<hbm>> -> memref<6256x16xf32, #tpu.memory_space<hbm>>
      %dma_start3A_13 = arith.constant 0 : i32
      %dma_start3A_14 = tpu.memref_slice %arg8[%mul3A_7, %dma_start3A_13] : memref<100096x16xf32, #tpu.memory_space<vmem_shared>> -> memref<6256x16xf32, #tpu.memory_space<vmem_shared>>
      tpu.enqueue_dma source(%dma_start3A_14 : memref<6256x16xf32, #tpu.memory_space<vmem_shared>>) target(%dma_start3A_12 : memref<6256x16xf32, #tpu.memory_space<hbm>>) target_semaphore(%run_scoped3A : memref<!tpu.dma_semaphore, #tpu.memory_space<semaphore_mem>>)
      %dma_wait3A = arith.constant 0 : i32
      %dma_wait3A_15 = tpu.memref_slice %arg5[%add3A, %dma_wait3A] : memref<200192x16xf32, #tpu.memory_space<hbm>> -> memref<6256x16xf32, #tpu.memory_space<hbm>>
      %dma_wait3A_16 = arith.constant 0 : i32
      %dma_wait3A_17 = tpu.memref_slice %arg8[%mul3A_7, %dma_wait3A_16] : memref<100096x16xf32, #tpu.memory_space<vmem_shared>> -> memref<6256x16xf32, #tpu.memory_space<vmem_shared>>
      tpu.wait_dma2 semaphore(%run_scoped3A : memref<!tpu.dma_semaphore, #tpu.memory_space<semaphore_mem>>) src(%dma_wait3A_17 : memref<6256x16xf32, #tpu.memory_space<vmem_shared>>) dst(%dma_wait3A_15 : memref<6256x16xf32, #tpu.memory_space<hbm>>)
      tpu.yield
    }) : () -> ()
    return
  }
}

#map = affine_map<(d0, d1) -> (0, 0, 0)>
#map1 = affine_map<(d0, d1) -> (0, 0)>
module attributes {stable_mosaic.version = 14 : i64} {
  func.func @conv_kernel(%arg0: i32, %arg1: i32, %arg2: memref<8x100096x16xf32, #tpu.memory_space<hbm>>, %arg3: memref<3136x512xi32, #tpu.memory_space<hbm>>, %arg4: memref<3136x512xi32, #tpu.memory_space<hbm>>, %arg5: memref<800768x16xf32, #tpu.memory_space<hbm>>, %arg6: memref<1x512xi32, #tpu.memory_space<vmem>>, %arg7: memref<1x512xi32, #tpu.memory_space<vmem>>, %arg8: memref<1x512xi32, #tpu.memory_space<vmem>>, %arg9: memref<1x512xi32, #tpu.memory_space<vmem>>, %arg10: memref<1x512x16xf32, #tpu.memory_space<vmem>>, %arg11: memref<1x512x16xf32, #tpu.memory_space<vmem>>, %arg12: memref<!tpu.dma_semaphore, #tpu.memory_space<semaphore_mem>>, %arg13: memref<!tpu.dma_semaphore, #tpu.memory_space<semaphore_mem>>, %arg14: memref<!tpu.dma_semaphore, #tpu.memory_space<semaphore_mem>>, %arg15: memref<!tpu.dma_semaphore, #tpu.memory_space<semaphore_mem>>, %arg16: memref<100096x16xf32, #tpu.memory_space<vmem_shared>>) attributes {dimension_semantics = [#tpu.dimension_semantics<core_parallel>, #tpu.dimension_semantics<subcore_parallel>], iteration_bounds = array<i64: 2, 16>, scalar_prefetch = 0 : i64, scratch_operands = 11 : i64, tpu.core_type = #tpu.core_type<sc_vector_subcore>, window_params = [{transform_indices = #map}, {transform_indices = #map1}, {transform_indices = #map1}, {transform_indices = #map1}]} {
    %mul3A = arith.constant 196 : i32
    %mul3A_0 = arith.muli %arg1, %mul3A : i32
    %mul3A_1 = arith.constant 4 : i32
    %mul3A_2 = arith.muli %arg0, %mul3A_1 : i32
    %add3A = arith.constant 0 : i32
    %add3A_3 = arith.addi %mul3A_2, %add3A : i32
    %mul3A_4 = arith.constant 6256 : i32
    %mul3A_5 = arith.muli %arg1, %mul3A_4 : i32
    %mul3A_6 = arith.constant 6256 : i32
    %mul3A_7 = arith.muli %arg1, %mul3A_6 : i32
    "tpu.region"() ({
      %run_scoped3A = tpu.sem_alloc : memref<!tpu.dma_semaphore, #tpu.memory_space<semaphore_mem>>
      %dma_start3A_296 = arith.constant 0 : i32
      %dma_start3A_297 = tpu.memref_slice %arg16[%mul3A_7, %dma_start3A_296] : memref<100096x16xf32, #tpu.memory_space<vmem_shared>> -> memref<6256x16xf32, #tpu.memory_space<vmem_shared>>
      %dma_start3A_298 = arith.constant 0 : i32
      %dma_start3A_299 = arith.constant 0 : i32
      %dma_start3A_300 = tpu.memref_slice %arg2[%add3A_3, %dma_start3A_298, %dma_start3A_299] : memref<8x100096x16xf32, #tpu.memory_space<hbm>> -> memref<1x100096x16xf32, #tpu.memory_space<hbm>>
      %dma_start3A_301 = tpu.memref_squeeze %dma_start3A_300 : memref<1x100096x16xf32, #tpu.memory_space<hbm>> -> memref<100096x16xf32, #tpu.memory_space<hbm>>
      %dma_start3A_302 = arith.constant 0 : i32
      %dma_start3A_303 = tpu.memref_slice %dma_start3A_301[%mul3A_5, %dma_start3A_302] : memref<100096x16xf32, #tpu.memory_space<hbm>> -> memref<6256x16xf32, #tpu.memory_space<hbm>>
      tpu.enqueue_dma source(%dma_start3A_303 : memref<6256x16xf32, #tpu.memory_space<hbm>>) target(%dma_start3A_297 : memref<6256x16xf32, #tpu.memory_space<vmem_shared>>) target_semaphore(%run_scoped3A : memref<!tpu.dma_semaphore, #tpu.memory_space<semaphore_mem>>)
      %dma_wait3A_304 = arith.constant 0 : i32
      %dma_wait3A_305 = tpu.memref_slice %arg16[%mul3A_7, %dma_wait3A_304] : memref<100096x16xf32, #tpu.memory_space<vmem_shared>> -> memref<6256x16xf32, #tpu.memory_space<vmem_shared>>
      %dma_wait3A_306 = arith.constant 0 : i32
      %dma_wait3A_307 = arith.constant 0 : i32
      %dma_wait3A_308 = tpu.memref_slice %arg2[%add3A_3, %dma_wait3A_306, %dma_wait3A_307] : memref<8x100096x16xf32, #tpu.memory_space<hbm>> -> memref<1x100096x16xf32, #tpu.memory_space<hbm>>
      %dma_wait3A_309 = tpu.memref_squeeze %dma_wait3A_308 : memref<1x100096x16xf32, #tpu.memory_space<hbm>> -> memref<100096x16xf32, #tpu.memory_space<hbm>>
      %dma_wait3A_310 = arith.constant 0 : i32
      %dma_wait3A_311 = tpu.memref_slice %dma_wait3A_309[%mul3A_5, %dma_wait3A_310] : memref<100096x16xf32, #tpu.memory_space<hbm>> -> memref<6256x16xf32, #tpu.memory_space<hbm>>
      tpu.wait_dma2 semaphore(%run_scoped3A : memref<!tpu.dma_semaphore, #tpu.memory_space<semaphore_mem>>) src(%dma_wait3A_311 : memref<6256x16xf32, #tpu.memory_space<hbm>>) dst(%dma_wait3A_305 : memref<6256x16xf32, #tpu.memory_space<vmem_shared>>)
      tpu.yield
    }) : () -> ()
    %barrier3A = arith.constant 0 : index
    tpu.barrier barrier_id(%barrier3A)
    "tpu.region"() ({
      %run_scoped3A = tpu.sem_alloc : memref<!tpu.dma_semaphore, #tpu.memory_space<semaphore_mem>>
      %dma_start3A_296 = arith.constant 0 : i32
      %dma_start3A_297 = tpu.memref_slice %arg3[%mul3A_0, %dma_start3A_296] : memref<3136x512xi32, #tpu.memory_space<hbm>> -> memref<1x512xi32, #tpu.memory_space<hbm>>
      %dma_start3A_298 = arith.constant 0 : i32
      %dma_start3A_299 = tpu.memref_slice %arg3[%mul3A_0, %dma_start3A_298] : memref<3136x512xi32, #tpu.memory_space<hbm>> -> memref<1x512xi32, #tpu.memory_space<hbm>>
      tpu.enqueue_dma source(%dma_start3A_299 : memref<1x512xi32, #tpu.memory_space<hbm>>) target(%arg6 : memref<1x512xi32, #tpu.memory_space<vmem>>) target_semaphore(%run_scoped3A : memref<!tpu.dma_semaphore, #tpu.memory_space<semaphore_mem>>)
      %dma_wait3A_300 = arith.constant 0 : i32
      %dma_wait3A_301 = tpu.memref_slice %arg3[%mul3A_0, %dma_wait3A_300] : memref<3136x512xi32, #tpu.memory_space<hbm>> -> memref<1x512xi32, #tpu.memory_space<hbm>>
      %dma_wait3A_302 = arith.constant 0 : i32
      %dma_wait3A_303 = tpu.memref_slice %arg3[%mul3A_0, %dma_wait3A_302] : memref<3136x512xi32, #tpu.memory_space<hbm>> -> memref<1x512xi32, #tpu.memory_space<hbm>>
      tpu.wait_dma2 semaphore(%run_scoped3A : memref<!tpu.dma_semaphore, #tpu.memory_space<semaphore_mem>>) src(%dma_wait3A_303 : memref<1x512xi32, #tpu.memory_space<hbm>>) dst(%arg6 : memref<1x512xi32, #tpu.memory_space<vmem>>)
      tpu.yield
    }) : () -> ()
    "tpu.region"() ({
      %run_scoped3A = tpu.sem_alloc : memref<!tpu.dma_semaphore, #tpu.memory_space<semaphore_mem>>
      %dma_start3A_296 = arith.constant 0 : i32
      %dma_start3A_297 = tpu.memref_slice %arg4[%mul3A_0, %dma_start3A_296] : memref<3136x512xi32, #tpu.memory_space<hbm>> -> memref<1x512xi32, #tpu.memory_space<hbm>>
      %dma_start3A_298 = arith.constant 0 : i32
      %dma_start3A_299 = tpu.memref_slice %arg4[%mul3A_0, %dma_start3A_298] : memref<3136x512xi32, #tpu.memory_space<hbm>> -> memref<1x512xi32, #tpu.memory_space<hbm>>
      tpu.enqueue_dma source(%dma_start3A_299 : memref<1x512xi32, #tpu.memory_space<hbm>>) target(%arg7 : memref<1x512xi32, #tpu.memory_space<vmem>>) target_semaphore(%run_scoped3A : memref<!tpu.dma_semaphore, #tpu.memory_space<semaphore_mem>>)
      %dma_wait3A_300 = arith.constant 0 : i32
      %dma_wait3A_301 = tpu.memref_slice %arg4[%mul3A_0, %dma_wait3A_300] : memref<3136x512xi32, #tpu.memory_space<hbm>> -> memref<1x512xi32, #tpu.memory_space<hbm>>
      %dma_wait3A_302 = arith.constant 0 : i32
      %dma_wait3A_303 = tpu.memref_slice %arg4[%mul3A_0, %dma_wait3A_302] : memref<3136x512xi32, #tpu.memory_space<hbm>> -> memref<1x512xi32, #tpu.memory_space<hbm>>
      tpu.wait_dma2 semaphore(%run_scoped3A : memref<!tpu.dma_semaphore, #tpu.memory_space<semaphore_mem>>) src(%dma_wait3A_303 : memref<1x512xi32, #tpu.memory_space<hbm>>) dst(%arg7 : memref<1x512xi32, #tpu.memory_space<vmem>>)
      tpu.yield
    }) : () -> ()
    %dma_start3A = arith.constant 0 : i32
    %dma_start3A_8 = arith.constant 0 : i32
    %dma_start3A_9 = arith.constant 0 : i32
    %dma_start3A_10 = arith.constant 0 : i32
    %dma_start3A_11 = tpu.memref_slice %arg10[%dma_start3A_8, %dma_start3A_9, %dma_start3A_10] : memref<1x512x16xf32, #tpu.memory_space<vmem>> -> memref<1x512x16xf32, #tpu.memory_space<vmem>>
    %dma_start3A_12 = tpu.memref_squeeze %dma_start3A_11 : memref<1x512x16xf32, #tpu.memory_space<vmem>> -> memref<512x16xf32, #tpu.memory_space<vmem>>
    %dma_start3A_13 = arith.constant 0 : i32
    %dma_start3A_14 = tpu.memref_slice %arg6[%dma_start3A, %dma_start3A_13] : memref<1x512xi32, #tpu.memory_space<vmem>> -> memref<1x512xi32, #tpu.memory_space<vmem>>
    %dma_start3A_15 = tpu.memref_squeeze %dma_start3A_14 : memref<1x512xi32, #tpu.memory_space<vmem>> -> memref<512xi32, #tpu.memory_space<vmem>>
    %dma_start3A_16 = arith.constant 0 : i32
    %dma_start3A_17 = arith.constant 0 : i32
    %dma_start3A_18 = tpu.memref_slice %arg2[%add3A_3, %dma_start3A_16, %dma_start3A_17] : memref<8x100096x16xf32, #tpu.memory_space<hbm>> -> memref<1x100096x16xf32, #tpu.memory_space<hbm>>
    %dma_start3A_19 = tpu.memref_squeeze %dma_start3A_18 : memref<1x100096x16xf32, #tpu.memory_space<hbm>> -> memref<100096x16xf32, #tpu.memory_space<hbm>>
    %dma_start3A_20 = arith.constant 0 : i32
    %dma_start3A_21 = arith.constant 0 : i32
    %dma_start3A_22 = tpu.memref_slice %dma_start3A_19[%dma_start3A_20, %dma_start3A_21] : memref<100096x16xf32, #tpu.memory_space<hbm>> -> memref<100096x16xf32, #tpu.memory_space<hbm>>
    tpu.enqueue_indirect_dma source(%dma_start3A_22 : memref<100096x16xf32, #tpu.memory_space<hbm>>) target(%dma_start3A_12 : memref<512x16xf32, #tpu.memory_space<vmem>>) offsets(%dma_start3A_15 : memref<512xi32, #tpu.memory_space<vmem>>) semaphore(%arg12 : memref<!tpu.dma_semaphore, #tpu.memory_space<semaphore_mem>>)
    %mul3A_23 = arith.constant 1 : i32
    %mul3A_24 = arith.constant 1 : i32
    %mul3A_25 = arith.muli %mul3A_23, %mul3A_24 : i32
    %add3A_26 = arith.addi %mul3A_0, %mul3A_25 : i32
    %dma_start3A_27 = arith.constant 0 : i32
    %dma_start3A_28 = tpu.memref_slice %arg3[%add3A_26, %dma_start3A_27] : memref<3136x512xi32, #tpu.memory_space<hbm>> -> memref<1x512xi32, #tpu.memory_space<hbm>>
    %dma_start3A_29 = arith.constant 0 : i32
    %dma_start3A_30 = tpu.memref_slice %arg3[%add3A_26, %dma_start3A_29] : memref<3136x512xi32, #tpu.memory_space<hbm>> -> memref<1x512xi32, #tpu.memory_space<hbm>>
    tpu.enqueue_dma source(%dma_start3A_30 : memref<1x512xi32, #tpu.memory_space<hbm>>) target(%arg8 : memref<1x512xi32, #tpu.memory_space<vmem>>) target_semaphore(%arg15 : memref<!tpu.dma_semaphore, #tpu.memory_space<semaphore_mem>>)
    %dma_start3A_31 = arith.constant 0 : i32
    %dma_start3A_32 = tpu.memref_slice %arg4[%add3A_26, %dma_start3A_31] : memref<3136x512xi32, #tpu.memory_space<hbm>> -> memref<1x512xi32, #tpu.memory_space<hbm>>
    %dma_start3A_33 = arith.constant 0 : i32
    %dma_start3A_34 = tpu.memref_slice %arg4[%add3A_26, %dma_start3A_33] : memref<3136x512xi32, #tpu.memory_space<hbm>> -> memref<1x512xi32, #tpu.memory_space<hbm>>
    tpu.enqueue_dma source(%dma_start3A_34 : memref<1x512xi32, #tpu.memory_space<hbm>>) target(%arg9 : memref<1x512xi32, #tpu.memory_space<vmem>>) target_semaphore(%arg15 : memref<!tpu.dma_semaphore, #tpu.memory_space<semaphore_mem>>)
    %scan3A = arith.constant 0 : i32
    %scan3A_35 = arith.constant 98 : i32
    %scan3A_36 = arith.addi %scan3A, %scan3A_35 : i32
    %scan3A_37 = arith.constant 1 : i32
    scf.for %scan3A_296 = %scan3A to %scan3A_36 step %scan3A_37  : i32 {
      %mul3A_297 = arith.constant 2 : i32
      %mul3A_298 = arith.muli %mul3A_297, %scan3A_296 : i32
      %add3A_299 = arith.constant 2 : i32
      %add3A_300 = arith.addi %mul3A_298, %add3A_299 : i32
      %min3A = arith.constant 195 : i32
      %min3A_301 = arith.minsi %add3A_300, %min3A : i32
      %mul3A_302 = arith.constant 2 : i32
      %mul3A_303 = arith.muli %mul3A_302, %scan3A_296 : i32
      %add3A_304 = arith.constant 3 : i32
      %add3A_305 = arith.addi %mul3A_303, %add3A_304 : i32
      %min3A_306 = arith.constant 195 : i32
      %min3A_307 = arith.minsi %add3A_305, %min3A_306 : i32
      %dma_wait3A_308 = arith.constant 0 : i32
      %dma_wait3A_309 = tpu.memref_slice %arg3[%mul3A_0, %dma_wait3A_308] : memref<3136x512xi32, #tpu.memory_space<hbm>> -> memref<1x512xi32, #tpu.memory_space<hbm>>
      %dma_wait3A_310 = arith.constant 0 : i32
      %dma_wait3A_311 = tpu.memref_slice %arg3[%mul3A_0, %dma_wait3A_310] : memref<3136x512xi32, #tpu.memory_space<hbm>> -> memref<1x512xi32, #tpu.memory_space<hbm>>
      tpu.wait_dma2 semaphore(%arg15 : memref<!tpu.dma_semaphore, #tpu.memory_space<semaphore_mem>>) src(%dma_wait3A_311 : memref<1x512xi32, #tpu.memory_space<hbm>>) dst(%arg8 : memref<1x512xi32, #tpu.memory_space<vmem>>)
      %dma_wait3A_312 = arith.constant 0 : i32
      %dma_wait3A_313 = tpu.memref_slice %arg4[%mul3A_0, %dma_wait3A_312] : memref<3136x512xi32, #tpu.memory_space<hbm>> -> memref<1x512xi32, #tpu.memory_space<hbm>>
      %dma_wait3A_314 = arith.constant 0 : i32
      %dma_wait3A_315 = tpu.memref_slice %arg4[%mul3A_0, %dma_wait3A_314] : memref<3136x512xi32, #tpu.memory_space<hbm>> -> memref<1x512xi32, #tpu.memory_space<hbm>>
      tpu.wait_dma2 semaphore(%arg15 : memref<!tpu.dma_semaphore, #tpu.memory_space<semaphore_mem>>) src(%dma_wait3A_315 : memref<1x512xi32, #tpu.memory_space<hbm>>) dst(%arg9 : memref<1x512xi32, #tpu.memory_space<vmem>>)
      %dma_start3A_316 = arith.constant 0 : i32
      %dma_start3A_317 = arith.constant 0 : i32
      %dma_start3A_318 = arith.constant 0 : i32
      %dma_start3A_319 = arith.constant 0 : i32
      %dma_start3A_320 = tpu.memref_slice %arg11[%dma_start3A_317, %dma_start3A_318, %dma_start3A_319] : memref<1x512x16xf32, #tpu.memory_space<vmem>> -> memref<1x512x16xf32, #tpu.memory_space<vmem>>
      %dma_start3A_321 = tpu.memref_squeeze %dma_start3A_320 : memref<1x512x16xf32, #tpu.memory_space<vmem>> -> memref<512x16xf32, #tpu.memory_space<vmem>>
      %dma_start3A_322 = arith.constant 0 : i32
      %dma_start3A_323 = tpu.memref_slice %arg8[%dma_start3A_316, %dma_start3A_322] : memref<1x512xi32, #tpu.memory_space<vmem>> -> memref<1x512xi32, #tpu.memory_space<vmem>>
      %dma_start3A_324 = tpu.memref_squeeze %dma_start3A_323 : memref<1x512xi32, #tpu.memory_space<vmem>> -> memref<512xi32, #tpu.memory_space<vmem>>
      %dma_start3A_325 = arith.constant 0 : i32
      %dma_start3A_326 = arith.constant 0 : i32
      %dma_start3A_327 = tpu.memref_slice %arg2[%add3A_3, %dma_start3A_325, %dma_start3A_326] : memref<8x100096x16xf32, #tpu.memory_space<hbm>> -> memref<1x100096x16xf32, #tpu.memory_space<hbm>>
      %dma_start3A_328 = tpu.memref_squeeze %dma_start3A_327 : memref<1x100096x16xf32, #tpu.memory_space<hbm>> -> memref<100096x16xf32, #tpu.memory_space<hbm>>
      %dma_start3A_329 = arith.constant 0 : i32
      %dma_start3A_330 = arith.constant 0 : i32
      %dma_start3A_331 = tpu.memref_slice %dma_start3A_328[%dma_start3A_329, %dma_start3A_330] : memref<100096x16xf32, #tpu.memory_space<hbm>> -> memref<100096x16xf32, #tpu.memory_space<hbm>>
      tpu.enqueue_indirect_dma source(%dma_start3A_331 : memref<100096x16xf32, #tpu.memory_space<hbm>>) target(%dma_start3A_321 : memref<512x16xf32, #tpu.memory_space<vmem>>) offsets(%dma_start3A_324 : memref<512xi32, #tpu.memory_space<vmem>>) semaphore(%arg13 : memref<!tpu.dma_semaphore, #tpu.memory_space<semaphore_mem>>)
      %dma_wait3A_332 = arith.constant 0 : i32
      %dma_wait3A_333 = arith.constant 0 : i32
      %dma_wait3A_334 = arith.constant 0 : i32
      %dma_wait3A_335 = arith.constant 0 : i32
      %dma_wait3A_336 = tpu.memref_slice %arg10[%dma_wait3A_333, %dma_wait3A_334, %dma_wait3A_335] : memref<1x512x16xf32, #tpu.memory_space<vmem>> -> memref<1x512x16xf32, #tpu.memory_space<vmem>>
      %dma_wait3A_337 = tpu.memref_squeeze %dma_wait3A_336 : memref<1x512x16xf32, #tpu.memory_space<vmem>> -> memref<512x16xf32, #tpu.memory_space<vmem>>
      %dma_wait3A_338 = arith.constant 0 : i32
      %dma_wait3A_339 = tpu.memref_slice %arg6[%dma_wait3A_332, %dma_wait3A_338] : memref<1x512xi32, #tpu.memory_space<vmem>> -> memref<1x512xi32, #tpu.memory_space<vmem>>
      %dma_wait3A_340 = tpu.memref_squeeze %dma_wait3A_339 : memref<1x512xi32, #tpu.memory_space<vmem>> -> memref<512xi32, #tpu.memory_space<vmem>>
      %dma_wait3A_341 = arith.constant 0 : i32
      %dma_wait3A_342 = arith.constant 0 : i32
      %dma_wait3A_343 = tpu.memref_slice %arg2[%add3A_3, %dma_wait3A_341, %dma_wait3A_342] : memref<8x100096x16xf32, #tpu.memory_space<hbm>> -> memref<1x100096x16xf32, #tpu.memory_space<hbm>>
      %dma_wait3A_344 = tpu.memref_squeeze %dma_wait3A_343 : memref<1x100096x16xf32, #tpu.memory_space<hbm>> -> memref<100096x16xf32, #tpu.memory_space<hbm>>
      %dma_wait3A_345 = arith.constant 0 : i32
      %dma_wait3A_346 = arith.constant 0 : i32
      %dma_wait3A_347 = tpu.memref_slice %dma_wait3A_344[%dma_wait3A_345, %dma_wait3A_346] : memref<100096x16xf32, #tpu.memory_space<hbm>> -> memref<100096x16xf32, #tpu.memory_space<hbm>>
      tpu.wait_indirect_dma semaphore(%arg12 : memref<!tpu.dma_semaphore, #tpu.memory_space<semaphore_mem>>) src(%dma_wait3A_347 : memref<100096x16xf32, #tpu.memory_space<hbm>>) dst(%dma_wait3A_337 : memref<512x16xf32, #tpu.memory_space<vmem>>)
      %run_scoped3A = arith.constant 0 : i32
      %run_scoped3A_348 = arith.constant 0 : i32
      "tpu.region"() ({
        %run_scoped3A_413 = tpu.sem_alloc : memref<!tpu.dma_semaphore, #tpu.memory_space<semaphore_mem>>
        %dma_start3A_414 = arith.constant 0 : i32
        %dma_start3A_415 = arith.constant 0 : i32
        %dma_start3A_416 = tpu.memref_slice %arg10[%run_scoped3A, %dma_start3A_414, %dma_start3A_415] : memref<1x512x16xf32, #tpu.memory_space<vmem>> -> memref<1x512x16xf32, #tpu.memory_space<vmem>>
        %dma_start3A_417 = tpu.memref_squeeze %dma_start3A_416 : memref<1x512x16xf32, #tpu.memory_space<vmem>> -> memref<512x16xf32, #tpu.memory_space<vmem>>
        %dma_start3A_418 = arith.constant 0 : i32
        %dma_start3A_419 = tpu.memref_slice %arg7[%run_scoped3A_348, %dma_start3A_418] : memref<1x512xi32, #tpu.memory_space<vmem>> -> memref<1x512xi32, #tpu.memory_space<vmem>>
        %dma_start3A_420 = tpu.memref_squeeze %dma_start3A_419 : memref<1x512xi32, #tpu.memory_space<vmem>> -> memref<512xi32, #tpu.memory_space<vmem>>
        %dma_start3A_421 = arith.constant 0 : i32
        %dma_start3A_422 = arith.constant 0 : i32
        %dma_start3A_423 = tpu.memref_slice %arg16[%dma_start3A_421, %dma_start3A_422] : memref<100096x16xf32, #tpu.memory_space<vmem_shared>> -> memref<100096x16xf32, #tpu.memory_space<vmem_shared>>
        tpu.enqueue_indirect_dma source(%dma_start3A_417 : memref<512x16xf32, #tpu.memory_space<vmem>>) target(%dma_start3A_423 : memref<100096x16xf32, #tpu.memory_space<vmem_shared>>) offsets(%dma_start3A_420 : memref<512xi32, #tpu.memory_space<vmem>>) semaphore(%run_scoped3A_413 : memref<!tpu.dma_semaphore, #tpu.memory_space<semaphore_mem>>) {add = true}
        %dma_wait3A_424 = arith.constant 0 : i32
        %dma_wait3A_425 = arith.constant 0 : i32
        %dma_wait3A_426 = tpu.memref_slice %arg10[%run_scoped3A, %dma_wait3A_424, %dma_wait3A_425] : memref<1x512x16xf32, #tpu.memory_space<vmem>> -> memref<1x512x16xf32, #tpu.memory_space<vmem>>
        %dma_wait3A_427 = tpu.memref_squeeze %dma_wait3A_426 : memref<1x512x16xf32, #tpu.memory_space<vmem>> -> memref<512x16xf32, #tpu.memory_space<vmem>>
        %dma_wait3A_428 = arith.constant 0 : i32
        %dma_wait3A_429 = tpu.memref_slice %arg7[%run_scoped3A_348, %dma_wait3A_428] : memref<1x512xi32, #tpu.memory_space<vmem>> -> memref<1x512xi32, #tpu.memory_space<vmem>>
        %dma_wait3A_430 = tpu.memref_squeeze %dma_wait3A_429 : memref<1x512xi32, #tpu.memory_space<vmem>> -> memref<512xi32, #tpu.memory_space<vmem>>
        %dma_wait3A_431 = arith.constant 0 : i32
        %dma_wait3A_432 = arith.constant 0 : i32
        %dma_wait3A_433 = tpu.memref_slice %arg16[%dma_wait3A_431, %dma_wait3A_432] : memref<100096x16xf32, #tpu.memory_space<vmem_shared>> -> memref<100096x16xf32, #tpu.memory_space<vmem_shared>>
        tpu.wait_indirect_dma semaphore(%run_scoped3A_413 : memref<!tpu.dma_semaphore, #tpu.memory_space<semaphore_mem>>) src(%dma_wait3A_427 : memref<512x16xf32, #tpu.memory_space<vmem>>) dst(%dma_wait3A_433 : memref<100096x16xf32, #tpu.memory_space<vmem_shared>>)
        tpu.yield
      }) : () -> ()
      %mul3A_349 = arith.constant 1 : i32
      %mul3A_350 = arith.muli %min3A_301, %mul3A_349 : i32
      %add3A_351 = arith.addi %mul3A_0, %mul3A_350 : i32
      %dma_start3A_352 = arith.constant 0 : i32
      %dma_start3A_353 = tpu.memref_slice %arg3[%add3A_351, %dma_start3A_352] : memref<3136x512xi32, #tpu.memory_space<hbm>> -> memref<1x512xi32, #tpu.memory_space<hbm>>
      %dma_start3A_354 = arith.constant 0 : i32
      %dma_start3A_355 = tpu.memref_slice %arg3[%add3A_351, %dma_start3A_354] : memref<3136x512xi32, #tpu.memory_space<hbm>> -> memref<1x512xi32, #tpu.memory_space<hbm>>
      tpu.enqueue_dma source(%dma_start3A_355 : memref<1x512xi32, #tpu.memory_space<hbm>>) target(%arg6 : memref<1x512xi32, #tpu.memory_space<vmem>>) target_semaphore(%arg14 : memref<!tpu.dma_semaphore, #tpu.memory_space<semaphore_mem>>)
      %dma_start3A_356 = arith.constant 0 : i32
      %dma_start3A_357 = tpu.memref_slice %arg4[%add3A_351, %dma_start3A_356] : memref<3136x512xi32, #tpu.memory_space<hbm>> -> memref<1x512xi32, #tpu.memory_space<hbm>>
      %dma_start3A_358 = arith.constant 0 : i32
      %dma_start3A_359 = tpu.memref_slice %arg4[%add3A_351, %dma_start3A_358] : memref<3136x512xi32, #tpu.memory_space<hbm>> -> memref<1x512xi32, #tpu.memory_space<hbm>>
      tpu.enqueue_dma source(%dma_start3A_359 : memref<1x512xi32, #tpu.memory_space<hbm>>) target(%arg7 : memref<1x512xi32, #tpu.memory_space<vmem>>) target_semaphore(%arg14 : memref<!tpu.dma_semaphore, #tpu.memory_space<semaphore_mem>>)
      %dma_wait3A_360 = arith.constant 0 : i32
      %dma_wait3A_361 = tpu.memref_slice %arg3[%mul3A_0, %dma_wait3A_360] : memref<3136x512xi32, #tpu.memory_space<hbm>> -> memref<1x512xi32, #tpu.memory_space<hbm>>
      %dma_wait3A_362 = arith.constant 0 : i32
      %dma_wait3A_363 = tpu.memref_slice %arg3[%mul3A_0, %dma_wait3A_362] : memref<3136x512xi32, #tpu.memory_space<hbm>> -> memref<1x512xi32, #tpu.memory_space<hbm>>
      tpu.wait_dma2 semaphore(%arg14 : memref<!tpu.dma_semaphore, #tpu.memory_space<semaphore_mem>>) src(%dma_wait3A_363 : memref<1x512xi32, #tpu.memory_space<hbm>>) dst(%arg6 : memref<1x512xi32, #tpu.memory_space<vmem>>)
      %dma_wait3A_364 = arith.constant 0 : i32
      %dma_wait3A_365 = tpu.memref_slice %arg4[%mul3A_0, %dma_wait3A_364] : memref<3136x512xi32, #tpu.memory_space<hbm>> -> memref<1x512xi32, #tpu.memory_space<hbm>>
      %dma_wait3A_366 = arith.constant 0 : i32
      %dma_wait3A_367 = tpu.memref_slice %arg4[%mul3A_0, %dma_wait3A_366] : memref<3136x512xi32, #tpu.memory_space<hbm>> -> memref<1x512xi32, #tpu.memory_space<hbm>>
      tpu.wait_dma2 semaphore(%arg14 : memref<!tpu.dma_semaphore, #tpu.memory_space<semaphore_mem>>) src(%dma_wait3A_367 : memref<1x512xi32, #tpu.memory_space<hbm>>) dst(%arg7 : memref<1x512xi32, #tpu.memory_space<vmem>>)
      %dma_start3A_368 = arith.constant 0 : i32
      %dma_start3A_369 = arith.constant 0 : i32
      %dma_start3A_370 = arith.constant 0 : i32
      %dma_start3A_371 = arith.constant 0 : i32
      %dma_start3A_372 = tpu.memref_slice %arg10[%dma_start3A_369, %dma_start3A_370, %dma_start3A_371] : memref<1x512x16xf32, #tpu.memory_space<vmem>> -> memref<1x512x16xf32, #tpu.memory_space<vmem>>
      %dma_start3A_373 = tpu.memref_squeeze %dma_start3A_372 : memref<1x512x16xf32, #tpu.memory_space<vmem>> -> memref<512x16xf32, #tpu.memory_space<vmem>>
      %dma_start3A_374 = arith.constant 0 : i32
      %dma_start3A_375 = tpu.memref_slice %arg6[%dma_start3A_368, %dma_start3A_374] : memref<1x512xi32, #tpu.memory_space<vmem>> -> memref<1x512xi32, #tpu.memory_space<vmem>>
      %dma_start3A_376 = tpu.memref_squeeze %dma_start3A_375 : memref<1x512xi32, #tpu.memory_space<vmem>> -> memref<512xi32, #tpu.memory_space<vmem>>
      %dma_start3A_377 = arith.constant 0 : i32
      %dma_start3A_378 = arith.constant 0 : i32
      %dma_start3A_379 = tpu.memref_slice %arg2[%add3A_3, %dma_start3A_377, %dma_start3A_378] : memref<8x100096x16xf32, #tpu.memory_space<hbm>> -> memref<1x100096x16xf32, #tpu.memory_space<hbm>>
      %dma_start3A_380 = tpu.memref_squeeze %dma_start3A_379 : memref<1x100096x16xf32, #tpu.memory_space<hbm>> -> memref<100096x16xf32, #tpu.memory_space<hbm>>
      %dma_start3A_381 = arith.constant 0 : i32
      %dma_start3A_382 = arith.constant 0 : i32
      %dma_start3A_383 = tpu.memref_slice %dma_start3A_380[%dma_start3A_381, %dma_start3A_382] : memref<100096x16xf32, #tpu.memory_space<hbm>> -> memref<100096x16xf32, #tpu.memory_space<hbm>>
      tpu.enqueue_indirect_dma source(%dma_start3A_383 : memref<100096x16xf32, #tpu.memory_space<hbm>>) target(%dma_start3A_373 : memref<512x16xf32, #tpu.memory_space<vmem>>) offsets(%dma_start3A_376 : memref<512xi32, #tpu.memory_space<vmem>>) semaphore(%arg12 : memref<!tpu.dma_semaphore, #tpu.memory_space<semaphore_mem>>)
      %dma_wait3A_384 = arith.constant 0 : i32
      %dma_wait3A_385 = arith.constant 0 : i32
      %dma_wait3A_386 = arith.constant 0 : i32
      %dma_wait3A_387 = arith.constant 0 : i32
      %dma_wait3A_388 = tpu.memref_slice %arg11[%dma_wait3A_385, %dma_wait3A_386, %dma_wait3A_387] : memref<1x512x16xf32, #tpu.memory_space<vmem>> -> memref<1x512x16xf32, #tpu.memory_space<vmem>>
      %dma_wait3A_389 = tpu.memref_squeeze %dma_wait3A_388 : memref<1x512x16xf32, #tpu.memory_space<vmem>> -> memref<512x16xf32, #tpu.memory_space<vmem>>
      %dma_wait3A_390 = arith.constant 0 : i32
      %dma_wait3A_391 = tpu.memref_slice %arg8[%dma_wait3A_384, %dma_wait3A_390] : memref<1x512xi32, #tpu.memory_space<vmem>> -> memref<1x512xi32, #tpu.memory_space<vmem>>
      %dma_wait3A_392 = tpu.memref_squeeze %dma_wait3A_391 : memref<1x512xi32, #tpu.memory_space<vmem>> -> memref<512xi32, #tpu.memory_space<vmem>>
      %dma_wait3A_393 = arith.constant 0 : i32
      %dma_wait3A_394 = arith.constant 0 : i32
      %dma_wait3A_395 = tpu.memref_slice %arg2[%add3A_3, %dma_wait3A_393, %dma_wait3A_394] : memref<8x100096x16xf32, #tpu.memory_space<hbm>> -> memref<1x100096x16xf32, #tpu.memory_space<hbm>>
      %dma_wait3A_396 = tpu.memref_squeeze %dma_wait3A_395 : memref<1x100096x16xf32, #tpu.memory_space<hbm>> -> memref<100096x16xf32, #tpu.memory_space<hbm>>
      %dma_wait3A_397 = arith.constant 0 : i32
      %dma_wait3A_398 = arith.constant 0 : i32
      %dma_wait3A_399 = tpu.memref_slice %dma_wait3A_396[%dma_wait3A_397, %dma_wait3A_398] : memref<100096x16xf32, #tpu.memory_space<hbm>> -> memref<100096x16xf32, #tpu.memory_space<hbm>>
      tpu.wait_indirect_dma semaphore(%arg13 : memref<!tpu.dma_semaphore, #tpu.memory_space<semaphore_mem>>) src(%dma_wait3A_399 : memref<100096x16xf32, #tpu.memory_space<hbm>>) dst(%dma_wait3A_389 : memref<512x16xf32, #tpu.memory_space<vmem>>)
      %run_scoped3A_400 = arith.constant 0 : i32
      %run_scoped3A_401 = arith.constant 0 : i32
      "tpu.region"() ({
        %run_scoped3A_413 = tpu.sem_alloc : memref<!tpu.dma_semaphore, #tpu.memory_space<semaphore_mem>>
        %dma_start3A_414 = arith.constant 0 : i32
        %dma_start3A_415 = arith.constant 0 : i32
        %dma_start3A_416 = tpu.memref_slice %arg11[%run_scoped3A_400, %dma_start3A_414, %dma_start3A_415] : memref<1x512x16xf32, #tpu.memory_space<vmem>> -> memref<1x512x16xf32, #tpu.memory_space<vmem>>
        %dma_start3A_417 = tpu.memref_squeeze %dma_start3A_416 : memref<1x512x16xf32, #tpu.memory_space<vmem>> -> memref<512x16xf32, #tpu.memory_space<vmem>>
        %dma_start3A_418 = arith.constant 0 : i32
        %dma_start3A_419 = tpu.memref_slice %arg9[%run_scoped3A_401, %dma_start3A_418] : memref<1x512xi32, #tpu.memory_space<vmem>> -> memref<1x512xi32, #tpu.memory_space<vmem>>
        %dma_start3A_420 = tpu.memref_squeeze %dma_start3A_419 : memref<1x512xi32, #tpu.memory_space<vmem>> -> memref<512xi32, #tpu.memory_space<vmem>>
        %dma_start3A_421 = arith.constant 0 : i32
        %dma_start3A_422 = arith.constant 0 : i32
        %dma_start3A_423 = tpu.memref_slice %arg16[%dma_start3A_421, %dma_start3A_422] : memref<100096x16xf32, #tpu.memory_space<vmem_shared>> -> memref<100096x16xf32, #tpu.memory_space<vmem_shared>>
        tpu.enqueue_indirect_dma source(%dma_start3A_417 : memref<512x16xf32, #tpu.memory_space<vmem>>) target(%dma_start3A_423 : memref<100096x16xf32, #tpu.memory_space<vmem_shared>>) offsets(%dma_start3A_420 : memref<512xi32, #tpu.memory_space<vmem>>) semaphore(%run_scoped3A_413 : memref<!tpu.dma_semaphore, #tpu.memory_space<semaphore_mem>>) {add = true}
        %dma_wait3A_424 = arith.constant 0 : i32
        %dma_wait3A_425 = arith.constant 0 : i32
        %dma_wait3A_426 = tpu.memref_slice %arg11[%run_scoped3A_400, %dma_wait3A_424, %dma_wait3A_425] : memref<1x512x16xf32, #tpu.memory_space<vmem>> -> memref<1x512x16xf32, #tpu.memory_space<vmem>>
        %dma_wait3A_427 = tpu.memref_squeeze %dma_wait3A_426 : memref<1x512x16xf32, #tpu.memory_space<vmem>> -> memref<512x16xf32, #tpu.memory_space<vmem>>
        %dma_wait3A_428 = arith.constant 0 : i32
        %dma_wait3A_429 = tpu.memref_slice %arg9[%run_scoped3A_401, %dma_wait3A_428] : memref<1x512xi32, #tpu.memory_space<vmem>> -> memref<1x512xi32, #tpu.memory_space<vmem>>
        %dma_wait3A_430 = tpu.memref_squeeze %dma_wait3A_429 : memref<1x512xi32, #tpu.memory_space<vmem>> -> memref<512xi32, #tpu.memory_space<vmem>>
        %dma_wait3A_431 = arith.constant 0 : i32
        %dma_wait3A_432 = arith.constant 0 : i32
        %dma_wait3A_433 = tpu.memref_slice %arg16[%dma_wait3A_431, %dma_wait3A_432] : memref<100096x16xf32, #tpu.memory_space<vmem_shared>> -> memref<100096x16xf32, #tpu.memory_space<vmem_shared>>
        tpu.wait_indirect_dma semaphore(%run_scoped3A_413 : memref<!tpu.dma_semaphore, #tpu.memory_space<semaphore_mem>>) src(%dma_wait3A_427 : memref<512x16xf32, #tpu.memory_space<vmem>>) dst(%dma_wait3A_433 : memref<100096x16xf32, #tpu.memory_space<vmem_shared>>)
        tpu.yield
      }) : () -> ()
      %mul3A_402 = arith.constant 1 : i32
      %mul3A_403 = arith.muli %min3A_307, %mul3A_402 : i32
      %add3A_404 = arith.addi %mul3A_0, %mul3A_403 : i32
      %dma_start3A_405 = arith.constant 0 : i32
      %dma_start3A_406 = tpu.memref_slice %arg3[%add3A_404, %dma_start3A_405] : memref<3136x512xi32, #tpu.memory_space<hbm>> -> memref<1x512xi32, #tpu.memory_space<hbm>>
      %dma_start3A_407 = arith.constant 0 : i32
      %dma_start3A_408 = tpu.memref_slice %arg3[%add3A_404, %dma_start3A_407] : memref<3136x512xi32, #tpu.memory_space<hbm>> -> memref<1x512xi32, #tpu.memory_space<hbm>>
      tpu.enqueue_dma source(%dma_start3A_408 : memref<1x512xi32, #tpu.memory_space<hbm>>) target(%arg8 : memref<1x512xi32, #tpu.memory_space<vmem>>) target_semaphore(%arg15 : memref<!tpu.dma_semaphore, #tpu.memory_space<semaphore_mem>>)
      %dma_start3A_409 = arith.constant 0 : i32
      %dma_start3A_410 = tpu.memref_slice %arg4[%add3A_404, %dma_start3A_409] : memref<3136x512xi32, #tpu.memory_space<hbm>> -> memref<1x512xi32, #tpu.memory_space<hbm>>
      %dma_start3A_411 = arith.constant 0 : i32
      %dma_start3A_412 = tpu.memref_slice %arg4[%add3A_404, %dma_start3A_411] : memref<3136x512xi32, #tpu.memory_space<hbm>> -> memref<1x512xi32, #tpu.memory_space<hbm>>
      tpu.enqueue_dma source(%dma_start3A_412 : memref<1x512xi32, #tpu.memory_space<hbm>>) target(%arg9 : memref<1x512xi32, #tpu.memory_space<vmem>>) target_semaphore(%arg15 : memref<!tpu.dma_semaphore, #tpu.memory_space<semaphore_mem>>)
    }
    %scan3A_38 = arith.constant 98 : i32
    %dma_wait3A = arith.constant 0 : i32
    %dma_wait3A_39 = arith.constant 0 : i32
    %dma_wait3A_40 = arith.constant 0 : i32
    %dma_wait3A_41 = arith.constant 0 : i32
    %dma_wait3A_42 = tpu.memref_slice %arg10[%dma_wait3A_39, %dma_wait3A_40, %dma_wait3A_41] : memref<1x512x16xf32, #tpu.memory_space<vmem>> -> memref<1x512x16xf32, #tpu.memory_space<vmem>>
    %dma_wait3A_43 = tpu.memref_squeeze %dma_wait3A_42 : memref<1x512x16xf32, #tpu.memory_space<vmem>> -> memref<512x16xf32, #tpu.memory_space<vmem>>
    %dma_wait3A_44 = arith.constant 0 : i32
    %dma_wait3A_45 = tpu.memref_slice %arg6[%dma_wait3A, %dma_wait3A_44] : memref<1x512xi32, #tpu.memory_space<vmem>> -> memref<1x512xi32, #tpu.memory_space<vmem>>
    %dma_wait3A_46 = tpu.memref_squeeze %dma_wait3A_45 : memref<1x512xi32, #tpu.memory_space<vmem>> -> memref<512xi32, #tpu.memory_space<vmem>>
    %dma_wait3A_47 = arith.constant 0 : i32
    %dma_wait3A_48 = arith.constant 0 : i32
    %dma_wait3A_49 = tpu.memref_slice %arg2[%add3A_3, %dma_wait3A_47, %dma_wait3A_48] : memref<8x100096x16xf32, #tpu.memory_space<hbm>> -> memref<1x100096x16xf32, #tpu.memory_space<hbm>>
    %dma_wait3A_50 = tpu.memref_squeeze %dma_wait3A_49 : memref<1x100096x16xf32, #tpu.memory_space<hbm>> -> memref<100096x16xf32, #tpu.memory_space<hbm>>
    %dma_wait3A_51 = arith.constant 0 : i32
    %dma_wait3A_52 = arith.constant 0 : i32
    %dma_wait3A_53 = tpu.memref_slice %dma_wait3A_50[%dma_wait3A_51, %dma_wait3A_52] : memref<100096x16xf32, #tpu.memory_space<hbm>> -> memref<100096x16xf32, #tpu.memory_space<hbm>>
    tpu.wait_indirect_dma semaphore(%arg12 : memref<!tpu.dma_semaphore, #tpu.memory_space<semaphore_mem>>) src(%dma_wait3A_53 : memref<100096x16xf32, #tpu.memory_space<hbm>>) dst(%dma_wait3A_43 : memref<512x16xf32, #tpu.memory_space<vmem>>)
    %dma_wait3A_54 = arith.constant 0 : i32
    %dma_wait3A_55 = tpu.memref_slice %arg3[%mul3A_0, %dma_wait3A_54] : memref<3136x512xi32, #tpu.memory_space<hbm>> -> memref<1x512xi32, #tpu.memory_space<hbm>>
    %dma_wait3A_56 = arith.constant 0 : i32
    %dma_wait3A_57 = tpu.memref_slice %arg3[%mul3A_0, %dma_wait3A_56] : memref<3136x512xi32, #tpu.memory_space<hbm>> -> memref<1x512xi32, #tpu.memory_space<hbm>>
    tpu.wait_dma2 semaphore(%arg15 : memref<!tpu.dma_semaphore, #tpu.memory_space<semaphore_mem>>) src(%dma_wait3A_57 : memref<1x512xi32, #tpu.memory_space<hbm>>) dst(%arg8 : memref<1x512xi32, #tpu.memory_space<vmem>>)
    %dma_wait3A_58 = arith.constant 0 : i32
    %dma_wait3A_59 = tpu.memref_slice %arg4[%mul3A_0, %dma_wait3A_58] : memref<3136x512xi32, #tpu.memory_space<hbm>> -> memref<1x512xi32, #tpu.memory_space<hbm>>
    %dma_wait3A_60 = arith.constant 0 : i32
    %dma_wait3A_61 = tpu.memref_slice %arg4[%mul3A_0, %dma_wait3A_60] : memref<3136x512xi32, #tpu.memory_space<hbm>> -> memref<1x512xi32, #tpu.memory_space<hbm>>
    tpu.wait_dma2 semaphore(%arg15 : memref<!tpu.dma_semaphore, #tpu.memory_space<semaphore_mem>>) src(%dma_wait3A_61 : memref<1x512xi32, #tpu.memory_space<hbm>>) dst(%arg9 : memref<1x512xi32, #tpu.memory_space<vmem>>)
    %barrier3A_62 = arith.constant 0 : index
    tpu.barrier barrier_id(%barrier3A_62)
    %mul3A_63 = arith.constant 100096 : i32
    %mul3A_64 = arith.muli %add3A_3, %mul3A_63 : i32
    %mul3A_65 = arith.constant 6256 : i32
    %mul3A_66 = arith.muli %arg1, %mul3A_65 : i32
    %add3A_67 = arith.addi %mul3A_64, %mul3A_66 : i32
    %mul3A_68 = arith.constant 6256 : i32
    %mul3A_69 = arith.muli %arg1, %mul3A_68 : i32
    "tpu.region"() ({
      %run_scoped3A = tpu.sem_alloc : memref<!tpu.dma_semaphore, #tpu.memory_space<semaphore_mem>>
      %dma_start3A_296 = arith.constant 0 : i32
      %dma_start3A_297 = tpu.memref_slice %arg5[%add3A_67, %dma_start3A_296] : memref<800768x16xf32, #tpu.memory_space<hbm>> -> memref<6256x16xf32, #tpu.memory_space<hbm>>
      %dma_start3A_298 = arith.constant 0 : i32
      %dma_start3A_299 = tpu.memref_slice %arg16[%mul3A_69, %dma_start3A_298] : memref<100096x16xf32, #tpu.memory_space<vmem_shared>> -> memref<6256x16xf32, #tpu.memory_space<vmem_shared>>
      tpu.enqueue_dma source(%dma_start3A_299 : memref<6256x16xf32, #tpu.memory_space<vmem_shared>>) target(%dma_start3A_297 : memref<6256x16xf32, #tpu.memory_space<hbm>>) target_semaphore(%run_scoped3A : memref<!tpu.dma_semaphore, #tpu.memory_space<semaphore_mem>>)
      %dma_wait3A_300 = arith.constant 0 : i32
      %dma_wait3A_301 = tpu.memref_slice %arg5[%add3A_67, %dma_wait3A_300] : memref<800768x16xf32, #tpu.memory_space<hbm>> -> memref<6256x16xf32, #tpu.memory_space<hbm>>
      %dma_wait3A_302 = arith.constant 0 : i32
      %dma_wait3A_303 = tpu.memref_slice %arg16[%mul3A_69, %dma_wait3A_302] : memref<100096x16xf32, #tpu.memory_space<vmem_shared>> -> memref<6256x16xf32, #tpu.memory_space<vmem_shared>>
      tpu.wait_dma2 semaphore(%run_scoped3A : memref<!tpu.dma_semaphore, #tpu.memory_space<semaphore_mem>>) src(%dma_wait3A_303 : memref<6256x16xf32, #tpu.memory_space<vmem_shared>>) dst(%dma_wait3A_301 : memref<6256x16xf32, #tpu.memory_space<hbm>>)
      tpu.yield
    }) : () -> ()
    %barrier3A_70 = arith.constant 0 : index
    tpu.barrier barrier_id(%barrier3A_70)
    %mul3A_71 = arith.constant 4 : i32
    %mul3A_72 = arith.muli %arg0, %mul3A_71 : i32
    %add3A_73 = arith.constant 1 : i32
    %add3A_74 = arith.addi %mul3A_72, %add3A_73 : i32
    %mul3A_75 = arith.constant 6256 : i32
    %mul3A_76 = arith.muli %arg1, %mul3A_75 : i32
    %mul3A_77 = arith.constant 6256 : i32
    %mul3A_78 = arith.muli %arg1, %mul3A_77 : i32
    "tpu.region"() ({
      %run_scoped3A = tpu.sem_alloc : memref<!tpu.dma_semaphore, #tpu.memory_space<semaphore_mem>>
      %dma_start3A_296 = arith.constant 0 : i32
      %dma_start3A_297 = tpu.memref_slice %arg16[%mul3A_78, %dma_start3A_296] : memref<100096x16xf32, #tpu.memory_space<vmem_shared>> -> memref<6256x16xf32, #tpu.memory_space<vmem_shared>>
      %dma_start3A_298 = arith.constant 0 : i32
      %dma_start3A_299 = arith.constant 0 : i32
      %dma_start3A_300 = tpu.memref_slice %arg2[%add3A_74, %dma_start3A_298, %dma_start3A_299] : memref<8x100096x16xf32, #tpu.memory_space<hbm>> -> memref<1x100096x16xf32, #tpu.memory_space<hbm>>
      %dma_start3A_301 = tpu.memref_squeeze %dma_start3A_300 : memref<1x100096x16xf32, #tpu.memory_space<hbm>> -> memref<100096x16xf32, #tpu.memory_space<hbm>>
      %dma_start3A_302 = arith.constant 0 : i32
      %dma_start3A_303 = tpu.memref_slice %dma_start3A_301[%mul3A_76, %dma_start3A_302] : memref<100096x16xf32, #tpu.memory_space<hbm>> -> memref<6256x16xf32, #tpu.memory_space<hbm>>
      tpu.enqueue_dma source(%dma_start3A_303 : memref<6256x16xf32, #tpu.memory_space<hbm>>) target(%dma_start3A_297 : memref<6256x16xf32, #tpu.memory_space<vmem_shared>>) target_semaphore(%run_scoped3A : memref<!tpu.dma_semaphore, #tpu.memory_space<semaphore_mem>>)
      %dma_wait3A_304 = arith.constant 0 : i32
      %dma_wait3A_305 = tpu.memref_slice %arg16[%mul3A_78, %dma_wait3A_304] : memref<100096x16xf32, #tpu.memory_space<vmem_shared>> -> memref<6256x16xf32, #tpu.memory_space<vmem_shared>>
      %dma_wait3A_306 = arith.constant 0 : i32
      %dma_wait3A_307 = arith.constant 0 : i32
      %dma_wait3A_308 = tpu.memref_slice %arg2[%add3A_74, %dma_wait3A_306, %dma_wait3A_307] : memref<8x100096x16xf32, #tpu.memory_space<hbm>> -> memref<1x100096x16xf32, #tpu.memory_space<hbm>>
      %dma_wait3A_309 = tpu.memref_squeeze %dma_wait3A_308 : memref<1x100096x16xf32, #tpu.memory_space<hbm>> -> memref<100096x16xf32, #tpu.memory_space<hbm>>
      %dma_wait3A_310 = arith.constant 0 : i32
      %dma_wait3A_311 = tpu.memref_slice %dma_wait3A_309[%mul3A_76, %dma_wait3A_310] : memref<100096x16xf32, #tpu.memory_space<hbm>> -> memref<6256x16xf32, #tpu.memory_space<hbm>>
      tpu.wait_dma2 semaphore(%run_scoped3A : memref<!tpu.dma_semaphore, #tpu.memory_space<semaphore_mem>>) src(%dma_wait3A_311 : memref<6256x16xf32, #tpu.memory_space<hbm>>) dst(%dma_wait3A_305 : memref<6256x16xf32, #tpu.memory_space<vmem_shared>>)
      tpu.yield
    }) : () -> ()
    %barrier3A_79 = arith.constant 0 : index
    tpu.barrier barrier_id(%barrier3A_79)
    "tpu.region"() ({
      %run_scoped3A = tpu.sem_alloc : memref<!tpu.dma_semaphore, #tpu.memory_space<semaphore_mem>>
      %dma_start3A_296 = arith.constant 0 : i32
      %dma_start3A_297 = tpu.memref_slice %arg3[%mul3A_0, %dma_start3A_296] : memref<3136x512xi32, #tpu.memory_space<hbm>> -> memref<1x512xi32, #tpu.memory_space<hbm>>
      %dma_start3A_298 = arith.constant 0 : i32
      %dma_start3A_299 = tpu.memref_slice %arg3[%mul3A_0, %dma_start3A_298] : memref<3136x512xi32, #tpu.memory_space<hbm>> -> memref<1x512xi32, #tpu.memory_space<hbm>>
      tpu.enqueue_dma source(%dma_start3A_299 : memref<1x512xi32, #tpu.memory_space<hbm>>) target(%arg6 : memref<1x512xi32, #tpu.memory_space<vmem>>) target_semaphore(%run_scoped3A : memref<!tpu.dma_semaphore, #tpu.memory_space<semaphore_mem>>)
      %dma_wait3A_300 = arith.constant 0 : i32
      %dma_wait3A_301 = tpu.memref_slice %arg3[%mul3A_0, %dma_wait3A_300] : memref<3136x512xi32, #tpu.memory_space<hbm>> -> memref<1x512xi32, #tpu.memory_space<hbm>>
      %dma_wait3A_302 = arith.constant 0 : i32
      %dma_wait3A_303 = tpu.memref_slice %arg3[%mul3A_0, %dma_wait3A_302] : memref<3136x512xi32, #tpu.memory_space<hbm>> -> memref<1x512xi32, #tpu.memory_space<hbm>>
      tpu.wait_dma2 semaphore(%run_scoped3A : memref<!tpu.dma_semaphore, #tpu.memory_space<semaphore_mem>>) src(%dma_wait3A_303 : memref<1x512xi32, #tpu.memory_space<hbm>>) dst(%arg6 : memref<1x512xi32, #tpu.memory_space<vmem>>)
      tpu.yield
    }) : () -> ()
    "tpu.region"() ({
      %run_scoped3A = tpu.sem_alloc : memref<!tpu.dma_semaphore, #tpu.memory_space<semaphore_mem>>
      %dma_start3A_296 = arith.constant 0 : i32
      %dma_start3A_297 = tpu.memref_slice %arg4[%mul3A_0, %dma_start3A_296] : memref<3136x512xi32, #tpu.memory_space<hbm>> -> memref<1x512xi32, #tpu.memory_space<hbm>>
      %dma_start3A_298 = arith.constant 0 : i32
      %dma_start3A_299 = tpu.memref_slice %arg4[%mul3A_0, %dma_start3A_298] : memref<3136x512xi32, #tpu.memory_space<hbm>> -> memref<1x512xi32, #tpu.memory_space<hbm>>
      tpu.enqueue_dma source(%dma_start3A_299 : memref<1x512xi32, #tpu.memory_space<hbm>>) target(%arg7 : memref<1x512xi32, #tpu.memory_space<vmem>>) target_semaphore(%run_scoped3A : memref<!tpu.dma_semaphore, #tpu.memory_space<semaphore_mem>>)
      %dma_wait3A_300 = arith.constant 0 : i32
      %dma_wait3A_301 = tpu.memref_slice %arg4[%mul3A_0, %dma_wait3A_300] : memref<3136x512xi32, #tpu.memory_space<hbm>> -> memref<1x512xi32, #tpu.memory_space<hbm>>
      %dma_wait3A_302 = arith.constant 0 : i32
      %dma_wait3A_303 = tpu.memref_slice %arg4[%mul3A_0, %dma_wait3A_302] : memref<3136x512xi32, #tpu.memory_space<hbm>> -> memref<1x512xi32, #tpu.memory_space<hbm>>
      tpu.wait_dma2 semaphore(%run_scoped3A : memref<!tpu.dma_semaphore, #tpu.memory_space<semaphore_mem>>) src(%dma_wait3A_303 : memref<1x512xi32, #tpu.memory_space<hbm>>) dst(%arg7 : memref<1x512xi32, #tpu.memory_space<vmem>>)
      tpu.yield
    }) : () -> ()
    %dma_start3A_80 = arith.constant 0 : i32
    %dma_start3A_81 = arith.constant 0 : i32
    %dma_start3A_82 = arith.constant 0 : i32
    %dma_start3A_83 = arith.constant 0 : i32
    %dma_start3A_84 = tpu.memref_slice %arg10[%dma_start3A_81, %dma_start3A_82, %dma_start3A_83] : memref<1x512x16xf32, #tpu.memory_space<vmem>> -> memref<1x512x16xf32, #tpu.memory_space<vmem>>
    %dma_start3A_85 = tpu.memref_squeeze %dma_start3A_84 : memref<1x512x16xf32, #tpu.memory_space<vmem>> -> memref<512x16xf32, #tpu.memory_space<vmem>>
    %dma_start3A_86 = arith.constant 0 : i32
    %dma_start3A_87 = tpu.memref_slice %arg6[%dma_start3A_80, %dma_start3A_86] : memref<1x512xi32, #tpu.memory_space<vmem>> -> memref<1x512xi32, #tpu.memory_space<vmem>>
    %dma_start3A_88 = tpu.memref_squeeze %dma_start3A_87 : memref<1x512xi32, #tpu.memory_space<vmem>> -> memref<512xi32, #tpu.memory_space<vmem>>
    %dma_start3A_89 = arith.constant 0 : i32
    %dma_start3A_90 = arith.constant 0 : i32
    %dma_start3A_91 = tpu.memref_slice %arg2[%add3A_74, %dma_start3A_89, %dma_start3A_90] : memref<8x100096x16xf32, #tpu.memory_space<hbm>> -> memref<1x100096x16xf32, #tpu.memory_space<hbm>>
    %dma_start3A_92 = tpu.memref_squeeze %dma_start3A_91 : memref<1x100096x16xf32, #tpu.memory_space<hbm>> -> memref<100096x16xf32, #tpu.memory_space<hbm>>
    %dma_start3A_93 = arith.constant 0 : i32
    %dma_start3A_94 = arith.constant 0 : i32
    %dma_start3A_95 = tpu.memref_slice %dma_start3A_92[%dma_start3A_93, %dma_start3A_94] : memref<100096x16xf32, #tpu.memory_space<hbm>> -> memref<100096x16xf32, #tpu.memory_space<hbm>>
    tpu.enqueue_indirect_dma source(%dma_start3A_95 : memref<100096x16xf32, #tpu.memory_space<hbm>>) target(%dma_start3A_85 : memref<512x16xf32, #tpu.memory_space<vmem>>) offsets(%dma_start3A_88 : memref<512xi32, #tpu.memory_space<vmem>>) semaphore(%arg12 : memref<!tpu.dma_semaphore, #tpu.memory_space<semaphore_mem>>)
    %mul3A_96 = arith.constant 1 : i32
    %mul3A_97 = arith.constant 1 : i32
    %mul3A_98 = arith.muli %mul3A_96, %mul3A_97 : i32
    %add3A_99 = arith.addi %mul3A_0, %mul3A_98 : i32
    %dma_start3A_100 = arith.constant 0 : i32
    %dma_start3A_101 = tpu.memref_slice %arg3[%add3A_99, %dma_start3A_100] : memref<3136x512xi32, #tpu.memory_space<hbm>> -> memref<1x512xi32, #tpu.memory_space<hbm>>
    %dma_start3A_102 = arith.constant 0 : i32
    %dma_start3A_103 = tpu.memref_slice %arg3[%add3A_99, %dma_start3A_102] : memref<3136x512xi32, #tpu.memory_space<hbm>> -> memref<1x512xi32, #tpu.memory_space<hbm>>
    tpu.enqueue_dma source(%dma_start3A_103 : memref<1x512xi32, #tpu.memory_space<hbm>>) target(%arg8 : memref<1x512xi32, #tpu.memory_space<vmem>>) target_semaphore(%arg15 : memref<!tpu.dma_semaphore, #tpu.memory_space<semaphore_mem>>)
    %dma_start3A_104 = arith.constant 0 : i32
    %dma_start3A_105 = tpu.memref_slice %arg4[%add3A_99, %dma_start3A_104] : memref<3136x512xi32, #tpu.memory_space<hbm>> -> memref<1x512xi32, #tpu.memory_space<hbm>>
    %dma_start3A_106 = arith.constant 0 : i32
    %dma_start3A_107 = tpu.memref_slice %arg4[%add3A_99, %dma_start3A_106] : memref<3136x512xi32, #tpu.memory_space<hbm>> -> memref<1x512xi32, #tpu.memory_space<hbm>>
    tpu.enqueue_dma source(%dma_start3A_107 : memref<1x512xi32, #tpu.memory_space<hbm>>) target(%arg9 : memref<1x512xi32, #tpu.memory_space<vmem>>) target_semaphore(%arg15 : memref<!tpu.dma_semaphore, #tpu.memory_space<semaphore_mem>>)
    %scan3A_108 = arith.constant 0 : i32
    %scan3A_109 = arith.constant 98 : i32
    %scan3A_110 = arith.addi %scan3A_108, %scan3A_109 : i32
    %scan3A_111 = arith.constant 1 : i32
    scf.for %scan3A_296 = %scan3A_108 to %scan3A_110 step %scan3A_111  : i32 {
      %mul3A_297 = arith.constant 2 : i32
      %mul3A_298 = arith.muli %mul3A_297, %scan3A_296 : i32
      %add3A_299 = arith.constant 2 : i32
      %add3A_300 = arith.addi %mul3A_298, %add3A_299 : i32
      %min3A = arith.constant 195 : i32
      %min3A_301 = arith.minsi %add3A_300, %min3A : i32
      %mul3A_302 = arith.constant 2 : i32
      %mul3A_303 = arith.muli %mul3A_302, %scan3A_296 : i32
      %add3A_304 = arith.constant 3 : i32
      %add3A_305 = arith.addi %mul3A_303, %add3A_304 : i32
      %min3A_306 = arith.constant 195 : i32
      %min3A_307 = arith.minsi %add3A_305, %min3A_306 : i32
      %dma_wait3A_308 = arith.constant 0 : i32
      %dma_wait3A_309 = tpu.memref_slice %arg3[%mul3A_0, %dma_wait3A_308] : memref<3136x512xi32, #tpu.memory_space<hbm>> -> memref<1x512xi32, #tpu.memory_space<hbm>>
      %dma_wait3A_310 = arith.constant 0 : i32
      %dma_wait3A_311 = tpu.memref_slice %arg3[%mul3A_0, %dma_wait3A_310] : memref<3136x512xi32, #tpu.memory_space<hbm>> -> memref<1x512xi32, #tpu.memory_space<hbm>>
      tpu.wait_dma2 semaphore(%arg15 : memref<!tpu.dma_semaphore, #tpu.memory_space<semaphore_mem>>) src(%dma_wait3A_311 : memref<1x512xi32, #tpu.memory_space<hbm>>) dst(%arg8 : memref<1x512xi32, #tpu.memory_space<vmem>>)
      %dma_wait3A_312 = arith.constant 0 : i32
      %dma_wait3A_313 = tpu.memref_slice %arg4[%mul3A_0, %dma_wait3A_312] : memref<3136x512xi32, #tpu.memory_space<hbm>> -> memref<1x512xi32, #tpu.memory_space<hbm>>
      %dma_wait3A_314 = arith.constant 0 : i32
      %dma_wait3A_315 = tpu.memref_slice %arg4[%mul3A_0, %dma_wait3A_314] : memref<3136x512xi32, #tpu.memory_space<hbm>> -> memref<1x512xi32, #tpu.memory_space<hbm>>
      tpu.wait_dma2 semaphore(%arg15 : memref<!tpu.dma_semaphore, #tpu.memory_space<semaphore_mem>>) src(%dma_wait3A_315 : memref<1x512xi32, #tpu.memory_space<hbm>>) dst(%arg9 : memref<1x512xi32, #tpu.memory_space<vmem>>)
      %dma_start3A_316 = arith.constant 0 : i32
      %dma_start3A_317 = arith.constant 0 : i32
      %dma_start3A_318 = arith.constant 0 : i32
      %dma_start3A_319 = arith.constant 0 : i32
      %dma_start3A_320 = tpu.memref_slice %arg11[%dma_start3A_317, %dma_start3A_318, %dma_start3A_319] : memref<1x512x16xf32, #tpu.memory_space<vmem>> -> memref<1x512x16xf32, #tpu.memory_space<vmem>>
      %dma_start3A_321 = tpu.memref_squeeze %dma_start3A_320 : memref<1x512x16xf32, #tpu.memory_space<vmem>> -> memref<512x16xf32, #tpu.memory_space<vmem>>
      %dma_start3A_322 = arith.constant 0 : i32
      %dma_start3A_323 = tpu.memref_slice %arg8[%dma_start3A_316, %dma_start3A_322] : memref<1x512xi32, #tpu.memory_space<vmem>> -> memref<1x512xi32, #tpu.memory_space<vmem>>
      %dma_start3A_324 = tpu.memref_squeeze %dma_start3A_323 : memref<1x512xi32, #tpu.memory_space<vmem>> -> memref<512xi32, #tpu.memory_space<vmem>>
      %dma_start3A_325 = arith.constant 0 : i32
      %dma_start3A_326 = arith.constant 0 : i32
      %dma_start3A_327 = tpu.memref_slice %arg2[%add3A_74, %dma_start3A_325, %dma_start3A_326] : memref<8x100096x16xf32, #tpu.memory_space<hbm>> -> memref<1x100096x16xf32, #tpu.memory_space<hbm>>
      %dma_start3A_328 = tpu.memref_squeeze %dma_start3A_327 : memref<1x100096x16xf32, #tpu.memory_space<hbm>> -> memref<100096x16xf32, #tpu.memory_space<hbm>>
      %dma_start3A_329 = arith.constant 0 : i32
      %dma_start3A_330 = arith.constant 0 : i32
      %dma_start3A_331 = tpu.memref_slice %dma_start3A_328[%dma_start3A_329, %dma_start3A_330] : memref<100096x16xf32, #tpu.memory_space<hbm>> -> memref<100096x16xf32, #tpu.memory_space<hbm>>
      tpu.enqueue_indirect_dma source(%dma_start3A_331 : memref<100096x16xf32, #tpu.memory_space<hbm>>) target(%dma_start3A_321 : memref<512x16xf32, #tpu.memory_space<vmem>>) offsets(%dma_start3A_324 : memref<512xi32, #tpu.memory_space<vmem>>) semaphore(%arg13 : memref<!tpu.dma_semaphore, #tpu.memory_space<semaphore_mem>>)
      %dma_wait3A_332 = arith.constant 0 : i32
      %dma_wait3A_333 = arith.constant 0 : i32
      %dma_wait3A_334 = arith.constant 0 : i32
      %dma_wait3A_335 = arith.constant 0 : i32
      %dma_wait3A_336 = tpu.memref_slice %arg10[%dma_wait3A_333, %dma_wait3A_334, %dma_wait3A_335] : memref<1x512x16xf32, #tpu.memory_space<vmem>> -> memref<1x512x16xf32, #tpu.memory_space<vmem>>
      %dma_wait3A_337 = tpu.memref_squeeze %dma_wait3A_336 : memref<1x512x16xf32, #tpu.memory_space<vmem>> -> memref<512x16xf32, #tpu.memory_space<vmem>>
      %dma_wait3A_338 = arith.constant 0 : i32
      %dma_wait3A_339 = tpu.memref_slice %arg6[%dma_wait3A_332, %dma_wait3A_338] : memref<1x512xi32, #tpu.memory_space<vmem>> -> memref<1x512xi32, #tpu.memory_space<vmem>>
      %dma_wait3A_340 = tpu.memref_squeeze %dma_wait3A_339 : memref<1x512xi32, #tpu.memory_space<vmem>> -> memref<512xi32, #tpu.memory_space<vmem>>
      %dma_wait3A_341 = arith.constant 0 : i32
      %dma_wait3A_342 = arith.constant 0 : i32
      %dma_wait3A_343 = tpu.memref_slice %arg2[%add3A_74, %dma_wait3A_341, %dma_wait3A_342] : memref<8x100096x16xf32, #tpu.memory_space<hbm>> -> memref<1x100096x16xf32, #tpu.memory_space<hbm>>
      %dma_wait3A_344 = tpu.memref_squeeze %dma_wait3A_343 : memref<1x100096x16xf32, #tpu.memory_space<hbm>> -> memref<100096x16xf32, #tpu.memory_space<hbm>>
      %dma_wait3A_345 = arith.constant 0 : i32
      %dma_wait3A_346 = arith.constant 0 : i32
      %dma_wait3A_347 = tpu.memref_slice %dma_wait3A_344[%dma_wait3A_345, %dma_wait3A_346] : memref<100096x16xf32, #tpu.memory_space<hbm>> -> memref<100096x16xf32, #tpu.memory_space<hbm>>
      tpu.wait_indirect_dma semaphore(%arg12 : memref<!tpu.dma_semaphore, #tpu.memory_space<semaphore_mem>>) src(%dma_wait3A_347 : memref<100096x16xf32, #tpu.memory_space<hbm>>) dst(%dma_wait3A_337 : memref<512x16xf32, #tpu.memory_space<vmem>>)
      %run_scoped3A = arith.constant 0 : i32
      %run_scoped3A_348 = arith.constant 0 : i32
      "tpu.region"() ({
        %run_scoped3A_413 = tpu.sem_alloc : memref<!tpu.dma_semaphore, #tpu.memory_space<semaphore_mem>>
        %dma_start3A_414 = arith.constant 0 : i32
        %dma_start3A_415 = arith.constant 0 : i32
        %dma_start3A_416 = tpu.memref_slice %arg10[%run_scoped3A, %dma_start3A_414, %dma_start3A_415] : memref<1x512x16xf32, #tpu.memory_space<vmem>> -> memref<1x512x16xf32, #tpu.memory_space<vmem>>
        %dma_start3A_417 = tpu.memref_squeeze %dma_start3A_416 : memref<1x512x16xf32, #tpu.memory_space<vmem>> -> memref<512x16xf32, #tpu.memory_space<vmem>>
        %dma_start3A_418 = arith.constant 0 : i32
        %dma_start3A_419 = tpu.memref_slice %arg7[%run_scoped3A_348, %dma_start3A_418] : memref<1x512xi32, #tpu.memory_space<vmem>> -> memref<1x512xi32, #tpu.memory_space<vmem>>
        %dma_start3A_420 = tpu.memref_squeeze %dma_start3A_419 : memref<1x512xi32, #tpu.memory_space<vmem>> -> memref<512xi32, #tpu.memory_space<vmem>>
        %dma_start3A_421 = arith.constant 0 : i32
        %dma_start3A_422 = arith.constant 0 : i32
        %dma_start3A_423 = tpu.memref_slice %arg16[%dma_start3A_421, %dma_start3A_422] : memref<100096x16xf32, #tpu.memory_space<vmem_shared>> -> memref<100096x16xf32, #tpu.memory_space<vmem_shared>>
        tpu.enqueue_indirect_dma source(%dma_start3A_417 : memref<512x16xf32, #tpu.memory_space<vmem>>) target(%dma_start3A_423 : memref<100096x16xf32, #tpu.memory_space<vmem_shared>>) offsets(%dma_start3A_420 : memref<512xi32, #tpu.memory_space<vmem>>) semaphore(%run_scoped3A_413 : memref<!tpu.dma_semaphore, #tpu.memory_space<semaphore_mem>>) {add = true}
        %dma_wait3A_424 = arith.constant 0 : i32
        %dma_wait3A_425 = arith.constant 0 : i32
        %dma_wait3A_426 = tpu.memref_slice %arg10[%run_scoped3A, %dma_wait3A_424, %dma_wait3A_425] : memref<1x512x16xf32, #tpu.memory_space<vmem>> -> memref<1x512x16xf32, #tpu.memory_space<vmem>>
        %dma_wait3A_427 = tpu.memref_squeeze %dma_wait3A_426 : memref<1x512x16xf32, #tpu.memory_space<vmem>> -> memref<512x16xf32, #tpu.memory_space<vmem>>
        %dma_wait3A_428 = arith.constant 0 : i32
        %dma_wait3A_429 = tpu.memref_slice %arg7[%run_scoped3A_348, %dma_wait3A_428] : memref<1x512xi32, #tpu.memory_space<vmem>> -> memref<1x512xi32, #tpu.memory_space<vmem>>
        %dma_wait3A_430 = tpu.memref_squeeze %dma_wait3A_429 : memref<1x512xi32, #tpu.memory_space<vmem>> -> memref<512xi32, #tpu.memory_space<vmem>>
        %dma_wait3A_431 = arith.constant 0 : i32
        %dma_wait3A_432 = arith.constant 0 : i32
        %dma_wait3A_433 = tpu.memref_slice %arg16[%dma_wait3A_431, %dma_wait3A_432] : memref<100096x16xf32, #tpu.memory_space<vmem_shared>> -> memref<100096x16xf32, #tpu.memory_space<vmem_shared>>
        tpu.wait_indirect_dma semaphore(%run_scoped3A_413 : memref<!tpu.dma_semaphore, #tpu.memory_space<semaphore_mem>>) src(%dma_wait3A_427 : memref<512x16xf32, #tpu.memory_space<vmem>>) dst(%dma_wait3A_433 : memref<100096x16xf32, #tpu.memory_space<vmem_shared>>)
        tpu.yield
      }) : () -> ()
      %mul3A_349 = arith.constant 1 : i32
      %mul3A_350 = arith.muli %min3A_301, %mul3A_349 : i32
      %add3A_351 = arith.addi %mul3A_0, %mul3A_350 : i32
      %dma_start3A_352 = arith.constant 0 : i32
      %dma_start3A_353 = tpu.memref_slice %arg3[%add3A_351, %dma_start3A_352] : memref<3136x512xi32, #tpu.memory_space<hbm>> -> memref<1x512xi32, #tpu.memory_space<hbm>>
      %dma_start3A_354 = arith.constant 0 : i32
      %dma_start3A_355 = tpu.memref_slice %arg3[%add3A_351, %dma_start3A_354] : memref<3136x512xi32, #tpu.memory_space<hbm>> -> memref<1x512xi32, #tpu.memory_space<hbm>>
      tpu.enqueue_dma source(%dma_start3A_355 : memref<1x512xi32, #tpu.memory_space<hbm>>) target(%arg6 : memref<1x512xi32, #tpu.memory_space<vmem>>) target_semaphore(%arg14 : memref<!tpu.dma_semaphore, #tpu.memory_space<semaphore_mem>>)
      %dma_start3A_356 = arith.constant 0 : i32
      %dma_start3A_357 = tpu.memref_slice %arg4[%add3A_351, %dma_start3A_356] : memref<3136x512xi32, #tpu.memory_space<hbm>> -> memref<1x512xi32, #tpu.memory_space<hbm>>
      %dma_start3A_358 = arith.constant 0 : i32
      %dma_start3A_359 = tpu.memref_slice %arg4[%add3A_351, %dma_start3A_358] : memref<3136x512xi32, #tpu.memory_space<hbm>> -> memref<1x512xi32, #tpu.memory_space<hbm>>
      tpu.enqueue_dma source(%dma_start3A_359 : memref<1x512xi32, #tpu.memory_space<hbm>>) target(%arg7 : memref<1x512xi32, #tpu.memory_space<vmem>>) target_semaphore(%arg14 : memref<!tpu.dma_semaphore, #tpu.memory_space<semaphore_mem>>)
      %dma_wait3A_360 = arith.constant 0 : i32
      %dma_wait3A_361 = tpu.memref_slice %arg3[%mul3A_0, %dma_wait3A_360] : memref<3136x512xi32, #tpu.memory_space<hbm>> -> memref<1x512xi32, #tpu.memory_space<hbm>>
      %dma_wait3A_362 = arith.constant 0 : i32
      %dma_wait3A_363 = tpu.memref_slice %arg3[%mul3A_0, %dma_wait3A_362] : memref<3136x512xi32, #tpu.memory_space<hbm>> -> memref<1x512xi32, #tpu.memory_space<hbm>>
      tpu.wait_dma2 semaphore(%arg14 : memref<!tpu.dma_semaphore, #tpu.memory_space<semaphore_mem>>) src(%dma_wait3A_363 : memref<1x512xi32, #tpu.memory_space<hbm>>) dst(%arg6 : memref<1x512xi32, #tpu.memory_space<vmem>>)
      %dma_wait3A_364 = arith.constant 0 : i32
      %dma_wait3A_365 = tpu.memref_slice %arg4[%mul3A_0, %dma_wait3A_364] : memref<3136x512xi32, #tpu.memory_space<hbm>> -> memref<1x512xi32, #tpu.memory_space<hbm>>
      %dma_wait3A_366 = arith.constant 0 : i32
      %dma_wait3A_367 = tpu.memref_slice %arg4[%mul3A_0, %dma_wait3A_366] : memref<3136x512xi32, #tpu.memory_space<hbm>> -> memref<1x512xi32, #tpu.memory_space<hbm>>
      tpu.wait_dma2 semaphore(%arg14 : memref<!tpu.dma_semaphore, #tpu.memory_space<semaphore_mem>>) src(%dma_wait3A_367 : memref<1x512xi32, #tpu.memory_space<hbm>>) dst(%arg7 : memref<1x512xi32, #tpu.memory_space<vmem>>)
      %dma_start3A_368 = arith.constant 0 : i32
      %dma_start3A_369 = arith.constant 0 : i32
      %dma_start3A_370 = arith.constant 0 : i32
      %dma_start3A_371 = arith.constant 0 : i32
      %dma_start3A_372 = tpu.memref_slice %arg10[%dma_start3A_369, %dma_start3A_370, %dma_start3A_371] : memref<1x512x16xf32, #tpu.memory_space<vmem>> -> memref<1x512x16xf32, #tpu.memory_space<vmem>>
      %dma_start3A_373 = tpu.memref_squeeze %dma_start3A_372 : memref<1x512x16xf32, #tpu.memory_space<vmem>> -> memref<512x16xf32, #tpu.memory_space<vmem>>
      %dma_start3A_374 = arith.constant 0 : i32
      %dma_start3A_375 = tpu.memref_slice %arg6[%dma_start3A_368, %dma_start3A_374] : memref<1x512xi32, #tpu.memory_space<vmem>> -> memref<1x512xi32, #tpu.memory_space<vmem>>
      %dma_start3A_376 = tpu.memref_squeeze %dma_start3A_375 : memref<1x512xi32, #tpu.memory_space<vmem>> -> memref<512xi32, #tpu.memory_space<vmem>>
      %dma_start3A_377 = arith.constant 0 : i32
      %dma_start3A_378 = arith.constant 0 : i32
      %dma_start3A_379 = tpu.memref_slice %arg2[%add3A_74, %dma_start3A_377, %dma_start3A_378] : memref<8x100096x16xf32, #tpu.memory_space<hbm>> -> memref<1x100096x16xf32, #tpu.memory_space<hbm>>
      %dma_start3A_380 = tpu.memref_squeeze %dma_start3A_379 : memref<1x100096x16xf32, #tpu.memory_space<hbm>> -> memref<100096x16xf32, #tpu.memory_space<hbm>>
      %dma_start3A_381 = arith.constant 0 : i32
      %dma_start3A_382 = arith.constant 0 : i32
      %dma_start3A_383 = tpu.memref_slice %dma_start3A_380[%dma_start3A_381, %dma_start3A_382] : memref<100096x16xf32, #tpu.memory_space<hbm>> -> memref<100096x16xf32, #tpu.memory_space<hbm>>
      tpu.enqueue_indirect_dma source(%dma_start3A_383 : memref<100096x16xf32, #tpu.memory_space<hbm>>) target(%dma_start3A_373 : memref<512x16xf32, #tpu.memory_space<vmem>>) offsets(%dma_start3A_376 : memref<512xi32, #tpu.memory_space<vmem>>) semaphore(%arg12 : memref<!tpu.dma_semaphore, #tpu.memory_space<semaphore_mem>>)
      %dma_wait3A_384 = arith.constant 0 : i32
      %dma_wait3A_385 = arith.constant 0 : i32
      %dma_wait3A_386 = arith.constant 0 : i32
      %dma_wait3A_387 = arith.constant 0 : i32
      %dma_wait3A_388 = tpu.memref_slice %arg11[%dma_wait3A_385, %dma_wait3A_386, %dma_wait3A_387] : memref<1x512x16xf32, #tpu.memory_space<vmem>> -> memref<1x512x16xf32, #tpu.memory_space<vmem>>
      %dma_wait3A_389 = tpu.memref_squeeze %dma_wait3A_388 : memref<1x512x16xf32, #tpu.memory_space<vmem>> -> memref<512x16xf32, #tpu.memory_space<vmem>>
      %dma_wait3A_390 = arith.constant 0 : i32
      %dma_wait3A_391 = tpu.memref_slice %arg8[%dma_wait3A_384, %dma_wait3A_390] : memref<1x512xi32, #tpu.memory_space<vmem>> -> memref<1x512xi32, #tpu.memory_space<vmem>>
      %dma_wait3A_392 = tpu.memref_squeeze %dma_wait3A_391 : memref<1x512xi32, #tpu.memory_space<vmem>> -> memref<512xi32, #tpu.memory_space<vmem>>
      %dma_wait3A_393 = arith.constant 0 : i32
      %dma_wait3A_394 = arith.constant 0 : i32
      %dma_wait3A_395 = tpu.memref_slice %arg2[%add3A_74, %dma_wait3A_393, %dma_wait3A_394] : memref<8x100096x16xf32, #tpu.memory_space<hbm>> -> memref<1x100096x16xf32, #tpu.memory_space<hbm>>
      %dma_wait3A_396 = tpu.memref_squeeze %dma_wait3A_395 : memref<1x100096x16xf32, #tpu.memory_space<hbm>> -> memref<100096x16xf32, #tpu.memory_space<hbm>>
      %dma_wait3A_397 = arith.constant 0 : i32
      %dma_wait3A_398 = arith.constant 0 : i32
      %dma_wait3A_399 = tpu.memref_slice %dma_wait3A_396[%dma_wait3A_397, %dma_wait3A_398] : memref<100096x16xf32, #tpu.memory_space<hbm>> -> memref<100096x16xf32, #tpu.memory_space<hbm>>
      tpu.wait_indirect_dma semaphore(%arg13 : memref<!tpu.dma_semaphore, #tpu.memory_space<semaphore_mem>>) src(%dma_wait3A_399 : memref<100096x16xf32, #tpu.memory_space<hbm>>) dst(%dma_wait3A_389 : memref<512x16xf32, #tpu.memory_space<vmem>>)
      %run_scoped3A_400 = arith.constant 0 : i32
      %run_scoped3A_401 = arith.constant 0 : i32
      "tpu.region"() ({
        %run_scoped3A_413 = tpu.sem_alloc : memref<!tpu.dma_semaphore, #tpu.memory_space<semaphore_mem>>
        %dma_start3A_414 = arith.constant 0 : i32
        %dma_start3A_415 = arith.constant 0 : i32
        %dma_start3A_416 = tpu.memref_slice %arg11[%run_scoped3A_400, %dma_start3A_414, %dma_start3A_415] : memref<1x512x16xf32, #tpu.memory_space<vmem>> -> memref<1x512x16xf32, #tpu.memory_space<vmem>>
        %dma_start3A_417 = tpu.memref_squeeze %dma_start3A_416 : memref<1x512x16xf32, #tpu.memory_space<vmem>> -> memref<512x16xf32, #tpu.memory_space<vmem>>
        %dma_start3A_418 = arith.constant 0 : i32
        %dma_start3A_419 = tpu.memref_slice %arg9[%run_scoped3A_401, %dma_start3A_418] : memref<1x512xi32, #tpu.memory_space<vmem>> -> memref<1x512xi32, #tpu.memory_space<vmem>>
        %dma_start3A_420 = tpu.memref_squeeze %dma_start3A_419 : memref<1x512xi32, #tpu.memory_space<vmem>> -> memref<512xi32, #tpu.memory_space<vmem>>
        %dma_start3A_421 = arith.constant 0 : i32
        %dma_start3A_422 = arith.constant 0 : i32
        %dma_start3A_423 = tpu.memref_slice %arg16[%dma_start3A_421, %dma_start3A_422] : memref<100096x16xf32, #tpu.memory_space<vmem_shared>> -> memref<100096x16xf32, #tpu.memory_space<vmem_shared>>
        tpu.enqueue_indirect_dma source(%dma_start3A_417 : memref<512x16xf32, #tpu.memory_space<vmem>>) target(%dma_start3A_423 : memref<100096x16xf32, #tpu.memory_space<vmem_shared>>) offsets(%dma_start3A_420 : memref<512xi32, #tpu.memory_space<vmem>>) semaphore(%run_scoped3A_413 : memref<!tpu.dma_semaphore, #tpu.memory_space<semaphore_mem>>) {add = true}
        %dma_wait3A_424 = arith.constant 0 : i32
        %dma_wait3A_425 = arith.constant 0 : i32
        %dma_wait3A_426 = tpu.memref_slice %arg11[%run_scoped3A_400, %dma_wait3A_424, %dma_wait3A_425] : memref<1x512x16xf32, #tpu.memory_space<vmem>> -> memref<1x512x16xf32, #tpu.memory_space<vmem>>
        %dma_wait3A_427 = tpu.memref_squeeze %dma_wait3A_426 : memref<1x512x16xf32, #tpu.memory_space<vmem>> -> memref<512x16xf32, #tpu.memory_space<vmem>>
        %dma_wait3A_428 = arith.constant 0 : i32
        %dma_wait3A_429 = tpu.memref_slice %arg9[%run_scoped3A_401, %dma_wait3A_428] : memref<1x512xi32, #tpu.memory_space<vmem>> -> memref<1x512xi32, #tpu.memory_space<vmem>>
        %dma_wait3A_430 = tpu.memref_squeeze %dma_wait3A_429 : memref<1x512xi32, #tpu.memory_space<vmem>> -> memref<512xi32, #tpu.memory_space<vmem>>
        %dma_wait3A_431 = arith.constant 0 : i32
        %dma_wait3A_432 = arith.constant 0 : i32
        %dma_wait3A_433 = tpu.memref_slice %arg16[%dma_wait3A_431, %dma_wait3A_432] : memref<100096x16xf32, #tpu.memory_space<vmem_shared>> -> memref<100096x16xf32, #tpu.memory_space<vmem_shared>>
        tpu.wait_indirect_dma semaphore(%run_scoped3A_413 : memref<!tpu.dma_semaphore, #tpu.memory_space<semaphore_mem>>) src(%dma_wait3A_427 : memref<512x16xf32, #tpu.memory_space<vmem>>) dst(%dma_wait3A_433 : memref<100096x16xf32, #tpu.memory_space<vmem_shared>>)
        tpu.yield
      }) : () -> ()
      %mul3A_402 = arith.constant 1 : i32
      %mul3A_403 = arith.muli %min3A_307, %mul3A_402 : i32
      %add3A_404 = arith.addi %mul3A_0, %mul3A_403 : i32
      %dma_start3A_405 = arith.constant 0 : i32
      %dma_start3A_406 = tpu.memref_slice %arg3[%add3A_404, %dma_start3A_405] : memref<3136x512xi32, #tpu.memory_space<hbm>> -> memref<1x512xi32, #tpu.memory_space<hbm>>
      %dma_start3A_407 = arith.constant 0 : i32
      %dma_start3A_408 = tpu.memref_slice %arg3[%add3A_404, %dma_start3A_407] : memref<3136x512xi32, #tpu.memory_space<hbm>> -> memref<1x512xi32, #tpu.memory_space<hbm>>
      tpu.enqueue_dma source(%dma_start3A_408 : memref<1x512xi32, #tpu.memory_space<hbm>>) target(%arg8 : memref<1x512xi32, #tpu.memory_space<vmem>>) target_semaphore(%arg15 : memref<!tpu.dma_semaphore, #tpu.memory_space<semaphore_mem>>)
      %dma_start3A_409 = arith.constant 0 : i32
      %dma_start3A_410 = tpu.memref_slice %arg4[%add3A_404, %dma_start3A_409] : memref<3136x512xi32, #tpu.memory_space<hbm>> -> memref<1x512xi32, #tpu.memory_space<hbm>>
      %dma_start3A_411 = arith.constant 0 : i32
      %dma_start3A_412 = tpu.memref_slice %arg4[%add3A_404, %dma_start3A_411] : memref<3136x512xi32, #tpu.memory_space<hbm>> -> memref<1x512xi32, #tpu.memory_space<hbm>>
      tpu.enqueue_dma source(%dma_start3A_412 : memref<1x512xi32, #tpu.memory_space<hbm>>) target(%arg9 : memref<1x512xi32, #tpu.memory_space<vmem>>) target_semaphore(%arg15 : memref<!tpu.dma_semaphore, #tpu.memory_space<semaphore_mem>>)
    }
    %scan3A_112 = arith.constant 98 : i32
    %dma_wait3A_113 = arith.constant 0 : i32
    %dma_wait3A_114 = arith.constant 0 : i32
    %dma_wait3A_115 = arith.constant 0 : i32
    %dma_wait3A_116 = arith.constant 0 : i32
    %dma_wait3A_117 = tpu.memref_slice %arg10[%dma_wait3A_114, %dma_wait3A_115, %dma_wait3A_116] : memref<1x512x16xf32, #tpu.memory_space<vmem>> -> memref<1x512x16xf32, #tpu.memory_space<vmem>>
    %dma_wait3A_118 = tpu.memref_squeeze %dma_wait3A_117 : memref<1x512x16xf32, #tpu.memory_space<vmem>> -> memref<512x16xf32, #tpu.memory_space<vmem>>
    %dma_wait3A_119 = arith.constant 0 : i32
    %dma_wait3A_120 = tpu.memref_slice %arg6[%dma_wait3A_113, %dma_wait3A_119] : memref<1x512xi32, #tpu.memory_space<vmem>> -> memref<1x512xi32, #tpu.memory_space<vmem>>
    %dma_wait3A_121 = tpu.memref_squeeze %dma_wait3A_120 : memref<1x512xi32, #tpu.memory_space<vmem>> -> memref<512xi32, #tpu.memory_space<vmem>>
    %dma_wait3A_122 = arith.constant 0 : i32
    %dma_wait3A_123 = arith.constant 0 : i32
    %dma_wait3A_124 = tpu.memref_slice %arg2[%add3A_74, %dma_wait3A_122, %dma_wait3A_123] : memref<8x100096x16xf32, #tpu.memory_space<hbm>> -> memref<1x100096x16xf32, #tpu.memory_space<hbm>>
    %dma_wait3A_125 = tpu.memref_squeeze %dma_wait3A_124 : memref<1x100096x16xf32, #tpu.memory_space<hbm>> -> memref<100096x16xf32, #tpu.memory_space<hbm>>
    %dma_wait3A_126 = arith.constant 0 : i32
    %dma_wait3A_127 = arith.constant 0 : i32
    %dma_wait3A_128 = tpu.memref_slice %dma_wait3A_125[%dma_wait3A_126, %dma_wait3A_127] : memref<100096x16xf32, #tpu.memory_space<hbm>> -> memref<100096x16xf32, #tpu.memory_space<hbm>>
    tpu.wait_indirect_dma semaphore(%arg12 : memref<!tpu.dma_semaphore, #tpu.memory_space<semaphore_mem>>) src(%dma_wait3A_128 : memref<100096x16xf32, #tpu.memory_space<hbm>>) dst(%dma_wait3A_118 : memref<512x16xf32, #tpu.memory_space<vmem>>)
    %dma_wait3A_129 = arith.constant 0 : i32
    %dma_wait3A_130 = tpu.memref_slice %arg3[%mul3A_0, %dma_wait3A_129] : memref<3136x512xi32, #tpu.memory_space<hbm>> -> memref<1x512xi32, #tpu.memory_space<hbm>>
    %dma_wait3A_131 = arith.constant 0 : i32
    %dma_wait3A_132 = tpu.memref_slice %arg3[%mul3A_0, %dma_wait3A_131] : memref<3136x512xi32, #tpu.memory_space<hbm>> -> memref<1x512xi32, #tpu.memory_space<hbm>>
    tpu.wait_dma2 semaphore(%arg15 : memref<!tpu.dma_semaphore, #tpu.memory_space<semaphore_mem>>) src(%dma_wait3A_132 : memref<1x512xi32, #tpu.memory_space<hbm>>) dst(%arg8 : memref<1x512xi32, #tpu.memory_space<vmem>>)
    %dma_wait3A_133 = arith.constant 0 : i32
    %dma_wait3A_134 = tpu.memref_slice %arg4[%mul3A_0, %dma_wait3A_133] : memref<3136x512xi32, #tpu.memory_space<hbm>> -> memref<1x512xi32, #tpu.memory_space<hbm>>
    %dma_wait3A_135 = arith.constant 0 : i32
    %dma_wait3A_136 = tpu.memref_slice %arg4[%mul3A_0, %dma_wait3A_135] : memref<3136x512xi32, #tpu.memory_space<hbm>> -> memref<1x512xi32, #tpu.memory_space<hbm>>
    tpu.wait_dma2 semaphore(%arg15 : memref<!tpu.dma_semaphore, #tpu.memory_space<semaphore_mem>>) src(%dma_wait3A_136 : memref<1x512xi32, #tpu.memory_space<hbm>>) dst(%arg9 : memref<1x512xi32, #tpu.memory_space<vmem>>)
    %barrier3A_137 = arith.constant 0 : index
    tpu.barrier barrier_id(%barrier3A_137)
    %mul3A_138 = arith.constant 100096 : i32
    %mul3A_139 = arith.muli %add3A_74, %mul3A_138 : i32
    %mul3A_140 = arith.constant 6256 : i32
    %mul3A_141 = arith.muli %arg1, %mul3A_140 : i32
    %add3A_142 = arith.addi %mul3A_139, %mul3A_141 : i32
    %mul3A_143 = arith.constant 6256 : i32
    %mul3A_144 = arith.muli %arg1, %mul3A_143 : i32
    "tpu.region"() ({
      %run_scoped3A = tpu.sem_alloc : memref<!tpu.dma_semaphore, #tpu.memory_space<semaphore_mem>>
      %dma_start3A_296 = arith.constant 0 : i32
      %dma_start3A_297 = tpu.memref_slice %arg5[%add3A_142, %dma_start3A_296] : memref<800768x16xf32, #tpu.memory_space<hbm>> -> memref<6256x16xf32, #tpu.memory_space<hbm>>
      %dma_start3A_298 = arith.constant 0 : i32
      %dma_start3A_299 = tpu.memref_slice %arg16[%mul3A_144, %dma_start3A_298] : memref<100096x16xf32, #tpu.memory_space<vmem_shared>> -> memref<6256x16xf32, #tpu.memory_space<vmem_shared>>
      tpu.enqueue_dma source(%dma_start3A_299 : memref<6256x16xf32, #tpu.memory_space<vmem_shared>>) target(%dma_start3A_297 : memref<6256x16xf32, #tpu.memory_space<hbm>>) target_semaphore(%run_scoped3A : memref<!tpu.dma_semaphore, #tpu.memory_space<semaphore_mem>>)
      %dma_wait3A_300 = arith.constant 0 : i32
      %dma_wait3A_301 = tpu.memref_slice %arg5[%add3A_142, %dma_wait3A_300] : memref<800768x16xf32, #tpu.memory_space<hbm>> -> memref<6256x16xf32, #tpu.memory_space<hbm>>
      %dma_wait3A_302 = arith.constant 0 : i32
      %dma_wait3A_303 = tpu.memref_slice %arg16[%mul3A_144, %dma_wait3A_302] : memref<100096x16xf32, #tpu.memory_space<vmem_shared>> -> memref<6256x16xf32, #tpu.memory_space<vmem_shared>>
      tpu.wait_dma2 semaphore(%run_scoped3A : memref<!tpu.dma_semaphore, #tpu.memory_space<semaphore_mem>>) src(%dma_wait3A_303 : memref<6256x16xf32, #tpu.memory_space<vmem_shared>>) dst(%dma_wait3A_301 : memref<6256x16xf32, #tpu.memory_space<hbm>>)
      tpu.yield
    }) : () -> ()
    %barrier3A_145 = arith.constant 0 : index
    tpu.barrier barrier_id(%barrier3A_145)
    %mul3A_146 = arith.constant 4 : i32
    %mul3A_147 = arith.muli %arg0, %mul3A_146 : i32
    %add3A_148 = arith.constant 2 : i32
    %add3A_149 = arith.addi %mul3A_147, %add3A_148 : i32
    %mul3A_150 = arith.constant 6256 : i32
    %mul3A_151 = arith.muli %arg1, %mul3A_150 : i32
    %mul3A_152 = arith.constant 6256 : i32
    %mul3A_153 = arith.muli %arg1, %mul3A_152 : i32
    "tpu.region"() ({
      %run_scoped3A = tpu.sem_alloc : memref<!tpu.dma_semaphore, #tpu.memory_space<semaphore_mem>>
      %dma_start3A_296 = arith.constant 0 : i32
      %dma_start3A_297 = tpu.memref_slice %arg16[%mul3A_153, %dma_start3A_296] : memref<100096x16xf32, #tpu.memory_space<vmem_shared>> -> memref<6256x16xf32, #tpu.memory_space<vmem_shared>>
      %dma_start3A_298 = arith.constant 0 : i32
      %dma_start3A_299 = arith.constant 0 : i32
      %dma_start3A_300 = tpu.memref_slice %arg2[%add3A_149, %dma_start3A_298, %dma_start3A_299] : memref<8x100096x16xf32, #tpu.memory_space<hbm>> -> memref<1x100096x16xf32, #tpu.memory_space<hbm>>
      %dma_start3A_301 = tpu.memref_squeeze %dma_start3A_300 : memref<1x100096x16xf32, #tpu.memory_space<hbm>> -> memref<100096x16xf32, #tpu.memory_space<hbm>>
      %dma_start3A_302 = arith.constant 0 : i32
      %dma_start3A_303 = tpu.memref_slice %dma_start3A_301[%mul3A_151, %dma_start3A_302] : memref<100096x16xf32, #tpu.memory_space<hbm>> -> memref<6256x16xf32, #tpu.memory_space<hbm>>
      tpu.enqueue_dma source(%dma_start3A_303 : memref<6256x16xf32, #tpu.memory_space<hbm>>) target(%dma_start3A_297 : memref<6256x16xf32, #tpu.memory_space<vmem_shared>>) target_semaphore(%run_scoped3A : memref<!tpu.dma_semaphore, #tpu.memory_space<semaphore_mem>>)
      %dma_wait3A_304 = arith.constant 0 : i32
      %dma_wait3A_305 = tpu.memref_slice %arg16[%mul3A_153, %dma_wait3A_304] : memref<100096x16xf32, #tpu.memory_space<vmem_shared>> -> memref<6256x16xf32, #tpu.memory_space<vmem_shared>>
      %dma_wait3A_306 = arith.constant 0 : i32
      %dma_wait3A_307 = arith.constant 0 : i32
      %dma_wait3A_308 = tpu.memref_slice %arg2[%add3A_149, %dma_wait3A_306, %dma_wait3A_307] : memref<8x100096x16xf32, #tpu.memory_space<hbm>> -> memref<1x100096x16xf32, #tpu.memory_space<hbm>>
      %dma_wait3A_309 = tpu.memref_squeeze %dma_wait3A_308 : memref<1x100096x16xf32, #tpu.memory_space<hbm>> -> memref<100096x16xf32, #tpu.memory_space<hbm>>
      %dma_wait3A_310 = arith.constant 0 : i32
      %dma_wait3A_311 = tpu.memref_slice %dma_wait3A_309[%mul3A_151, %dma_wait3A_310] : memref<100096x16xf32, #tpu.memory_space<hbm>> -> memref<6256x16xf32, #tpu.memory_space<hbm>>
      tpu.wait_dma2 semaphore(%run_scoped3A : memref<!tpu.dma_semaphore, #tpu.memory_space<semaphore_mem>>) src(%dma_wait3A_311 : memref<6256x16xf32, #tpu.memory_space<hbm>>) dst(%dma_wait3A_305 : memref<6256x16xf32, #tpu.memory_space<vmem_shared>>)
      tpu.yield
    }) : () -> ()
    %barrier3A_154 = arith.constant 0 : index
    tpu.barrier barrier_id(%barrier3A_154)
    "tpu.region"() ({
      %run_scoped3A = tpu.sem_alloc : memref<!tpu.dma_semaphore, #tpu.memory_space<semaphore_mem>>
      %dma_start3A_296 = arith.constant 0 : i32
      %dma_start3A_297 = tpu.memref_slice %arg3[%mul3A_0, %dma_start3A_296] : memref<3136x512xi32, #tpu.memory_space<hbm>> -> memref<1x512xi32, #tpu.memory_space<hbm>>
      %dma_start3A_298 = arith.constant 0 : i32
      %dma_start3A_299 = tpu.memref_slice %arg3[%mul3A_0, %dma_start3A_298] : memref<3136x512xi32, #tpu.memory_space<hbm>> -> memref<1x512xi32, #tpu.memory_space<hbm>>
      tpu.enqueue_dma source(%dma_start3A_299 : memref<1x512xi32, #tpu.memory_space<hbm>>) target(%arg6 : memref<1x512xi32, #tpu.memory_space<vmem>>) target_semaphore(%run_scoped3A : memref<!tpu.dma_semaphore, #tpu.memory_space<semaphore_mem>>)
      %dma_wait3A_300 = arith.constant 0 : i32
      %dma_wait3A_301 = tpu.memref_slice %arg3[%mul3A_0, %dma_wait3A_300] : memref<3136x512xi32, #tpu.memory_space<hbm>> -> memref<1x512xi32, #tpu.memory_space<hbm>>
      %dma_wait3A_302 = arith.constant 0 : i32
      %dma_wait3A_303 = tpu.memref_slice %arg3[%mul3A_0, %dma_wait3A_302] : memref<3136x512xi32, #tpu.memory_space<hbm>> -> memref<1x512xi32, #tpu.memory_space<hbm>>
      tpu.wait_dma2 semaphore(%run_scoped3A : memref<!tpu.dma_semaphore, #tpu.memory_space<semaphore_mem>>) src(%dma_wait3A_303 : memref<1x512xi32, #tpu.memory_space<hbm>>) dst(%arg6 : memref<1x512xi32, #tpu.memory_space<vmem>>)
      tpu.yield
    }) : () -> ()
    "tpu.region"() ({
      %run_scoped3A = tpu.sem_alloc : memref<!tpu.dma_semaphore, #tpu.memory_space<semaphore_mem>>
      %dma_start3A_296 = arith.constant 0 : i32
      %dma_start3A_297 = tpu.memref_slice %arg4[%mul3A_0, %dma_start3A_296] : memref<3136x512xi32, #tpu.memory_space<hbm>> -> memref<1x512xi32, #tpu.memory_space<hbm>>
      %dma_start3A_298 = arith.constant 0 : i32
      %dma_start3A_299 = tpu.memref_slice %arg4[%mul3A_0, %dma_start3A_298] : memref<3136x512xi32, #tpu.memory_space<hbm>> -> memref<1x512xi32, #tpu.memory_space<hbm>>
      tpu.enqueue_dma source(%dma_start3A_299 : memref<1x512xi32, #tpu.memory_space<hbm>>) target(%arg7 : memref<1x512xi32, #tpu.memory_space<vmem>>) target_semaphore(%run_scoped3A : memref<!tpu.dma_semaphore, #tpu.memory_space<semaphore_mem>>)
      %dma_wait3A_300 = arith.constant 0 : i32
      %dma_wait3A_301 = tpu.memref_slice %arg4[%mul3A_0, %dma_wait3A_300] : memref<3136x512xi32, #tpu.memory_space<hbm>> -> memref<1x512xi32, #tpu.memory_space<hbm>>
      %dma_wait3A_302 = arith.constant 0 : i32
      %dma_wait3A_303 = tpu.memref_slice %arg4[%mul3A_0, %dma_wait3A_302] : memref<3136x512xi32, #tpu.memory_space<hbm>> -> memref<1x512xi32, #tpu.memory_space<hbm>>
      tpu.wait_dma2 semaphore(%run_scoped3A : memref<!tpu.dma_semaphore, #tpu.memory_space<semaphore_mem>>) src(%dma_wait3A_303 : memref<1x512xi32, #tpu.memory_space<hbm>>) dst(%arg7 : memref<1x512xi32, #tpu.memory_space<vmem>>)
      tpu.yield
    }) : () -> ()
    %dma_start3A_155 = arith.constant 0 : i32
    %dma_start3A_156 = arith.constant 0 : i32
    %dma_start3A_157 = arith.constant 0 : i32
    %dma_start3A_158 = arith.constant 0 : i32
    %dma_start3A_159 = tpu.memref_slice %arg10[%dma_start3A_156, %dma_start3A_157, %dma_start3A_158] : memref<1x512x16xf32, #tpu.memory_space<vmem>> -> memref<1x512x16xf32, #tpu.memory_space<vmem>>
    %dma_start3A_160 = tpu.memref_squeeze %dma_start3A_159 : memref<1x512x16xf32, #tpu.memory_space<vmem>> -> memref<512x16xf32, #tpu.memory_space<vmem>>
    %dma_start3A_161 = arith.constant 0 : i32
    %dma_start3A_162 = tpu.memref_slice %arg6[%dma_start3A_155, %dma_start3A_161] : memref<1x512xi32, #tpu.memory_space<vmem>> -> memref<1x512xi32, #tpu.memory_space<vmem>>
    %dma_start3A_163 = tpu.memref_squeeze %dma_start3A_162 : memref<1x512xi32, #tpu.memory_space<vmem>> -> memref<512xi32, #tpu.memory_space<vmem>>
    %dma_start3A_164 = arith.constant 0 : i32
    %dma_start3A_165 = arith.constant 0 : i32
    %dma_start3A_166 = tpu.memref_slice %arg2[%add3A_149, %dma_start3A_164, %dma_start3A_165] : memref<8x100096x16xf32, #tpu.memory_space<hbm>> -> memref<1x100096x16xf32, #tpu.memory_space<hbm>>
    %dma_start3A_167 = tpu.memref_squeeze %dma_start3A_166 : memref<1x100096x16xf32, #tpu.memory_space<hbm>> -> memref<100096x16xf32, #tpu.memory_space<hbm>>
    %dma_start3A_168 = arith.constant 0 : i32
    %dma_start3A_169 = arith.constant 0 : i32
    %dma_start3A_170 = tpu.memref_slice %dma_start3A_167[%dma_start3A_168, %dma_start3A_169] : memref<100096x16xf32, #tpu.memory_space<hbm>> -> memref<100096x16xf32, #tpu.memory_space<hbm>>
    tpu.enqueue_indirect_dma source(%dma_start3A_170 : memref<100096x16xf32, #tpu.memory_space<hbm>>) target(%dma_start3A_160 : memref<512x16xf32, #tpu.memory_space<vmem>>) offsets(%dma_start3A_163 : memref<512xi32, #tpu.memory_space<vmem>>) semaphore(%arg12 : memref<!tpu.dma_semaphore, #tpu.memory_space<semaphore_mem>>)
    %mul3A_171 = arith.constant 1 : i32
    %mul3A_172 = arith.constant 1 : i32
    %mul3A_173 = arith.muli %mul3A_171, %mul3A_172 : i32
    %add3A_174 = arith.addi %mul3A_0, %mul3A_173 : i32
    %dma_start3A_175 = arith.constant 0 : i32
    %dma_start3A_176 = tpu.memref_slice %arg3[%add3A_174, %dma_start3A_175] : memref<3136x512xi32, #tpu.memory_space<hbm>> -> memref<1x512xi32, #tpu.memory_space<hbm>>
    %dma_start3A_177 = arith.constant 0 : i32
    %dma_start3A_178 = tpu.memref_slice %arg3[%add3A_174, %dma_start3A_177] : memref<3136x512xi32, #tpu.memory_space<hbm>> -> memref<1x512xi32, #tpu.memory_space<hbm>>
    tpu.enqueue_dma source(%dma_start3A_178 : memref<1x512xi32, #tpu.memory_space<hbm>>) target(%arg8 : memref<1x512xi32, #tpu.memory_space<vmem>>) target_semaphore(%arg15 : memref<!tpu.dma_semaphore, #tpu.memory_space<semaphore_mem>>)
    %dma_start3A_179 = arith.constant 0 : i32
    %dma_start3A_180 = tpu.memref_slice %arg4[%add3A_174, %dma_start3A_179] : memref<3136x512xi32, #tpu.memory_space<hbm>> -> memref<1x512xi32, #tpu.memory_space<hbm>>
    %dma_start3A_181 = arith.constant 0 : i32
    %dma_start3A_182 = tpu.memref_slice %arg4[%add3A_174, %dma_start3A_181] : memref<3136x512xi32, #tpu.memory_space<hbm>> -> memref<1x512xi32, #tpu.memory_space<hbm>>
    tpu.enqueue_dma source(%dma_start3A_182 : memref<1x512xi32, #tpu.memory_space<hbm>>) target(%arg9 : memref<1x512xi32, #tpu.memory_space<vmem>>) target_semaphore(%arg15 : memref<!tpu.dma_semaphore, #tpu.memory_space<semaphore_mem>>)
    %scan3A_183 = arith.constant 0 : i32
    %scan3A_184 = arith.constant 98 : i32
    %scan3A_185 = arith.addi %scan3A_183, %scan3A_184 : i32
    %scan3A_186 = arith.constant 1 : i32
    scf.for %scan3A_296 = %scan3A_183 to %scan3A_185 step %scan3A_186  : i32 {
      %mul3A_297 = arith.constant 2 : i32
      %mul3A_298 = arith.muli %mul3A_297, %scan3A_296 : i32
      %add3A_299 = arith.constant 2 : i32
      %add3A_300 = arith.addi %mul3A_298, %add3A_299 : i32
      %min3A = arith.constant 195 : i32
      %min3A_301 = arith.minsi %add3A_300, %min3A : i32
      %mul3A_302 = arith.constant 2 : i32
      %mul3A_303 = arith.muli %mul3A_302, %scan3A_296 : i32
      %add3A_304 = arith.constant 3 : i32
      %add3A_305 = arith.addi %mul3A_303, %add3A_304 : i32
      %min3A_306 = arith.constant 195 : i32
      %min3A_307 = arith.minsi %add3A_305, %min3A_306 : i32
      %dma_wait3A_308 = arith.constant 0 : i32
      %dma_wait3A_309 = tpu.memref_slice %arg3[%mul3A_0, %dma_wait3A_308] : memref<3136x512xi32, #tpu.memory_space<hbm>> -> memref<1x512xi32, #tpu.memory_space<hbm>>
      %dma_wait3A_310 = arith.constant 0 : i32
      %dma_wait3A_311 = tpu.memref_slice %arg3[%mul3A_0, %dma_wait3A_310] : memref<3136x512xi32, #tpu.memory_space<hbm>> -> memref<1x512xi32, #tpu.memory_space<hbm>>
      tpu.wait_dma2 semaphore(%arg15 : memref<!tpu.dma_semaphore, #tpu.memory_space<semaphore_mem>>) src(%dma_wait3A_311 : memref<1x512xi32, #tpu.memory_space<hbm>>) dst(%arg8 : memref<1x512xi32, #tpu.memory_space<vmem>>)
      %dma_wait3A_312 = arith.constant 0 : i32
      %dma_wait3A_313 = tpu.memref_slice %arg4[%mul3A_0, %dma_wait3A_312] : memref<3136x512xi32, #tpu.memory_space<hbm>> -> memref<1x512xi32, #tpu.memory_space<hbm>>
      %dma_wait3A_314 = arith.constant 0 : i32
      %dma_wait3A_315 = tpu.memref_slice %arg4[%mul3A_0, %dma_wait3A_314] : memref<3136x512xi32, #tpu.memory_space<hbm>> -> memref<1x512xi32, #tpu.memory_space<hbm>>
      tpu.wait_dma2 semaphore(%arg15 : memref<!tpu.dma_semaphore, #tpu.memory_space<semaphore_mem>>) src(%dma_wait3A_315 : memref<1x512xi32, #tpu.memory_space<hbm>>) dst(%arg9 : memref<1x512xi32, #tpu.memory_space<vmem>>)
      %dma_start3A_316 = arith.constant 0 : i32
      %dma_start3A_317 = arith.constant 0 : i32
      %dma_start3A_318 = arith.constant 0 : i32
      %dma_start3A_319 = arith.constant 0 : i32
      %dma_start3A_320 = tpu.memref_slice %arg11[%dma_start3A_317, %dma_start3A_318, %dma_start3A_319] : memref<1x512x16xf32, #tpu.memory_space<vmem>> -> memref<1x512x16xf32, #tpu.memory_space<vmem>>
      %dma_start3A_321 = tpu.memref_squeeze %dma_start3A_320 : memref<1x512x16xf32, #tpu.memory_space<vmem>> -> memref<512x16xf32, #tpu.memory_space<vmem>>
      %dma_start3A_322 = arith.constant 0 : i32
      %dma_start3A_323 = tpu.memref_slice %arg8[%dma_start3A_316, %dma_start3A_322] : memref<1x512xi32, #tpu.memory_space<vmem>> -> memref<1x512xi32, #tpu.memory_space<vmem>>
      %dma_start3A_324 = tpu.memref_squeeze %dma_start3A_323 : memref<1x512xi32, #tpu.memory_space<vmem>> -> memref<512xi32, #tpu.memory_space<vmem>>
      %dma_start3A_325 = arith.constant 0 : i32
      %dma_start3A_326 = arith.constant 0 : i32
      %dma_start3A_327 = tpu.memref_slice %arg2[%add3A_149, %dma_start3A_325, %dma_start3A_326] : memref<8x100096x16xf32, #tpu.memory_space<hbm>> -> memref<1x100096x16xf32, #tpu.memory_space<hbm>>
      %dma_start3A_328 = tpu.memref_squeeze %dma_start3A_327 : memref<1x100096x16xf32, #tpu.memory_space<hbm>> -> memref<100096x16xf32, #tpu.memory_space<hbm>>
      %dma_start3A_329 = arith.constant 0 : i32
      %dma_start3A_330 = arith.constant 0 : i32
      %dma_start3A_331 = tpu.memref_slice %dma_start3A_328[%dma_start3A_329, %dma_start3A_330] : memref<100096x16xf32, #tpu.memory_space<hbm>> -> memref<100096x16xf32, #tpu.memory_space<hbm>>
      tpu.enqueue_indirect_dma source(%dma_start3A_331 : memref<100096x16xf32, #tpu.memory_space<hbm>>) target(%dma_start3A_321 : memref<512x16xf32, #tpu.memory_space<vmem>>) offsets(%dma_start3A_324 : memref<512xi32, #tpu.memory_space<vmem>>) semaphore(%arg13 : memref<!tpu.dma_semaphore, #tpu.memory_space<semaphore_mem>>)
      %dma_wait3A_332 = arith.constant 0 : i32
      %dma_wait3A_333 = arith.constant 0 : i32
      %dma_wait3A_334 = arith.constant 0 : i32
      %dma_wait3A_335 = arith.constant 0 : i32
      %dma_wait3A_336 = tpu.memref_slice %arg10[%dma_wait3A_333, %dma_wait3A_334, %dma_wait3A_335] : memref<1x512x16xf32, #tpu.memory_space<vmem>> -> memref<1x512x16xf32, #tpu.memory_space<vmem>>
      %dma_wait3A_337 = tpu.memref_squeeze %dma_wait3A_336 : memref<1x512x16xf32, #tpu.memory_space<vmem>> -> memref<512x16xf32, #tpu.memory_space<vmem>>
      %dma_wait3A_338 = arith.constant 0 : i32
      %dma_wait3A_339 = tpu.memref_slice %arg6[%dma_wait3A_332, %dma_wait3A_338] : memref<1x512xi32, #tpu.memory_space<vmem>> -> memref<1x512xi32, #tpu.memory_space<vmem>>
      %dma_wait3A_340 = tpu.memref_squeeze %dma_wait3A_339 : memref<1x512xi32, #tpu.memory_space<vmem>> -> memref<512xi32, #tpu.memory_space<vmem>>
      %dma_wait3A_341 = arith.constant 0 : i32
      %dma_wait3A_342 = arith.constant 0 : i32
      %dma_wait3A_343 = tpu.memref_slice %arg2[%add3A_149, %dma_wait3A_341, %dma_wait3A_342] : memref<8x100096x16xf32, #tpu.memory_space<hbm>> -> memref<1x100096x16xf32, #tpu.memory_space<hbm>>
      %dma_wait3A_344 = tpu.memref_squeeze %dma_wait3A_343 : memref<1x100096x16xf32, #tpu.memory_space<hbm>> -> memref<100096x16xf32, #tpu.memory_space<hbm>>
      %dma_wait3A_345 = arith.constant 0 : i32
      %dma_wait3A_346 = arith.constant 0 : i32
      %dma_wait3A_347 = tpu.memref_slice %dma_wait3A_344[%dma_wait3A_345, %dma_wait3A_346] : memref<100096x16xf32, #tpu.memory_space<hbm>> -> memref<100096x16xf32, #tpu.memory_space<hbm>>
      tpu.wait_indirect_dma semaphore(%arg12 : memref<!tpu.dma_semaphore, #tpu.memory_space<semaphore_mem>>) src(%dma_wait3A_347 : memref<100096x16xf32, #tpu.memory_space<hbm>>) dst(%dma_wait3A_337 : memref<512x16xf32, #tpu.memory_space<vmem>>)
      %run_scoped3A = arith.constant 0 : i32
      %run_scoped3A_348 = arith.constant 0 : i32
      "tpu.region"() ({
        %run_scoped3A_413 = tpu.sem_alloc : memref<!tpu.dma_semaphore, #tpu.memory_space<semaphore_mem>>
        %dma_start3A_414 = arith.constant 0 : i32
        %dma_start3A_415 = arith.constant 0 : i32
        %dma_start3A_416 = tpu.memref_slice %arg10[%run_scoped3A, %dma_start3A_414, %dma_start3A_415] : memref<1x512x16xf32, #tpu.memory_space<vmem>> -> memref<1x512x16xf32, #tpu.memory_space<vmem>>
        %dma_start3A_417 = tpu.memref_squeeze %dma_start3A_416 : memref<1x512x16xf32, #tpu.memory_space<vmem>> -> memref<512x16xf32, #tpu.memory_space<vmem>>
        %dma_start3A_418 = arith.constant 0 : i32
        %dma_start3A_419 = tpu.memref_slice %arg7[%run_scoped3A_348, %dma_start3A_418] : memref<1x512xi32, #tpu.memory_space<vmem>> -> memref<1x512xi32, #tpu.memory_space<vmem>>
        %dma_start3A_420 = tpu.memref_squeeze %dma_start3A_419 : memref<1x512xi32, #tpu.memory_space<vmem>> -> memref<512xi32, #tpu.memory_space<vmem>>
        %dma_start3A_421 = arith.constant 0 : i32
        %dma_start3A_422 = arith.constant 0 : i32
        %dma_start3A_423 = tpu.memref_slice %arg16[%dma_start3A_421, %dma_start3A_422] : memref<100096x16xf32, #tpu.memory_space<vmem_shared>> -> memref<100096x16xf32, #tpu.memory_space<vmem_shared>>
        tpu.enqueue_indirect_dma source(%dma_start3A_417 : memref<512x16xf32, #tpu.memory_space<vmem>>) target(%dma_start3A_423 : memref<100096x16xf32, #tpu.memory_space<vmem_shared>>) offsets(%dma_start3A_420 : memref<512xi32, #tpu.memory_space<vmem>>) semaphore(%run_scoped3A_413 : memref<!tpu.dma_semaphore, #tpu.memory_space<semaphore_mem>>) {add = true}
        %dma_wait3A_424 = arith.constant 0 : i32
        %dma_wait3A_425 = arith.constant 0 : i32
        %dma_wait3A_426 = tpu.memref_slice %arg10[%run_scoped3A, %dma_wait3A_424, %dma_wait3A_425] : memref<1x512x16xf32, #tpu.memory_space<vmem>> -> memref<1x512x16xf32, #tpu.memory_space<vmem>>
        %dma_wait3A_427 = tpu.memref_squeeze %dma_wait3A_426 : memref<1x512x16xf32, #tpu.memory_space<vmem>> -> memref<512x16xf32, #tpu.memory_space<vmem>>
        %dma_wait3A_428 = arith.constant 0 : i32
        %dma_wait3A_429 = tpu.memref_slice %arg7[%run_scoped3A_348, %dma_wait3A_428] : memref<1x512xi32, #tpu.memory_space<vmem>> -> memref<1x512xi32, #tpu.memory_space<vmem>>
        %dma_wait3A_430 = tpu.memref_squeeze %dma_wait3A_429 : memref<1x512xi32, #tpu.memory_space<vmem>> -> memref<512xi32, #tpu.memory_space<vmem>>
        %dma_wait3A_431 = arith.constant 0 : i32
        %dma_wait3A_432 = arith.constant 0 : i32
        %dma_wait3A_433 = tpu.memref_slice %arg16[%dma_wait3A_431, %dma_wait3A_432] : memref<100096x16xf32, #tpu.memory_space<vmem_shared>> -> memref<100096x16xf32, #tpu.memory_space<vmem_shared>>
        tpu.wait_indirect_dma semaphore(%run_scoped3A_413 : memref<!tpu.dma_semaphore, #tpu.memory_space<semaphore_mem>>) src(%dma_wait3A_427 : memref<512x16xf32, #tpu.memory_space<vmem>>) dst(%dma_wait3A_433 : memref<100096x16xf32, #tpu.memory_space<vmem_shared>>)
        tpu.yield
      }) : () -> ()
      %mul3A_349 = arith.constant 1 : i32
      %mul3A_350 = arith.muli %min3A_301, %mul3A_349 : i32
      %add3A_351 = arith.addi %mul3A_0, %mul3A_350 : i32
      %dma_start3A_352 = arith.constant 0 : i32
      %dma_start3A_353 = tpu.memref_slice %arg3[%add3A_351, %dma_start3A_352] : memref<3136x512xi32, #tpu.memory_space<hbm>> -> memref<1x512xi32, #tpu.memory_space<hbm>>
      %dma_start3A_354 = arith.constant 0 : i32
      %dma_start3A_355 = tpu.memref_slice %arg3[%add3A_351, %dma_start3A_354] : memref<3136x512xi32, #tpu.memory_space<hbm>> -> memref<1x512xi32, #tpu.memory_space<hbm>>
      tpu.enqueue_dma source(%dma_start3A_355 : memref<1x512xi32, #tpu.memory_space<hbm>>) target(%arg6 : memref<1x512xi32, #tpu.memory_space<vmem>>) target_semaphore(%arg14 : memref<!tpu.dma_semaphore, #tpu.memory_space<semaphore_mem>>)
      %dma_start3A_356 = arith.constant 0 : i32
      %dma_start3A_357 = tpu.memref_slice %arg4[%add3A_351, %dma_start3A_356] : memref<3136x512xi32, #tpu.memory_space<hbm>> -> memref<1x512xi32, #tpu.memory_space<hbm>>
      %dma_start3A_358 = arith.constant 0 : i32
      %dma_start3A_359 = tpu.memref_slice %arg4[%add3A_351, %dma_start3A_358] : memref<3136x512xi32, #tpu.memory_space<hbm>> -> memref<1x512xi32, #tpu.memory_space<hbm>>
      tpu.enqueue_dma source(%dma_start3A_359 : memref<1x512xi32, #tpu.memory_space<hbm>>) target(%arg7 : memref<1x512xi32, #tpu.memory_space<vmem>>) target_semaphore(%arg14 : memref<!tpu.dma_semaphore, #tpu.memory_space<semaphore_mem>>)
      %dma_wait3A_360 = arith.constant 0 : i32
      %dma_wait3A_361 = tpu.memref_slice %arg3[%mul3A_0, %dma_wait3A_360] : memref<3136x512xi32, #tpu.memory_space<hbm>> -> memref<1x512xi32, #tpu.memory_space<hbm>>
      %dma_wait3A_362 = arith.constant 0 : i32
      %dma_wait3A_363 = tpu.memref_slice %arg3[%mul3A_0, %dma_wait3A_362] : memref<3136x512xi32, #tpu.memory_space<hbm>> -> memref<1x512xi32, #tpu.memory_space<hbm>>
      tpu.wait_dma2 semaphore(%arg14 : memref<!tpu.dma_semaphore, #tpu.memory_space<semaphore_mem>>) src(%dma_wait3A_363 : memref<1x512xi32, #tpu.memory_space<hbm>>) dst(%arg6 : memref<1x512xi32, #tpu.memory_space<vmem>>)
      %dma_wait3A_364 = arith.constant 0 : i32
      %dma_wait3A_365 = tpu.memref_slice %arg4[%mul3A_0, %dma_wait3A_364] : memref<3136x512xi32, #tpu.memory_space<hbm>> -> memref<1x512xi32, #tpu.memory_space<hbm>>
      %dma_wait3A_366 = arith.constant 0 : i32
      %dma_wait3A_367 = tpu.memref_slice %arg4[%mul3A_0, %dma_wait3A_366] : memref<3136x512xi32, #tpu.memory_space<hbm>> -> memref<1x512xi32, #tpu.memory_space<hbm>>
      tpu.wait_dma2 semaphore(%arg14 : memref<!tpu.dma_semaphore, #tpu.memory_space<semaphore_mem>>) src(%dma_wait3A_367 : memref<1x512xi32, #tpu.memory_space<hbm>>) dst(%arg7 : memref<1x512xi32, #tpu.memory_space<vmem>>)
      %dma_start3A_368 = arith.constant 0 : i32
      %dma_start3A_369 = arith.constant 0 : i32
      %dma_start3A_370 = arith.constant 0 : i32
      %dma_start3A_371 = arith.constant 0 : i32
      %dma_start3A_372 = tpu.memref_slice %arg10[%dma_start3A_369, %dma_start3A_370, %dma_start3A_371] : memref<1x512x16xf32, #tpu.memory_space<vmem>> -> memref<1x512x16xf32, #tpu.memory_space<vmem>>
      %dma_start3A_373 = tpu.memref_squeeze %dma_start3A_372 : memref<1x512x16xf32, #tpu.memory_space<vmem>> -> memref<512x16xf32, #tpu.memory_space<vmem>>
      %dma_start3A_374 = arith.constant 0 : i32
      %dma_start3A_375 = tpu.memref_slice %arg6[%dma_start3A_368, %dma_start3A_374] : memref<1x512xi32, #tpu.memory_space<vmem>> -> memref<1x512xi32, #tpu.memory_space<vmem>>
      %dma_start3A_376 = tpu.memref_squeeze %dma_start3A_375 : memref<1x512xi32, #tpu.memory_space<vmem>> -> memref<512xi32, #tpu.memory_space<vmem>>
      %dma_start3A_377 = arith.constant 0 : i32
      %dma_start3A_378 = arith.constant 0 : i32
      %dma_start3A_379 = tpu.memref_slice %arg2[%add3A_149, %dma_start3A_377, %dma_start3A_378] : memref<8x100096x16xf32, #tpu.memory_space<hbm>> -> memref<1x100096x16xf32, #tpu.memory_space<hbm>>
      %dma_start3A_380 = tpu.memref_squeeze %dma_start3A_379 : memref<1x100096x16xf32, #tpu.memory_space<hbm>> -> memref<100096x16xf32, #tpu.memory_space<hbm>>
      %dma_start3A_381 = arith.constant 0 : i32
      %dma_start3A_382 = arith.constant 0 : i32
      %dma_start3A_383 = tpu.memref_slice %dma_start3A_380[%dma_start3A_381, %dma_start3A_382] : memref<100096x16xf32, #tpu.memory_space<hbm>> -> memref<100096x16xf32, #tpu.memory_space<hbm>>
      tpu.enqueue_indirect_dma source(%dma_start3A_383 : memref<100096x16xf32, #tpu.memory_space<hbm>>) target(%dma_start3A_373 : memref<512x16xf32, #tpu.memory_space<vmem>>) offsets(%dma_start3A_376 : memref<512xi32, #tpu.memory_space<vmem>>) semaphore(%arg12 : memref<!tpu.dma_semaphore, #tpu.memory_space<semaphore_mem>>)
      %dma_wait3A_384 = arith.constant 0 : i32
      %dma_wait3A_385 = arith.constant 0 : i32
      %dma_wait3A_386 = arith.constant 0 : i32
      %dma_wait3A_387 = arith.constant 0 : i32
      %dma_wait3A_388 = tpu.memref_slice %arg11[%dma_wait3A_385, %dma_wait3A_386, %dma_wait3A_387] : memref<1x512x16xf32, #tpu.memory_space<vmem>> -> memref<1x512x16xf32, #tpu.memory_space<vmem>>
      %dma_wait3A_389 = tpu.memref_squeeze %dma_wait3A_388 : memref<1x512x16xf32, #tpu.memory_space<vmem>> -> memref<512x16xf32, #tpu.memory_space<vmem>>
      %dma_wait3A_390 = arith.constant 0 : i32
      %dma_wait3A_391 = tpu.memref_slice %arg8[%dma_wait3A_384, %dma_wait3A_390] : memref<1x512xi32, #tpu.memory_space<vmem>> -> memref<1x512xi32, #tpu.memory_space<vmem>>
      %dma_wait3A_392 = tpu.memref_squeeze %dma_wait3A_391 : memref<1x512xi32, #tpu.memory_space<vmem>> -> memref<512xi32, #tpu.memory_space<vmem>>
      %dma_wait3A_393 = arith.constant 0 : i32
      %dma_wait3A_394 = arith.constant 0 : i32
      %dma_wait3A_395 = tpu.memref_slice %arg2[%add3A_149, %dma_wait3A_393, %dma_wait3A_394] : memref<8x100096x16xf32, #tpu.memory_space<hbm>> -> memref<1x100096x16xf32, #tpu.memory_space<hbm>>
      %dma_wait3A_396 = tpu.memref_squeeze %dma_wait3A_395 : memref<1x100096x16xf32, #tpu.memory_space<hbm>> -> memref<100096x16xf32, #tpu.memory_space<hbm>>
      %dma_wait3A_397 = arith.constant 0 : i32
      %dma_wait3A_398 = arith.constant 0 : i32
      %dma_wait3A_399 = tpu.memref_slice %dma_wait3A_396[%dma_wait3A_397, %dma_wait3A_398] : memref<100096x16xf32, #tpu.memory_space<hbm>> -> memref<100096x16xf32, #tpu.memory_space<hbm>>
      tpu.wait_indirect_dma semaphore(%arg13 : memref<!tpu.dma_semaphore, #tpu.memory_space<semaphore_mem>>) src(%dma_wait3A_399 : memref<100096x16xf32, #tpu.memory_space<hbm>>) dst(%dma_wait3A_389 : memref<512x16xf32, #tpu.memory_space<vmem>>)
      %run_scoped3A_400 = arith.constant 0 : i32
      %run_scoped3A_401 = arith.constant 0 : i32
      "tpu.region"() ({
        %run_scoped3A_413 = tpu.sem_alloc : memref<!tpu.dma_semaphore, #tpu.memory_space<semaphore_mem>>
        %dma_start3A_414 = arith.constant 0 : i32
        %dma_start3A_415 = arith.constant 0 : i32
        %dma_start3A_416 = tpu.memref_slice %arg11[%run_scoped3A_400, %dma_start3A_414, %dma_start3A_415] : memref<1x512x16xf32, #tpu.memory_space<vmem>> -> memref<1x512x16xf32, #tpu.memory_space<vmem>>
        %dma_start3A_417 = tpu.memref_squeeze %dma_start3A_416 : memref<1x512x16xf32, #tpu.memory_space<vmem>> -> memref<512x16xf32, #tpu.memory_space<vmem>>
        %dma_start3A_418 = arith.constant 0 : i32
        %dma_start3A_419 = tpu.memref_slice %arg9[%run_scoped3A_401, %dma_start3A_418] : memref<1x512xi32, #tpu.memory_space<vmem>> -> memref<1x512xi32, #tpu.memory_space<vmem>>
        %dma_start3A_420 = tpu.memref_squeeze %dma_start3A_419 : memref<1x512xi32, #tpu.memory_space<vmem>> -> memref<512xi32, #tpu.memory_space<vmem>>
        %dma_start3A_421 = arith.constant 0 : i32
        %dma_start3A_422 = arith.constant 0 : i32
        %dma_start3A_423 = tpu.memref_slice %arg16[%dma_start3A_421, %dma_start3A_422] : memref<100096x16xf32, #tpu.memory_space<vmem_shared>> -> memref<100096x16xf32, #tpu.memory_space<vmem_shared>>
        tpu.enqueue_indirect_dma source(%dma_start3A_417 : memref<512x16xf32, #tpu.memory_space<vmem>>) target(%dma_start3A_423 : memref<100096x16xf32, #tpu.memory_space<vmem_shared>>) offsets(%dma_start3A_420 : memref<512xi32, #tpu.memory_space<vmem>>) semaphore(%run_scoped3A_413 : memref<!tpu.dma_semaphore, #tpu.memory_space<semaphore_mem>>) {add = true}
        %dma_wait3A_424 = arith.constant 0 : i32
        %dma_wait3A_425 = arith.constant 0 : i32
        %dma_wait3A_426 = tpu.memref_slice %arg11[%run_scoped3A_400, %dma_wait3A_424, %dma_wait3A_425] : memref<1x512x16xf32, #tpu.memory_space<vmem>> -> memref<1x512x16xf32, #tpu.memory_space<vmem>>
        %dma_wait3A_427 = tpu.memref_squeeze %dma_wait3A_426 : memref<1x512x16xf32, #tpu.memory_space<vmem>> -> memref<512x16xf32, #tpu.memory_space<vmem>>
        %dma_wait3A_428 = arith.constant 0 : i32
        %dma_wait3A_429 = tpu.memref_slice %arg9[%run_scoped3A_401, %dma_wait3A_428] : memref<1x512xi32, #tpu.memory_space<vmem>> -> memref<1x512xi32, #tpu.memory_space<vmem>>
        %dma_wait3A_430 = tpu.memref_squeeze %dma_wait3A_429 : memref<1x512xi32, #tpu.memory_space<vmem>> -> memref<512xi32, #tpu.memory_space<vmem>>
        %dma_wait3A_431 = arith.constant 0 : i32
        %dma_wait3A_432 = arith.constant 0 : i32
        %dma_wait3A_433 = tpu.memref_slice %arg16[%dma_wait3A_431, %dma_wait3A_432] : memref<100096x16xf32, #tpu.memory_space<vmem_shared>> -> memref<100096x16xf32, #tpu.memory_space<vmem_shared>>
        tpu.wait_indirect_dma semaphore(%run_scoped3A_413 : memref<!tpu.dma_semaphore, #tpu.memory_space<semaphore_mem>>) src(%dma_wait3A_427 : memref<512x16xf32, #tpu.memory_space<vmem>>) dst(%dma_wait3A_433 : memref<100096x16xf32, #tpu.memory_space<vmem_shared>>)
        tpu.yield
      }) : () -> ()
      %mul3A_402 = arith.constant 1 : i32
      %mul3A_403 = arith.muli %min3A_307, %mul3A_402 : i32
      %add3A_404 = arith.addi %mul3A_0, %mul3A_403 : i32
      %dma_start3A_405 = arith.constant 0 : i32
      %dma_start3A_406 = tpu.memref_slice %arg3[%add3A_404, %dma_start3A_405] : memref<3136x512xi32, #tpu.memory_space<hbm>> -> memref<1x512xi32, #tpu.memory_space<hbm>>
      %dma_start3A_407 = arith.constant 0 : i32
      %dma_start3A_408 = tpu.memref_slice %arg3[%add3A_404, %dma_start3A_407] : memref<3136x512xi32, #tpu.memory_space<hbm>> -> memref<1x512xi32, #tpu.memory_space<hbm>>
      tpu.enqueue_dma source(%dma_start3A_408 : memref<1x512xi32, #tpu.memory_space<hbm>>) target(%arg8 : memref<1x512xi32, #tpu.memory_space<vmem>>) target_semaphore(%arg15 : memref<!tpu.dma_semaphore, #tpu.memory_space<semaphore_mem>>)
      %dma_start3A_409 = arith.constant 0 : i32
      %dma_start3A_410 = tpu.memref_slice %arg4[%add3A_404, %dma_start3A_409] : memref<3136x512xi32, #tpu.memory_space<hbm>> -> memref<1x512xi32, #tpu.memory_space<hbm>>
      %dma_start3A_411 = arith.constant 0 : i32
      %dma_start3A_412 = tpu.memref_slice %arg4[%add3A_404, %dma_start3A_411] : memref<3136x512xi32, #tpu.memory_space<hbm>> -> memref<1x512xi32, #tpu.memory_space<hbm>>
      tpu.enqueue_dma source(%dma_start3A_412 : memref<1x512xi32, #tpu.memory_space<hbm>>) target(%arg9 : memref<1x512xi32, #tpu.memory_space<vmem>>) target_semaphore(%arg15 : memref<!tpu.dma_semaphore, #tpu.memory_space<semaphore_mem>>)
    }
    %scan3A_187 = arith.constant 98 : i32
    %dma_wait3A_188 = arith.constant 0 : i32
    %dma_wait3A_189 = arith.constant 0 : i32
    %dma_wait3A_190 = arith.constant 0 : i32
    %dma_wait3A_191 = arith.constant 0 : i32
    %dma_wait3A_192 = tpu.memref_slice %arg10[%dma_wait3A_189, %dma_wait3A_190, %dma_wait3A_191] : memref<1x512x16xf32, #tpu.memory_space<vmem>> -> memref<1x512x16xf32, #tpu.memory_space<vmem>>
    %dma_wait3A_193 = tpu.memref_squeeze %dma_wait3A_192 : memref<1x512x16xf32, #tpu.memory_space<vmem>> -> memref<512x16xf32, #tpu.memory_space<vmem>>
    %dma_wait3A_194 = arith.constant 0 : i32
    %dma_wait3A_195 = tpu.memref_slice %arg6[%dma_wait3A_188, %dma_wait3A_194] : memref<1x512xi32, #tpu.memory_space<vmem>> -> memref<1x512xi32, #tpu.memory_space<vmem>>
    %dma_wait3A_196 = tpu.memref_squeeze %dma_wait3A_195 : memref<1x512xi32, #tpu.memory_space<vmem>> -> memref<512xi32, #tpu.memory_space<vmem>>
    %dma_wait3A_197 = arith.constant 0 : i32
    %dma_wait3A_198 = arith.constant 0 : i32
    %dma_wait3A_199 = tpu.memref_slice %arg2[%add3A_149, %dma_wait3A_197, %dma_wait3A_198] : memref<8x100096x16xf32, #tpu.memory_space<hbm>> -> memref<1x100096x16xf32, #tpu.memory_space<hbm>>
    %dma_wait3A_200 = tpu.memref_squeeze %dma_wait3A_199 : memref<1x100096x16xf32, #tpu.memory_space<hbm>> -> memref<100096x16xf32, #tpu.memory_space<hbm>>
    %dma_wait3A_201 = arith.constant 0 : i32
    %dma_wait3A_202 = arith.constant 0 : i32
    %dma_wait3A_203 = tpu.memref_slice %dma_wait3A_200[%dma_wait3A_201, %dma_wait3A_202] : memref<100096x16xf32, #tpu.memory_space<hbm>> -> memref<100096x16xf32, #tpu.memory_space<hbm>>
    tpu.wait_indirect_dma semaphore(%arg12 : memref<!tpu.dma_semaphore, #tpu.memory_space<semaphore_mem>>) src(%dma_wait3A_203 : memref<100096x16xf32, #tpu.memory_space<hbm>>) dst(%dma_wait3A_193 : memref<512x16xf32, #tpu.memory_space<vmem>>)
    %dma_wait3A_204 = arith.constant 0 : i32
    %dma_wait3A_205 = tpu.memref_slice %arg3[%mul3A_0, %dma_wait3A_204] : memref<3136x512xi32, #tpu.memory_space<hbm>> -> memref<1x512xi32, #tpu.memory_space<hbm>>
    %dma_wait3A_206 = arith.constant 0 : i32
    %dma_wait3A_207 = tpu.memref_slice %arg3[%mul3A_0, %dma_wait3A_206] : memref<3136x512xi32, #tpu.memory_space<hbm>> -> memref<1x512xi32, #tpu.memory_space<hbm>>
    tpu.wait_dma2 semaphore(%arg15 : memref<!tpu.dma_semaphore, #tpu.memory_space<semaphore_mem>>) src(%dma_wait3A_207 : memref<1x512xi32, #tpu.memory_space<hbm>>) dst(%arg8 : memref<1x512xi32, #tpu.memory_space<vmem>>)
    %dma_wait3A_208 = arith.constant 0 : i32
    %dma_wait3A_209 = tpu.memref_slice %arg4[%mul3A_0, %dma_wait3A_208] : memref<3136x512xi32, #tpu.memory_space<hbm>> -> memref<1x512xi32, #tpu.memory_space<hbm>>
    %dma_wait3A_210 = arith.constant 0 : i32
    %dma_wait3A_211 = tpu.memref_slice %arg4[%mul3A_0, %dma_wait3A_210] : memref<3136x512xi32, #tpu.memory_space<hbm>> -> memref<1x512xi32, #tpu.memory_space<hbm>>
    tpu.wait_dma2 semaphore(%arg15 : memref<!tpu.dma_semaphore, #tpu.memory_space<semaphore_mem>>) src(%dma_wait3A_211 : memref<1x512xi32, #tpu.memory_space<hbm>>) dst(%arg9 : memref<1x512xi32, #tpu.memory_space<vmem>>)
    %barrier3A_212 = arith.constant 0 : index
    tpu.barrier barrier_id(%barrier3A_212)
    %mul3A_213 = arith.constant 100096 : i32
    %mul3A_214 = arith.muli %add3A_149, %mul3A_213 : i32
    %mul3A_215 = arith.constant 6256 : i32
    %mul3A_216 = arith.muli %arg1, %mul3A_215 : i32
    %add3A_217 = arith.addi %mul3A_214, %mul3A_216 : i32
    %mul3A_218 = arith.constant 6256 : i32
    %mul3A_219 = arith.muli %arg1, %mul3A_218 : i32
    "tpu.region"() ({
      %run_scoped3A = tpu.sem_alloc : memref<!tpu.dma_semaphore, #tpu.memory_space<semaphore_mem>>
      %dma_start3A_296 = arith.constant 0 : i32
      %dma_start3A_297 = tpu.memref_slice %arg5[%add3A_217, %dma_start3A_296] : memref<800768x16xf32, #tpu.memory_space<hbm>> -> memref<6256x16xf32, #tpu.memory_space<hbm>>
      %dma_start3A_298 = arith.constant 0 : i32
      %dma_start3A_299 = tpu.memref_slice %arg16[%mul3A_219, %dma_start3A_298] : memref<100096x16xf32, #tpu.memory_space<vmem_shared>> -> memref<6256x16xf32, #tpu.memory_space<vmem_shared>>
      tpu.enqueue_dma source(%dma_start3A_299 : memref<6256x16xf32, #tpu.memory_space<vmem_shared>>) target(%dma_start3A_297 : memref<6256x16xf32, #tpu.memory_space<hbm>>) target_semaphore(%run_scoped3A : memref<!tpu.dma_semaphore, #tpu.memory_space<semaphore_mem>>)
      %dma_wait3A_300 = arith.constant 0 : i32
      %dma_wait3A_301 = tpu.memref_slice %arg5[%add3A_217, %dma_wait3A_300] : memref<800768x16xf32, #tpu.memory_space<hbm>> -> memref<6256x16xf32, #tpu.memory_space<hbm>>
      %dma_wait3A_302 = arith.constant 0 : i32
      %dma_wait3A_303 = tpu.memref_slice %arg16[%mul3A_219, %dma_wait3A_302] : memref<100096x16xf32, #tpu.memory_space<vmem_shared>> -> memref<6256x16xf32, #tpu.memory_space<vmem_shared>>
      tpu.wait_dma2 semaphore(%run_scoped3A : memref<!tpu.dma_semaphore, #tpu.memory_space<semaphore_mem>>) src(%dma_wait3A_303 : memref<6256x16xf32, #tpu.memory_space<vmem_shared>>) dst(%dma_wait3A_301 : memref<6256x16xf32, #tpu.memory_space<hbm>>)
      tpu.yield
    }) : () -> ()
    %barrier3A_220 = arith.constant 0 : index
    tpu.barrier barrier_id(%barrier3A_220)
    %mul3A_221 = arith.constant 4 : i32
    %mul3A_222 = arith.muli %arg0, %mul3A_221 : i32
    %add3A_223 = arith.constant 3 : i32
    %add3A_224 = arith.addi %mul3A_222, %add3A_223 : i32
    %mul3A_225 = arith.constant 6256 : i32
    %mul3A_226 = arith.muli %arg1, %mul3A_225 : i32
    %mul3A_227 = arith.constant 6256 : i32
    %mul3A_228 = arith.muli %arg1, %mul3A_227 : i32
    "tpu.region"() ({
      %run_scoped3A = tpu.sem_alloc : memref<!tpu.dma_semaphore, #tpu.memory_space<semaphore_mem>>
      %dma_start3A_296 = arith.constant 0 : i32
      %dma_start3A_297 = tpu.memref_slice %arg16[%mul3A_228, %dma_start3A_296] : memref<100096x16xf32, #tpu.memory_space<vmem_shared>> -> memref<6256x16xf32, #tpu.memory_space<vmem_shared>>
      %dma_start3A_298 = arith.constant 0 : i32
      %dma_start3A_299 = arith.constant 0 : i32
      %dma_start3A_300 = tpu.memref_slice %arg2[%add3A_224, %dma_start3A_298, %dma_start3A_299] : memref<8x100096x16xf32, #tpu.memory_space<hbm>> -> memref<1x100096x16xf32, #tpu.memory_space<hbm>>
      %dma_start3A_301 = tpu.memref_squeeze %dma_start3A_300 : memref<1x100096x16xf32, #tpu.memory_space<hbm>> -> memref<100096x16xf32, #tpu.memory_space<hbm>>
      %dma_start3A_302 = arith.constant 0 : i32
      %dma_start3A_303 = tpu.memref_slice %dma_start3A_301[%mul3A_226, %dma_start3A_302] : memref<100096x16xf32, #tpu.memory_space<hbm>> -> memref<6256x16xf32, #tpu.memory_space<hbm>>
      tpu.enqueue_dma source(%dma_start3A_303 : memref<6256x16xf32, #tpu.memory_space<hbm>>) target(%dma_start3A_297 : memref<6256x16xf32, #tpu.memory_space<vmem_shared>>) target_semaphore(%run_scoped3A : memref<!tpu.dma_semaphore, #tpu.memory_space<semaphore_mem>>)
      %dma_wait3A_304 = arith.constant 0 : i32
      %dma_wait3A_305 = tpu.memref_slice %arg16[%mul3A_228, %dma_wait3A_304] : memref<100096x16xf32, #tpu.memory_space<vmem_shared>> -> memref<6256x16xf32, #tpu.memory_space<vmem_shared>>
      %dma_wait3A_306 = arith.constant 0 : i32
      %dma_wait3A_307 = arith.constant 0 : i32
      %dma_wait3A_308 = tpu.memref_slice %arg2[%add3A_224, %dma_wait3A_306, %dma_wait3A_307] : memref<8x100096x16xf32, #tpu.memory_space<hbm>> -> memref<1x100096x16xf32, #tpu.memory_space<hbm>>
      %dma_wait3A_309 = tpu.memref_squeeze %dma_wait3A_308 : memref<1x100096x16xf32, #tpu.memory_space<hbm>> -> memref<100096x16xf32, #tpu.memory_space<hbm>>
      %dma_wait3A_310 = arith.constant 0 : i32
      %dma_wait3A_311 = tpu.memref_slice %dma_wait3A_309[%mul3A_226, %dma_wait3A_310] : memref<100096x16xf32, #tpu.memory_space<hbm>> -> memref<6256x16xf32, #tpu.memory_space<hbm>>
      tpu.wait_dma2 semaphore(%run_scoped3A : memref<!tpu.dma_semaphore, #tpu.memory_space<semaphore_mem>>) src(%dma_wait3A_311 : memref<6256x16xf32, #tpu.memory_space<hbm>>) dst(%dma_wait3A_305 : memref<6256x16xf32, #tpu.memory_space<vmem_shared>>)
      tpu.yield
    }) : () -> ()
    %barrier3A_229 = arith.constant 0 : index
    tpu.barrier barrier_id(%barrier3A_229)
    "tpu.region"() ({
      %run_scoped3A = tpu.sem_alloc : memref<!tpu.dma_semaphore, #tpu.memory_space<semaphore_mem>>
      %dma_start3A_296 = arith.constant 0 : i32
      %dma_start3A_297 = tpu.memref_slice %arg3[%mul3A_0, %dma_start3A_296] : memref<3136x512xi32, #tpu.memory_space<hbm>> -> memref<1x512xi32, #tpu.memory_space<hbm>>
      %dma_start3A_298 = arith.constant 0 : i32
      %dma_start3A_299 = tpu.memref_slice %arg3[%mul3A_0, %dma_start3A_298] : memref<3136x512xi32, #tpu.memory_space<hbm>> -> memref<1x512xi32, #tpu.memory_space<hbm>>
      tpu.enqueue_dma source(%dma_start3A_299 : memref<1x512xi32, #tpu.memory_space<hbm>>) target(%arg6 : memref<1x512xi32, #tpu.memory_space<vmem>>) target_semaphore(%run_scoped3A : memref<!tpu.dma_semaphore, #tpu.memory_space<semaphore_mem>>)
      %dma_wait3A_300 = arith.constant 0 : i32
      %dma_wait3A_301 = tpu.memref_slice %arg3[%mul3A_0, %dma_wait3A_300] : memref<3136x512xi32, #tpu.memory_space<hbm>> -> memref<1x512xi32, #tpu.memory_space<hbm>>
      %dma_wait3A_302 = arith.constant 0 : i32
      %dma_wait3A_303 = tpu.memref_slice %arg3[%mul3A_0, %dma_wait3A_302] : memref<3136x512xi32, #tpu.memory_space<hbm>> -> memref<1x512xi32, #tpu.memory_space<hbm>>
      tpu.wait_dma2 semaphore(%run_scoped3A : memref<!tpu.dma_semaphore, #tpu.memory_space<semaphore_mem>>) src(%dma_wait3A_303 : memref<1x512xi32, #tpu.memory_space<hbm>>) dst(%arg6 : memref<1x512xi32, #tpu.memory_space<vmem>>)
      tpu.yield
    }) : () -> ()
    "tpu.region"() ({
      %run_scoped3A = tpu.sem_alloc : memref<!tpu.dma_semaphore, #tpu.memory_space<semaphore_mem>>
      %dma_start3A_296 = arith.constant 0 : i32
      %dma_start3A_297 = tpu.memref_slice %arg4[%mul3A_0, %dma_start3A_296] : memref<3136x512xi32, #tpu.memory_space<hbm>> -> memref<1x512xi32, #tpu.memory_space<hbm>>
      %dma_start3A_298 = arith.constant 0 : i32
      %dma_start3A_299 = tpu.memref_slice %arg4[%mul3A_0, %dma_start3A_298] : memref<3136x512xi32, #tpu.memory_space<hbm>> -> memref<1x512xi32, #tpu.memory_space<hbm>>
      tpu.enqueue_dma source(%dma_start3A_299 : memref<1x512xi32, #tpu.memory_space<hbm>>) target(%arg7 : memref<1x512xi32, #tpu.memory_space<vmem>>) target_semaphore(%run_scoped3A : memref<!tpu.dma_semaphore, #tpu.memory_space<semaphore_mem>>)
      %dma_wait3A_300 = arith.constant 0 : i32
      %dma_wait3A_301 = tpu.memref_slice %arg4[%mul3A_0, %dma_wait3A_300] : memref<3136x512xi32, #tpu.memory_space<hbm>> -> memref<1x512xi32, #tpu.memory_space<hbm>>
      %dma_wait3A_302 = arith.constant 0 : i32
      %dma_wait3A_303 = tpu.memref_slice %arg4[%mul3A_0, %dma_wait3A_302] : memref<3136x512xi32, #tpu.memory_space<hbm>> -> memref<1x512xi32, #tpu.memory_space<hbm>>
      tpu.wait_dma2 semaphore(%run_scoped3A : memref<!tpu.dma_semaphore, #tpu.memory_space<semaphore_mem>>) src(%dma_wait3A_303 : memref<1x512xi32, #tpu.memory_space<hbm>>) dst(%arg7 : memref<1x512xi32, #tpu.memory_space<vmem>>)
      tpu.yield
    }) : () -> ()
    %dma_start3A_230 = arith.constant 0 : i32
    %dma_start3A_231 = arith.constant 0 : i32
    %dma_start3A_232 = arith.constant 0 : i32
    %dma_start3A_233 = arith.constant 0 : i32
    %dma_start3A_234 = tpu.memref_slice %arg10[%dma_start3A_231, %dma_start3A_232, %dma_start3A_233] : memref<1x512x16xf32, #tpu.memory_space<vmem>> -> memref<1x512x16xf32, #tpu.memory_space<vmem>>
    %dma_start3A_235 = tpu.memref_squeeze %dma_start3A_234 : memref<1x512x16xf32, #tpu.memory_space<vmem>> -> memref<512x16xf32, #tpu.memory_space<vmem>>
    %dma_start3A_236 = arith.constant 0 : i32
    %dma_start3A_237 = tpu.memref_slice %arg6[%dma_start3A_230, %dma_start3A_236] : memref<1x512xi32, #tpu.memory_space<vmem>> -> memref<1x512xi32, #tpu.memory_space<vmem>>
    %dma_start3A_238 = tpu.memref_squeeze %dma_start3A_237 : memref<1x512xi32, #tpu.memory_space<vmem>> -> memref<512xi32, #tpu.memory_space<vmem>>
    %dma_start3A_239 = arith.constant 0 : i32
    %dma_start3A_240 = arith.constant 0 : i32
    %dma_start3A_241 = tpu.memref_slice %arg2[%add3A_224, %dma_start3A_239, %dma_start3A_240] : memref<8x100096x16xf32, #tpu.memory_space<hbm>> -> memref<1x100096x16xf32, #tpu.memory_space<hbm>>
    %dma_start3A_242 = tpu.memref_squeeze %dma_start3A_241 : memref<1x100096x16xf32, #tpu.memory_space<hbm>> -> memref<100096x16xf32, #tpu.memory_space<hbm>>
    %dma_start3A_243 = arith.constant 0 : i32
    %dma_start3A_244 = arith.constant 0 : i32
    %dma_start3A_245 = tpu.memref_slice %dma_start3A_242[%dma_start3A_243, %dma_start3A_244] : memref<100096x16xf32, #tpu.memory_space<hbm>> -> memref<100096x16xf32, #tpu.memory_space<hbm>>
    tpu.enqueue_indirect_dma source(%dma_start3A_245 : memref<100096x16xf32, #tpu.memory_space<hbm>>) target(%dma_start3A_235 : memref<512x16xf32, #tpu.memory_space<vmem>>) offsets(%dma_start3A_238 : memref<512xi32, #tpu.memory_space<vmem>>) semaphore(%arg12 : memref<!tpu.dma_semaphore, #tpu.memory_space<semaphore_mem>>)
    %mul3A_246 = arith.constant 1 : i32
    %mul3A_247 = arith.constant 1 : i32
    %mul3A_248 = arith.muli %mul3A_246, %mul3A_247 : i32
    %add3A_249 = arith.addi %mul3A_0, %mul3A_248 : i32
    %dma_start3A_250 = arith.constant 0 : i32
    %dma_start3A_251 = tpu.memref_slice %arg3[%add3A_249, %dma_start3A_250] : memref<3136x512xi32, #tpu.memory_space<hbm>> -> memref<1x512xi32, #tpu.memory_space<hbm>>
    %dma_start3A_252 = arith.constant 0 : i32
    %dma_start3A_253 = tpu.memref_slice %arg3[%add3A_249, %dma_start3A_252] : memref<3136x512xi32, #tpu.memory_space<hbm>> -> memref<1x512xi32, #tpu.memory_space<hbm>>
    tpu.enqueue_dma source(%dma_start3A_253 : memref<1x512xi32, #tpu.memory_space<hbm>>) target(%arg8 : memref<1x512xi32, #tpu.memory_space<vmem>>) target_semaphore(%arg15 : memref<!tpu.dma_semaphore, #tpu.memory_space<semaphore_mem>>)
    %dma_start3A_254 = arith.constant 0 : i32
    %dma_start3A_255 = tpu.memref_slice %arg4[%add3A_249, %dma_start3A_254] : memref<3136x512xi32, #tpu.memory_space<hbm>> -> memref<1x512xi32, #tpu.memory_space<hbm>>
    %dma_start3A_256 = arith.constant 0 : i32
    %dma_start3A_257 = tpu.memref_slice %arg4[%add3A_249, %dma_start3A_256] : memref<3136x512xi32, #tpu.memory_space<hbm>> -> memref<1x512xi32, #tpu.memory_space<hbm>>
    tpu.enqueue_dma source(%dma_start3A_257 : memref<1x512xi32, #tpu.memory_space<hbm>>) target(%arg9 : memref<1x512xi32, #tpu.memory_space<vmem>>) target_semaphore(%arg15 : memref<!tpu.dma_semaphore, #tpu.memory_space<semaphore_mem>>)
    %scan3A_258 = arith.constant 0 : i32
    %scan3A_259 = arith.constant 98 : i32
    %scan3A_260 = arith.addi %scan3A_258, %scan3A_259 : i32
    %scan3A_261 = arith.constant 1 : i32
    scf.for %scan3A_296 = %scan3A_258 to %scan3A_260 step %scan3A_261  : i32 {
      %mul3A_297 = arith.constant 2 : i32
      %mul3A_298 = arith.muli %mul3A_297, %scan3A_296 : i32
      %add3A_299 = arith.constant 2 : i32
      %add3A_300 = arith.addi %mul3A_298, %add3A_299 : i32
      %min3A = arith.constant 195 : i32
      %min3A_301 = arith.minsi %add3A_300, %min3A : i32
      %mul3A_302 = arith.constant 2 : i32
      %mul3A_303 = arith.muli %mul3A_302, %scan3A_296 : i32
      %add3A_304 = arith.constant 3 : i32
      %add3A_305 = arith.addi %mul3A_303, %add3A_304 : i32
      %min3A_306 = arith.constant 195 : i32
      %min3A_307 = arith.minsi %add3A_305, %min3A_306 : i32
      %dma_wait3A_308 = arith.constant 0 : i32
      %dma_wait3A_309 = tpu.memref_slice %arg3[%mul3A_0, %dma_wait3A_308] : memref<3136x512xi32, #tpu.memory_space<hbm>> -> memref<1x512xi32, #tpu.memory_space<hbm>>
      %dma_wait3A_310 = arith.constant 0 : i32
      %dma_wait3A_311 = tpu.memref_slice %arg3[%mul3A_0, %dma_wait3A_310] : memref<3136x512xi32, #tpu.memory_space<hbm>> -> memref<1x512xi32, #tpu.memory_space<hbm>>
      tpu.wait_dma2 semaphore(%arg15 : memref<!tpu.dma_semaphore, #tpu.memory_space<semaphore_mem>>) src(%dma_wait3A_311 : memref<1x512xi32, #tpu.memory_space<hbm>>) dst(%arg8 : memref<1x512xi32, #tpu.memory_space<vmem>>)
      %dma_wait3A_312 = arith.constant 0 : i32
      %dma_wait3A_313 = tpu.memref_slice %arg4[%mul3A_0, %dma_wait3A_312] : memref<3136x512xi32, #tpu.memory_space<hbm>> -> memref<1x512xi32, #tpu.memory_space<hbm>>
      %dma_wait3A_314 = arith.constant 0 : i32
      %dma_wait3A_315 = tpu.memref_slice %arg4[%mul3A_0, %dma_wait3A_314] : memref<3136x512xi32, #tpu.memory_space<hbm>> -> memref<1x512xi32, #tpu.memory_space<hbm>>
      tpu.wait_dma2 semaphore(%arg15 : memref<!tpu.dma_semaphore, #tpu.memory_space<semaphore_mem>>) src(%dma_wait3A_315 : memref<1x512xi32, #tpu.memory_space<hbm>>) dst(%arg9 : memref<1x512xi32, #tpu.memory_space<vmem>>)
      %dma_start3A_316 = arith.constant 0 : i32
      %dma_start3A_317 = arith.constant 0 : i32
      %dma_start3A_318 = arith.constant 0 : i32
      %dma_start3A_319 = arith.constant 0 : i32
      %dma_start3A_320 = tpu.memref_slice %arg11[%dma_start3A_317, %dma_start3A_318, %dma_start3A_319] : memref<1x512x16xf32, #tpu.memory_space<vmem>> -> memref<1x512x16xf32, #tpu.memory_space<vmem>>
      %dma_start3A_321 = tpu.memref_squeeze %dma_start3A_320 : memref<1x512x16xf32, #tpu.memory_space<vmem>> -> memref<512x16xf32, #tpu.memory_space<vmem>>
      %dma_start3A_322 = arith.constant 0 : i32
      %dma_start3A_323 = tpu.memref_slice %arg8[%dma_start3A_316, %dma_start3A_322] : memref<1x512xi32, #tpu.memory_space<vmem>> -> memref<1x512xi32, #tpu.memory_space<vmem>>
      %dma_start3A_324 = tpu.memref_squeeze %dma_start3A_323 : memref<1x512xi32, #tpu.memory_space<vmem>> -> memref<512xi32, #tpu.memory_space<vmem>>
      %dma_start3A_325 = arith.constant 0 : i32
      %dma_start3A_326 = arith.constant 0 : i32
      %dma_start3A_327 = tpu.memref_slice %arg2[%add3A_224, %dma_start3A_325, %dma_start3A_326] : memref<8x100096x16xf32, #tpu.memory_space<hbm>> -> memref<1x100096x16xf32, #tpu.memory_space<hbm>>
      %dma_start3A_328 = tpu.memref_squeeze %dma_start3A_327 : memref<1x100096x16xf32, #tpu.memory_space<hbm>> -> memref<100096x16xf32, #tpu.memory_space<hbm>>
      %dma_start3A_329 = arith.constant 0 : i32
      %dma_start3A_330 = arith.constant 0 : i32
      %dma_start3A_331 = tpu.memref_slice %dma_start3A_328[%dma_start3A_329, %dma_start3A_330] : memref<100096x16xf32, #tpu.memory_space<hbm>> -> memref<100096x16xf32, #tpu.memory_space<hbm>>
      tpu.enqueue_indirect_dma source(%dma_start3A_331 : memref<100096x16xf32, #tpu.memory_space<hbm>>) target(%dma_start3A_321 : memref<512x16xf32, #tpu.memory_space<vmem>>) offsets(%dma_start3A_324 : memref<512xi32, #tpu.memory_space<vmem>>) semaphore(%arg13 : memref<!tpu.dma_semaphore, #tpu.memory_space<semaphore_mem>>)
      %dma_wait3A_332 = arith.constant 0 : i32
      %dma_wait3A_333 = arith.constant 0 : i32
      %dma_wait3A_334 = arith.constant 0 : i32
      %dma_wait3A_335 = arith.constant 0 : i32
      %dma_wait3A_336 = tpu.memref_slice %arg10[%dma_wait3A_333, %dma_wait3A_334, %dma_wait3A_335] : memref<1x512x16xf32, #tpu.memory_space<vmem>> -> memref<1x512x16xf32, #tpu.memory_space<vmem>>
      %dma_wait3A_337 = tpu.memref_squeeze %dma_wait3A_336 : memref<1x512x16xf32, #tpu.memory_space<vmem>> -> memref<512x16xf32, #tpu.memory_space<vmem>>
      %dma_wait3A_338 = arith.constant 0 : i32
      %dma_wait3A_339 = tpu.memref_slice %arg6[%dma_wait3A_332, %dma_wait3A_338] : memref<1x512xi32, #tpu.memory_space<vmem>> -> memref<1x512xi32, #tpu.memory_space<vmem>>
      %dma_wait3A_340 = tpu.memref_squeeze %dma_wait3A_339 : memref<1x512xi32, #tpu.memory_space<vmem>> -> memref<512xi32, #tpu.memory_space<vmem>>
      %dma_wait3A_341 = arith.constant 0 : i32
      %dma_wait3A_342 = arith.constant 0 : i32
      %dma_wait3A_343 = tpu.memref_slice %arg2[%add3A_224, %dma_wait3A_341, %dma_wait3A_342] : memref<8x100096x16xf32, #tpu.memory_space<hbm>> -> memref<1x100096x16xf32, #tpu.memory_space<hbm>>
      %dma_wait3A_344 = tpu.memref_squeeze %dma_wait3A_343 : memref<1x100096x16xf32, #tpu.memory_space<hbm>> -> memref<100096x16xf32, #tpu.memory_space<hbm>>
      %dma_wait3A_345 = arith.constant 0 : i32
      %dma_wait3A_346 = arith.constant 0 : i32
      %dma_wait3A_347 = tpu.memref_slice %dma_wait3A_344[%dma_wait3A_345, %dma_wait3A_346] : memref<100096x16xf32, #tpu.memory_space<hbm>> -> memref<100096x16xf32, #tpu.memory_space<hbm>>
      tpu.wait_indirect_dma semaphore(%arg12 : memref<!tpu.dma_semaphore, #tpu.memory_space<semaphore_mem>>) src(%dma_wait3A_347 : memref<100096x16xf32, #tpu.memory_space<hbm>>) dst(%dma_wait3A_337 : memref<512x16xf32, #tpu.memory_space<vmem>>)
      %run_scoped3A = arith.constant 0 : i32
      %run_scoped3A_348 = arith.constant 0 : i32
      "tpu.region"() ({
        %run_scoped3A_413 = tpu.sem_alloc : memref<!tpu.dma_semaphore, #tpu.memory_space<semaphore_mem>>
        %dma_start3A_414 = arith.constant 0 : i32
        %dma_start3A_415 = arith.constant 0 : i32
        %dma_start3A_416 = tpu.memref_slice %arg10[%run_scoped3A, %dma_start3A_414, %dma_start3A_415] : memref<1x512x16xf32, #tpu.memory_space<vmem>> -> memref<1x512x16xf32, #tpu.memory_space<vmem>>
        %dma_start3A_417 = tpu.memref_squeeze %dma_start3A_416 : memref<1x512x16xf32, #tpu.memory_space<vmem>> -> memref<512x16xf32, #tpu.memory_space<vmem>>
        %dma_start3A_418 = arith.constant 0 : i32
        %dma_start3A_419 = tpu.memref_slice %arg7[%run_scoped3A_348, %dma_start3A_418] : memref<1x512xi32, #tpu.memory_space<vmem>> -> memref<1x512xi32, #tpu.memory_space<vmem>>
        %dma_start3A_420 = tpu.memref_squeeze %dma_start3A_419 : memref<1x512xi32, #tpu.memory_space<vmem>> -> memref<512xi32, #tpu.memory_space<vmem>>
        %dma_start3A_421 = arith.constant 0 : i32
        %dma_start3A_422 = arith.constant 0 : i32
        %dma_start3A_423 = tpu.memref_slice %arg16[%dma_start3A_421, %dma_start3A_422] : memref<100096x16xf32, #tpu.memory_space<vmem_shared>> -> memref<100096x16xf32, #tpu.memory_space<vmem_shared>>
        tpu.enqueue_indirect_dma source(%dma_start3A_417 : memref<512x16xf32, #tpu.memory_space<vmem>>) target(%dma_start3A_423 : memref<100096x16xf32, #tpu.memory_space<vmem_shared>>) offsets(%dma_start3A_420 : memref<512xi32, #tpu.memory_space<vmem>>) semaphore(%run_scoped3A_413 : memref<!tpu.dma_semaphore, #tpu.memory_space<semaphore_mem>>) {add = true}
        %dma_wait3A_424 = arith.constant 0 : i32
        %dma_wait3A_425 = arith.constant 0 : i32
        %dma_wait3A_426 = tpu.memref_slice %arg10[%run_scoped3A, %dma_wait3A_424, %dma_wait3A_425] : memref<1x512x16xf32, #tpu.memory_space<vmem>> -> memref<1x512x16xf32, #tpu.memory_space<vmem>>
        %dma_wait3A_427 = tpu.memref_squeeze %dma_wait3A_426 : memref<1x512x16xf32, #tpu.memory_space<vmem>> -> memref<512x16xf32, #tpu.memory_space<vmem>>
        %dma_wait3A_428 = arith.constant 0 : i32
        %dma_wait3A_429 = tpu.memref_slice %arg7[%run_scoped3A_348, %dma_wait3A_428] : memref<1x512xi32, #tpu.memory_space<vmem>> -> memref<1x512xi32, #tpu.memory_space<vmem>>
        %dma_wait3A_430 = tpu.memref_squeeze %dma_wait3A_429 : memref<1x512xi32, #tpu.memory_space<vmem>> -> memref<512xi32, #tpu.memory_space<vmem>>
        %dma_wait3A_431 = arith.constant 0 : i32
        %dma_wait3A_432 = arith.constant 0 : i32
        %dma_wait3A_433 = tpu.memref_slice %arg16[%dma_wait3A_431, %dma_wait3A_432] : memref<100096x16xf32, #tpu.memory_space<vmem_shared>> -> memref<100096x16xf32, #tpu.memory_space<vmem_shared>>
        tpu.wait_indirect_dma semaphore(%run_scoped3A_413 : memref<!tpu.dma_semaphore, #tpu.memory_space<semaphore_mem>>) src(%dma_wait3A_427 : memref<512x16xf32, #tpu.memory_space<vmem>>) dst(%dma_wait3A_433 : memref<100096x16xf32, #tpu.memory_space<vmem_shared>>)
        tpu.yield
      }) : () -> ()
      %mul3A_349 = arith.constant 1 : i32
      %mul3A_350 = arith.muli %min3A_301, %mul3A_349 : i32
      %add3A_351 = arith.addi %mul3A_0, %mul3A_350 : i32
      %dma_start3A_352 = arith.constant 0 : i32
      %dma_start3A_353 = tpu.memref_slice %arg3[%add3A_351, %dma_start3A_352] : memref<3136x512xi32, #tpu.memory_space<hbm>> -> memref<1x512xi32, #tpu.memory_space<hbm>>
      %dma_start3A_354 = arith.constant 0 : i32
      %dma_start3A_355 = tpu.memref_slice %arg3[%add3A_351, %dma_start3A_354] : memref<3136x512xi32, #tpu.memory_space<hbm>> -> memref<1x512xi32, #tpu.memory_space<hbm>>
      tpu.enqueue_dma source(%dma_start3A_355 : memref<1x512xi32, #tpu.memory_space<hbm>>) target(%arg6 : memref<1x512xi32, #tpu.memory_space<vmem>>) target_semaphore(%arg14 : memref<!tpu.dma_semaphore, #tpu.memory_space<semaphore_mem>>)
      %dma_start3A_356 = arith.constant 0 : i32
      %dma_start3A_357 = tpu.memref_slice %arg4[%add3A_351, %dma_start3A_356] : memref<3136x512xi32, #tpu.memory_space<hbm>> -> memref<1x512xi32, #tpu.memory_space<hbm>>
      %dma_start3A_358 = arith.constant 0 : i32
      %dma_start3A_359 = tpu.memref_slice %arg4[%add3A_351, %dma_start3A_358] : memref<3136x512xi32, #tpu.memory_space<hbm>> -> memref<1x512xi32, #tpu.memory_space<hbm>>
      tpu.enqueue_dma source(%dma_start3A_359 : memref<1x512xi32, #tpu.memory_space<hbm>>) target(%arg7 : memref<1x512xi32, #tpu.memory_space<vmem>>) target_semaphore(%arg14 : memref<!tpu.dma_semaphore, #tpu.memory_space<semaphore_mem>>)
      %dma_wait3A_360 = arith.constant 0 : i32
      %dma_wait3A_361 = tpu.memref_slice %arg3[%mul3A_0, %dma_wait3A_360] : memref<3136x512xi32, #tpu.memory_space<hbm>> -> memref<1x512xi32, #tpu.memory_space<hbm>>
      %dma_wait3A_362 = arith.constant 0 : i32
      %dma_wait3A_363 = tpu.memref_slice %arg3[%mul3A_0, %dma_wait3A_362] : memref<3136x512xi32, #tpu.memory_space<hbm>> -> memref<1x512xi32, #tpu.memory_space<hbm>>
      tpu.wait_dma2 semaphore(%arg14 : memref<!tpu.dma_semaphore, #tpu.memory_space<semaphore_mem>>) src(%dma_wait3A_363 : memref<1x512xi32, #tpu.memory_space<hbm>>) dst(%arg6 : memref<1x512xi32, #tpu.memory_space<vmem>>)
      %dma_wait3A_364 = arith.constant 0 : i32
      %dma_wait3A_365 = tpu.memref_slice %arg4[%mul3A_0, %dma_wait3A_364] : memref<3136x512xi32, #tpu.memory_space<hbm>> -> memref<1x512xi32, #tpu.memory_space<hbm>>
      %dma_wait3A_366 = arith.constant 0 : i32
      %dma_wait3A_367 = tpu.memref_slice %arg4[%mul3A_0, %dma_wait3A_366] : memref<3136x512xi32, #tpu.memory_space<hbm>> -> memref<1x512xi32, #tpu.memory_space<hbm>>
      tpu.wait_dma2 semaphore(%arg14 : memref<!tpu.dma_semaphore, #tpu.memory_space<semaphore_mem>>) src(%dma_wait3A_367 : memref<1x512xi32, #tpu.memory_space<hbm>>) dst(%arg7 : memref<1x512xi32, #tpu.memory_space<vmem>>)
      %dma_start3A_368 = arith.constant 0 : i32
      %dma_start3A_369 = arith.constant 0 : i32
      %dma_start3A_370 = arith.constant 0 : i32
      %dma_start3A_371 = arith.constant 0 : i32
      %dma_start3A_372 = tpu.memref_slice %arg10[%dma_start3A_369, %dma_start3A_370, %dma_start3A_371] : memref<1x512x16xf32, #tpu.memory_space<vmem>> -> memref<1x512x16xf32, #tpu.memory_space<vmem>>
      %dma_start3A_373 = tpu.memref_squeeze %dma_start3A_372 : memref<1x512x16xf32, #tpu.memory_space<vmem>> -> memref<512x16xf32, #tpu.memory_space<vmem>>
      %dma_start3A_374 = arith.constant 0 : i32
      %dma_start3A_375 = tpu.memref_slice %arg6[%dma_start3A_368, %dma_start3A_374] : memref<1x512xi32, #tpu.memory_space<vmem>> -> memref<1x512xi32, #tpu.memory_space<vmem>>
      %dma_start3A_376 = tpu.memref_squeeze %dma_start3A_375 : memref<1x512xi32, #tpu.memory_space<vmem>> -> memref<512xi32, #tpu.memory_space<vmem>>
      %dma_start3A_377 = arith.constant 0 : i32
      %dma_start3A_378 = arith.constant 0 : i32
      %dma_start3A_379 = tpu.memref_slice %arg2[%add3A_224, %dma_start3A_377, %dma_start3A_378] : memref<8x100096x16xf32, #tpu.memory_space<hbm>> -> memref<1x100096x16xf32, #tpu.memory_space<hbm>>
      %dma_start3A_380 = tpu.memref_squeeze %dma_start3A_379 : memref<1x100096x16xf32, #tpu.memory_space<hbm>> -> memref<100096x16xf32, #tpu.memory_space<hbm>>
      %dma_start3A_381 = arith.constant 0 : i32
      %dma_start3A_382 = arith.constant 0 : i32
      %dma_start3A_383 = tpu.memref_slice %dma_start3A_380[%dma_start3A_381, %dma_start3A_382] : memref<100096x16xf32, #tpu.memory_space<hbm>> -> memref<100096x16xf32, #tpu.memory_space<hbm>>
      tpu.enqueue_indirect_dma source(%dma_start3A_383 : memref<100096x16xf32, #tpu.memory_space<hbm>>) target(%dma_start3A_373 : memref<512x16xf32, #tpu.memory_space<vmem>>) offsets(%dma_start3A_376 : memref<512xi32, #tpu.memory_space<vmem>>) semaphore(%arg12 : memref<!tpu.dma_semaphore, #tpu.memory_space<semaphore_mem>>)
      %dma_wait3A_384 = arith.constant 0 : i32
      %dma_wait3A_385 = arith.constant 0 : i32
      %dma_wait3A_386 = arith.constant 0 : i32
      %dma_wait3A_387 = arith.constant 0 : i32
      %dma_wait3A_388 = tpu.memref_slice %arg11[%dma_wait3A_385, %dma_wait3A_386, %dma_wait3A_387] : memref<1x512x16xf32, #tpu.memory_space<vmem>> -> memref<1x512x16xf32, #tpu.memory_space<vmem>>
      %dma_wait3A_389 = tpu.memref_squeeze %dma_wait3A_388 : memref<1x512x16xf32, #tpu.memory_space<vmem>> -> memref<512x16xf32, #tpu.memory_space<vmem>>
      %dma_wait3A_390 = arith.constant 0 : i32
      %dma_wait3A_391 = tpu.memref_slice %arg8[%dma_wait3A_384, %dma_wait3A_390] : memref<1x512xi32, #tpu.memory_space<vmem>> -> memref<1x512xi32, #tpu.memory_space<vmem>>
      %dma_wait3A_392 = tpu.memref_squeeze %dma_wait3A_391 : memref<1x512xi32, #tpu.memory_space<vmem>> -> memref<512xi32, #tpu.memory_space<vmem>>
      %dma_wait3A_393 = arith.constant 0 : i32
      %dma_wait3A_394 = arith.constant 0 : i32
      %dma_wait3A_395 = tpu.memref_slice %arg2[%add3A_224, %dma_wait3A_393, %dma_wait3A_394] : memref<8x100096x16xf32, #tpu.memory_space<hbm>> -> memref<1x100096x16xf32, #tpu.memory_space<hbm>>
      %dma_wait3A_396 = tpu.memref_squeeze %dma_wait3A_395 : memref<1x100096x16xf32, #tpu.memory_space<hbm>> -> memref<100096x16xf32, #tpu.memory_space<hbm>>
      %dma_wait3A_397 = arith.constant 0 : i32
      %dma_wait3A_398 = arith.constant 0 : i32
      %dma_wait3A_399 = tpu.memref_slice %dma_wait3A_396[%dma_wait3A_397, %dma_wait3A_398] : memref<100096x16xf32, #tpu.memory_space<hbm>> -> memref<100096x16xf32, #tpu.memory_space<hbm>>
      tpu.wait_indirect_dma semaphore(%arg13 : memref<!tpu.dma_semaphore, #tpu.memory_space<semaphore_mem>>) src(%dma_wait3A_399 : memref<100096x16xf32, #tpu.memory_space<hbm>>) dst(%dma_wait3A_389 : memref<512x16xf32, #tpu.memory_space<vmem>>)
      %run_scoped3A_400 = arith.constant 0 : i32
      %run_scoped3A_401 = arith.constant 0 : i32
      "tpu.region"() ({
        %run_scoped3A_413 = tpu.sem_alloc : memref<!tpu.dma_semaphore, #tpu.memory_space<semaphore_mem>>
        %dma_start3A_414 = arith.constant 0 : i32
        %dma_start3A_415 = arith.constant 0 : i32
        %dma_start3A_416 = tpu.memref_slice %arg11[%run_scoped3A_400, %dma_start3A_414, %dma_start3A_415] : memref<1x512x16xf32, #tpu.memory_space<vmem>> -> memref<1x512x16xf32, #tpu.memory_space<vmem>>
        %dma_start3A_417 = tpu.memref_squeeze %dma_start3A_416 : memref<1x512x16xf32, #tpu.memory_space<vmem>> -> memref<512x16xf32, #tpu.memory_space<vmem>>
        %dma_start3A_418 = arith.constant 0 : i32
        %dma_start3A_419 = tpu.memref_slice %arg9[%run_scoped3A_401, %dma_start3A_418] : memref<1x512xi32, #tpu.memory_space<vmem>> -> memref<1x512xi32, #tpu.memory_space<vmem>>
        %dma_start3A_420 = tpu.memref_squeeze %dma_start3A_419 : memref<1x512xi32, #tpu.memory_space<vmem>> -> memref<512xi32, #tpu.memory_space<vmem>>
        %dma_start3A_421 = arith.constant 0 : i32
        %dma_start3A_422 = arith.constant 0 : i32
        %dma_start3A_423 = tpu.memref_slice %arg16[%dma_start3A_421, %dma_start3A_422] : memref<100096x16xf32, #tpu.memory_space<vmem_shared>> -> memref<100096x16xf32, #tpu.memory_space<vmem_shared>>
        tpu.enqueue_indirect_dma source(%dma_start3A_417 : memref<512x16xf32, #tpu.memory_space<vmem>>) target(%dma_start3A_423 : memref<100096x16xf32, #tpu.memory_space<vmem_shared>>) offsets(%dma_start3A_420 : memref<512xi32, #tpu.memory_space<vmem>>) semaphore(%run_scoped3A_413 : memref<!tpu.dma_semaphore, #tpu.memory_space<semaphore_mem>>) {add = true}
        %dma_wait3A_424 = arith.constant 0 : i32
        %dma_wait3A_425 = arith.constant 0 : i32
        %dma_wait3A_426 = tpu.memref_slice %arg11[%run_scoped3A_400, %dma_wait3A_424, %dma_wait3A_425] : memref<1x512x16xf32, #tpu.memory_space<vmem>> -> memref<1x512x16xf32, #tpu.memory_space<vmem>>
        %dma_wait3A_427 = tpu.memref_squeeze %dma_wait3A_426 : memref<1x512x16xf32, #tpu.memory_space<vmem>> -> memref<512x16xf32, #tpu.memory_space<vmem>>
        %dma_wait3A_428 = arith.constant 0 : i32
        %dma_wait3A_429 = tpu.memref_slice %arg9[%run_scoped3A_401, %dma_wait3A_428] : memref<1x512xi32, #tpu.memory_space<vmem>> -> memref<1x512xi32, #tpu.memory_space<vmem>>
        %dma_wait3A_430 = tpu.memref_squeeze %dma_wait3A_429 : memref<1x512xi32, #tpu.memory_space<vmem>> -> memref<512xi32, #tpu.memory_space<vmem>>
        %dma_wait3A_431 = arith.constant 0 : i32
        %dma_wait3A_432 = arith.constant 0 : i32
        %dma_wait3A_433 = tpu.memref_slice %arg16[%dma_wait3A_431, %dma_wait3A_432] : memref<100096x16xf32, #tpu.memory_space<vmem_shared>> -> memref<100096x16xf32, #tpu.memory_space<vmem_shared>>
        tpu.wait_indirect_dma semaphore(%run_scoped3A_413 : memref<!tpu.dma_semaphore, #tpu.memory_space<semaphore_mem>>) src(%dma_wait3A_427 : memref<512x16xf32, #tpu.memory_space<vmem>>) dst(%dma_wait3A_433 : memref<100096x16xf32, #tpu.memory_space<vmem_shared>>)
        tpu.yield
      }) : () -> ()
      %mul3A_402 = arith.constant 1 : i32
      %mul3A_403 = arith.muli %min3A_307, %mul3A_402 : i32
      %add3A_404 = arith.addi %mul3A_0, %mul3A_403 : i32
      %dma_start3A_405 = arith.constant 0 : i32
      %dma_start3A_406 = tpu.memref_slice %arg3[%add3A_404, %dma_start3A_405] : memref<3136x512xi32, #tpu.memory_space<hbm>> -> memref<1x512xi32, #tpu.memory_space<hbm>>
      %dma_start3A_407 = arith.constant 0 : i32
      %dma_start3A_408 = tpu.memref_slice %arg3[%add3A_404, %dma_start3A_407] : memref<3136x512xi32, #tpu.memory_space<hbm>> -> memref<1x512xi32, #tpu.memory_space<hbm>>
      tpu.enqueue_dma source(%dma_start3A_408 : memref<1x512xi32, #tpu.memory_space<hbm>>) target(%arg8 : memref<1x512xi32, #tpu.memory_space<vmem>>) target_semaphore(%arg15 : memref<!tpu.dma_semaphore, #tpu.memory_space<semaphore_mem>>)
      %dma_start3A_409 = arith.constant 0 : i32
      %dma_start3A_410 = tpu.memref_slice %arg4[%add3A_404, %dma_start3A_409] : memref<3136x512xi32, #tpu.memory_space<hbm>> -> memref<1x512xi32, #tpu.memory_space<hbm>>
      %dma_start3A_411 = arith.constant 0 : i32
      %dma_start3A_412 = tpu.memref_slice %arg4[%add3A_404, %dma_start3A_411] : memref<3136x512xi32, #tpu.memory_space<hbm>> -> memref<1x512xi32, #tpu.memory_space<hbm>>
      tpu.enqueue_dma source(%dma_start3A_412 : memref<1x512xi32, #tpu.memory_space<hbm>>) target(%arg9 : memref<1x512xi32, #tpu.memory_space<vmem>>) target_semaphore(%arg15 : memref<!tpu.dma_semaphore, #tpu.memory_space<semaphore_mem>>)
    }
    %scan3A_262 = arith.constant 98 : i32
    %dma_wait3A_263 = arith.constant 0 : i32
    %dma_wait3A_264 = arith.constant 0 : i32
    %dma_wait3A_265 = arith.constant 0 : i32
    %dma_wait3A_266 = arith.constant 0 : i32
    %dma_wait3A_267 = tpu.memref_slice %arg10[%dma_wait3A_264, %dma_wait3A_265, %dma_wait3A_266] : memref<1x512x16xf32, #tpu.memory_space<vmem>> -> memref<1x512x16xf32, #tpu.memory_space<vmem>>
    %dma_wait3A_268 = tpu.memref_squeeze %dma_wait3A_267 : memref<1x512x16xf32, #tpu.memory_space<vmem>> -> memref<512x16xf32, #tpu.memory_space<vmem>>
    %dma_wait3A_269 = arith.constant 0 : i32
    %dma_wait3A_270 = tpu.memref_slice %arg6[%dma_wait3A_263, %dma_wait3A_269] : memref<1x512xi32, #tpu.memory_space<vmem>> -> memref<1x512xi32, #tpu.memory_space<vmem>>
    %dma_wait3A_271 = tpu.memref_squeeze %dma_wait3A_270 : memref<1x512xi32, #tpu.memory_space<vmem>> -> memref<512xi32, #tpu.memory_space<vmem>>
    %dma_wait3A_272 = arith.constant 0 : i32
    %dma_wait3A_273 = arith.constant 0 : i32
    %dma_wait3A_274 = tpu.memref_slice %arg2[%add3A_224, %dma_wait3A_272, %dma_wait3A_273] : memref<8x100096x16xf32, #tpu.memory_space<hbm>> -> memref<1x100096x16xf32, #tpu.memory_space<hbm>>
    %dma_wait3A_275 = tpu.memref_squeeze %dma_wait3A_274 : memref<1x100096x16xf32, #tpu.memory_space<hbm>> -> memref<100096x16xf32, #tpu.memory_space<hbm>>
    %dma_wait3A_276 = arith.constant 0 : i32
    %dma_wait3A_277 = arith.constant 0 : i32
    %dma_wait3A_278 = tpu.memref_slice %dma_wait3A_275[%dma_wait3A_276, %dma_wait3A_277] : memref<100096x16xf32, #tpu.memory_space<hbm>> -> memref<100096x16xf32, #tpu.memory_space<hbm>>
    tpu.wait_indirect_dma semaphore(%arg12 : memref<!tpu.dma_semaphore, #tpu.memory_space<semaphore_mem>>) src(%dma_wait3A_278 : memref<100096x16xf32, #tpu.memory_space<hbm>>) dst(%dma_wait3A_268 : memref<512x16xf32, #tpu.memory_space<vmem>>)
    %dma_wait3A_279 = arith.constant 0 : i32
    %dma_wait3A_280 = tpu.memref_slice %arg3[%mul3A_0, %dma_wait3A_279] : memref<3136x512xi32, #tpu.memory_space<hbm>> -> memref<1x512xi32, #tpu.memory_space<hbm>>
    %dma_wait3A_281 = arith.constant 0 : i32
    %dma_wait3A_282 = tpu.memref_slice %arg3[%mul3A_0, %dma_wait3A_281] : memref<3136x512xi32, #tpu.memory_space<hbm>> -> memref<1x512xi32, #tpu.memory_space<hbm>>
    tpu.wait_dma2 semaphore(%arg15 : memref<!tpu.dma_semaphore, #tpu.memory_space<semaphore_mem>>) src(%dma_wait3A_282 : memref<1x512xi32, #tpu.memory_space<hbm>>) dst(%arg8 : memref<1x512xi32, #tpu.memory_space<vmem>>)
    %dma_wait3A_283 = arith.constant 0 : i32
    %dma_wait3A_284 = tpu.memref_slice %arg4[%mul3A_0, %dma_wait3A_283] : memref<3136x512xi32, #tpu.memory_space<hbm>> -> memref<1x512xi32, #tpu.memory_space<hbm>>
    %dma_wait3A_285 = arith.constant 0 : i32
    %dma_wait3A_286 = tpu.memref_slice %arg4[%mul3A_0, %dma_wait3A_285] : memref<3136x512xi32, #tpu.memory_space<hbm>> -> memref<1x512xi32, #tpu.memory_space<hbm>>
    tpu.wait_dma2 semaphore(%arg15 : memref<!tpu.dma_semaphore, #tpu.memory_space<semaphore_mem>>) src(%dma_wait3A_286 : memref<1x512xi32, #tpu.memory_space<hbm>>) dst(%arg9 : memref<1x512xi32, #tpu.memory_space<vmem>>)
    %barrier3A_287 = arith.constant 0 : index
    tpu.barrier barrier_id(%barrier3A_287)
    %mul3A_288 = arith.constant 100096 : i32
    %mul3A_289 = arith.muli %add3A_224, %mul3A_288 : i32
    %mul3A_290 = arith.constant 6256 : i32
    %mul3A_291 = arith.muli %arg1, %mul3A_290 : i32
    %add3A_292 = arith.addi %mul3A_289, %mul3A_291 : i32
    %mul3A_293 = arith.constant 6256 : i32
    %mul3A_294 = arith.muli %arg1, %mul3A_293 : i32
    "tpu.region"() ({
      %run_scoped3A = tpu.sem_alloc : memref<!tpu.dma_semaphore, #tpu.memory_space<semaphore_mem>>
      %dma_start3A_296 = arith.constant 0 : i32
      %dma_start3A_297 = tpu.memref_slice %arg5[%add3A_292, %dma_start3A_296] : memref<800768x16xf32, #tpu.memory_space<hbm>> -> memref<6256x16xf32, #tpu.memory_space<hbm>>
      %dma_start3A_298 = arith.constant 0 : i32
      %dma_start3A_299 = tpu.memref_slice %arg16[%mul3A_294, %dma_start3A_298] : memref<100096x16xf32, #tpu.memory_space<vmem_shared>> -> memref<6256x16xf32, #tpu.memory_space<vmem_shared>>
      tpu.enqueue_dma source(%dma_start3A_299 : memref<6256x16xf32, #tpu.memory_space<vmem_shared>>) target(%dma_start3A_297 : memref<6256x16xf32, #tpu.memory_space<hbm>>) target_semaphore(%run_scoped3A : memref<!tpu.dma_semaphore, #tpu.memory_space<semaphore_mem>>)
      %dma_wait3A_300 = arith.constant 0 : i32
      %dma_wait3A_301 = tpu.memref_slice %arg5[%add3A_292, %dma_wait3A_300] : memref<800768x16xf32, #tpu.memory_space<hbm>> -> memref<6256x16xf32, #tpu.memory_space<hbm>>
      %dma_wait3A_302 = arith.constant 0 : i32
      %dma_wait3A_303 = tpu.memref_slice %arg16[%mul3A_294, %dma_wait3A_302] : memref<100096x16xf32, #tpu.memory_space<vmem_shared>> -> memref<6256x16xf32, #tpu.memory_space<vmem_shared>>
      tpu.wait_dma2 semaphore(%run_scoped3A : memref<!tpu.dma_semaphore, #tpu.memory_space<semaphore_mem>>) src(%dma_wait3A_303 : memref<6256x16xf32, #tpu.memory_space<vmem_shared>>) dst(%dma_wait3A_301 : memref<6256x16xf32, #tpu.memory_space<hbm>>)
      tpu.yield
    }) : () -> ()
    %barrier3A_295 = arith.constant 0 : index
    tpu.barrier barrier_id(%barrier3A_295)
    return
  }
}

module attributes {stable_mosaic.version = 14 : i64} {
  func.func @body(%arg0: i32, %arg1: memref<800x32xf32, #tpu.memory_space<vmem>>, %arg2: memref<32x64xf32, #tpu.memory_space<vmem>>, %arg3: memref<1x800x16xf32, #tpu.memory_space<vmem>>, %arg4: memref<1x800x16xf32, #tpu.memory_space<vmem>>, %arg5: memref<4x800x16xf32, #tpu.memory_space<vmem>>, %arg6: memref<800x1xf32, #tpu.memory_space<vmem>>) attributes {dimension_semantics = [#tpu.dimension_semantics<arbitrary>], iteration_bounds = array<i64: 125>, scalar_prefetch = 0 : i64, scratch_operands = 0 : i64, tpu.core_type = #tpu.core_type<tc>, window_params = [{transform_indices = @transform_0, window_bounds = array<i64: 800, 32>}, {pipeline_mode = #tpu.pipeline_mode<synchronous>, transform_indices = @transform_1, window_bounds = array<i64: 32, 64>}, {transform_indices = @transform_2, window_bounds = array<i64: 1, 800, 16>}, {transform_indices = @transform_3, window_bounds = array<i64: 1, 800, 16>}, {transform_indices = @transform_4, window_bounds = array<i64: 4, 800, 16>}, {transform_indices = @transform_5, window_bounds = array<i64: 800, 1>}]} {
    %get3A = arith.constant 0 : index
    %get3A_0 = arith.constant 0 : index
    %get3A_1 = arith.constant 0 : index
    %get3A_2 = vector.load %arg3[%get3A, %get3A_0, %get3A_1] : memref<1x800x16xf32, #tpu.memory_space<vmem>>, vector<1x800x1xf32>
    %get3A_3 = vector.shape_cast %get3A_2 : vector<1x800x1xf32> to vector<800x1xf32>
    %get3A_4 = arith.constant 0 : index
    %get3A_5 = arith.constant 0 : index
    %get3A_6 = arith.constant 0 : index
    %get3A_7 = vector.load %arg4[%get3A_4, %get3A_5, %get3A_6] : memref<1x800x16xf32, #tpu.memory_space<vmem>>, vector<1x800x1xf32>
    %get3A_8 = vector.shape_cast %get3A_7 : vector<1x800x1xf32> to vector<800x1xf32>
    %add3A = arith.addf %get3A_3, %get3A_8 : vector<800x1xf32>
    %add3A_9 = arith.constant 1.000000e+00 : f32
    %add3A_10 = vector.broadcast %add3A_9 : f32 to vector<800x1xf32>
    %add3A_11 = arith.addf %add3A, %add3A_10 : vector<800x1xf32>
    %rsqrt3A = math.rsqrt %add3A_11 : vector<800x1xf32>
    %get3A_12 = arith.constant 0 : index
    %get3A_13 = arith.constant 0 : index
    %get3A_14 = vector.load %arg1[%get3A_12, %get3A_13] : memref<800x32xf32, #tpu.memory_space<vmem>>, vector<800x32xf32>
    %get3A_15 = arith.constant 0 : index
    %get3A_16 = arith.constant 0 : index
    %get3A_17 = vector.load %arg2[%get3A_15, %get3A_16] : memref<32x64xf32, #tpu.memory_space<vmem>>, vector<32x64xf32>
    %dot_general3A = arith.constant dense<0.000000e+00> : vector<800x64xf32>
    %dot_general3A_18 = tpu.matmul %get3A_14, %get3A_17, %dot_general3A {dimension_numbers = #tpu.dot_dimension_numbers<[1], [0], [0], [1], [0, 0, 1, 1], [], []>, transpose_lhs_hint = false} : vector<800x32xf32>, vector<32x64xf32>, vector<800x64xf32> -> vector<800x64xf32>
    %mul3A = vector.broadcast %rsqrt3A : vector<800x1xf32> to vector<800x64xf32>
    %mul3A_19 = arith.mulf %dot_general3A_18, %mul3A : vector<800x64xf32>
    %slice3A = vector.extract_strided_slice %mul3A_19 {offsets = [0, 0], sizes = [800, 16], strides = [1, 1]} : vector<800x64xf32> to vector<800x16xf32>
    %slice3A_20 = vector.extract_strided_slice %mul3A_19 {offsets = [0, 16], sizes = [800, 16], strides = [1, 1]} : vector<800x64xf32> to vector<800x16xf32>
    %slice3A_21 = vector.extract_strided_slice %mul3A_19 {offsets = [0, 32], sizes = [800, 16], strides = [1, 1]} : vector<800x64xf32> to vector<800x16xf32>
    %slice3A_22 = vector.extract_strided_slice %mul3A_19 {offsets = [0, 48], sizes = [800, 16], strides = [1, 1]} : vector<800x64xf32> to vector<800x16xf32>
    %stack3A = vector.shape_cast %slice3A : vector<800x16xf32> to vector<1x800x16xf32>
    %stack3A_23 = vector.shape_cast %slice3A_20 : vector<800x16xf32> to vector<1x800x16xf32>
    %stack3A_24 = vector.shape_cast %slice3A_21 : vector<800x16xf32> to vector<1x800x16xf32>
    %stack3A_25 = vector.shape_cast %slice3A_22 : vector<800x16xf32> to vector<1x800x16xf32>
    %stack3A_26 = tpu.concatenate %stack3A, %stack3A_23, %stack3A_24, %stack3A_25 in 0 : vector<1x800x16xf32>, vector<1x800x16xf32>, vector<1x800x16xf32>, vector<1x800x16xf32> -> vector<4x800x16xf32>
    %swap3A = arith.constant 0 : index
    %swap3A_27 = arith.constant 0 : index
    %swap3A_28 = arith.constant 0 : index
    %swap3A_29 = vector.load %arg5[%swap3A, %swap3A_27, %swap3A_28] : memref<4x800x16xf32, #tpu.memory_space<vmem>>, vector<4x800x16xf32>
    tpu.vector_store %arg5[%swap3A, %swap3A_27, %swap3A_28], %stack3A_26 {strides = array<i32>} : memref<4x800x16xf32, #tpu.memory_space<vmem>>, vector<4x800x16xf32>,
    %swap3A_30 = arith.constant 0 : index
    %swap3A_31 = arith.constant 0 : index
    %swap3A_32 = vector.load %arg6[%swap3A_30, %swap3A_31] : memref<800x1xf32, #tpu.memory_space<vmem>>, vector<800x1xf32>
    tpu.vector_store %arg6[%swap3A_30, %swap3A_31], %rsqrt3A {strides = array<i32>} : memref<800x1xf32, #tpu.memory_space<vmem>>, vector<800x1xf32>,
    return
  }
  func.func @transform_0(%arg0: i32) -> (i32, i32) {
    %c0_i32 = arith.constant 0 : i32
    %c0_i32_0 = arith.constant 0 : i32
    return %arg0, %c0_i32 : i32, i32
  }
  func.func @transform_1(%arg0: i32) -> (i32, i32) {
    %c0_i32 = arith.constant 0 : i32
    %c0_i32_0 = arith.constant 0 : i32
    %c0_i32_1 = arith.constant 0 : i32
    return %c0_i32, %c0_i32_0 : i32, i32
  }
  func.func @transform_2(%arg0: i32) -> (i32, i32, i32) {
    %c0_i32 = arith.constant 0 : i32
    %c0_i32_0 = arith.constant 0 : i32
    %c0_i32_1 = arith.constant 0 : i32
    return %c0_i32, %arg0, %c0_i32_0 : i32, i32, i32
  }
  func.func @transform_3(%arg0: i32) -> (i32, i32, i32) {
    %c1_i32 = arith.constant 1 : i32
    %c0_i32 = arith.constant 0 : i32
    %c0_i32_0 = arith.constant 0 : i32
    return %c1_i32, %arg0, %c0_i32 : i32, i32, i32
  }
  func.func @transform_4(%arg0: i32) -> (i32, i32, i32) {
    %c0_i32 = arith.constant 0 : i32
    %c0_i32_0 = arith.constant 0 : i32
    %c0_i32_1 = arith.constant 0 : i32
    return %c0_i32, %arg0, %c0_i32_0 : i32, i32, i32
  }
  func.func @transform_5(%arg0: i32) -> (i32, i32) {
    %c0_i32 = arith.constant 0 : i32
    %c0_i32_0 = arith.constant 0 : i32
    return %arg0, %c0_i32 : i32, i32
  }
}

module attributes {stable_mosaic.version = 14 : i64} {
  func.func @body(%arg0: i32, %arg1: memref<4x800x16xf32, #tpu.memory_space<vmem>>, %arg2: memref<800x1xf32, #tpu.memory_space<vmem>>, %arg3: memref<1x64xf32, #tpu.memory_space<vmem>>, %arg4: memref<64x128xf32, #tpu.memory_space<vmem>>, %arg5: memref<8x800x16xf32, #tpu.memory_space<vmem>>) attributes {dimension_semantics = [#tpu.dimension_semantics<arbitrary>], iteration_bounds = array<i64: 125>, scalar_prefetch = 0 : i64, scratch_operands = 0 : i64, tpu.core_type = #tpu.core_type<tc>, window_params = [{transform_indices = @transform_0, window_bounds = array<i64: 4, 800, 16>}, {transform_indices = @transform_1, window_bounds = array<i64: 800, 1>}, {pipeline_mode = #tpu.pipeline_mode<synchronous>, transform_indices = @transform_2, window_bounds = array<i64: 1, 64>}, {pipeline_mode = #tpu.pipeline_mode<synchronous>, transform_indices = @transform_3, window_bounds = array<i64: 64, 128>}, {transform_indices = @transform_4, window_bounds = array<i64: 8, 800, 16>}]} {
    %get3A = arith.constant 0 : index
    %get3A_0 = arith.constant 0 : index
    %get3A_1 = arith.constant 0 : index
    %get3A_2 = vector.load %arg1[%get3A, %get3A_0, %get3A_1] : memref<4x800x16xf32, #tpu.memory_space<vmem>>, vector<4x800x16xf32>
    %slice3A = vector.extract_strided_slice %get3A_2 {offsets = [0, 0, 0], sizes = [1, 800, 16], strides = [1, 1, 1]} : vector<4x800x16xf32> to vector<1x800x16xf32>
    %squeeze3A = vector.shape_cast %slice3A : vector<1x800x16xf32> to vector<800x16xf32>
    %slice3A_3 = vector.extract_strided_slice %get3A_2 {offsets = [1, 0, 0], sizes = [1, 800, 16], strides = [1, 1, 1]} : vector<4x800x16xf32> to vector<1x800x16xf32>
    %squeeze3A_4 = vector.shape_cast %slice3A_3 : vector<1x800x16xf32> to vector<800x16xf32>
    %slice3A_5 = vector.extract_strided_slice %get3A_2 {offsets = [2, 0, 0], sizes = [1, 800, 16], strides = [1, 1, 1]} : vector<4x800x16xf32> to vector<1x800x16xf32>
    %squeeze3A_6 = vector.shape_cast %slice3A_5 : vector<1x800x16xf32> to vector<800x16xf32>
    %slice3A_7 = vector.extract_strided_slice %get3A_2 {offsets = [3, 0, 0], sizes = [1, 800, 16], strides = [1, 1, 1]} : vector<4x800x16xf32> to vector<1x800x16xf32>
    %squeeze3A_8 = vector.shape_cast %slice3A_7 : vector<1x800x16xf32> to vector<800x16xf32>
    %concatenate3A = tpu.concatenate %squeeze3A, %squeeze3A_4, %squeeze3A_6, %squeeze3A_8 in 1 : vector<800x16xf32>, vector<800x16xf32>, vector<800x16xf32>, vector<800x16xf32> -> vector<800x64xf32>
    %get3A_9 = arith.constant 0 : index
    %get3A_10 = arith.constant 0 : index
    %get3A_11 = vector.load %arg2[%get3A_9, %get3A_10] : memref<800x1xf32, #tpu.memory_space<vmem>>, vector<800x1xf32>
    %mul3A = vector.broadcast %get3A_11 : vector<800x1xf32> to vector<800x64xf32>
    %mul3A_12 = arith.mulf %concatenate3A, %mul3A : vector<800x64xf32>
    %get3A_13 = arith.constant 0 : index
    %get3A_14 = arith.constant 0 : index
    %get3A_15 = vector.load %arg3[%get3A_13, %get3A_14] : memref<1x64xf32, #tpu.memory_space<vmem>>, vector<1x64xf32>
    %add3A = vector.broadcast %get3A_15 : vector<1x64xf32> to vector<800x64xf32>
    %add3A_16 = arith.addf %mul3A_12, %add3A : vector<800x64xf32>
    %max3A = arith.constant 0.000000e+00 : f32
    %max3A_17 = vector.broadcast %max3A : f32 to vector<800x64xf32>
    %max3A_18 = arith.maximumf %add3A_16, %max3A_17 : vector<800x64xf32>
    %get3A_19 = arith.constant 0 : index
    %get3A_20 = arith.constant 0 : index
    %get3A_21 = vector.load %arg4[%get3A_19, %get3A_20] : memref<64x128xf32, #tpu.memory_space<vmem>>, vector<64x128xf32>
    %dot_general3A = arith.constant dense<0.000000e+00> : vector<800x128xf32>
    %dot_general3A_22 = tpu.matmul %max3A_18, %get3A_21, %dot_general3A {dimension_numbers = #tpu.dot_dimension_numbers<[1], [0], [0], [1], [0, 0, 1, 1], [], []>, transpose_lhs_hint = false} : vector<800x64xf32>, vector<64x128xf32>, vector<800x128xf32> -> vector<800x128xf32>
    %get3A_23 = arith.constant 0 : index
    %get3A_24 = arith.constant 0 : index
    %get3A_25 = vector.load %arg2[%get3A_23, %get3A_24] : memref<800x1xf32, #tpu.memory_space<vmem>>, vector<800x1xf32>
    %mul3A_26 = vector.broadcast %get3A_25 : vector<800x1xf32> to vector<800x128xf32>
    %mul3A_27 = arith.mulf %dot_general3A_22, %mul3A_26 : vector<800x128xf32>
    %slice3A_28 = vector.extract_strided_slice %mul3A_27 {offsets = [0, 0], sizes = [800, 16], strides = [1, 1]} : vector<800x128xf32> to vector<800x16xf32>
    %slice3A_29 = vector.extract_strided_slice %mul3A_27 {offsets = [0, 16], sizes = [800, 16], strides = [1, 1]} : vector<800x128xf32> to vector<800x16xf32>
    %slice3A_30 = vector.extract_strided_slice %mul3A_27 {offsets = [0, 32], sizes = [800, 16], strides = [1, 1]} : vector<800x128xf32> to vector<800x16xf32>
    %slice3A_31 = vector.extract_strided_slice %mul3A_27 {offsets = [0, 48], sizes = [800, 16], strides = [1, 1]} : vector<800x128xf32> to vector<800x16xf32>
    %slice3A_32 = vector.extract_strided_slice %mul3A_27 {offsets = [0, 64], sizes = [800, 16], strides = [1, 1]} : vector<800x128xf32> to vector<800x16xf32>
    %slice3A_33 = vector.extract_strided_slice %mul3A_27 {offsets = [0, 80], sizes = [800, 16], strides = [1, 1]} : vector<800x128xf32> to vector<800x16xf32>
    %slice3A_34 = vector.extract_strided_slice %mul3A_27 {offsets = [0, 96], sizes = [800, 16], strides = [1, 1]} : vector<800x128xf32> to vector<800x16xf32>
    %slice3A_35 = vector.extract_strided_slice %mul3A_27 {offsets = [0, 112], sizes = [800, 16], strides = [1, 1]} : vector<800x128xf32> to vector<800x16xf32>
    %stack3A = vector.shape_cast %slice3A_28 : vector<800x16xf32> to vector<1x800x16xf32>
    %stack3A_36 = vector.shape_cast %slice3A_29 : vector<800x16xf32> to vector<1x800x16xf32>
    %stack3A_37 = vector.shape_cast %slice3A_30 : vector<800x16xf32> to vector<1x800x16xf32>
    %stack3A_38 = vector.shape_cast %slice3A_31 : vector<800x16xf32> to vector<1x800x16xf32>
    %stack3A_39 = vector.shape_cast %slice3A_32 : vector<800x16xf32> to vector<1x800x16xf32>
    %stack3A_40 = vector.shape_cast %slice3A_33 : vector<800x16xf32> to vector<1x800x16xf32>
    %stack3A_41 = vector.shape_cast %slice3A_34 : vector<800x16xf32> to vector<1x800x16xf32>
    %stack3A_42 = vector.shape_cast %slice3A_35 : vector<800x16xf32> to vector<1x800x16xf32>
    %stack3A_43 = tpu.concatenate %stack3A, %stack3A_36, %stack3A_37, %stack3A_38, %stack3A_39, %stack3A_40, %stack3A_41, %stack3A_42 in 0 : vector<1x800x16xf32>, vector<1x800x16xf32>, vector<1x800x16xf32>, vector<1x800x16xf32>, vector<1x800x16xf32>, vector<1x800x16xf32>, vector<1x800x16xf32>, vector<1x800x16xf32> -> vector<8x800x16xf32>
    %swap3A = arith.constant 0 : index
    %swap3A_44 = arith.constant 0 : index
    %swap3A_45 = arith.constant 0 : index
    %swap3A_46 = vector.load %arg5[%swap3A, %swap3A_44, %swap3A_45] : memref<8x800x16xf32, #tpu.memory_space<vmem>>, vector<8x800x16xf32>
    tpu.vector_store %arg5[%swap3A, %swap3A_44, %swap3A_45], %stack3A_43 {strides = array<i32>} : memref<8x800x16xf32, #tpu.memory_space<vmem>>, vector<8x800x16xf32>,
    return
  }
  func.func @transform_0(%arg0: i32) -> (i32, i32, i32) {
    %c0_i32 = arith.constant 0 : i32
    %c0_i32_0 = arith.constant 0 : i32
    %c0_i32_1 = arith.constant 0 : i32
    return %c0_i32, %arg0, %c0_i32_0 : i32, i32, i32
  }
  func.func @transform_1(%arg0: i32) -> (i32, i32) {
    %c0_i32 = arith.constant 0 : i32
    %c0_i32_0 = arith.constant 0 : i32
    return %arg0, %c0_i32 : i32, i32
  }
  func.func @transform_2(%arg0: i32) -> (i32, i32) {
    %c0_i32 = arith.constant 0 : i32
    %c0_i32_0 = arith.constant 0 : i32
    %c0_i32_1 = arith.constant 0 : i32
    return %c0_i32, %c0_i32_0 : i32, i32
  }
  func.func @transform_3(%arg0: i32) -> (i32, i32) {
    %c0_i32 = arith.constant 0 : i32
    %c0_i32_0 = arith.constant 0 : i32
    %c0_i32_1 = arith.constant 0 : i32
    return %c0_i32, %c0_i32_0 : i32, i32
  }
  func.func @transform_4(%arg0: i32) -> (i32, i32, i32) {
    %c0_i32 = arith.constant 0 : i32
    %c0_i32_0 = arith.constant 0 : i32
    %c0_i32_1 = arith.constant 0 : i32
    return %c0_i32, %arg0, %c0_i32_0 : i32, i32, i32
  }
}

module attributes {stable_mosaic.version = 14 : i64} {
  func.func @body(%arg0: i32, %arg1: memref<8x800x16xf32, #tpu.memory_space<vmem>>, %arg2: memref<800x1xf32, #tpu.memory_space<vmem>>, %arg3: memref<1x128xf32, #tpu.memory_space<vmem>>, %arg4: memref<800x128xf32, #tpu.memory_space<vmem>>) attributes {dimension_semantics = [#tpu.dimension_semantics<arbitrary>], iteration_bounds = array<i64: 125>, scalar_prefetch = 0 : i64, scratch_operands = 0 : i64, tpu.core_type = #tpu.core_type<tc>, window_params = [{transform_indices = @transform_0, window_bounds = array<i64: 8, 800, 16>}, {transform_indices = @transform_1, window_bounds = array<i64: 800, 1>}, {pipeline_mode = #tpu.pipeline_mode<synchronous>, transform_indices = @transform_2, window_bounds = array<i64: 1, 128>}, {transform_indices = @transform_3, window_bounds = array<i64: 800, 128>}]} {
    %get3A = arith.constant 0 : index
    %get3A_0 = arith.constant 0 : index
    %get3A_1 = arith.constant 0 : index
    %get3A_2 = vector.load %arg1[%get3A, %get3A_0, %get3A_1] : memref<8x800x16xf32, #tpu.memory_space<vmem>>, vector<8x800x16xf32>
    %slice3A = vector.extract_strided_slice %get3A_2 {offsets = [0, 0, 0], sizes = [1, 800, 16], strides = [1, 1, 1]} : vector<8x800x16xf32> to vector<1x800x16xf32>
    %squeeze3A = vector.shape_cast %slice3A : vector<1x800x16xf32> to vector<800x16xf32>
    %slice3A_3 = vector.extract_strided_slice %get3A_2 {offsets = [1, 0, 0], sizes = [1, 800, 16], strides = [1, 1, 1]} : vector<8x800x16xf32> to vector<1x800x16xf32>
    %squeeze3A_4 = vector.shape_cast %slice3A_3 : vector<1x800x16xf32> to vector<800x16xf32>
    %slice3A_5 = vector.extract_strided_slice %get3A_2 {offsets = [2, 0, 0], sizes = [1, 800, 16], strides = [1, 1, 1]} : vector<8x800x16xf32> to vector<1x800x16xf32>
    %squeeze3A_6 = vector.shape_cast %slice3A_5 : vector<1x800x16xf32> to vector<800x16xf32>
    %slice3A_7 = vector.extract_strided_slice %get3A_2 {offsets = [3, 0, 0], sizes = [1, 800, 16], strides = [1, 1, 1]} : vector<8x800x16xf32> to vector<1x800x16xf32>
    %squeeze3A_8 = vector.shape_cast %slice3A_7 : vector<1x800x16xf32> to vector<800x16xf32>
    %slice3A_9 = vector.extract_strided_slice %get3A_2 {offsets = [4, 0, 0], sizes = [1, 800, 16], strides = [1, 1, 1]} : vector<8x800x16xf32> to vector<1x800x16xf32>
    %squeeze3A_10 = vector.shape_cast %slice3A_9 : vector<1x800x16xf32> to vector<800x16xf32>
    %slice3A_11 = vector.extract_strided_slice %get3A_2 {offsets = [5, 0, 0], sizes = [1, 800, 16], strides = [1, 1, 1]} : vector<8x800x16xf32> to vector<1x800x16xf32>
    %squeeze3A_12 = vector.shape_cast %slice3A_11 : vector<1x800x16xf32> to vector<800x16xf32>
    %slice3A_13 = vector.extract_strided_slice %get3A_2 {offsets = [6, 0, 0], sizes = [1, 800, 16], strides = [1, 1, 1]} : vector<8x800x16xf32> to vector<1x800x16xf32>
    %squeeze3A_14 = vector.shape_cast %slice3A_13 : vector<1x800x16xf32> to vector<800x16xf32>
    %slice3A_15 = vector.extract_strided_slice %get3A_2 {offsets = [7, 0, 0], sizes = [1, 800, 16], strides = [1, 1, 1]} : vector<8x800x16xf32> to vector<1x800x16xf32>
    %squeeze3A_16 = vector.shape_cast %slice3A_15 : vector<1x800x16xf32> to vector<800x16xf32>
    %concatenate3A = tpu.concatenate %squeeze3A, %squeeze3A_4, %squeeze3A_6, %squeeze3A_8, %squeeze3A_10, %squeeze3A_12, %squeeze3A_14, %squeeze3A_16 in 1 : vector<800x16xf32>, vector<800x16xf32>, vector<800x16xf32>, vector<800x16xf32>, vector<800x16xf32>, vector<800x16xf32>, vector<800x16xf32>, vector<800x16xf32> -> vector<800x128xf32>
    %get3A_17 = arith.constant 0 : index
    %get3A_18 = arith.constant 0 : index
    %get3A_19 = vector.load %arg2[%get3A_17, %get3A_18] : memref<800x1xf32, #tpu.memory_space<vmem>>, vector<800x1xf32>
    %mul3A = vector.broadcast %get3A_19 : vector<800x1xf32> to vector<800x128xf32>
    %mul3A_20 = arith.mulf %concatenate3A, %mul3A : vector<800x128xf32>
    %get3A_21 = arith.constant 0 : index
    %get3A_22 = arith.constant 0 : index
    %get3A_23 = vector.load %arg3[%get3A_21, %get3A_22] : memref<1x128xf32, #tpu.memory_space<vmem>>, vector<1x128xf32>
    %add3A = vector.broadcast %get3A_23 : vector<1x128xf32> to vector<800x128xf32>
    %add3A_24 = arith.addf %mul3A_20, %add3A : vector<800x128xf32>
    %reduce_max3A = arith.constant dense<0xFF800000> : vector<800xf32>
    %reduce_max3A_25 = vector.multi_reduction <maximumf>, %add3A_24, %reduce_max3A [1] : vector<800x128xf32> to vector<800xf32>
    %broadcast_in_dim3A = vector.shape_cast %reduce_max3A_25 : vector<800xf32> to vector<800x1xf32>
    %sub3A = vector.broadcast %broadcast_in_dim3A : vector<800x1xf32> to vector<800x128xf32>
    %sub3A_26 = arith.subf %add3A_24, %sub3A : vector<800x128xf32>
    %exp3A = math.exp %sub3A_26 : vector<800x128xf32>
    %reduce_sum3A = arith.constant dense<0.000000e+00> : vector<800xf32>
    %reduce_sum3A_27 = vector.multi_reduction <add>, %exp3A, %reduce_sum3A [1] : vector<800x128xf32> to vector<800xf32>
    %broadcast_in_dim3A_28 = vector.shape_cast %reduce_sum3A_27 : vector<800xf32> to vector<800x1xf32>
    %log3A = math.log %broadcast_in_dim3A_28 : vector<800x1xf32>
    %add3A_29 = arith.addf %log3A, %broadcast_in_dim3A : vector<800x1xf32>
    %sub3A_30 = vector.broadcast %add3A_29 : vector<800x1xf32> to vector<800x128xf32>
    %sub3A_31 = arith.subf %add3A_24, %sub3A_30 : vector<800x128xf32>
    %swap3A = arith.constant 0 : index
    %swap3A_32 = arith.constant 0 : index
    %swap3A_33 = vector.load %arg4[%swap3A, %swap3A_32] : memref<800x128xf32, #tpu.memory_space<vmem>>, vector<800x128xf32>
    tpu.vector_store %arg4[%swap3A, %swap3A_32], %sub3A_31 {strides = array<i32>} : memref<800x128xf32, #tpu.memory_space<vmem>>, vector<800x128xf32>,
    return
  }
  func.func @transform_0(%arg0: i32) -> (i32, i32, i32) {
    %c0_i32 = arith.constant 0 : i32
    %c0_i32_0 = arith.constant 0 : i32
    %c0_i32_1 = arith.constant 0 : i32
    return %c0_i32, %arg0, %c0_i32_0 : i32, i32, i32
  }
  func.func @transform_1(%arg0: i32) -> (i32, i32) {
    %c0_i32 = arith.constant 0 : i32
    %c0_i32_0 = arith.constant 0 : i32
    return %arg0, %c0_i32 : i32, i32
  }
  func.func @transform_2(%arg0: i32) -> (i32, i32) {
    %c0_i32 = arith.constant 0 : i32
    %c0_i32_0 = arith.constant 0 : i32
    %c0_i32_1 = arith.constant 0 : i32
    return %c0_i32, %c0_i32_0 : i32, i32
  }
  func.func @transform_3(%arg0: i32) -> (i32, i32) {
    %c0_i32 = arith.constant 0 : i32
    %c0_i32_0 = arith.constant 0 : i32
    return %arg0, %c0_i32 : i32, i32
  }
}

</mosaic_0001>

<sc_bundles>
// kernel: kernel.11.cloned.1.call-start
scs
__scs_entry_jumppad:
0x0: {  	(pc) =	sbr.rel $0x88, $3  }
0x1: {  	(tag) =	ssettag $0x0;
	lr =	simm.s32 $0x1  }
0x2: {  	[smem:$0x3F9B] =	sst lr;
	_ =	strace $0xD0000000  }
0x3: {  	_ = 	snop  }
0x4: {  	_ = 	snop  }
0x5: {  	_ = 	snop  }
0x6: {  	_ = 	snop  }
0x7: {  	_ = 	snop  }
__scs_overlays_trampoline_lowered:
0x8: {  	[smem:$0x3FAA] =	sst s0  }
0x9: {  	[smem:$0x3FAB] =	sst s1  }
0xa: {  	[smem:$0x3FAC] =	sst s2  }
0xb: {  	[smem:$0x3FAD] =	sst s3  }
0xc: {  	[smem:$0x3FAE] =	sst s4  }
0xd: {  	[smem:$0x3FAF] =	sst s5  }
0xe: {  	[smem:$0x3FB0] =	sst s6  }
0xf: {  	[smem:$0x3FB1] =	sst s7  }
0x10: {  	[smem:$0x3FB2] =	sst s8  }
0x11: {  	[smem:$0x3FB3] =	sst s9;
	s0 =	simm.s32 @!p0 $0x0  }
0x12: {  	s1 =	sld [smem:$0x3F99];
	s0 =	simm.s32 @p0 $0x1  }
0x13: {  	[smem:$0x3FB4] =	sst s0;
	s0 =	simm.s32 @!p1 $0x0  }
0x14: {  	s2 =	sld [smem:$0x3F98];
	s0 =	simm.s32 @p1 $0x1  }
0x15: {  	[smem:$0x3FB5] =	sst s0;
	s0 =	simm.s32 @!p2 $0x0  }
0x16: {  	s3 =	sld [smem:$0x3FDB];
	s0 =	simm.s32 @p2 $0x1  }
0x17: {  	s4 =	simm.s32 $0x1BF5;
	[smem:$0x3FB7] =	sst s0  }
0x18: {  	s0 =	sld [smem:$0x3F9A];
	_ =	swait.ge [sflag:s4], $0x0  }
0x19: {  	s7 =	sld [smem:$0x3F9B]  }
0x1a: {  	s8 =	sadd.s32 $0xFFFFE003, lr  }
0x1b: {  	s9 =	sadd.s32 $0xFFFFFEF7, lr;
	s5 =	simm.s32 $0xFFFFFFFF;
	p2 =	slt.u32 s8, $0xFFFFF086  }
0x1c: {  	p1 =	slt.u32 s9, $0xF7A;
	s5 =	simm.s32 @!p2 $0x0  }
0x1d: {  	s5 =	simm.s32 @p1 $0x1;
	p0 =	seq.s32 s7, s2  }
0x1e: {  	s7 =	smul.u32 @!p0 $0xF7A, s2;
	p2 =	seq.s32 @!p0 s5, $0x0  }
0x1f: {  	s9 =	smul.u32 $0xF7A, s1;
	s8 =	simm.s32 @!p0 $0x1BF5;
	p2 =	por !p2, p0  }
0x20: {  	[sflag:s8] =	ssyncset.s32 @!p0 $0xFFFFF086;
	s6 =	sadd.s32 @!p0 s3, s7;
	s7 =	simm.s32 @!p0 $0x108  }
0x21: {  	s3 =	sadd.s32 s3, s9;
	s6 =	sadd.s32 @!p0 $0x88, s6;
	s7 =	simm.s32 @p2 $0x1082  }
0x22: {  	[simem:s7], [sflag:s8] =	dma.local @!p0 [hbm:s6], $0xF7A  }
0x23: {  	s9 =	sor.u32 $0xD0000000, s2;
	s6 =	simm.s32 $0x108;
	_ =	swait.ge @!p0 [sflag:s8], $0x0  }
0x24: {  	s3 =	sadd.s32 $0x88, s3;
	s6 =	simm.s32 @!p1 $0x1082;
	[sflag:s4] =	ssyncset.s32 $0xFFFFF086  }
0x25: {  	[simem:s6], [sflag:s4] =	dma.local [hbm:s3], $0xF7A  }
0x26: {  	[smem:$0x3F9B] =	sst s1;
	(tag) =	ssettag s2;
	_ =	strace s9  }
0x27: {  	s1 =	sld [smem:$0x3FAB]  }
0x28: {  	s2 =	sld [smem:$0x3FAC]  }
0x29: {  	s4 =	sld [smem:$0x3FAE]  }
0x2a: {  	p0 =	seq.s32 s5, $0x0;
	s5 =	sld [smem:$0x3FAF]  }
0x2b: {  	s6 =	sld [smem:$0x3FB0]  }
0x2c: {  	s7 =	sld [smem:$0x3FB1]  }
0x2d: {  	s3 =	simm.s32 $0x108;
	s8 =	sld [smem:$0x3FB2]  }
0x2e: {  	s3 =	simm.s32 @!p0 $0x1082;
	s9 =	sld [smem:$0x3FB3]  }
0x2f: {  	lr =	sadd.s32 s0, s3;
	s0 =	sld [smem:$0x3FAA]  }
0x30: {  	s3 =	sld [smem:$0x3FAD]  }
0x31: {  	[smem:$0x3FB6] =	sst s10  }
0x32: {  	s10 =	sld [smem:$0x3FB4];
	_ =	sdelay $0x3  }
0x33: {  	p0 =	seq.s32 s10, $0x1;
	s10 =	sld [smem:$0x3FB6];
	_ =	sdelay $0x3  }
0x34: {  	[smem:$0x3FB6] =	sst s10  }
0x35: {  	s10 =	sld [smem:$0x3FB5];
	_ =	sdelay $0x3  }
0x36: {  	p1 =	seq.s32 s10, $0x1;
	s10 =	sld [smem:$0x3FB6];
	_ =	sdelay $0x3  }
0x37: {  	[smem:$0x3FB6] =	sst s10  }
0x38: {  	s10 =	sld [smem:$0x3FB7]  }
0x39: {  	_ = 	snop;
	(pc) =	sbr.ind lr, $3  }
0x3a: {  	_ = 	snop  }
0x3b: {  	_ = 	snop  }
0x3c: {  	p2 =	seq.s32 s10, $0x1;
	s10 =	sld [smem:$0x3FB6]  }
0x3d: {  	_ =	shalt  }
0x3e: {  	_ =	shalt  }
0x3f: {  	_ =	shalt  }
0x40: {  	_ =	shalt  }
0x41: {  	_ =	shalt  }
0x42: {  	_ =	shalt  }
0x43: {  	_ =	shalt  }
0x44: {  	_ =	shalt  }
0x45: {  	_ =	shalt  }
0x46: {  	_ =	shalt  }
0x47: {  	_ =	shalt  }
0x48: {  	_ =	shalt  }
0x49: {  	_ =	shalt  }
0x4a: {  	_ =	shalt  }
0x4b: {  	_ =	shalt  }
0x4c: {  	_ =	shalt  }
0x4d: {  	_ =	shalt  }
0x4e: {  	_ =	shalt  }
0x4f: {  	_ =	shalt  }
0x50: {  	_ =	shalt  }
0x51: {  	_ =	shalt  }
0x52: {  	_ =	shalt  }
0x53: {  	_ =	shalt  }
0x54: {  	_ =	shalt  }
0x55: {  	_ =	shalt  }
0x56: {  	_ =	shalt  }
0x57: {  	_ =	shalt  }
0x58: {  	_ =	shalt  }
0x59: {  	_ =	shalt  }
0x5a: {  	_ =	shalt  }
0x5b: {  	_ =	shalt  }
0x5c: {  	_ =	shalt  }
0x5d: {  	_ =	shalt  }
0x5e: {  	_ =	shalt  }
0x5f: {  	_ =	shalt  }
0x60: {  	_ =	shalt  }
0x61: {  	_ =	shalt  }
0x62: {  	_ =	shalt  }
0x63: {  	_ =	shalt  }
0x64: {  	_ =	shalt  }
0x65: {  	_ =	shalt  }
0x66: {  	_ =	shalt  }
0x67: {  	_ =	shalt  }
0x68: {  	_ =	shalt  }
0x69: {  	_ =	shalt  }
0x6a: {  	_ =	shalt  }
0x6b: {  	_ =	shalt  }
0x6c: {  	_ =	shalt  }
0x6d: {  	_ =	shalt  }
0x6e: {  	_ =	shalt  }
0x6f: {  	_ =	shalt  }
0x70: {  	_ =	shalt  }
0x71: {  	_ =	shalt  }
0x72: {  	_ =	shalt  }
0x73: {  	_ =	shalt  }
0x74: {  	_ =	shalt  }
0x75: {  	_ =	shalt  }
0x76: {  	_ =	shalt  }
0x77: {  	_ =	shalt  }
0x78: {  	_ =	shalt  }
0x79: {  	_ =	shalt  }
0x7a: {  	_ =	shalt  }
0x7b: {  	_ =	shalt  }
0x7c: {  	_ =	shalt  }
0x7d: {  	_ =	shalt  }
0x7e: {  	_ =	shalt  }
0x7f: {  	_ =	shalt  }
0x80: {  	_ =	shalt  }
0x81: {  	_ =	shalt  }
0x82: {  	_ =	shalt  }
0x83: {  	_ =	shalt  }
0x84: {  	_ =	shalt  }
0x85: {  	_ =	shalt  }
0x86: {  	_ =	shalt  }
0x87: {  	_ =	shalt  }
.Lfunc_end0:
.L_simem_size_0:
called_computation.1_lowered:
.L_overlay_start_0:
0x88: {  	s2 =	sld [smem:$0x3FD9]  }
0x89: {  	s3 =	sld [smem:$0x3FFE];
	_ =	sdelay $0x1  }
0x8a: {  	s1 =	srdreg.scid  }
0x8b: {  	s0 =	sand.u32 $0x1, s1  }
0x8c: {  	s17 =	sshll.u32 s0, $0xA;
	s2 =	sadd.s32 s3, s2  }
0x8d: {  	s2 =	sadd.s32 s2, s17  }
0x8e: {  	[smem:$0x3FC2] =	sst s2  }
0x8f: {  	_ = 	snop  }
0x90: {  	s2 =	sld [smem:$0x3FD0];
	(tm) =	ssettm $0x1  }
0x91: {  	s18 =	sld [smem:$0x3FFB];
	_ =	sdelay $0x3  }
0x92: {  	_ =	strace s18  }
0x93: {  	s3 =	sld [smem:$0x3FFC];
	_ =	sdelay $0x3  }
0x94: {  	_ =	strace s3  }
0x95: {  	s3 =	sld [smem:$0x3FFD];
	_ =	sdelay $0x3  }
0x96: {  	_ =	strace s3  }
0x97: {  	_ =	strace $0x8FFFFFFF  }
0x98: {  	s19 =	sld [smem:$0x3FDB];
	_ =	sdelay $0x1  }
0x99: {  	s4 =	simm.s32 $_scs_section_size  }
0x9a: {  	s5 =	simm.s32 $_size__tile_overlayer_lowered;
	s6 =	simm.s32 $_tile_overlayer_lowered  }
0x9b: {  	s22 =	simm.s32 $0x1BFF;
	s21 =	sshll.u32 s6, $0x1;
	s3 =	sadd.s32 s4, s19  }
0x9c: {  	s7 =	simm.s32 $0x0;
	s20 =	sshll.u32 s5, $0x1;
	s5 =	sadd.s32 s21, s3  }
0x9d: {  	[timem:s7], [sflag:s22] =	dma.local [hbm:s5], s20  }
0x9e: {  	_ =	swait.ge [sflag:s22], s20  }
0x9f: {  	s4 =	ssub.s32 $0x0, s20;
	[sflag:s22] =	ssyncset.done $0x0  }
0xa0: {  	[sflag:s22] =	ssyncadd.s32 s4;
	_ =	sdelay $0x1  }
0xa1: {  	s23 =	simm.s32 $0x1B8B  }
0xa2: {  	_ =	swait.ge [sflag:s23], $0x1  }
0xa3: {  	[sflag:s23] =	ssyncset.done $0x0  }
0xa4: {  	s25 =	simm.s32 $0x1B8E;
	s24 =	sld [smem:$0x3FFE];
	[sflag:s23] =	ssyncadd.s32 $0xFFFFFFFF  }
0xa5: {  	s26 =	simm.s32 $execute0_lowered;
	[smem:$0x3FD2] =	sst s25  }
0xa6: {  	s5 =	sshll.u32 s26, $0x1;
	_ =	strace $0x80000049;
	[dreg:$0x1] =	wrdreg $0xFFFFFFFF  }
0xa7: {  	s28 =	simm.s32 $_size_execute0_lowered;
	s3 =	sadd.s32 s3, s5;
	[dreg:$0x0] =	wrdreg $0x0  }
0xa8: {  	s5 =	sshll.u32 s28, $0x1;
	[dreg:$0x2] =	wrdreg s3  }
0xa9: {  	[dreg:$0x3] =	wrdreg s5  }
0xaa: {  	[dreg:$0x4] =	wrdreg $0xC0  }
0xab: {  	_ =	task [dreg:s7], $0x5FFFF  }
0xac: {  	[dreg:$0x1] =	wrdreg $0xFFFFFFFF  }
0xad: {  	[dreg:$0x0] =	wrdreg $0x60  }
0xae: {  	[dreg:$0x2] =	wrdreg s2  }
0xaf: {  	[dreg:$0x3] =	wrdreg s24  }
0xb0: {  	[dreg:$0x4] =	wrdreg $0x48000  }
0xb1: {  	[dreg:$0x5] =	wrdreg $0x9  }
0xb2: {  	_ =	task.clear_ibuf [dreg:s7], $0x6FFFF;
	_ =	strace $0x90000049  }
0xb3: {  	s29 =	simm.s32 $0x9;
	_ =	strace $0x8000004B  }
0xb4: {  	_ =	swait.ge [sflag:s29], $0x1  }
0xb5: {  	[sflag:s29] =	ssyncadd.s32 $0xFFFFFFFF  }
0xb6: {  	_ =	strace $0x9000004B  }
0xb7: {  	_ =	sfence  }
0xb8: {  	s30 =	sld [smem:$0x0];
	_ =	sdelay $0x2  }
0xb9: {  	s31 =	sshll.u32 s1, $0xD;
	s1 =	sshrl.u32 s1, $0x2  }
0xba: {  	s3 =	sand.u32 $0x4000, s31;
	s1 =	sadd.s32 s1, s30  }
0xbb: {  	s0 =	sor.u32 s3, s0;
	s1 =	sshll.u32 s1, $0x11  }
0xbc: {  	s0 =	sor.u32 s1, s0  }
0xbd: {  	s0 =	sadd.s32 $0x8F2B, s0  }
0xbe: {  	[sflag:s0] =	ssyncadd.remote.s32 $0x1  }
0xbf: {  	_ =	sfence.sel $0xFFFF  }
0xc0: {  	[dreg:$0x0] =	wrdreg $0xFFFFFFFF;
	(pc) =	sbr.abs _section_cstart, $3  }
0xc1: {  	[dreg:$0x1] =	wrdreg $0xFFFFFFFF  }
0xc2: {  	_ =	task.clear_ibuf [dreg:s7], $0x2FFFF;
	_ =	strace $0x9FFFFFFF  }
0xc3: {  	(tm) =	ssettm $0x7FFFFFFF  }
tec
execute0_lowered:
.L_overlay_start_1:
0x0: {  	(tag) =	ssettag $0x1  }
0x1: {  	s0 =	rddreg [dreg:$0x0]  }
0x2: {  	s2 =	rddreg [dreg:$0x1]  }
0x3: {  	s1 =	rddreg [dreg:$0x2]  }
0x4: {  	s3 =	simm.s32 $0x0;
	s4 =	srdreg.scid;
	s9 =	stileid.u32  }
0x5: {  	s28 =	simm.s32 $0x2800;
	s29 =	simm.s32 $0x1;
	s30 =	simm.s32 $0x3  }
0x6: {  	s31 =	simm.s32 $0x2;
	[smem:$0x7FF] =	sst s3;
	s7 =	smul.u32 $0x18700, s9  }
0x7: {  	s6 =	sand.u32 $0x1, s4;
	s19 =	sadd.s32 $0x98000, s2;
	s12 =	smul.u32 $0x1870, s9  }
0x8: {  	s20 =	sadd.s32 $0x1E00, s2;
	s2 =	sadd.s32 $0xC9000, s2;
	s22 =	smul.u32 $0x3100, s9  }
0x9: {  	s23 =	sshll.u32 s9, $0x6;
	_ =	strace $0x8000004A;
	s8 =	smul.u32 $0x61C00, s6  }
0xa: {  	s4 =	ssub.s32 $0x2, s6;
	s13 =	smul.u32 $0x30E00, s6;
	s6 =	sshllo.u32 s6, $0x1  }
0xb: {  	s5 =	sshrl.u32 s4, $0x1;
	s21 =	sshrl.u32 s7, $0x3;
	s7 =	sadd.s32 s7, s1  }
0xc: {  	s14 =	sor.u32 $0x40, s22;
	s15 =	smul.u32 $0x18700, s6;
	s9 =	sadd.s32 s19, s22  }
0xd: {  	s10 =	sadd.s32 s20, s22;
	s6 =	smul.u32 $0x30E00, s6;
	s25 =	sadd.s32 $0x30C0, s22  }
0xe: {  	s26 =	sadd.s32 $0x3080, s22;
	s22 =	simm.s32 $0x200;
	[dreg:$0x5] =	wrdreg s7  }
0xf: {  	s16 =	ssub.s32 s4, s5;
	s4 =	sadd.s32 s0, s8;
	[dreg:$0x4] =	wrdreg s21  }
0x10: {  	s8 =	sor.u32 $0x1C05, s23;
	s11 =	sadd.s32 s19, s14;
	s13 =	sadd.s32 s12, s13  }
0x11: {  	s17 =	sadd.s32 s19, s25;
	s18 =	sadd.s32 s20, s25;
	s19 =	sadd.s32 s19, s26  }
0x12: {  	s23 =	simm.s32 $0x800;
	s25 =	simm.s32 $0x600;
	s5 =	sadd.s32 s21, s4  }
0x13: {  	s15 =	sadd.s32 s12, s15;
	s12 =	sadd.s32 s20, s14;
	s13 =	sshll.u32 s13, $0x1  }
0x14: {  	s14 =	sadd.s32 s0, s6;
	s16 =	smax.u32 s16, $0x1;
	s20 =	sadd.s32 s20, s26  }
0x15: {  	s21 =	simm.s32 $0x5;
	s26 =	simm.s32 $0x4;
	s0 =	simm.s32 $0x0  }
0x16: {  	[dreg:$0x6] =	wrdreg s5;
	s15 =	sshll.u32 s15, $0x1;
	s24 =	sadd.s32 s2, s13  }
0x17: {  	[dreg:$0x7] =	wrdreg s24;
	s15 =	sadd.s32 s2, s15;
	s24 =	simm.s32 $0x400  }
.LBB2_1:
0x18: {  	s2 =	rddreg [dreg:$0x5]  }
0x19: {  	s5 =	rddreg [dreg:$0x6];
	s2 =	sshrl.u32 s2, $0x3  }
0x1a: {  	[spmem:s2], [sflag:s8] =	dma.local [hbm:s5], $0x30E0  }
0x1b: {  	_ =	swait.ge [sflag:s21], $0x30E0  }
0x1c: {  	[sflag:s21] =	ssyncset.done $0x0  }
0x1d: {  	[sflag:s21] =	ssyncadd.s32 $0xFFFFCF20  }
0x1e: {  	[bflag:$0x0] =	sbarrier.arrive $0xFFFF  }
0x1f: {  	[tilespmem:s3], [sflag:$0x5] =	stream.linear.gather [hbm4b:s9+s3], $0x200, $0x38;
	[tilespmem:$0x1CF00] =	vst v63  }
0x20: {  	_ =	swait.ge [sflag:s21], $0x200  }
0x21: {  	[sflag:s21] =	ssyncset.done $0x0  }
0x22: {  	[sflag:s21] =	ssyncadd.s32 $0xFFFFFE00  }
0x23: {  	[tilespmem:s22], [sflag:$0x5] =	stream.linear.gather [hbm4b:s10+s3], $0x200, $0x38;
	[tilespmem:$0x1CF00] =	vst v63  }
0x24: {  	_ =	swait.ge [sflag:s21], $0x200  }
0x25: {  	[sflag:s21] =	ssyncset.done $0x0  }
0x26: {  	[sflag:s21] =	ssyncadd.s32 $0xFFFFFE00  }
0x27: {  	[tilespmem:s23], [sflag:$0x1] =	stream.indirect.gather [hbm4b:s4+s22], $0x10, s3, s22, $0xb8;
	[tilespmem:$0x1CF00] =	vst v63  }
0x28: {  	_ = 	snop  }
0x29: {  	[tilespmem:s24], [sflag:$0x4] =	stream.linear.gather [hbm4b:s11+s3], $0x200, $0x38;
	[tilespmem:$0x1CF00] =	vst v63  }
0x2a: {  	_ = 	snop  }
0x2b: {  	[tilespmem:s25], [sflag:$0x4] =	stream.linear.gather [hbm4b:s12+s3], $0x200, $0x38;
	[tilespmem:$0x1CF00] =	vst v63  }
0x2c: {  	_ =	swait.ge [sflag:s26], $0x200  }
0x2d: {  	[sflag:s26] =	ssyncset.done $0x0  }
0x2e: {  	[sflag:s26] =	ssyncadd.s32 $0xFFFFFE00  }
0x2f: {  	_ =	swait.ge [sflag:s26], $0x200  }
0x30: {  	[sflag:s26] =	ssyncset.done $0x0  }
0x31: {  	[sflag:s26] =	ssyncadd.s32 $0xFFFFFE00  }
0x32: {  	[tilespmem:s28], [sflag:$0x2] =	stream.indirect.gather [hbm4b:s4+s22], $0x10, s24, s22, $0xb8;
	[tilespmem:$0x1CF00] =	vst v63  }
0x33: {  	_ =	swait.ge [sflag:s29], $0x2000  }
0x34: {  	[sflag:s29] =	ssyncset.done $0x0  }
0x35: {  	[sflag:s29] =	ssyncadd.s32 $0xFFFFE000  }
0x36: {  	[spmem:s1] =	stream.indirect.scatter.add.f32 [tilespmem:s23], [sflag:$0x5], $0x10, s22, s22, $0xb8;
	[tilespmem:$0x1CF00] =	vst v63  }
0x37: {  	_ =	swait.ge [sflag:s21], $0x2000  }
0x38: {  	s6 =	sadd.s32 $0xFFFFD000, s9;
	[sflag:s21] =	ssyncset.done $0x0  }
0x39: {  	s7 =	sadd.s32 $0x3080, s6;
	s5 =	sadd.s32 $0xFFFFD000, s10;
	[sflag:s21] =	ssyncadd.s32 $0xFFFFE000  }
0x3a: {  	[tilespmem:s3], [sflag:$0x3] =	stream.linear.gather [hbm4b:s7+s3], $0x200, $0x38;
	[tilespmem:$0x1CF00] =	vst v63  }
0x3b: {  	s13 =	sadd.s32 $0x3080, s5  }
0x3c: {  	[tilespmem:s22], [sflag:$0x3] =	stream.linear.gather [hbm4b:s13+s3], $0x200, $0x38;
	[tilespmem:$0x1CF00] =	vst v63  }
0x3d: {  	_ =	swait.ge [sflag:s30], $0x200  }
0x3e: {  	[sflag:s30] =	ssyncset.done $0x0  }
0x3f: {  	[sflag:s30] =	ssyncadd.s32 $0xFFFFFE00  }
0x40: {  	_ =	swait.ge [sflag:s30], $0x200  }
0x41: {  	[sflag:s30] =	ssyncset.done $0x0  }
0x42: {  	[sflag:s30] =	ssyncadd.s32 $0xFFFFFE00  }
0x43: {  	[tilespmem:s23], [sflag:$0x1] =	stream.indirect.gather [hbm4b:s4+s22], $0x10, s3, s22, $0xb8;
	[tilespmem:$0x1CF00] =	vst v63  }
0x44: {  	_ =	swait.ge [sflag:s31], $0x2000  }
0x45: {  	[sflag:s31] =	ssyncset.done $0x0  }
0x46: {  	[sflag:s31] =	ssyncadd.s32 $0xFFFFE000  }
0x47: {  	[spmem:s1] =	stream.indirect.scatter.add.f32 [tilespmem:s28], [sflag:$0x5], $0x10, s25, s22, $0xb8;
	[tilespmem:$0x1CF00] =	vst v63  }
0x48: {  	_ =	swait.ge [sflag:s21], $0x2000  }
0x49: {  	[sflag:s21] =	ssyncset.done $0x0  }
0x4a: {  	s6 =	sadd.s32 $0x30C0, s6;
	[sflag:s21] =	ssyncadd.s32 $0xFFFFE000  }
0x4b: {  	[tilespmem:s24], [sflag:$0x4] =	stream.linear.gather [hbm4b:s6+s3], $0x200, $0x38;
	[tilespmem:$0x1CF00] =	vst v63  }
0x4c: {  	s7 =	sadd.s32 $0x30C0, s5;
	s6 =	simm.s32 $0xFFFFD080  }
.LBB2_2:
0x4d: {  	[tilespmem:s25], [sflag:$0x4] =	stream.linear.gather [hbm4b:s7+s3], $0x200, $0x38;
	[tilespmem:$0x1CF00] =	vst v63  }
0x4e: {  	s5 =	smov.u32 s6  }
0x4f: {  	p0 =	sne.s32 s6, $0xFFFFFF80;
	s6 =	sadd.s32 $0x80, s6;
	_ =	swait.ge [sflag:s26], $0x200  }
0x50: {  	[sflag:s26] =	ssyncset.done $0x0  }
0x51: {  	[sflag:s26] =	ssyncadd.s32 $0xFFFFFE00  }
0x52: {  	_ =	swait.ge [sflag:s26], $0x200  }
0x53: {  	[sflag:s26] =	ssyncset.done $0x0  }
0x54: {  	[sflag:s26] =	ssyncadd.s32 $0xFFFFFE00  }
0x55: {  	[tilespmem:s28], [sflag:$0x2] =	stream.indirect.gather [hbm4b:s4+s22], $0x10, s24, s22, $0xb8;
	[tilespmem:$0x1CF00] =	vst v63  }
0x56: {  	_ =	swait.ge [sflag:s29], $0x2000  }
0x57: {  	[sflag:s29] =	ssyncset.done $0x0  }
0x58: {  	[sflag:s29] =	ssyncadd.s32 $0xFFFFE000  }
0x59: {  	[spmem:s1] =	stream.indirect.scatter.add.f32 [tilespmem:s23], [sflag:$0x5], $0x10, s22, s22, $0xb8;
	[tilespmem:$0x1CF00] =	vst v63  }
0x5a: {  	_ =	swait.ge [sflag:s21], $0x2000  }
0x5b: {  	s7 =	sadd.s32 s5, s9;
	[sflag:s21] =	ssyncset.done $0x0  }
0x5c: {  	s5 =	sadd.s32 s5, s10;
	s13 =	sadd.s32 $0x3080, s7;
	[sflag:s21] =	ssyncadd.s32 $0xFFFFE000  }
0x5d: {  	[tilespmem:s3], [sflag:$0x3] =	stream.linear.gather [hbm4b:s13+s3], $0x200, $0x38;
	[tilespmem:$0x1CF00] =	vst v63  }
0x5e: {  	s13 =	sadd.s32 $0x3080, s5  }
0x5f: {  	[tilespmem:s22], [sflag:$0x3] =	stream.linear.gather [hbm4b:s13+s3], $0x200, $0x38;
	[tilespmem:$0x1CF00] =	vst v63  }
0x60: {  	_ =	swait.ge [sflag:s30], $0x200  }
0x61: {  	[sflag:s30] =	ssyncset.done $0x0  }
0x62: {  	[sflag:s30] =	ssyncadd.s32 $0xFFFFFE00  }
0x63: {  	_ =	swait.ge [sflag:s30], $0x200  }
0x64: {  	[sflag:s30] =	ssyncset.done $0x0  }
0x65: {  	[sflag:s30] =	ssyncadd.s32 $0xFFFFFE00  }
0x66: {  	[tilespmem:s23], [sflag:$0x1] =	stream.indirect.gather [hbm4b:s4+s22], $0x10, s3, s22, $0xb8;
	[tilespmem:$0x1CF00] =	vst v63  }
0x67: {  	_ =	swait.ge [sflag:s31], $0x2000  }
0x68: {  	[sflag:s31] =	ssyncset.done $0x0  }
0x69: {  	[sflag:s31] =	ssyncadd.s32 $0xFFFFE000  }
0x6a: {  	[spmem:s1] =	stream.indirect.scatter.add.f32 [tilespmem:s28], [sflag:$0x5], $0x10, s25, s22, $0xb8;
	[tilespmem:$0x1CF00] =	vst v63  }
.Ltmp0:
0x6b: {  	_ =	swait.ge [sflag:s21], $0x2000;
	(pc) =	sbr.rel @p0 .LBB2_2-.Ltmp0, $4  }
0x6c: {  	[sflag:s21] =	ssyncset.done $0x0  }
0x6d: {  	s7 =	sadd.s32 $0x30C0, s7;
	[sflag:s21] =	ssyncadd.s32 $0xFFFFE000  }
0x6e: {  	[tilespmem:s24], [sflag:$0x4] =	stream.linear.gather [hbm4b:s7+s3], $0x200, $0x38;
	[tilespmem:$0x1CF00] =	vst v63  }
0x6f: {  	s7 =	sadd.s32 $0x30C0, s5  }
0x70: {  	[tilespmem:s25], [sflag:$0x4] =	stream.linear.gather [hbm4b:s7+s3], $0x200, $0x38;
	[tilespmem:$0x1CF00] =	vst v63  }
0x71: {  	_ =	swait.ge [sflag:s26], $0x200  }
0x72: {  	[sflag:s26] =	ssyncset.done $0x0  }
0x73: {  	[sflag:s26] =	ssyncadd.s32 $0xFFFFFE00  }
0x74: {  	_ =	swait.ge [sflag:s26], $0x200  }
0x75: {  	[sflag:s26] =	ssyncset.done $0x0  }
0x76: {  	[sflag:s26] =	ssyncadd.s32 $0xFFFFFE00  }
0x77: {  	[tilespmem:s28], [sflag:$0x2] =	stream.indirect.gather [hbm4b:s4+s22], $0x10, s24, s22, $0xb8;
	[tilespmem:$0x1CF00] =	vst v63  }
0x78: {  	_ =	swait.ge [sflag:s29], $0x2000  }
0x79: {  	[sflag:s29] =	ssyncset.done $0x0  }
0x7a: {  	[sflag:s29] =	ssyncadd.s32 $0xFFFFE000  }
0x7b: {  	[spmem:s1] =	stream.indirect.scatter.add.f32 [tilespmem:s23], [sflag:$0x5], $0x10, s22, s22, $0xb8;
	[tilespmem:$0x1CF00] =	vst v63  }
0x7c: {  	_ =	swait.ge [sflag:s21], $0x2000  }
0x7d: {  	[sflag:s21] =	ssyncset.done $0x0  }
0x7e: {  	[sflag:s21] =	ssyncadd.s32 $0xFFFFE000  }
0x7f: {  	[tilespmem:s3], [sflag:$0x3] =	stream.linear.gather [hbm4b:s19+s3], $0x200, $0x38;
	[tilespmem:$0x1CF00] =	vst v63  }
0x80: {  	_ = 	snop  }
0x81: {  	[tilespmem:s22], [sflag:$0x3] =	stream.linear.gather [hbm4b:s20+s3], $0x200, $0x38;
	[tilespmem:$0x1CF00] =	vst v63  }
0x82: {  	_ =	swait.ge [sflag:s30], $0x200  }
0x83: {  	[sflag:s30] =	ssyncset.done $0x0  }
0x84: {  	[sflag:s30] =	ssyncadd.s32 $0xFFFFFE00  }
0x85: {  	_ =	swait.ge [sflag:s30], $0x200  }
0x86: {  	[sflag:s30] =	ssyncset.done $0x0  }
0x87: {  	[sflag:s30] =	ssyncadd.s32 $0xFFFFFE00  }
0x88: {  	[tilespmem:s23], [sflag:$0x1] =	stream.indirect.gather [hbm4b:s4+s22], $0x10, s3, s22, $0xb8;
	[tilespmem:$0x1CF00] =	vst v63  }
0x89: {  	_ =	swait.ge [sflag:s31], $0x2000  }
0x8a: {  	[sflag:s31] =	ssyncset.done $0x0  }
0x8b: {  	[sflag:s31] =	ssyncadd.s32 $0xFFFFE000  }
0x8c: {  	[spmem:s1] =	stream.indirect.scatter.add.f32 [tilespmem:s28], [sflag:$0x5], $0x10, s25, s22, $0xb8;
	[tilespmem:$0x1CF00] =	vst v63  }
0x8d: {  	_ =	swait.ge [sflag:s21], $0x2000  }
0x8e: {  	[sflag:s21] =	ssyncset.done $0x0  }
0x8f: {  	[sflag:s21] =	ssyncadd.s32 $0xFFFFE000  }
0x90: {  	[tilespmem:s24], [sflag:$0x4] =	stream.linear.gather [hbm4b:s17+s3], $0x200, $0x38;
	[tilespmem:$0x1CF00] =	vst v63  }
0x91: {  	_ = 	snop  }
0x92: {  	[tilespmem:s25], [sflag:$0x4] =	stream.linear.gather [hbm4b:s18+s3], $0x200, $0x38;
	[tilespmem:$0x1CF00] =	vst v63  }
0x93: {  	_ =	swait.ge [sflag:s26], $0x200  }
0x94: {  	[sflag:s26] =	ssyncset.done $0x0  }
0x95: {  	[sflag:s26] =	ssyncadd.s32 $0xFFFFFE00  }
0x96: {  	_ =	swait.ge [sflag:s26], $0x200  }
0x97: {  	[sflag:s26] =	ssyncset.done $0x0  }
0x98: {  	[sflag:s26] =	ssyncadd.s32 $0xFFFFFE00  }
0x99: {  	[tilespmem:s28], [sflag:$0x2] =	stream.indirect.gather [hbm4b:s4+s22], $0x10, s24, s22, $0xb8;
	[tilespmem:$0x1CF00] =	vst v63  }
0x9a: {  	_ =	swait.ge [sflag:s29], $0x2000  }
0x9b: {  	[sflag:s29] =	ssyncset.done $0x0  }
0x9c: {  	[sflag:s29] =	ssyncadd.s32 $0xFFFFE000  }
0x9d: {  	[spmem:s1] =	stream.indirect.scatter.add.f32 [tilespmem:s23], [sflag:$0x5], $0x10, s22, s22, $0xb8;
	[tilespmem:$0x1CF00] =	vst v63  }
0x9e: {  	_ =	swait.ge [sflag:s21], $0x2000  }
0x9f: {  	[sflag:s21] =	ssyncset.done $0x0  }
0xa0: {  	[sflag:s21] =	ssyncadd.s32 $0xFFFFE000  }
0xa1: {  	[tilespmem:s3], [sflag:$0x3] =	stream.linear.gather [hbm4b:s17+s3], $0x200, $0x38;
	[tilespmem:$0x1CF00] =	vst v63  }
0xa2: {  	_ = 	snop  }
0xa3: {  	[tilespmem:s22], [sflag:$0x3] =	stream.linear.gather [hbm4b:s18+s3], $0x200, $0x38;
	[tilespmem:$0x1CF00] =	vst v63  }
0xa4: {  	_ =	swait.ge [sflag:s30], $0x200  }
0xa5: {  	[sflag:s30] =	ssyncset.done $0x0  }
0xa6: {  	[sflag:s30] =	ssyncadd.s32 $0xFFFFFE00  }
0xa7: {  	_ =	swait.ge [sflag:s30], $0x200  }
0xa8: {  	[sflag:s30] =	ssyncset.done $0x0  }
0xa9: {  	[sflag:s30] =	ssyncadd.s32 $0xFFFFFE00  }
0xaa: {  	[tilespmem:s23], [sflag:$0x1] =	stream.indirect.gather [hbm4b:s4+s22], $0x10, s3, s22, $0xb8;
	[tilespmem:$0x1CF00] =	vst v63  }
0xab: {  	_ =	swait.ge [sflag:s31], $0x2000  }
0xac: {  	[sflag:s31] =	ssyncset.done $0x0  }
0xad: {  	[sflag:s31] =	ssyncadd.s32 $0xFFFFE000  }
0xae: {  	[spmem:s1] =	stream.indirect.scatter.add.f32 [tilespmem:s28], [sflag:$0x5], $0x10, s25, s22, $0xb8;
	[tilespmem:$0x1CF00] =	vst v63  }
0xaf: {  	_ =	swait.ge [sflag:s21], $0x2000  }
0xb0: {  	[sflag:s21] =	ssyncset.done $0x0  }
0xb1: {  	[sflag:s21] =	ssyncadd.s32 $0xFFFFE000  }
0xb2: {  	[tilespmem:s24], [sflag:$0x4] =	stream.linear.gather [hbm4b:s17+s3], $0x200, $0x38;
	[tilespmem:$0x1CF00] =	vst v63  }
0xb3: {  	_ = 	snop  }
0xb4: {  	[tilespmem:s25], [sflag:$0x4] =	stream.linear.gather [hbm4b:s18+s3], $0x200, $0x38;
	[tilespmem:$0x1CF00] =	vst v63  }
0xb5: {  	_ =	swait.ge [sflag:s29], $0x2000  }
0xb6: {  	[sflag:s29] =	ssyncset.done $0x0  }
0xb7: {  	[sflag:s29] =	ssyncadd.s32 $0xFFFFE000  }
0xb8: {  	_ =	swait.ge [sflag:s26], $0x200  }
0xb9: {  	[sflag:s26] =	ssyncset.done $0x0  }
0xba: {  	[sflag:s26] =	ssyncadd.s32 $0xFFFFFE00  }
0xbb: {  	_ =	swait.ge [sflag:s26], $0x200  }
0xbc: {  	[sflag:s26] =	ssyncset.done $0x0  }
0xbd: {  	[sflag:s26] =	ssyncadd.s32 $0xFFFFFE00  }
0xbe: {  	[bflag:$0x0] =	sbarrier.arrive $0xFFFF  }
0xbf: {  	s5 =	rddreg [dreg:$0x7]  }
0xc0: {  	[hbm:s5], [sflag:s8] =	dma.local [spmem:s2], $0x30E0  }
0xc1: {  	_ =	swait.ge [sflag:s21], $0x30E0  }
0xc2: {  	[sflag:s21] =	ssyncset.done $0x0  }
0xc3: {  	[sflag:s21] =	ssyncadd.s32 $0xFFFFCF20  }
0xc4: {  	[bflag:$0x0] =	sbarrier.arrive $0xFFFF  }
0xc5: {  	s7 =	rddreg [dreg:$0x4]  }
0xc6: {  	s5 =	sadd.s32 s7, s14  }
0xc7: {  	[spmem:s2], [sflag:s8] =	dma.local [hbm:s5], $0x30E0  }
0xc8: {  	_ =	swait.ge [sflag:s21], $0x30E0  }
0xc9: {  	[sflag:s21] =	ssyncset.done $0x0  }
0xca: {  	[sflag:s21] =	ssyncadd.s32 $0xFFFFCF20  }
0xcb: {  	[bflag:$0x0] =	sbarrier.arrive $0xFFFF  }
0xcc: {  	[tilespmem:s3], [sflag:$0x5] =	stream.linear.gather [hbm4b:s9+s3], $0x200, $0x38;
	[tilespmem:$0x1CF00] =	vst v63  }
0xcd: {  	_ =	swait.ge [sflag:s21], $0x200  }
0xce: {  	[sflag:s21] =	ssyncset.done $0x0  }
0xcf: {  	[sflag:s21] =	ssyncadd.s32 $0xFFFFFE00  }
0xd0: {  	[tilespmem:s22], [sflag:$0x5] =	stream.linear.gather [hbm4b:s10+s3], $0x200, $0x38;
	[tilespmem:$0x1CF00] =	vst v63  }
0xd1: {  	_ =	swait.ge [sflag:s21], $0x200  }
0xd2: {  	[sflag:s21] =	ssyncset.done $0x0  }
0xd3: {  	[sflag:s21] =	ssyncadd.s32 $0xFFFFFE00  }
0xd4: {  	[tilespmem:s23], [sflag:$0x1] =	stream.indirect.gather [hbm4b:s14+s22], $0x10, s3, s22, $0xb8;
	[tilespmem:$0x1CF00] =	vst v63  }
0xd5: {  	_ = 	snop  }
0xd6: {  	[tilespmem:s24], [sflag:$0x4] =	stream.linear.gather [hbm4b:s11+s3], $0x200, $0x38;
	[tilespmem:$0x1CF00] =	vst v63  }
0xd7: {  	_ = 	snop  }
0xd8: {  	[tilespmem:s25], [sflag:$0x4] =	stream.linear.gather [hbm4b:s12+s3], $0x200, $0x38;
	[tilespmem:$0x1CF00] =	vst v63  }
0xd9: {  	_ =	swait.ge [sflag:s26], $0x200  }
0xda: {  	[sflag:s26] =	ssyncset.done $0x0  }
0xdb: {  	[sflag:s26] =	ssyncadd.s32 $0xFFFFFE00  }
0xdc: {  	_ =	swait.ge [sflag:s26], $0x200  }
0xdd: {  	[sflag:s26] =	ssyncset.done $0x0  }
0xde: {  	[sflag:s26] =	ssyncadd.s32 $0xFFFFFE00  }
0xdf: {  	[tilespmem:s28], [sflag:$0x2] =	stream.indirect.gather [hbm4b:s14+s22], $0x10, s24, s22, $0xb8;
	[tilespmem:$0x1CF00] =	vst v63  }
0xe0: {  	_ =	swait.ge [sflag:s29], $0x2000  }
0xe1: {  	[sflag:s29] =	ssyncset.done $0x0  }
0xe2: {  	[sflag:s29] =	ssyncadd.s32 $0xFFFFE000  }
0xe3: {  	[spmem:s1] =	stream.indirect.scatter.add.f32 [tilespmem:s23], [sflag:$0x5], $0x10, s22, s22, $0xb8;
	[tilespmem:$0x1CF00] =	vst v63  }
0xe4: {  	_ =	swait.ge [sflag:s21], $0x2000  }
0xe5: {  	s5 =	sadd.s32 $0xFFFFD000, s9;
	[sflag:s21] =	ssyncset.done $0x0  }
0xe6: {  	s7 =	sadd.s32 $0xFFFFD000, s10;
	s6 =	sadd.s32 $0x3080, s5;
	[sflag:s21] =	ssyncadd.s32 $0xFFFFE000  }
0xe7: {  	[tilespmem:s3], [sflag:$0x3] =	stream.linear.gather [hbm4b:s6+s3], $0x200, $0x38;
	[tilespmem:$0x1CF00] =	vst v63  }
0xe8: {  	s13 =	sadd.s32 $0x3080, s7  }
0xe9: {  	[tilespmem:s22], [sflag:$0x3] =	stream.linear.gather [hbm4b:s13+s3], $0x200, $0x38;
	[tilespmem:$0x1CF00] =	vst v63  }
0xea: {  	_ =	swait.ge [sflag:s30], $0x200  }
0xeb: {  	[sflag:s30] =	ssyncset.done $0x0  }
0xec: {  	[sflag:s30] =	ssyncadd.s32 $0xFFFFFE00  }
0xed: {  	_ =	swait.ge [sflag:s30], $0x200  }
0xee: {  	[sflag:s30] =	ssyncset.done $0x0  }
0xef: {  	[sflag:s30] =	ssyncadd.s32 $0xFFFFFE00  }
0xf0: {  	[tilespmem:s23], [sflag:$0x1] =	stream.indirect.gather [hbm4b:s14+s22], $0x10, s3, s22, $0xb8;
	[tilespmem:$0x1CF00] =	vst v63  }
0xf1: {  	_ =	swait.ge [sflag:s31], $0x2000  }
0xf2: {  	[sflag:s31] =	ssyncset.done $0x0  }
0xf3: {  	[sflag:s31] =	ssyncadd.s32 $0xFFFFE000  }
0xf4: {  	[spmem:s1] =	stream.indirect.scatter.add.f32 [tilespmem:s28], [sflag:$0x5], $0x10, s25, s22, $0xb8;
	[tilespmem:$0x1CF00] =	vst v63  }
0xf5: {  	_ =	swait.ge [sflag:s21], $0x2000  }
0xf6: {  	s7 =	sadd.s32 $0x30C0, s7;
	[sflag:s21] =	ssyncset.done $0x0  }
0xf7: {  	s5 =	sadd.s32 $0x30C0, s5;
	s6 =	simm.s32 $0xFFFFD080;
	[sflag:s21] =	ssyncadd.s32 $0xFFFFE000  }
0xf8: {  	[tilespmem:s24], [sflag:$0x4] =	stream.linear.gather [hbm4b:s5+s3], $0x200, $0x38;
	[tilespmem:$0x1CF00] =	vst v63  }
.LBB2_4:
0xf9: {  	[tilespmem:s25], [sflag:$0x4] =	stream.linear.gather [hbm4b:s7+s3], $0x200, $0x38;
	[tilespmem:$0x1CF00] =	vst v63  }
0xfa: {  	s5 =	smov.u32 s6  }
0xfb: {  	p0 =	sne.s32 s6, $0xFFFFFF80;
	s6 =	sadd.s32 $0x80, s6;
	_ =	swait.ge [sflag:s26], $0x200  }
0xfc: {  	[sflag:s26] =	ssyncset.done $0x0  }
0xfd: {  	[sflag:s26] =	ssyncadd.s32 $0xFFFFFE00  }
0xfe: {  	_ =	swait.ge [sflag:s26], $0x200  }
0xff: {  	[sflag:s26] =	ssyncset.done $0x0  }
0x100: {  	[sflag:s26] =	ssyncadd.s32 $0xFFFFFE00  }
0x101: {  	[tilespmem:s28], [sflag:$0x2] =	stream.indirect.gather [hbm4b:s14+s22], $0x10, s24, s22, $0xb8;
	[tilespmem:$0x1CF00] =	vst v63  }
0x102: {  	_ =	swait.ge [sflag:s29], $0x2000  }
0x103: {  	[sflag:s29] =	ssyncset.done $0x0  }
0x104: {  	[sflag:s29] =	ssyncadd.s32 $0xFFFFE000  }
0x105: {  	[spmem:s1] =	stream.indirect.scatter.add.f32 [tilespmem:s23], [sflag:$0x5], $0x10, s22, s22, $0xb8;
	[tilespmem:$0x1CF00] =	vst v63  }
0x106: {  	_ =	swait.ge [sflag:s21], $0x2000  }
0x107: {  	s7 =	sadd.s32 s5, s9;
	[sflag:s21] =	ssyncset.done $0x0  }
0x108: {  	s5 =	sadd.s32 s5, s10;
	s13 =	sadd.s32 $0x3080, s7;
	[sflag:s21] =	ssyncadd.s32 $0xFFFFE000  }
0x109: {  	[tilespmem:s3], [sflag:$0x3] =	stream.linear.gather [hbm4b:s13+s3], $0x200, $0x38;
	[tilespmem:$0x1CF00] =	vst v63  }
0x10a: {  	s13 =	sadd.s32 $0x3080, s5  }
0x10b: {  	[tilespmem:s22], [sflag:$0x3] =	stream.linear.gather [hbm4b:s13+s3], $0x200, $0x38;
	[tilespmem:$0x1CF00] =	vst v63  }
0x10c: {  	_ =	swait.ge [sflag:s30], $0x200  }
0x10d: {  	[sflag:s30] =	ssyncset.done $0x0  }
0x10e: {  	[sflag:s30] =	ssyncadd.s32 $0xFFFFFE00  }
0x10f: {  	_ =	swait.ge [sflag:s30], $0x200  }
0x110: {  	[sflag:s30] =	ssyncset.done $0x0  }
0x111: {  	[sflag:s30] =	ssyncadd.s32 $0xFFFFFE00  }
0x112: {  	[tilespmem:s23], [sflag:$0x1] =	stream.indirect.gather [hbm4b:s14+s22], $0x10, s3, s22, $0xb8;
	[tilespmem:$0x1CF00] =	vst v63  }
0x113: {  	_ =	swait.ge [sflag:s31], $0x2000  }
0x114: {  	[sflag:s31] =	ssyncset.done $0x0  }
0x115: {  	[sflag:s31] =	ssyncadd.s32 $0xFFFFE000  }
0x116: {  	[spmem:s1] =	stream.indirect.scatter.add.f32 [tilespmem:s28], [sflag:$0x5], $0x10, s25, s22, $0xb8;
	[tilespmem:$0x1CF00] =	vst v63  }
.Ltmp1:
0x117: {  	_ =	swait.ge [sflag:s21], $0x2000;
	(pc) =	sbr.rel @p0 .LBB2_4-.Ltmp1, $4  }
0x118: {  	[sflag:s21] =	ssyncset.done $0x0  }
0x119: {  	s7 =	sadd.s32 $0x30C0, s7;
	[sflag:s21] =	ssyncadd.s32 $0xFFFFE000  }
0x11a: {  	[tilespmem:s24], [sflag:$0x4] =	stream.linear.gather [hbm4b:s7+s3], $0x200, $0x38;
	[tilespmem:$0x1CF00] =	vst v63  }
0x11b: {  	s7 =	sadd.s32 $0x30C0, s5  }
0x11c: {  	[tilespmem:s25], [sflag:$0x4] =	stream.linear.gather [hbm4b:s7+s3], $0x200, $0x38;
	[tilespmem:$0x1CF00] =	vst v63  }
0x11d: {  	_ =	swait.ge [sflag:s26], $0x200  }
0x11e: {  	[sflag:s26] =	ssyncset.done $0x0  }
0x11f: {  	[sflag:s26] =	ssyncadd.s32 $0xFFFFFE00  }
0x120: {  	_ =	swait.ge [sflag:s26], $0x200  }
0x121: {  	[sflag:s26] =	ssyncset.done $0x0  }
0x122: {  	[sflag:s26] =	ssyncadd.s32 $0xFFFFFE00  }
0x123: {  	[tilespmem:s28], [sflag:$0x2] =	stream.indirect.gather [hbm4b:s14+s22], $0x10, s24, s22, $0xb8;
	[tilespmem:$0x1CF00] =	vst v63  }
0x124: {  	_ =	swait.ge [sflag:s29], $0x2000  }
0x125: {  	[sflag:s29] =	ssyncset.done $0x0  }
0x126: {  	[sflag:s29] =	ssyncadd.s32 $0xFFFFE000  }
0x127: {  	[spmem:s1] =	stream.indirect.scatter.add.f32 [tilespmem:s23], [sflag:$0x5], $0x10, s22, s22, $0xb8;
	[tilespmem:$0x1CF00] =	vst v63  }
0x128: {  	_ =	swait.ge [sflag:s21], $0x2000  }
0x129: {  	[sflag:s21] =	ssyncset.done $0x0  }
0x12a: {  	[sflag:s21] =	ssyncadd.s32 $0xFFFFE000  }
0x12b: {  	[tilespmem:s3], [sflag:$0x3] =	stream.linear.gather [hbm4b:s19+s3], $0x200, $0x38;
	[tilespmem:$0x1CF00] =	vst v63  }
0x12c: {  	_ = 	snop  }
0x12d: {  	[tilespmem:s22], [sflag:$0x3] =	stream.linear.gather [hbm4b:s20+s3], $0x200, $0x38;
	[tilespmem:$0x1CF00] =	vst v63  }
0x12e: {  	_ =	swait.ge [sflag:s30], $0x200  }
0x12f: {  	[sflag:s30] =	ssyncset.done $0x0  }
0x130: {  	[sflag:s30] =	ssyncadd.s32 $0xFFFFFE00  }
0x131: {  	_ =	swait.ge [sflag:s30], $0x200  }
0x132: {  	[sflag:s30] =	ssyncset.done $0x0  }
0x133: {  	[sflag:s30] =	ssyncadd.s32 $0xFFFFFE00  }
0x134: {  	[tilespmem:s23], [sflag:$0x1] =	stream.indirect.gather [hbm4b:s14+s22], $0x10, s3, s22, $0xb8;
	[tilespmem:$0x1CF00] =	vst v63  }
0x135: {  	_ =	swait.ge [sflag:s31], $0x2000  }
0x136: {  	[sflag:s31] =	ssyncset.done $0x0  }
0x137: {  	[sflag:s31] =	ssyncadd.s32 $0xFFFFE000  }
0x138: {  	[spmem:s1] =	stream.indirect.scatter.add.f32 [tilespmem:s28], [sflag:$0x5], $0x10, s25, s22, $0xb8;
	[tilespmem:$0x1CF00] =	vst v63  }
0x139: {  	_ =	swait.ge [sflag:s21], $0x2000  }
0x13a: {  	[sflag:s21] =	ssyncset.done $0x0  }
0x13b: {  	[sflag:s21] =	ssyncadd.s32 $0xFFFFE000  }
0x13c: {  	[tilespmem:s24], [sflag:$0x4] =	stream.linear.gather [hbm4b:s17+s3], $0x200, $0x38;
	[tilespmem:$0x1CF00] =	vst v63  }
0x13d: {  	_ = 	snop  }
0x13e: {  	[tilespmem:s25], [sflag:$0x4] =	stream.linear.gather [hbm4b:s18+s3], $0x200, $0x38;
	[tilespmem:$0x1CF00] =	vst v63  }
0x13f: {  	_ =	swait.ge [sflag:s26], $0x200  }
0x140: {  	[sflag:s26] =	ssyncset.done $0x0  }
0x141: {  	[sflag:s26] =	ssyncadd.s32 $0xFFFFFE00  }
0x142: {  	_ =	swait.ge [sflag:s26], $0x200  }
0x143: {  	[sflag:s26] =	ssyncset.done $0x0  }
0x144: {  	[sflag:s26] =	ssyncadd.s32 $0xFFFFFE00  }
0x145: {  	[tilespmem:s28], [sflag:$0x2] =	stream.indirect.gather [hbm4b:s14+s22], $0x10, s24, s22, $0xb8;
	[tilespmem:$0x1CF00] =	vst v63  }
0x146: {  	_ =	swait.ge [sflag:s29], $0x2000  }
0x147: {  	[sflag:s29] =	ssyncset.done $0x0  }
0x148: {  	[sflag:s29] =	ssyncadd.s32 $0xFFFFE000  }
0x149: {  	[spmem:s1] =	stream.indirect.scatter.add.f32 [tilespmem:s23], [sflag:$0x5], $0x10, s22, s22, $0xb8;
	[tilespmem:$0x1CF00] =	vst v63  }
0x14a: {  	_ =	swait.ge [sflag:s21], $0x2000  }
0x14b: {  	[sflag:s21] =	ssyncset.done $0x0  }
0x14c: {  	[sflag:s21] =	ssyncadd.s32 $0xFFFFE000  }
0x14d: {  	[tilespmem:s3], [sflag:$0x3] =	stream.linear.gather [hbm4b:s17+s3], $0x200, $0x38;
	[tilespmem:$0x1CF00] =	vst v63  }
0x14e: {  	_ = 	snop  }
0x14f: {  	[tilespmem:s22], [sflag:$0x3] =	stream.linear.gather [hbm4b:s18+s3], $0x200, $0x38;
	[tilespmem:$0x1CF00] =	vst v63  }
0x150: {  	_ =	swait.ge [sflag:s30], $0x200  }
0x151: {  	[sflag:s30] =	ssyncset.done $0x0  }
0x152: {  	[sflag:s30] =	ssyncadd.s32 $0xFFFFFE00  }
0x153: {  	_ =	swait.ge [sflag:s30], $0x200  }
0x154: {  	[sflag:s30] =	ssyncset.done $0x0  }
0x155: {  	[sflag:s30] =	ssyncadd.s32 $0xFFFFFE00  }
0x156: {  	[tilespmem:s23], [sflag:$0x1] =	stream.indirect.gather [hbm4b:s14+s22], $0x10, s3, s22, $0xb8;
	[tilespmem:$0x1CF00] =	vst v63  }
0x157: {  	_ =	swait.ge [sflag:s31], $0x2000  }
0x158: {  	[sflag:s31] =	ssyncset.done $0x0  }
0x159: {  	[sflag:s31] =	ssyncadd.s32 $0xFFFFE000  }
0x15a: {  	[spmem:s1] =	stream.indirect.scatter.add.f32 [tilespmem:s28], [sflag:$0x5], $0x10, s25, s22, $0xb8;
	[tilespmem:$0x1CF00] =	vst v63  }
0x15b: {  	_ =	swait.ge [sflag:s21], $0x2000  }
0x15c: {  	[sflag:s21] =	ssyncset.done $0x0  }
0x15d: {  	[sflag:s21] =	ssyncadd.s32 $0xFFFFE000  }
0x15e: {  	[tilespmem:s24], [sflag:$0x4] =	stream.linear.gather [hbm4b:s17+s3], $0x200, $0x38;
	[tilespmem:$0x1CF00] =	vst v63  }
0x15f: {  	_ = 	snop  }
0x160: {  	[tilespmem:s25], [sflag:$0x4] =	stream.linear.gather [hbm4b:s18+s3], $0x200, $0x38;
	[tilespmem:$0x1CF00] =	vst v63  }
0x161: {  	_ =	swait.ge [sflag:s29], $0x2000  }
0x162: {  	[sflag:s29] =	ssyncset.done $0x0  }
0x163: {  	[sflag:s29] =	ssyncadd.s32 $0xFFFFE000  }
0x164: {  	_ =	swait.ge [sflag:s26], $0x200  }
0x165: {  	[sflag:s26] =	ssyncset.done $0x0  }
0x166: {  	[sflag:s26] =	ssyncadd.s32 $0xFFFFFE00  }
0x167: {  	_ =	swait.ge [sflag:s26], $0x200  }
0x168: {  	[sflag:s26] =	ssyncset.done $0x0  }
0x169: {  	s0 =	sadd.s32 $0x1, s0;
	[sflag:s26] =	ssyncadd.s32 $0xFFFFFE00  }
0x16a: {  	p0 =	sne.s32 s0, s16;
	[bflag:$0x0] =	sbarrier.arrive $0xFFFF  }
0x16b: {  	[hbm:s15], [sflag:s8] =	dma.local [spmem:s2], $0x30E0  }
.Ltmp2:
0x16c: {  	_ =	swait.ge [sflag:s21], $0x30E0;
	(pc) =	sbr.rel @p0 .LBB2_1-.Ltmp2, $3  }
0x16d: {  	[sflag:s21] =	ssyncset.done $0x0  }
0x16e: {  	[sflag:s21] =	ssyncadd.s32 $0xFFFFCF20  }
0x16f: {  	[bflag:$0x0] =	sbarrier.arrive $0xFFFF;
	_ =	sdelay $0x1  }
0x170: {  	_ =	sfence.sel $0x180000  }
0x171: {  	[bflag:$0x0] =	sbarrier.arrive $0xFFFF  }
0x172: {  	_ =	strace $0x9000004A  }
0x173: {  	s0 =	stileid.u32;
	[bflag:$0x2] =	sbarrier.arrive $0xFFFF  }
0x174: {  	p0 =	sne.s32 s0, $0x0;
	s0 =	rddreg [dreg:$0x3]  }
0x175: {  	s0 =	sadd.s32 @!p0 $0x100000, s0  }
0x176: {  	[sflag:s0] =	ssyncadd.tile.s32 @!p0 $0x1;
	_ =	shalt  }
.Lfunc_end2:
_tile_overlayer_lowered:
.L_overlay_start_2:
0x177: {  	(tag) =	ssettag $0x2  }
0x178: {  	s0 =	rddreg [dreg:$0x0];
	s2 =	stileid.u32  }
0x179: {  	s1 =	rddreg [dreg:$0x1];
	p0 =	sne.s32 s2, $0x0  }
0x17a: {  	s3 =	rddreg [dreg:$0x2];
	[bflag:$0x3] =	sbarrier.arrive $0xFFFF;
	s2 =	simm.s32 @!p0 $0x1C05  }
0x17b: {  	[timem:s3], [sflag:s2] =	dma.local @!p0 [hbm:s0], s1  }
0x17c: {  	s0 =	simm.s32 @!p0 $0x5  }
0x17d: {  	_ =	swait.ge @!p0 [sflag:s0], s1  }
0x17e: {  	s1 =	ssub.s32 @!p0 $0x0, s1;
	[sflag:s0] =	ssyncset.done @!p0 $0x0  }
0x17f: {  	[sflag:s0] =	ssyncadd.s32 @!p0 s1  }
0x180: {  	[bflag:$0x3] =	sbarrier.arrive $0xFFFF  }
0x181: {  	_ =	shalt  }

// kernel: kernel.14.cloned.1.call-start
scs
__scs_entry_jumppad:
0x0: {  	(pc) =	sbr.rel $0x88, $3  }
0x1: {  	(tag) =	ssettag $0x0;
	lr =	simm.s32 $0x1  }
0x2: {  	[smem:$0x3F9B] =	sst lr;
	_ =	strace $0xD0000000  }
0x3: {  	_ = 	snop  }
0x4: {  	_ = 	snop  }
0x5: {  	_ = 	snop  }
0x6: {  	_ = 	snop  }
0x7: {  	_ = 	snop  }
__scs_overlays_trampoline_lowered:
0x8: {  	[smem:$0x3FAA] =	sst s0  }
0x9: {  	[smem:$0x3FAB] =	sst s1  }
0xa: {  	[smem:$0x3FAC] =	sst s2  }
0xb: {  	[smem:$0x3FAD] =	sst s3  }
0xc: {  	[smem:$0x3FAE] =	sst s4  }
0xd: {  	[smem:$0x3FAF] =	sst s5  }
0xe: {  	[smem:$0x3FB0] =	sst s6  }
0xf: {  	[smem:$0x3FB1] =	sst s7  }
0x10: {  	[smem:$0x3FB2] =	sst s8  }
0x11: {  	[smem:$0x3FB3] =	sst s9;
	s0 =	simm.s32 @!p0 $0x0  }
0x12: {  	s1 =	sld [smem:$0x3F99];
	s0 =	simm.s32 @p0 $0x1  }
0x13: {  	[smem:$0x3FB4] =	sst s0;
	s0 =	simm.s32 @!p1 $0x0  }
0x14: {  	s2 =	sld [smem:$0x3F98];
	s0 =	simm.s32 @p1 $0x1  }
0x15: {  	[smem:$0x3FB5] =	sst s0;
	s0 =	simm.s32 @!p2 $0x0  }
0x16: {  	s3 =	sld [smem:$0x3FDB];
	s0 =	simm.s32 @p2 $0x1  }
0x17: {  	s4 =	simm.s32 $0x1BF5;
	[smem:$0x3FB7] =	sst s0  }
0x18: {  	s0 =	sld [smem:$0x3F9A];
	_ =	swait.ge [sflag:s4], $0x0  }
0x19: {  	s7 =	sld [smem:$0x3F9B]  }
0x1a: {  	s8 =	sadd.s32 $0xFFFFE003, lr  }
0x1b: {  	s9 =	sadd.s32 $0xFFFFFEF7, lr;
	s5 =	simm.s32 $0xFFFFFFFF;
	p2 =	slt.u32 s8, $0xFFFFF086  }
0x1c: {  	p1 =	slt.u32 s9, $0xF7A;
	s5 =	simm.s32 @!p2 $0x0  }
0x1d: {  	s5 =	simm.s32 @p1 $0x1;
	p0 =	seq.s32 s7, s2  }
0x1e: {  	s7 =	smul.u32 @!p0 $0xF7A, s2;
	p2 =	seq.s32 @!p0 s5, $0x0  }
0x1f: {  	s9 =	smul.u32 $0xF7A, s1;
	s8 =	simm.s32 @!p0 $0x1BF5;
	p2 =	por !p2, p0  }
0x20: {  	[sflag:s8] =	ssyncset.s32 @!p0 $0xFFFFF086;
	s6 =	sadd.s32 @!p0 s3, s7;
	s7 =	simm.s32 @!p0 $0x108  }
0x21: {  	s3 =	sadd.s32 s3, s9;
	s6 =	sadd.s32 @!p0 $0x88, s6;
	s7 =	simm.s32 @p2 $0x1082  }
0x22: {  	[simem:s7], [sflag:s8] =	dma.local @!p0 [hbm:s6], $0xF7A  }
0x23: {  	s9 =	sor.u32 $0xD0000000, s2;
	s6 =	simm.s32 $0x108;
	_ =	swait.ge @!p0 [sflag:s8], $0x0  }
0x24: {  	s3 =	sadd.s32 $0x88, s3;
	s6 =	simm.s32 @!p1 $0x1082;
	[sflag:s4] =	ssyncset.s32 $0xFFFFF086  }
0x25: {  	[simem:s6], [sflag:s4] =	dma.local [hbm:s3], $0xF7A  }
0x26: {  	[smem:$0x3F9B] =	sst s1;
	(tag) =	ssettag s2;
	_ =	strace s9  }
0x27: {  	s1 =	sld [smem:$0x3FAB]  }
0x28: {  	s2 =	sld [smem:$0x3FAC]  }
0x29: {  	s4 =	sld [smem:$0x3FAE]  }
0x2a: {  	p0 =	seq.s32 s5, $0x0;
	s5 =	sld [smem:$0x3FAF]  }
0x2b: {  	s6 =	sld [smem:$0x3FB0]  }
0x2c: {  	s7 =	sld [smem:$0x3FB1]  }
0x2d: {  	s3 =	simm.s32 $0x108;
	s8 =	sld [smem:$0x3FB2]  }
0x2e: {  	s3 =	simm.s32 @!p0 $0x1082;
	s9 =	sld [smem:$0x3FB3]  }
0x2f: {  	lr =	sadd.s32 s0, s3;
	s0 =	sld [smem:$0x3FAA]  }
0x30: {  	s3 =	sld [smem:$0x3FAD]  }
0x31: {  	[smem:$0x3FB6] =	sst s10  }
0x32: {  	s10 =	sld [smem:$0x3FB4];
	_ =	sdelay $0x3  }
0x33: {  	p0 =	seq.s32 s10, $0x1;
	s10 =	sld [smem:$0x3FB6];
	_ =	sdelay $0x3  }
0x34: {  	[smem:$0x3FB6] =	sst s10  }
0x35: {  	s10 =	sld [smem:$0x3FB5];
	_ =	sdelay $0x3  }
0x36: {  	p1 =	seq.s32 s10, $0x1;
	s10 =	sld [smem:$0x3FB6];
	_ =	sdelay $0x3  }
0x37: {  	[smem:$0x3FB6] =	sst s10  }
0x38: {  	s10 =	sld [smem:$0x3FB7]  }
0x39: {  	_ = 	snop;
	(pc) =	sbr.ind lr, $3  }
0x3a: {  	_ = 	snop  }
0x3b: {  	_ = 	snop  }
0x3c: {  	p2 =	seq.s32 s10, $0x1;
	s10 =	sld [smem:$0x3FB6]  }
0x3d: {  	_ =	shalt  }
0x3e: {  	_ =	shalt  }
0x3f: {  	_ =	shalt  }
0x40: {  	_ =	shalt  }
0x41: {  	_ =	shalt  }
0x42: {  	_ =	shalt  }
0x43: {  	_ =	shalt  }
0x44: {  	_ =	shalt  }
0x45: {  	_ =	shalt  }
0x46: {  	_ =	shalt  }
0x47: {  	_ =	shalt  }
0x48: {  	_ =	shalt  }
0x49: {  	_ =	shalt  }
0x4a: {  	_ =	shalt  }
0x4b: {  	_ =	shalt  }
0x4c: {  	_ =	shalt  }
0x4d: {  	_ =	shalt  }
0x4e: {  	_ =	shalt  }
0x4f: {  	_ =	shalt  }
0x50: {  	_ =	shalt  }
0x51: {  	_ =	shalt  }
0x52: {  	_ =	shalt  }
0x53: {  	_ =	shalt  }
0x54: {  	_ =	shalt  }
0x55: {  	_ =	shalt  }
0x56: {  	_ =	shalt  }
0x57: {  	_ =	shalt  }
0x58: {  	_ =	shalt  }
0x59: {  	_ =	shalt  }
0x5a: {  	_ =	shalt  }
0x5b: {  	_ =	shalt  }
0x5c: {  	_ =	shalt  }
0x5d: {  	_ =	shalt  }
0x5e: {  	_ =	shalt  }
0x5f: {  	_ =	shalt  }
0x60: {  	_ =	shalt  }
0x61: {  	_ =	shalt  }
0x62: {  	_ =	shalt  }
0x63: {  	_ =	shalt  }
0x64: {  	_ =	shalt  }
0x65: {  	_ =	shalt  }
0x66: {  	_ =	shalt  }
0x67: {  	_ =	shalt  }
0x68: {  	_ =	shalt  }
0x69: {  	_ =	shalt  }
0x6a: {  	_ =	shalt  }
0x6b: {  	_ =	shalt  }
0x6c: {  	_ =	shalt  }
0x6d: {  	_ =	shalt  }
0x6e: {  	_ =	shalt  }
0x6f: {  	_ =	shalt  }
0x70: {  	_ =	shalt  }
0x71: {  	_ =	shalt  }
0x72: {  	_ =	shalt  }
0x73: {  	_ =	shalt  }
0x74: {  	_ =	shalt  }
0x75: {  	_ =	shalt  }
0x76: {  	_ =	shalt  }
0x77: {  	_ =	shalt  }
0x78: {  	_ =	shalt  }
0x79: {  	_ =	shalt  }
0x7a: {  	_ =	shalt  }
0x7b: {  	_ =	shalt  }
0x7c: {  	_ =	shalt  }
0x7d: {  	_ =	shalt  }
0x7e: {  	_ =	shalt  }
0x7f: {  	_ =	shalt  }
0x80: {  	_ =	shalt  }
0x81: {  	_ =	shalt  }
0x82: {  	_ =	shalt  }
0x83: {  	_ =	shalt  }
0x84: {  	_ =	shalt  }
0x85: {  	_ =	shalt  }
0x86: {  	_ =	shalt  }
0x87: {  	_ =	shalt  }
.Lfunc_end0:
.L_simem_size_0:
called_computation.2_lowered:
.L_overlay_start_0:
0x88: {  	s2 =	sld [smem:$0x3FD9]  }
0x89: {  	s3 =	sld [smem:$0x3FFE];
	_ =	sdelay $0x1  }
0x8a: {  	s1 =	srdreg.scid  }
0x8b: {  	s0 =	sand.u32 $0x1, s1  }
0x8c: {  	s16 =	sshll.u32 s0, $0xA;
	s2 =	sadd.s32 s3, s2  }
0x8d: {  	s2 =	sadd.s32 s2, s16  }
0x8e: {  	[smem:$0x3FC2] =	sst s2  }
0x8f: {  	_ = 	snop  }
0x90: {  	(tm) =	ssettm $0x1  }
0x91: {  	s17 =	sld [smem:$0x3FFB];
	_ =	sdelay $0x3  }
0x92: {  	_ =	strace s17  }
0x93: {  	s2 =	sld [smem:$0x3FFC];
	_ =	sdelay $0x3  }
0x94: {  	_ =	strace s2  }
0x95: {  	s2 =	sld [smem:$0x3FFD];
	_ =	sdelay $0x3  }
0x96: {  	_ =	strace s2  }
0x97: {  	_ =	strace $0x8FFFFFFF  }
0x98: {  	s18 =	sld [smem:$0x3FDB];
	_ =	sdelay $0x1  }
0x99: {  	s19 =	simm.s32 $_scs_section_size  }
0x9a: {  	s4 =	simm.s32 $_size__tile_overlayer_lowered;
	s5 =	simm.s32 $_tile_overlayer_lowered  }
0x9b: {  	s22 =	simm.s32 $0x1BFF;
	s21 =	sshll.u32 s5, $0x1;
	s2 =	sadd.s32 s19, s18  }
0x9c: {  	s6 =	simm.s32 $0x0;
	s20 =	sshll.u32 s4, $0x1;
	s4 =	sadd.s32 s21, s2  }
0x9d: {  	[timem:s6], [sflag:s22] =	dma.local [hbm:s4], s20  }
0x9e: {  	_ =	swait.ge [sflag:s22], s20  }
0x9f: {  	s3 =	ssub.s32 $0x0, s20;
	[sflag:s22] =	ssyncset.done $0x0  }
0xa0: {  	[sflag:s22] =	ssyncadd.s32 s3;
	_ =	sdelay $0x1  }
0xa1: {  	s23 =	simm.s32 $0x1B8B  }
0xa2: {  	_ =	swait.ge [sflag:s23], $0x1  }
0xa3: {  	[sflag:s23] =	ssyncset.done $0x0  }
0xa4: {  	s25 =	simm.s32 $0x1B8E;
	s24 =	sld [smem:$0x3FFE];
	[sflag:s23] =	ssyncadd.s32 $0xFFFFFFFF  }
0xa5: {  	s26 =	simm.s32 $execute0_lowered;
	[smem:$0x3FD2] =	sst s25  }
0xa6: {  	s4 =	sshll.u32 s26, $0x1;
	_ =	strace $0x8000004C;
	[dreg:$0x1] =	wrdreg $0xFFFFFFFF  }
0xa7: {  	s28 =	simm.s32 $_size_execute0_lowered;
	s2 =	sadd.s32 s2, s4;
	[dreg:$0x0] =	wrdreg $0x0  }
0xa8: {  	s4 =	sshll.u32 s28, $0x1;
	[dreg:$0x2] =	wrdreg s2  }
0xa9: {  	[dreg:$0x3] =	wrdreg s4  }
0xaa: {  	[dreg:$0x4] =	wrdreg $0xC0  }
0xab: {  	_ =	task [dreg:s6], $0x5FFFF  }
0xac: {  	[dreg:$0x1] =	wrdreg $0xFFFFFFFF  }
0xad: {  	[dreg:$0x0] =	wrdreg $0x60  }
0xae: {  	[dreg:$0x2] =	wrdreg s24  }
0xaf: {  	[dreg:$0x3] =	wrdreg $0x48000  }
0xb0: {  	[dreg:$0x4] =	wrdreg $0x9  }
0xb1: {  	_ =	task.clear_ibuf [dreg:s6], $0x5FFFF;
	_ =	strace $0x9000004C  }
0xb2: {  	s29 =	simm.s32 $0x9;
	_ =	strace $0x8000004E  }
0xb3: {  	_ =	swait.ge [sflag:s29], $0x1  }
0xb4: {  	[sflag:s29] =	ssyncadd.s32 $0xFFFFFFFF  }
0xb5: {  	_ =	strace $0x9000004E  }
0xb6: {  	_ =	sfence  }
0xb7: {  	s30 =	sld [smem:$0x0];
	_ =	sdelay $0x2  }
0xb8: {  	s31 =	sshll.u32 s1, $0xD;
	s1 =	sshrl.u32 s1, $0x2  }
0xb9: {  	s3 =	sand.u32 $0x4000, s31;
	s1 =	sadd.s32 s1, s30  }
0xba: {  	s0 =	sor.u32 s3, s0;
	s1 =	sshll.u32 s1, $0x11  }
0xbb: {  	s0 =	sor.u32 s1, s0  }
0xbc: {  	s0 =	sadd.s32 $0x8F2B, s0  }
0xbd: {  	[sflag:s0] =	ssyncadd.remote.s32 $0x1  }
0xbe: {  	_ =	sfence.sel $0xFFFF  }
0xbf: {  	[dreg:$0x0] =	wrdreg $0xFFFFFFFF;
	(pc) =	sbr.abs _section_cstart, $3  }
0xc0: {  	[dreg:$0x1] =	wrdreg $0xFFFFFFFF  }
0xc1: {  	_ =	task.clear_ibuf [dreg:s6], $0x2FFFF;
	_ =	strace $0x9FFFFFFF  }
0xc2: {  	(tm) =	ssettm $0x7FFFFFFF  }
0xc3: {  	_ =	shalt  }
tec
execute0_lowered:
.L_overlay_start_1:
0x0: {  	(tag) =	ssettag $0x1  }
0x1: {  	s0 =	rddreg [dreg:$0x0]  }
0x2: {  	s1 =	rddreg [dreg:$0x1];
	s2 =	simm.s32 $0x0;
	s3 =	srdreg.scid  }
0x3: {  	s10 =	stileid.u32;
	s28 =	simm.s32 $0x800;
	s29 =	simm.s32 $0x400  }
0x4: {  	s30 =	simm.s32 $0x600;
	s31 =	simm.s32 $0x4;
	[smem:$0x7FF] =	sst s2  }
0x5: {  	s4 =	sadd.s32 $0xC9000, s0;
	s3 =	sand.u32 $0x1, s3;
	s8 =	smul.u32 $0x18700, s10  }
0x6: {  	s7 =	sadd.s32 $0x98000, s0;
	s13 =	sadd.s32 $0x1E00, s0;
	s11 =	smul.u32 $0x1870, s10  }
0x7: {  	s0 =	sadd.s32 $0x250000, s0;
	s17 =	smul.u32 $0x3100, s10;
	s24 =	sshll.u32 s10, $0x6  }
0x8: {  	_ =	strace $0x8000004D;
	s5 =	ssub.s32 $0x2, s3;
	s21 =	smul.u32 $0xC3800, s3  }
0x9: {  	s9 =	sshll.u32 s3, $0x2;
	s12 =	smul.u32 $0x61C00, s3;
	s3 =	sshllo.u32 s3, $0x2  }
0xa: {  	s6 =	sshrl.u32 s5, $0x1;
	s22 =	sadd.s32 s8, s1;
	s23 =	sshrl.u32 s8, $0x3  }
0xb: {  	s14 =	sor.u32 $0x1, s9;
	s18 =	sor.u32 $0x2, s9;
	s20 =	smul.u32 $0x18700, s3  }
0xc: {  	s8 =	sor.u32 $0x1C05, s24;
	s9 =	sadd.s32 s7, s17;
	s3 =	smul.u32 $0x30E00, s3  }
0xd: {  	s10 =	sadd.s32 s13, s17;
	s15 =	ssub.s32 s5, s6;
	s16 =	smul.u32 $0x18700, s14  }
0xe: {  	[dreg:$0x3] =	wrdreg s22;
	s5 =	sadd.s32 s4, s21;
	s19 =	smul.u32 $0x18700, s18  }
0xf: {  	[dreg:$0x4] =	wrdreg s23;
	s21 =	sor.u32 $0x40, s17;
	s14 =	smul.u32 $0x30E00, s14  }
0x10: {  	s22 =	sadd.s32 s11, s12;
	s18 =	smul.u32 $0x30E00, s18;
	s6 =	sadd.s32 s23, s5  }
0x11: {  	s20 =	sadd.s32 s11, s20;
	s12 =	sadd.s32 s13, s21;
	s25 =	sshll.u32 s22, $0x1  }
0x12: {  	s24 =	smax.u32 s15, $0x1;
	[dreg:$0x5] =	wrdreg s6;
	s16 =	sadd.s32 s11, s16  }
0x13: {  	s19 =	sadd.s32 s11, s19;
	s11 =	sadd.s32 s7, s21;
	s26 =	sadd.s32 s0, s25  }
0x14: {  	s14 =	sadd.s32 s4, s14;
	s22 =	sshll.u32 s20, $0x1;
	[dreg:$0xa] =	wrdreg s24  }
0x15: {  	s25 =	sadd.s32 $0x30C0, s17;
	[dreg:$0x6] =	wrdreg s26;
	s16 =	sshll.u32 s16, $0x1  }
0x16: {  	s21 =	sshll.u32 s19, $0x1;
	s26 =	sadd.s32 $0x3080, s17;
	s16 =	sadd.s32 s0, s16  }
0x17: {  	s23 =	sadd.s32 s0, s21;
	s0 =	sadd.s32 s0, s22;
	s21 =	sadd.s32 s7, s25  }
0x18: {  	s22 =	sadd.s32 s13, s25;
	s24 =	sadd.s32 s13, s26;
	[dreg:$0x7] =	wrdreg s16  }
0x19: {  	s25 =	simm.s32 $0x5;
	s13 =	simm.s32 $0x0;
	[dreg:$0x8] =	wrdreg s23  }
0x1a: {  	s16 =	sadd.s32 s4, s18;
	s18 =	sadd.s32 s4, s3;
	[dreg:$0x9] =	wrdreg s0  }
0x1b: {  	s23 =	sadd.s32 s7, s26;
	s26 =	simm.s32 $0x200;
	s0 =	simm.s32 $0x2800  }
0x1c: {  	s3 =	simm.s32 $0x1;
	s4 =	simm.s32 $0x3;
	s7 =	simm.s32 $0x2  }
.LBB2_1:
0x1d: {  	s6 =	rddreg [dreg:$0x3]  }
0x1e: {  	s20 =	rddreg [dreg:$0x5];
	s15 =	sshrl.u32 s6, $0x3  }
0x1f: {  	[spmem:s15], [sflag:s8] =	dma.local [hbm:s20], $0x30E0  }
0x20: {  	_ =	swait.ge [sflag:s25], $0x30E0  }
0x21: {  	[sflag:s25] =	ssyncset.done $0x0  }
0x22: {  	[sflag:s25] =	ssyncadd.s32 $0xFFFFCF20  }
0x23: {  	[bflag:$0x0] =	sbarrier.arrive $0xFFFF  }
0x24: {  	[tilespmem:s2], [sflag:$0x5] =	stream.linear.gather [hbm4b:s9+s2], $0x200, $0x38;
	[tilespmem:$0x1CF00] =	vst v63  }
0x25: {  	_ =	swait.ge [sflag:s25], $0x200  }
0x26: {  	[sflag:s25] =	ssyncset.done $0x0  }
0x27: {  	[sflag:s25] =	ssyncadd.s32 $0xFFFFFE00  }
0x28: {  	[tilespmem:s26], [sflag:$0x5] =	stream.linear.gather [hbm4b:s10+s2], $0x200, $0x38;
	[tilespmem:$0x1CF00] =	vst v63  }
0x29: {  	_ =	swait.ge [sflag:s25], $0x200  }
0x2a: {  	[sflag:s25] =	ssyncset.done $0x0  }
0x2b: {  	[sflag:s25] =	ssyncadd.s32 $0xFFFFFE00  }
0x2c: {  	[tilespmem:s28], [sflag:$0x1] =	stream.indirect.gather [hbm4b:s5+s26], $0x10, s2, s26, $0xb8;
	[tilespmem:$0x1CF00] =	vst v63  }
0x2d: {  	_ = 	snop  }
0x2e: {  	[tilespmem:s29], [sflag:$0x4] =	stream.linear.gather [hbm4b:s11+s2], $0x200, $0x38;
	[tilespmem:$0x1CF00] =	vst v63  }
0x2f: {  	_ = 	snop  }
0x30: {  	[tilespmem:s30], [sflag:$0x4] =	stream.linear.gather [hbm4b:s12+s2], $0x200, $0x38;
	[tilespmem:$0x1CF00] =	vst v63  }
0x31: {  	_ =	swait.ge [sflag:s31], $0x200  }
0x32: {  	[sflag:s31] =	ssyncset.done $0x0  }
0x33: {  	[sflag:s31] =	ssyncadd.s32 $0xFFFFFE00  }
0x34: {  	_ =	swait.ge [sflag:s31], $0x200  }
0x35: {  	[sflag:s31] =	ssyncset.done $0x0  }
0x36: {  	[sflag:s31] =	ssyncadd.s32 $0xFFFFFE00  }
0x37: {  	[tilespmem:s0], [sflag:$0x2] =	stream.indirect.gather [hbm4b:s5+s26], $0x10, s29, s26, $0xb8;
	[tilespmem:$0x1CF00] =	vst v63  }
0x38: {  	_ =	swait.ge [sflag:s3], $0x2000  }
0x39: {  	[sflag:s3] =	ssyncset.done $0x0  }
0x3a: {  	[sflag:s3] =	ssyncadd.s32 $0xFFFFE000  }
0x3b: {  	[spmem:s1] =	stream.indirect.scatter.add.f32 [tilespmem:s28], [sflag:$0x5], $0x10, s26, s26, $0xb8;
	[tilespmem:$0x1CF00] =	vst v63  }
0x3c: {  	_ =	swait.ge [sflag:s25], $0x2000  }
0x3d: {  	s17 =	sadd.s32 $0xFFFFD000, s9;
	[sflag:s25] =	ssyncset.done $0x0  }
0x3e: {  	s19 =	sadd.s32 $0x3080, s17;
	s20 =	sadd.s32 $0xFFFFD000, s10;
	[sflag:s25] =	ssyncadd.s32 $0xFFFFE000  }
0x3f: {  	[tilespmem:s2], [sflag:$0x3] =	stream.linear.gather [hbm4b:s19+s2], $0x200, $0x38;
	[tilespmem:$0x1CF00] =	vst v63  }
0x40: {  	s6 =	sadd.s32 $0x3080, s20  }
0x41: {  	[tilespmem:s26], [sflag:$0x3] =	stream.linear.gather [hbm4b:s6+s2], $0x200, $0x38;
	[tilespmem:$0x1CF00] =	vst v63  }
0x42: {  	_ =	swait.ge [sflag:s4], $0x200  }
0x43: {  	[sflag:s4] =	ssyncset.done $0x0  }
0x44: {  	[sflag:s4] =	ssyncadd.s32 $0xFFFFFE00  }
0x45: {  	_ =	swait.ge [sflag:s4], $0x200  }
0x46: {  	[sflag:s4] =	ssyncset.done $0x0  }
0x47: {  	[sflag:s4] =	ssyncadd.s32 $0xFFFFFE00  }
0x48: {  	[tilespmem:s28], [sflag:$0x1] =	stream.indirect.gather [hbm4b:s5+s26], $0x10, s2, s26, $0xb8;
	[tilespmem:$0x1CF00] =	vst v63  }
0x49: {  	_ =	swait.ge [sflag:s7], $0x2000  }
0x4a: {  	[sflag:s7] =	ssyncset.done $0x0  }
0x4b: {  	[sflag:s7] =	ssyncadd.s32 $0xFFFFE000  }
0x4c: {  	[spmem:s1] =	stream.indirect.scatter.add.f32 [tilespmem:s0], [sflag:$0x5], $0x10, s30, s26, $0xb8;
	[tilespmem:$0x1CF00] =	vst v63  }
0x4d: {  	_ =	swait.ge [sflag:s25], $0x2000  }
0x4e: {  	[sflag:s25] =	ssyncset.done $0x0  }
0x4f: {  	s17 =	sadd.s32 $0x30C0, s17;
	[sflag:s25] =	ssyncadd.s32 $0xFFFFE000  }
0x50: {  	[tilespmem:s29], [sflag:$0x4] =	stream.linear.gather [hbm4b:s17+s2], $0x200, $0x38;
	[tilespmem:$0x1CF00] =	vst v63  }
0x51: {  	s19 =	sadd.s32 $0x30C0, s20;
	s17 =	simm.s32 $0xFFFFD080  }
.LBB2_2:
0x52: {  	[tilespmem:s30], [sflag:$0x4] =	stream.linear.gather [hbm4b:s19+s2], $0x200, $0x38;
	[tilespmem:$0x1CF00] =	vst v63  }
0x53: {  	s19 =	smov.u32 s17  }
0x54: {  	p0 =	sne.s32 s17, $0xFFFFFF80;
	s17 =	sadd.s32 $0x80, s17;
	_ =	swait.ge [sflag:s31], $0x200  }
0x55: {  	[sflag:s31] =	ssyncset.done $0x0  }
0x56: {  	[sflag:s31] =	ssyncadd.s32 $0xFFFFFE00  }
0x57: {  	_ =	swait.ge [sflag:s31], $0x200  }
0x58: {  	[sflag:s31] =	ssyncset.done $0x0  }
0x59: {  	[sflag:s31] =	ssyncadd.s32 $0xFFFFFE00  }
0x5a: {  	[tilespmem:s0], [sflag:$0x2] =	stream.indirect.gather [hbm4b:s5+s26], $0x10, s29, s26, $0xb8;
	[tilespmem:$0x1CF00] =	vst v63  }
0x5b: {  	_ =	swait.ge [sflag:s3], $0x2000  }
0x5c: {  	[sflag:s3] =	ssyncset.done $0x0  }
0x5d: {  	[sflag:s3] =	ssyncadd.s32 $0xFFFFE000  }
0x5e: {  	[spmem:s1] =	stream.indirect.scatter.add.f32 [tilespmem:s28], [sflag:$0x5], $0x10, s26, s26, $0xb8;
	[tilespmem:$0x1CF00] =	vst v63  }
0x5f: {  	_ =	swait.ge [sflag:s25], $0x2000  }
0x60: {  	s20 =	sadd.s32 s19, s9;
	[sflag:s25] =	ssyncset.done $0x0  }
0x61: {  	s19 =	sadd.s32 s19, s10;
	s6 =	sadd.s32 $0x3080, s20;
	[sflag:s25] =	ssyncadd.s32 $0xFFFFE000  }
0x62: {  	[tilespmem:s2], [sflag:$0x3] =	stream.linear.gather [hbm4b:s6+s2], $0x200, $0x38;
	[tilespmem:$0x1CF00] =	vst v63  }
0x63: {  	s6 =	sadd.s32 $0x3080, s19  }
0x64: {  	[tilespmem:s26], [sflag:$0x3] =	stream.linear.gather [hbm4b:s6+s2], $0x200, $0x38;
	[tilespmem:$0x1CF00] =	vst v63  }
0x65: {  	_ =	swait.ge [sflag:s4], $0x200  }
0x66: {  	[sflag:s4] =	ssyncset.done $0x0  }
0x67: {  	[sflag:s4] =	ssyncadd.s32 $0xFFFFFE00  }
0x68: {  	_ =	swait.ge [sflag:s4], $0x200  }
0x69: {  	[sflag:s4] =	ssyncset.done $0x0  }
0x6a: {  	[sflag:s4] =	ssyncadd.s32 $0xFFFFFE00  }
0x6b: {  	[tilespmem:s28], [sflag:$0x1] =	stream.indirect.gather [hbm4b:s5+s26], $0x10, s2, s26, $0xb8;
	[tilespmem:$0x1CF00] =	vst v63  }
0x6c: {  	_ =	swait.ge [sflag:s7], $0x2000  }
0x6d: {  	[sflag:s7] =	ssyncset.done $0x0  }
0x6e: {  	[sflag:s7] =	ssyncadd.s32 $0xFFFFE000  }
0x6f: {  	[spmem:s1] =	stream.indirect.scatter.add.f32 [tilespmem:s0], [sflag:$0x5], $0x10, s30, s26, $0xb8;
	[tilespmem:$0x1CF00] =	vst v63  }
.Ltmp0:
0x70: {  	_ =	swait.ge [sflag:s25], $0x2000;
	(pc) =	sbr.rel @p0 .LBB2_2-.Ltmp0, $4  }
0x71: {  	[sflag:s25] =	ssyncset.done $0x0  }
0x72: {  	s6 =	sadd.s32 $0x30C0, s20;
	[sflag:s25] =	ssyncadd.s32 $0xFFFFE000  }
0x73: {  	[tilespmem:s29], [sflag:$0x4] =	stream.linear.gather [hbm4b:s6+s2], $0x200, $0x38;
	[tilespmem:$0x1CF00] =	vst v63  }
0x74: {  	s19 =	sadd.s32 $0x30C0, s19  }
0x75: {  	[tilespmem:s30], [sflag:$0x4] =	stream.linear.gather [hbm4b:s19+s2], $0x200, $0x38;
	[tilespmem:$0x1CF00] =	vst v63  }
0x76: {  	_ =	swait.ge [sflag:s31], $0x200  }
0x77: {  	[sflag:s31] =	ssyncset.done $0x0  }
0x78: {  	[sflag:s31] =	ssyncadd.s32 $0xFFFFFE00  }
0x79: {  	_ =	swait.ge [sflag:s31], $0x200  }
0x7a: {  	[sflag:s31] =	ssyncset.done $0x0  }
0x7b: {  	[sflag:s31] =	ssyncadd.s32 $0xFFFFFE00  }
0x7c: {  	[tilespmem:s0], [sflag:$0x2] =	stream.indirect.gather [hbm4b:s5+s26], $0x10, s29, s26, $0xb8;
	[tilespmem:$0x1CF00] =	vst v63  }
0x7d: {  	_ =	swait.ge [sflag:s3], $0x2000  }
0x7e: {  	[sflag:s3] =	ssyncset.done $0x0  }
0x7f: {  	[sflag:s3] =	ssyncadd.s32 $0xFFFFE000  }
0x80: {  	[spmem:s1] =	stream.indirect.scatter.add.f32 [tilespmem:s28], [sflag:$0x5], $0x10, s26, s26, $0xb8;
	[tilespmem:$0x1CF00] =	vst v63  }
0x81: {  	_ =	swait.ge [sflag:s25], $0x2000  }
0x82: {  	[sflag:s25] =	ssyncset.done $0x0  }
0x83: {  	[sflag:s25] =	ssyncadd.s32 $0xFFFFE000  }
0x84: {  	[tilespmem:s2], [sflag:$0x3] =	stream.linear.gather [hbm4b:s23+s2], $0x200, $0x38;
	[tilespmem:$0x1CF00] =	vst v63  }
0x85: {  	_ = 	snop  }
0x86: {  	[tilespmem:s26], [sflag:$0x3] =	stream.linear.gather [hbm4b:s24+s2], $0x200, $0x38;
	[tilespmem:$0x1CF00] =	vst v63  }
0x87: {  	_ =	swait.ge [sflag:s4], $0x200  }
0x88: {  	[sflag:s4] =	ssyncset.done $0x0  }
0x89: {  	[sflag:s4] =	ssyncadd.s32 $0xFFFFFE00  }
0x8a: {  	_ =	swait.ge [sflag:s4], $0x200  }
0x8b: {  	[sflag:s4] =	ssyncset.done $0x0  }
0x8c: {  	[sflag:s4] =	ssyncadd.s32 $0xFFFFFE00  }
0x8d: {  	[tilespmem:s28], [sflag:$0x1] =	stream.indirect.gather [hbm4b:s5+s26], $0x10, s2, s26, $0xb8;
	[tilespmem:$0x1CF00] =	vst v63  }
0x8e: {  	_ =	swait.ge [sflag:s7], $0x2000  }
0x8f: {  	[sflag:s7] =	ssyncset.done $0x0  }
0x90: {  	[sflag:s7] =	ssyncadd.s32 $0xFFFFE000  }
0x91: {  	[spmem:s1] =	stream.indirect.scatter.add.f32 [tilespmem:s0], [sflag:$0x5], $0x10, s30, s26, $0xb8;
	[tilespmem:$0x1CF00] =	vst v63  }
0x92: {  	_ =	swait.ge [sflag:s25], $0x2000  }
0x93: {  	[sflag:s25] =	ssyncset.done $0x0  }
0x94: {  	[sflag:s25] =	ssyncadd.s32 $0xFFFFE000  }
0x95: {  	[tilespmem:s29], [sflag:$0x4] =	stream.linear.gather [hbm4b:s21+s2], $0x200, $0x38;
	[tilespmem:$0x1CF00] =	vst v63  }
0x96: {  	_ = 	snop  }
0x97: {  	[tilespmem:s30], [sflag:$0x4] =	stream.linear.gather [hbm4b:s22+s2], $0x200, $0x38;
	[tilespmem:$0x1CF00] =	vst v63  }
0x98: {  	_ =	swait.ge [sflag:s31], $0x200  }
0x99: {  	[sflag:s31] =	ssyncset.done $0x0  }
0x9a: {  	[sflag:s31] =	ssyncadd.s32 $0xFFFFFE00  }
0x9b: {  	_ =	swait.ge [sflag:s31], $0x200  }
0x9c: {  	[sflag:s31] =	ssyncset.done $0x0  }
0x9d: {  	[sflag:s31] =	ssyncadd.s32 $0xFFFFFE00  }
0x9e: {  	[tilespmem:s0], [sflag:$0x2] =	stream.indirect.gather [hbm4b:s5+s26], $0x10, s29, s26, $0xb8;
	[tilespmem:$0x1CF00] =	vst v63  }
0x9f: {  	_ =	swait.ge [sflag:s3], $0x2000  }
0xa0: {  	[sflag:s3] =	ssyncset.done $0x0  }
0xa1: {  	[sflag:s3] =	ssyncadd.s32 $0xFFFFE000  }
0xa2: {  	[spmem:s1] =	stream.indirect.scatter.add.f32 [tilespmem:s28], [sflag:$0x5], $0x10, s26, s26, $0xb8;
	[tilespmem:$0x1CF00] =	vst v63  }
0xa3: {  	_ =	swait.ge [sflag:s25], $0x2000  }
0xa4: {  	[sflag:s25] =	ssyncset.done $0x0  }
0xa5: {  	[sflag:s25] =	ssyncadd.s32 $0xFFFFE000  }
0xa6: {  	[tilespmem:s2], [sflag:$0x3] =	stream.linear.gather [hbm4b:s21+s2], $0x200, $0x38;
	[tilespmem:$0x1CF00] =	vst v63  }
0xa7: {  	_ = 	snop  }
0xa8: {  	[tilespmem:s26], [sflag:$0x3] =	stream.linear.gather [hbm4b:s22+s2], $0x200, $0x38;
	[tilespmem:$0x1CF00] =	vst v63  }
0xa9: {  	_ =	swait.ge [sflag:s4], $0x200  }
0xaa: {  	[sflag:s4] =	ssyncset.done $0x0  }
0xab: {  	[sflag:s4] =	ssyncadd.s32 $0xFFFFFE00  }
0xac: {  	_ =	swait.ge [sflag:s4], $0x200  }
0xad: {  	[sflag:s4] =	ssyncset.done $0x0  }
0xae: {  	[sflag:s4] =	ssyncadd.s32 $0xFFFFFE00  }
0xaf: {  	[tilespmem:s28], [sflag:$0x1] =	stream.indirect.gather [hbm4b:s5+s26], $0x10, s2, s26, $0xb8;
	[tilespmem:$0x1CF00] =	vst v63  }
0xb0: {  	_ =	swait.ge [sflag:s7], $0x2000  }
0xb1: {  	[sflag:s7] =	ssyncset.done $0x0  }
0xb2: {  	[sflag:s7] =	ssyncadd.s32 $0xFFFFE000  }
0xb3: {  	[spmem:s1] =	stream.indirect.scatter.add.f32 [tilespmem:s0], [sflag:$0x5], $0x10, s30, s26, $0xb8;
	[tilespmem:$0x1CF00] =	vst v63  }
0xb4: {  	_ =	swait.ge [sflag:s25], $0x2000  }
0xb5: {  	[sflag:s25] =	ssyncset.done $0x0  }
0xb6: {  	[sflag:s25] =	ssyncadd.s32 $0xFFFFE000  }
0xb7: {  	[tilespmem:s29], [sflag:$0x4] =	stream.linear.gather [hbm4b:s21+s2], $0x200, $0x38;
	[tilespmem:$0x1CF00] =	vst v63  }
0xb8: {  	_ = 	snop  }
0xb9: {  	[tilespmem:s30], [sflag:$0x4] =	stream.linear.gather [hbm4b:s22+s2], $0x200, $0x38;
	[tilespmem:$0x1CF00] =	vst v63  }
0xba: {  	_ =	swait.ge [sflag:s3], $0x2000  }
0xbb: {  	[sflag:s3] =	ssyncset.done $0x0  }
0xbc: {  	[sflag:s3] =	ssyncadd.s32 $0xFFFFE000  }
0xbd: {  	_ =	swait.ge [sflag:s31], $0x200  }
0xbe: {  	[sflag:s31] =	ssyncset.done $0x0  }
0xbf: {  	[sflag:s31] =	ssyncadd.s32 $0xFFFFFE00  }
0xc0: {  	_ =	swait.ge [sflag:s31], $0x200  }
0xc1: {  	[sflag:s31] =	ssyncset.done $0x0  }
0xc2: {  	[sflag:s31] =	ssyncadd.s32 $0xFFFFFE00  }
0xc3: {  	[bflag:$0x0] =	sbarrier.arrive $0xFFFF  }
0xc4: {  	s6 =	rddreg [dreg:$0x6]  }
0xc5: {  	[hbm:s6], [sflag:s8] =	dma.local [spmem:s15], $0x30E0  }
0xc6: {  	_ =	swait.ge [sflag:s25], $0x30E0  }
0xc7: {  	[sflag:s25] =	ssyncset.done $0x0  }
0xc8: {  	[sflag:s25] =	ssyncadd.s32 $0xFFFFCF20  }
0xc9: {  	[bflag:$0x0] =	sbarrier.arrive $0xFFFF  }
0xca: {  	s19 =	rddreg [dreg:$0x4]  }
0xcb: {  	s6 =	sadd.s32 s19, s14  }
0xcc: {  	[spmem:s15], [sflag:s8] =	dma.local [hbm:s6], $0x30E0  }
0xcd: {  	_ =	swait.ge [sflag:s25], $0x30E0  }
0xce: {  	[sflag:s25] =	ssyncset.done $0x0  }
0xcf: {  	[sflag:s25] =	ssyncadd.s32 $0xFFFFCF20  }
0xd0: {  	[bflag:$0x0] =	sbarrier.arrive $0xFFFF  }
0xd1: {  	[tilespmem:s2], [sflag:$0x5] =	stream.linear.gather [hbm4b:s9+s2], $0x200, $0x38;
	[tilespmem:$0x1CF00] =	vst v63  }
0xd2: {  	_ =	swait.ge [sflag:s25], $0x200  }
0xd3: {  	[sflag:s25] =	ssyncset.done $0x0  }
0xd4: {  	[sflag:s25] =	ssyncadd.s32 $0xFFFFFE00  }
0xd5: {  	[tilespmem:s26], [sflag:$0x5] =	stream.linear.gather [hbm4b:s10+s2], $0x200, $0x38;
	[tilespmem:$0x1CF00] =	vst v63  }
0xd6: {  	_ =	swait.ge [sflag:s25], $0x200  }
0xd7: {  	[sflag:s25] =	ssyncset.done $0x0  }
0xd8: {  	[sflag:s25] =	ssyncadd.s32 $0xFFFFFE00  }
0xd9: {  	[tilespmem:s28], [sflag:$0x1] =	stream.indirect.gather [hbm4b:s14+s26], $0x10, s2, s26, $0xb8;
	[tilespmem:$0x1CF00] =	vst v63  }
0xda: {  	_ = 	snop  }
0xdb: {  	[tilespmem:s29], [sflag:$0x4] =	stream.linear.gather [hbm4b:s11+s2], $0x200, $0x38;
	[tilespmem:$0x1CF00] =	vst v63  }
0xdc: {  	_ = 	snop  }
0xdd: {  	[tilespmem:s30], [sflag:$0x4] =	stream.linear.gather [hbm4b:s12+s2], $0x200, $0x38;
	[tilespmem:$0x1CF00] =	vst v63  }
0xde: {  	_ =	swait.ge [sflag:s31], $0x200  }
0xdf: {  	[sflag:s31] =	ssyncset.done $0x0  }
0xe0: {  	[sflag:s31] =	ssyncadd.s32 $0xFFFFFE00  }
0xe1: {  	_ =	swait.ge [sflag:s31], $0x200  }
0xe2: {  	[sflag:s31] =	ssyncset.done $0x0  }
0xe3: {  	[sflag:s31] =	ssyncadd.s32 $0xFFFFFE00  }
0xe4: {  	[tilespmem:s0], [sflag:$0x2] =	stream.indirect.gather [hbm4b:s14+s26], $0x10, s29, s26, $0xb8;
	[tilespmem:$0x1CF00] =	vst v63  }
0xe5: {  	_ =	swait.ge [sflag:s3], $0x2000  }
0xe6: {  	[sflag:s3] =	ssyncset.done $0x0  }
0xe7: {  	[sflag:s3] =	ssyncadd.s32 $0xFFFFE000  }
0xe8: {  	[spmem:s1] =	stream.indirect.scatter.add.f32 [tilespmem:s28], [sflag:$0x5], $0x10, s26, s26, $0xb8;
	[tilespmem:$0x1CF00] =	vst v63  }
0xe9: {  	_ =	swait.ge [sflag:s25], $0x2000  }
0xea: {  	s6 =	sadd.s32 $0xFFFFD000, s9;
	[sflag:s25] =	ssyncset.done $0x0  }
0xeb: {  	s19 =	sadd.s32 $0xFFFFD000, s10;
	s17 =	sadd.s32 $0x3080, s6;
	[sflag:s25] =	ssyncadd.s32 $0xFFFFE000  }
0xec: {  	[tilespmem:s2], [sflag:$0x3] =	stream.linear.gather [hbm4b:s17+s2], $0x200, $0x38;
	[tilespmem:$0x1CF00] =	vst v63  }
0xed: {  	s20 =	sadd.s32 $0x3080, s19  }
0xee: {  	[tilespmem:s26], [sflag:$0x3] =	stream.linear.gather [hbm4b:s20+s2], $0x200, $0x38;
	[tilespmem:$0x1CF00] =	vst v63  }
0xef: {  	_ =	swait.ge [sflag:s4], $0x200  }
0xf0: {  	[sflag:s4] =	ssyncset.done $0x0  }
0xf1: {  	[sflag:s4] =	ssyncadd.s32 $0xFFFFFE00  }
0xf2: {  	_ =	swait.ge [sflag:s4], $0x200  }
0xf3: {  	[sflag:s4] =	ssyncset.done $0x0  }
0xf4: {  	[sflag:s4] =	ssyncadd.s32 $0xFFFFFE00  }
0xf5: {  	[tilespmem:s28], [sflag:$0x1] =	stream.indirect.gather [hbm4b:s14+s26], $0x10, s2, s26, $0xb8;
	[tilespmem:$0x1CF00] =	vst v63  }
0xf6: {  	_ =	swait.ge [sflag:s7], $0x2000  }
0xf7: {  	[sflag:s7] =	ssyncset.done $0x0  }
0xf8: {  	[sflag:s7] =	ssyncadd.s32 $0xFFFFE000  }
0xf9: {  	[spmem:s1] =	stream.indirect.scatter.add.f32 [tilespmem:s0], [sflag:$0x5], $0x10, s30, s26, $0xb8;
	[tilespmem:$0x1CF00] =	vst v63  }
0xfa: {  	_ =	swait.ge [sflag:s25], $0x2000  }
0xfb: {  	s19 =	sadd.s32 $0x30C0, s19;
	[sflag:s25] =	ssyncset.done $0x0  }
0xfc: {  	s6 =	sadd.s32 $0x30C0, s6;
	s17 =	simm.s32 $0xFFFFD080;
	[sflag:s25] =	ssyncadd.s32 $0xFFFFE000  }
0xfd: {  	[tilespmem:s29], [sflag:$0x4] =	stream.linear.gather [hbm4b:s6+s2], $0x200, $0x38;
	[tilespmem:$0x1CF00] =	vst v63  }
.LBB2_4:
0xfe: {  	[tilespmem:s30], [sflag:$0x4] =	stream.linear.gather [hbm4b:s19+s2], $0x200, $0x38;
	[tilespmem:$0x1CF00] =	vst v63  }
0xff: {  	s6 =	smov.u32 s17  }
0x100: {  	p0 =	sne.s32 s17, $0xFFFFFF80;
	s17 =	sadd.s32 $0x80, s17;
	_ =	swait.ge [sflag:s31], $0x200  }
0x101: {  	[sflag:s31] =	ssyncset.done $0x0  }
0x102: {  	[sflag:s31] =	ssyncadd.s32 $0xFFFFFE00  }
0x103: {  	_ =	swait.ge [sflag:s31], $0x200  }
0x104: {  	[sflag:s31] =	ssyncset.done $0x0  }
0x105: {  	[sflag:s31] =	ssyncadd.s32 $0xFFFFFE00  }
0x106: {  	[tilespmem:s0], [sflag:$0x2] =	stream.indirect.gather [hbm4b:s14+s26], $0x10, s29, s26, $0xb8;
	[tilespmem:$0x1CF00] =	vst v63  }
0x107: {  	_ =	swait.ge [sflag:s3], $0x2000  }
0x108: {  	[sflag:s3] =	ssyncset.done $0x0  }
0x109: {  	[sflag:s3] =	ssyncadd.s32 $0xFFFFE000  }
0x10a: {  	[spmem:s1] =	stream.indirect.scatter.add.f32 [tilespmem:s28], [sflag:$0x5], $0x10, s26, s26, $0xb8;
	[tilespmem:$0x1CF00] =	vst v63  }
0x10b: {  	_ =	swait.ge [sflag:s25], $0x2000  }
0x10c: {  	s19 =	sadd.s32 s6, s9;
	[sflag:s25] =	ssyncset.done $0x0  }
0x10d: {  	s6 =	sadd.s32 s6, s10;
	s20 =	sadd.s32 $0x3080, s19;
	[sflag:s25] =	ssyncadd.s32 $0xFFFFE000  }
0x10e: {  	[tilespmem:s2], [sflag:$0x3] =	stream.linear.gather [hbm4b:s20+s2], $0x200, $0x38;
	[tilespmem:$0x1CF00] =	vst v63  }
0x10f: {  	s20 =	sadd.s32 $0x3080, s6  }
0x110: {  	[tilespmem:s26], [sflag:$0x3] =	stream.linear.gather [hbm4b:s20+s2], $0x200, $0x38;
	[tilespmem:$0x1CF00] =	vst v63  }
0x111: {  	_ =	swait.ge [sflag:s4], $0x200  }
0x112: {  	[sflag:s4] =	ssyncset.done $0x0  }
0x113: {  	[sflag:s4] =	ssyncadd.s32 $0xFFFFFE00  }
0x114: {  	_ =	swait.ge [sflag:s4], $0x200  }
0x115: {  	[sflag:s4] =	ssyncset.done $0x0  }
0x116: {  	[sflag:s4] =	ssyncadd.s32 $0xFFFFFE00  }
0x117: {  	[tilespmem:s28], [sflag:$0x1] =	stream.indirect.gather [hbm4b:s14+s26], $0x10, s2, s26, $0xb8;
	[tilespmem:$0x1CF00] =	vst v63  }
0x118: {  	_ =	swait.ge [sflag:s7], $0x2000  }
0x119: {  	[sflag:s7] =	ssyncset.done $0x0  }
0x11a: {  	[sflag:s7] =	ssyncadd.s32 $0xFFFFE000  }
0x11b: {  	[spmem:s1] =	stream.indirect.scatter.add.f32 [tilespmem:s0], [sflag:$0x5], $0x10, s30, s26, $0xb8;
	[tilespmem:$0x1CF00] =	vst v63  }
.Ltmp1:
0x11c: {  	_ =	swait.ge [sflag:s25], $0x2000;
	(pc) =	sbr.rel @p0 .LBB2_4-.Ltmp1, $4  }
0x11d: {  	[sflag:s25] =	ssyncset.done $0x0  }
0x11e: {  	s19 =	sadd.s32 $0x30C0, s19;
	[sflag:s25] =	ssyncadd.s32 $0xFFFFE000  }
0x11f: {  	[tilespmem:s29], [sflag:$0x4] =	stream.linear.gather [hbm4b:s19+s2], $0x200, $0x38;
	[tilespmem:$0x1CF00] =	vst v63  }
0x120: {  	s19 =	sadd.s32 $0x30C0, s6  }
0x121: {  	[tilespmem:s30], [sflag:$0x4] =	stream.linear.gather [hbm4b:s19+s2], $0x200, $0x38;
	[tilespmem:$0x1CF00] =	vst v63  }
0x122: {  	_ =	swait.ge [sflag:s31], $0x200  }
0x123: {  	[sflag:s31] =	ssyncset.done $0x0  }
0x124: {  	[sflag:s31] =	ssyncadd.s32 $0xFFFFFE00  }
0x125: {  	_ =	swait.ge [sflag:s31], $0x200  }
0x126: {  	[sflag:s31] =	ssyncset.done $0x0  }
0x127: {  	[sflag:s31] =	ssyncadd.s32 $0xFFFFFE00  }
0x128: {  	[tilespmem:s0], [sflag:$0x2] =	stream.indirect.gather [hbm4b:s14+s26], $0x10, s29, s26, $0xb8;
	[tilespmem:$0x1CF00] =	vst v63  }
0x129: {  	_ =	swait.ge [sflag:s3], $0x2000  }
0x12a: {  	[sflag:s3] =	ssyncset.done $0x0  }
0x12b: {  	[sflag:s3] =	ssyncadd.s32 $0xFFFFE000  }
0x12c: {  	[spmem:s1] =	stream.indirect.scatter.add.f32 [tilespmem:s28], [sflag:$0x5], $0x10, s26, s26, $0xb8;
	[tilespmem:$0x1CF00] =	vst v63  }
0x12d: {  	_ =	swait.ge [sflag:s25], $0x2000  }
0x12e: {  	[sflag:s25] =	ssyncset.done $0x0  }
0x12f: {  	[sflag:s25] =	ssyncadd.s32 $0xFFFFE000  }
0x130: {  	[tilespmem:s2], [sflag:$0x3] =	stream.linear.gather [hbm4b:s23+s2], $0x200, $0x38;
	[tilespmem:$0x1CF00] =	vst v63  }
0x131: {  	_ = 	snop  }
0x132: {  	[tilespmem:s26], [sflag:$0x3] =	stream.linear.gather [hbm4b:s24+s2], $0x200, $0x38;
	[tilespmem:$0x1CF00] =	vst v63  }
0x133: {  	_ =	swait.ge [sflag:s4], $0x200  }
0x134: {  	[sflag:s4] =	ssyncset.done $0x0  }
0x135: {  	[sflag:s4] =	ssyncadd.s32 $0xFFFFFE00  }
0x136: {  	_ =	swait.ge [sflag:s4], $0x200  }
0x137: {  	[sflag:s4] =	ssyncset.done $0x0  }
0x138: {  	[sflag:s4] =	ssyncadd.s32 $0xFFFFFE00  }
0x139: {  	[tilespmem:s28], [sflag:$0x1] =	stream.indirect.gather [hbm4b:s14+s26], $0x10, s2, s26, $0xb8;
	[tilespmem:$0x1CF00] =	vst v63  }
0x13a: {  	_ =	swait.ge [sflag:s7], $0x2000  }
0x13b: {  	[sflag:s7] =	ssyncset.done $0x0  }
0x13c: {  	[sflag:s7] =	ssyncadd.s32 $0xFFFFE000  }
0x13d: {  	[spmem:s1] =	stream.indirect.scatter.add.f32 [tilespmem:s0], [sflag:$0x5], $0x10, s30, s26, $0xb8;
	[tilespmem:$0x1CF00] =	vst v63  }
0x13e: {  	_ =	swait.ge [sflag:s25], $0x2000  }
0x13f: {  	[sflag:s25] =	ssyncset.done $0x0  }
0x140: {  	[sflag:s25] =	ssyncadd.s32 $0xFFFFE000  }
0x141: {  	[tilespmem:s29], [sflag:$0x4] =	stream.linear.gather [hbm4b:s21+s2], $0x200, $0x38;
	[tilespmem:$0x1CF00] =	vst v63  }
0x142: {  	_ = 	snop  }
0x143: {  	[tilespmem:s30], [sflag:$0x4] =	stream.linear.gather [hbm4b:s22+s2], $0x200, $0x38;
	[tilespmem:$0x1CF00] =	vst v63  }
0x144: {  	_ =	swait.ge [sflag:s31], $0x200  }
0x145: {  	[sflag:s31] =	ssyncset.done $0x0  }
0x146: {  	[sflag:s31] =	ssyncadd.s32 $0xFFFFFE00  }
0x147: {  	_ =	swait.ge [sflag:s31], $0x200  }
0x148: {  	[sflag:s31] =	ssyncset.done $0x0  }
0x149: {  	[sflag:s31] =	ssyncadd.s32 $0xFFFFFE00  }
0x14a: {  	[tilespmem:s0], [sflag:$0x2] =	stream.indirect.gather [hbm4b:s14+s26], $0x10, s29, s26, $0xb8;
	[tilespmem:$0x1CF00] =	vst v63  }
0x14b: {  	_ =	swait.ge [sflag:s3], $0x2000  }
0x14c: {  	[sflag:s3] =	ssyncset.done $0x0  }
0x14d: {  	[sflag:s3] =	ssyncadd.s32 $0xFFFFE000  }
0x14e: {  	[spmem:s1] =	stream.indirect.scatter.add.f32 [tilespmem:s28], [sflag:$0x5], $0x10, s26, s26, $0xb8;
	[tilespmem:$0x1CF00] =	vst v63  }
0x14f: {  	_ =	swait.ge [sflag:s25], $0x2000  }
0x150: {  	[sflag:s25] =	ssyncset.done $0x0  }
0x151: {  	[sflag:s25] =	ssyncadd.s32 $0xFFFFE000  }
0x152: {  	[tilespmem:s2], [sflag:$0x3] =	stream.linear.gather [hbm4b:s21+s2], $0x200, $0x38;
	[tilespmem:$0x1CF00] =	vst v63  }
0x153: {  	_ = 	snop  }
0x154: {  	[tilespmem:s26], [sflag:$0x3] =	stream.linear.gather [hbm4b:s22+s2], $0x200, $0x38;
	[tilespmem:$0x1CF00] =	vst v63  }
0x155: {  	_ =	swait.ge [sflag:s4], $0x200  }
0x156: {  	[sflag:s4] =	ssyncset.done $0x0  }
0x157: {  	[sflag:s4] =	ssyncadd.s32 $0xFFFFFE00  }
0x158: {  	_ =	swait.ge [sflag:s4], $0x200  }
0x159: {  	[sflag:s4] =	ssyncset.done $0x0  }
0x15a: {  	[sflag:s4] =	ssyncadd.s32 $0xFFFFFE00  }
0x15b: {  	[tilespmem:s28], [sflag:$0x1] =	stream.indirect.gather [hbm4b:s14+s26], $0x10, s2, s26, $0xb8;
	[tilespmem:$0x1CF00] =	vst v63  }
0x15c: {  	_ =	swait.ge [sflag:s7], $0x2000  }
0x15d: {  	[sflag:s7] =	ssyncset.done $0x0  }
0x15e: {  	[sflag:s7] =	ssyncadd.s32 $0xFFFFE000  }
0x15f: {  	[spmem:s1] =	stream.indirect.scatter.add.f32 [tilespmem:s0], [sflag:$0x5], $0x10, s30, s26, $0xb8;
	[tilespmem:$0x1CF00] =	vst v63  }
0x160: {  	_ =	swait.ge [sflag:s25], $0x2000  }
0x161: {  	[sflag:s25] =	ssyncset.done $0x0  }
0x162: {  	[sflag:s25] =	ssyncadd.s32 $0xFFFFE000  }
0x163: {  	[tilespmem:s29], [sflag:$0x4] =	stream.linear.gather [hbm4b:s21+s2], $0x200, $0x38;
	[tilespmem:$0x1CF00] =	vst v63  }
0x164: {  	_ = 	snop  }
0x165: {  	[tilespmem:s30], [sflag:$0x4] =	stream.linear.gather [hbm4b:s22+s2], $0x200, $0x38;
	[tilespmem:$0x1CF00] =	vst v63  }
0x166: {  	_ =	swait.ge [sflag:s3], $0x2000  }
0x167: {  	[sflag:s3] =	ssyncset.done $0x0  }
0x168: {  	[sflag:s3] =	ssyncadd.s32 $0xFFFFE000  }
0x169: {  	_ =	swait.ge [sflag:s31], $0x200  }
0x16a: {  	[sflag:s31] =	ssyncset.done $0x0  }
0x16b: {  	[sflag:s31] =	ssyncadd.s32 $0xFFFFFE00  }
0x16c: {  	_ =	swait.ge [sflag:s31], $0x200  }
0x16d: {  	[sflag:s31] =	ssyncset.done $0x0  }
0x16e: {  	[sflag:s31] =	ssyncadd.s32 $0xFFFFFE00  }
0x16f: {  	[bflag:$0x0] =	sbarrier.arrive $0xFFFF  }
0x170: {  	s6 =	rddreg [dreg:$0x7]  }
0x171: {  	[hbm:s6], [sflag:s8] =	dma.local [spmem:s15], $0x30E0  }
0x172: {  	_ =	swait.ge [sflag:s25], $0x30E0  }
0x173: {  	[sflag:s25] =	ssyncset.done $0x0  }
0x174: {  	[sflag:s25] =	ssyncadd.s32 $0xFFFFCF20  }
0x175: {  	[bflag:$0x0] =	sbarrier.arrive $0xFFFF  }
0x176: {  	s19 =	rddreg [dreg:$0x4]  }
0x177: {  	s6 =	sadd.s32 s19, s16  }
0x178: {  	[spmem:s15], [sflag:s8] =	dma.local [hbm:s6], $0x30E0  }
0x179: {  	_ =	swait.ge [sflag:s25], $0x30E0  }
0x17a: {  	[sflag:s25] =	ssyncset.done $0x0  }
0x17b: {  	[sflag:s25] =	ssyncadd.s32 $0xFFFFCF20  }
0x17c: {  	[bflag:$0x0] =	sbarrier.arrive $0xFFFF  }
0x17d: {  	[tilespmem:s2], [sflag:$0x5] =	stream.linear.gather [hbm4b:s9+s2], $0x200, $0x38;
	[tilespmem:$0x1CF00] =	vst v63  }
0x17e: {  	_ =	swait.ge [sflag:s25], $0x200  }
0x17f: {  	[sflag:s25] =	ssyncset.done $0x0  }
0x180: {  	[sflag:s25] =	ssyncadd.s32 $0xFFFFFE00  }
0x181: {  	[tilespmem:s26], [sflag:$0x5] =	stream.linear.gather [hbm4b:s10+s2], $0x200, $0x38;
	[tilespmem:$0x1CF00] =	vst v63  }
0x182: {  	_ =	swait.ge [sflag:s25], $0x200  }
0x183: {  	[sflag:s25] =	ssyncset.done $0x0  }
0x184: {  	[sflag:s25] =	ssyncadd.s32 $0xFFFFFE00  }
0x185: {  	[tilespmem:s28], [sflag:$0x1] =	stream.indirect.gather [hbm4b:s16+s26], $0x10, s2, s26, $0xb8;
	[tilespmem:$0x1CF00] =	vst v63  }
0x186: {  	_ = 	snop  }
0x187: {  	[tilespmem:s29], [sflag:$0x4] =	stream.linear.gather [hbm4b:s11+s2], $0x200, $0x38;
	[tilespmem:$0x1CF00] =	vst v63  }
0x188: {  	_ = 	snop  }
0x189: {  	[tilespmem:s30], [sflag:$0x4] =	stream.linear.gather [hbm4b:s12+s2], $0x200, $0x38;
	[tilespmem:$0x1CF00] =	vst v63  }
0x18a: {  	_ =	swait.ge [sflag:s31], $0x200  }
0x18b: {  	[sflag:s31] =	ssyncset.done $0x0  }
0x18c: {  	[sflag:s31] =	ssyncadd.s32 $0xFFFFFE00  }
0x18d: {  	_ =	swait.ge [sflag:s31], $0x200  }
0x18e: {  	[sflag:s31] =	ssyncset.done $0x0  }
0x18f: {  	[sflag:s31] =	ssyncadd.s32 $0xFFFFFE00  }
0x190: {  	[tilespmem:s0], [sflag:$0x2] =	stream.indirect.gather [hbm4b:s16+s26], $0x10, s29, s26, $0xb8;
	[tilespmem:$0x1CF00] =	vst v63  }
0x191: {  	_ =	swait.ge [sflag:s3], $0x2000  }
0x192: {  	[sflag:s3] =	ssyncset.done $0x0  }
0x193: {  	[sflag:s3] =	ssyncadd.s32 $0xFFFFE000  }
0x194: {  	[spmem:s1] =	stream.indirect.scatter.add.f32 [tilespmem:s28], [sflag:$0x5], $0x10, s26, s26, $0xb8;
	[tilespmem:$0x1CF00] =	vst v63  }
0x195: {  	_ =	swait.ge [sflag:s25], $0x2000  }
0x196: {  	s6 =	sadd.s32 $0xFFFFD000, s9;
	[sflag:s25] =	ssyncset.done $0x0  }
0x197: {  	s19 =	sadd.s32 $0xFFFFD000, s10;
	s17 =	sadd.s32 $0x3080, s6;
	[sflag:s25] =	ssyncadd.s32 $0xFFFFE000  }
0x198: {  	[tilespmem:s2], [sflag:$0x3] =	stream.linear.gather [hbm4b:s17+s2], $0x200, $0x38;
	[tilespmem:$0x1CF00] =	vst v63  }
0x199: {  	s20 =	sadd.s32 $0x3080, s19  }
0x19a: {  	[tilespmem:s26], [sflag:$0x3] =	stream.linear.gather [hbm4b:s20+s2], $0x200, $0x38;
	[tilespmem:$0x1CF00] =	vst v63  }
0x19b: {  	_ =	swait.ge [sflag:s4], $0x200  }
0x19c: {  	[sflag:s4] =	ssyncset.done $0x0  }
0x19d: {  	[sflag:s4] =	ssyncadd.s32 $0xFFFFFE00  }
0x19e: {  	_ =	swait.ge [sflag:s4], $0x200  }
0x19f: {  	[sflag:s4] =	ssyncset.done $0x0  }
0x1a0: {  	[sflag:s4] =	ssyncadd.s32 $0xFFFFFE00  }
0x1a1: {  	[tilespmem:s28], [sflag:$0x1] =	stream.indirect.gather [hbm4b:s16+s26], $0x10, s2, s26, $0xb8;
	[tilespmem:$0x1CF00] =	vst v63  }
0x1a2: {  	_ =	swait.ge [sflag:s7], $0x2000  }
0x1a3: {  	[sflag:s7] =	ssyncset.done $0x0  }
0x1a4: {  	[sflag:s7] =	ssyncadd.s32 $0xFFFFE000  }
0x1a5: {  	[spmem:s1] =	stream.indirect.scatter.add.f32 [tilespmem:s0], [sflag:$0x5], $0x10, s30, s26, $0xb8;
	[tilespmem:$0x1CF00] =	vst v63  }
0x1a6: {  	_ =	swait.ge [sflag:s25], $0x2000  }
0x1a7: {  	s19 =	sadd.s32 $0x30C0, s19;
	[sflag:s25] =	ssyncset.done $0x0  }
0x1a8: {  	s6 =	sadd.s32 $0x30C0, s6;
	s17 =	simm.s32 $0xFFFFD080;
	[sflag:s25] =	ssyncadd.s32 $0xFFFFE000  }
0x1a9: {  	[tilespmem:s29], [sflag:$0x4] =	stream.linear.gather [hbm4b:s6+s2], $0x200, $0x38;
	[tilespmem:$0x1CF00] =	vst v63  }
.LBB2_6:
0x1aa: {  	[tilespmem:s30], [sflag:$0x4] =	stream.linear.gather [hbm4b:s19+s2], $0x200, $0x38;
	[tilespmem:$0x1CF00] =	vst v63  }
0x1ab: {  	s6 =	smov.u32 s17  }
0x1ac: {  	p0 =	sne.s32 s17, $0xFFFFFF80;
	s17 =	sadd.s32 $0x80, s17;
	_ =	swait.ge [sflag:s31], $0x200  }
0x1ad: {  	[sflag:s31] =	ssyncset.done $0x0  }
0x1ae: {  	[sflag:s31] =	ssyncadd.s32 $0xFFFFFE00  }
0x1af: {  	_ =	swait.ge [sflag:s31], $0x200  }
0x1b0: {  	[sflag:s31] =	ssyncset.done $0x0  }
0x1b1: {  	[sflag:s31] =	ssyncadd.s32 $0xFFFFFE00  }
0x1b2: {  	[tilespmem:s0], [sflag:$0x2] =	stream.indirect.gather [hbm4b:s16+s26], $0x10, s29, s26, $0xb8;
	[tilespmem:$0x1CF00] =	vst v63  }
0x1b3: {  	_ =	swait.ge [sflag:s3], $0x2000  }
0x1b4: {  	[sflag:s3] =	ssyncset.done $0x0  }
0x1b5: {  	[sflag:s3] =	ssyncadd.s32 $0xFFFFE000  }
0x1b6: {  	[spmem:s1] =	stream.indirect.scatter.add.f32 [tilespmem:s28], [sflag:$0x5], $0x10, s26, s26, $0xb8;
	[tilespmem:$0x1CF00] =	vst v63  }
0x1b7: {  	_ =	swait.ge [sflag:s25], $0x2000  }
0x1b8: {  	s19 =	sadd.s32 s6, s9;
	[sflag:s25] =	ssyncset.done $0x0  }
0x1b9: {  	s6 =	sadd.s32 s6, s10;
	s20 =	sadd.s32 $0x3080, s19;
	[sflag:s25] =	ssyncadd.s32 $0xFFFFE000  }
0x1ba: {  	[tilespmem:s2], [sflag:$0x3] =	stream.linear.gather [hbm4b:s20+s2], $0x200, $0x38;
	[tilespmem:$0x1CF00] =	vst v63  }
0x1bb: {  	s20 =	sadd.s32 $0x3080, s6  }
0x1bc: {  	[tilespmem:s26], [sflag:$0x3] =	stream.linear.gather [hbm4b:s20+s2], $0x200, $0x38;
	[tilespmem:$0x1CF00] =	vst v63  }
0x1bd: {  	_ =	swait.ge [sflag:s4], $0x200  }
0x1be: {  	[sflag:s4] =	ssyncset.done $0x0  }
0x1bf: {  	[sflag:s4] =	ssyncadd.s32 $0xFFFFFE00  }
0x1c0: {  	_ =	swait.ge [sflag:s4], $0x200  }
0x1c1: {  	[sflag:s4] =	ssyncset.done $0x0  }
0x1c2: {  	[sflag:s4] =	ssyncadd.s32 $0xFFFFFE00  }
0x1c3: {  	[tilespmem:s28], [sflag:$0x1] =	stream.indirect.gather [hbm4b:s16+s26], $0x10, s2, s26, $0xb8;
	[tilespmem:$0x1CF00] =	vst v63  }
0x1c4: {  	_ =	swait.ge [sflag:s7], $0x2000  }
0x1c5: {  	[sflag:s7] =	ssyncset.done $0x0  }
0x1c6: {  	[sflag:s7] =	ssyncadd.s32 $0xFFFFE000  }
0x1c7: {  	[spmem:s1] =	stream.indirect.scatter.add.f32 [tilespmem:s0], [sflag:$0x5], $0x10, s30, s26, $0xb8;
	[tilespmem:$0x1CF00] =	vst v63  }
.Ltmp2:
0x1c8: {  	_ =	swait.ge [sflag:s25], $0x2000;
	(pc) =	sbr.rel @p0 .LBB2_6-.Ltmp2, $4  }
0x1c9: {  	[sflag:s25] =	ssyncset.done $0x0  }
0x1ca: {  	s19 =	sadd.s32 $0x30C0, s19;
	[sflag:s25] =	ssyncadd.s32 $0xFFFFE000  }
0x1cb: {  	[tilespmem:s29], [sflag:$0x4] =	stream.linear.gather [hbm4b:s19+s2], $0x200, $0x38;
	[tilespmem:$0x1CF00] =	vst v63  }
0x1cc: {  	s19 =	sadd.s32 $0x30C0, s6  }
0x1cd: {  	[tilespmem:s30], [sflag:$0x4] =	stream.linear.gather [hbm4b:s19+s2], $0x200, $0x38;
	[tilespmem:$0x1CF00] =	vst v63  }
0x1ce: {  	_ =	swait.ge [sflag:s31], $0x200  }
0x1cf: {  	[sflag:s31] =	ssyncset.done $0x0  }
0x1d0: {  	[sflag:s31] =	ssyncadd.s32 $0xFFFFFE00  }
0x1d1: {  	_ =	swait.ge [sflag:s31], $0x200  }
0x1d2: {  	[sflag:s31] =	ssyncset.done $0x0  }
0x1d3: {  	[sflag:s31] =	ssyncadd.s32 $0xFFFFFE00  }
0x1d4: {  	[tilespmem:s0], [sflag:$0x2] =	stream.indirect.gather [hbm4b:s16+s26], $0x10, s29, s26, $0xb8;
	[tilespmem:$0x1CF00] =	vst v63  }
0x1d5: {  	_ =	swait.ge [sflag:s3], $0x2000  }
0x1d6: {  	[sflag:s3] =	ssyncset.done $0x0  }
0x1d7: {  	[sflag:s3] =	ssyncadd.s32 $0xFFFFE000  }
0x1d8: {  	[spmem:s1] =	stream.indirect.scatter.add.f32 [tilespmem:s28], [sflag:$0x5], $0x10, s26, s26, $0xb8;
	[tilespmem:$0x1CF00] =	vst v63  }
0x1d9: {  	_ =	swait.ge [sflag:s25], $0x2000  }
0x1da: {  	[sflag:s25] =	ssyncset.done $0x0  }
0x1db: {  	[sflag:s25] =	ssyncadd.s32 $0xFFFFE000  }
0x1dc: {  	[tilespmem:s2], [sflag:$0x3] =	stream.linear.gather [hbm4b:s23+s2], $0x200, $0x38;
	[tilespmem:$0x1CF00] =	vst v63  }
0x1dd: {  	_ = 	snop  }
0x1de: {  	[tilespmem:s26], [sflag:$0x3] =	stream.linear.gather [hbm4b:s24+s2], $0x200, $0x38;
	[tilespmem:$0x1CF00] =	vst v63  }
0x1df: {  	_ =	swait.ge [sflag:s4], $0x200  }
0x1e0: {  	[sflag:s4] =	ssyncset.done $0x0  }
0x1e1: {  	[sflag:s4] =	ssyncadd.s32 $0xFFFFFE00  }
0x1e2: {  	_ =	swait.ge [sflag:s4], $0x200  }
0x1e3: {  	[sflag:s4] =	ssyncset.done $0x0  }
0x1e4: {  	[sflag:s4] =	ssyncadd.s32 $0xFFFFFE00  }
0x1e5: {  	[tilespmem:s28], [sflag:$0x1] =	stream.indirect.gather [hbm4b:s16+s26], $0x10, s2, s26, $0xb8;
	[tilespmem:$0x1CF00] =	vst v63  }
0x1e6: {  	_ =	swait.ge [sflag:s7], $0x2000  }
0x1e7: {  	[sflag:s7] =	ssyncset.done $0x0  }
0x1e8: {  	[sflag:s7] =	ssyncadd.s32 $0xFFFFE000  }
0x1e9: {  	[spmem:s1] =	stream.indirect.scatter.add.f32 [tilespmem:s0], [sflag:$0x5], $0x10, s30, s26, $0xb8;
	[tilespmem:$0x1CF00] =	vst v63  }
0x1ea: {  	_ =	swait.ge [sflag:s25], $0x2000  }
0x1eb: {  	[sflag:s25] =	ssyncset.done $0x0  }
0x1ec: {  	[sflag:s25] =	ssyncadd.s32 $0xFFFFE000  }
0x1ed: {  	[tilespmem:s29], [sflag:$0x4] =	stream.linear.gather [hbm4b:s21+s2], $0x200, $0x38;
	[tilespmem:$0x1CF00] =	vst v63  }
0x1ee: {  	_ = 	snop  }
0x1ef: {  	[tilespmem:s30], [sflag:$0x4] =	stream.linear.gather [hbm4b:s22+s2], $0x200, $0x38;
	[tilespmem:$0x1CF00] =	vst v63  }
0x1f0: {  	_ =	swait.ge [sflag:s31], $0x200  }
0x1f1: {  	[sflag:s31] =	ssyncset.done $0x0  }
0x1f2: {  	[sflag:s31] =	ssyncadd.s32 $0xFFFFFE00  }
0x1f3: {  	_ =	swait.ge [sflag:s31], $0x200  }
0x1f4: {  	[sflag:s31] =	ssyncset.done $0x0  }
0x1f5: {  	[sflag:s31] =	ssyncadd.s32 $0xFFFFFE00  }
0x1f6: {  	[tilespmem:s0], [sflag:$0x2] =	stream.indirect.gather [hbm4b:s16+s26], $0x10, s29, s26, $0xb8;
	[tilespmem:$0x1CF00] =	vst v63  }
0x1f7: {  	_ =	swait.ge [sflag:s3], $0x2000  }
0x1f8: {  	[sflag:s3] =	ssyncset.done $0x0  }
0x1f9: {  	[sflag:s3] =	ssyncadd.s32 $0xFFFFE000  }
0x1fa: {  	[spmem:s1] =	stream.indirect.scatter.add.f32 [tilespmem:s28], [sflag:$0x5], $0x10, s26, s26, $0xb8;
	[tilespmem:$0x1CF00] =	vst v63  }
0x1fb: {  	_ =	swait.ge [sflag:s25], $0x2000  }
0x1fc: {  	[sflag:s25] =	ssyncset.done $0x0  }
0x1fd: {  	[sflag:s25] =	ssyncadd.s32 $0xFFFFE000  }
0x1fe: {  	[tilespmem:s2], [sflag:$0x3] =	stream.linear.gather [hbm4b:s21+s2], $0x200, $0x38;
	[tilespmem:$0x1CF00] =	vst v63  }
0x1ff: {  	_ = 	snop  }
0x200: {  	[tilespmem:s26], [sflag:$0x3] =	stream.linear.gather [hbm4b:s22+s2], $0x200, $0x38;
	[tilespmem:$0x1CF00] =	vst v63  }
0x201: {  	_ =	swait.ge [sflag:s4], $0x200  }
0x202: {  	[sflag:s4] =	ssyncset.done $0x0  }
0x203: {  	[sflag:s4] =	ssyncadd.s32 $0xFFFFFE00  }
0x204: {  	_ =	swait.ge [sflag:s4], $0x200  }
0x205: {  	[sflag:s4] =	ssyncset.done $0x0  }
0x206: {  	[sflag:s4] =	ssyncadd.s32 $0xFFFFFE00  }
0x207: {  	[tilespmem:s28], [sflag:$0x1] =	stream.indirect.gather [hbm4b:s16+s26], $0x10, s2, s26, $0xb8;
	[tilespmem:$0x1CF00] =	vst v63  }
0x208: {  	_ =	swait.ge [sflag:s7], $0x2000  }
0x209: {  	[sflag:s7] =	ssyncset.done $0x0  }
0x20a: {  	[sflag:s7] =	ssyncadd.s32 $0xFFFFE000  }
0x20b: {  	[spmem:s1] =	stream.indirect.scatter.add.f32 [tilespmem:s0], [sflag:$0x5], $0x10, s30, s26, $0xb8;
	[tilespmem:$0x1CF00] =	vst v63  }
0x20c: {  	_ =	swait.ge [sflag:s25], $0x2000  }
0x20d: {  	[sflag:s25] =	ssyncset.done $0x0  }
0x20e: {  	[sflag:s25] =	ssyncadd.s32 $0xFFFFE000  }
0x20f: {  	[tilespmem:s29], [sflag:$0x4] =	stream.linear.gather [hbm4b:s21+s2], $0x200, $0x38;
	[tilespmem:$0x1CF00] =	vst v63  }
0x210: {  	_ = 	snop  }
0x211: {  	[tilespmem:s30], [sflag:$0x4] =	stream.linear.gather [hbm4b:s22+s2], $0x200, $0x38;
	[tilespmem:$0x1CF00] =	vst v63  }
0x212: {  	_ =	swait.ge [sflag:s3], $0x2000  }
0x213: {  	[sflag:s3] =	ssyncset.done $0x0  }
0x214: {  	[sflag:s3] =	ssyncadd.s32 $0xFFFFE000  }
0x215: {  	_ =	swait.ge [sflag:s31], $0x200  }
0x216: {  	[sflag:s31] =	ssyncset.done $0x0  }
0x217: {  	[sflag:s31] =	ssyncadd.s32 $0xFFFFFE00  }
0x218: {  	_ =	swait.ge [sflag:s31], $0x200  }
0x219: {  	[sflag:s31] =	ssyncset.done $0x0  }
0x21a: {  	[sflag:s31] =	ssyncadd.s32 $0xFFFFFE00  }
0x21b: {  	[bflag:$0x0] =	sbarrier.arrive $0xFFFF  }
0x21c: {  	s6 =	rddreg [dreg:$0x8]  }
0x21d: {  	[hbm:s6], [sflag:s8] =	dma.local [spmem:s15], $0x30E0  }
0x21e: {  	_ =	swait.ge [sflag:s25], $0x30E0  }
0x21f: {  	[sflag:s25] =	ssyncset.done $0x0  }
0x220: {  	[sflag:s25] =	ssyncadd.s32 $0xFFFFCF20  }
0x221: {  	[bflag:$0x0] =	sbarrier.arrive $0xFFFF  }
0x222: {  	s19 =	rddreg [dreg:$0x4]  }
0x223: {  	s6 =	sadd.s32 s19, s18  }
0x224: {  	[spmem:s15], [sflag:s8] =	dma.local [hbm:s6], $0x30E0  }
0x225: {  	_ =	swait.ge [sflag:s25], $0x30E0  }
0x226: {  	[sflag:s25] =	ssyncset.done $0x0  }
0x227: {  	[sflag:s25] =	ssyncadd.s32 $0xFFFFCF20  }
0x228: {  	[bflag:$0x0] =	sbarrier.arrive $0xFFFF  }
0x229: {  	[tilespmem:s2], [sflag:$0x5] =	stream.linear.gather [hbm4b:s9+s2], $0x200, $0x38;
	[tilespmem:$0x1CF00] =	vst v63  }
0x22a: {  	_ =	swait.ge [sflag:s25], $0x200  }
0x22b: {  	[sflag:s25] =	ssyncset.done $0x0  }
0x22c: {  	[sflag:s25] =	ssyncadd.s32 $0xFFFFFE00  }
0x22d: {  	[tilespmem:s26], [sflag:$0x5] =	stream.linear.gather [hbm4b:s10+s2], $0x200, $0x38;
	[tilespmem:$0x1CF00] =	vst v63  }
0x22e: {  	_ =	swait.ge [sflag:s25], $0x200  }
0x22f: {  	[sflag:s25] =	ssyncset.done $0x0  }
0x230: {  	[sflag:s25] =	ssyncadd.s32 $0xFFFFFE00  }
0x231: {  	[tilespmem:s28], [sflag:$0x1] =	stream.indirect.gather [hbm4b:s18+s26], $0x10, s2, s26, $0xb8;
	[tilespmem:$0x1CF00] =	vst v63  }
0x232: {  	_ = 	snop  }
0x233: {  	[tilespmem:s29], [sflag:$0x4] =	stream.linear.gather [hbm4b:s11+s2], $0x200, $0x38;
	[tilespmem:$0x1CF00] =	vst v63  }
0x234: {  	_ = 	snop  }
0x235: {  	[tilespmem:s30], [sflag:$0x4] =	stream.linear.gather [hbm4b:s12+s2], $0x200, $0x38;
	[tilespmem:$0x1CF00] =	vst v63  }
0x236: {  	_ =	swait.ge [sflag:s31], $0x200  }
0x237: {  	[sflag:s31] =	ssyncset.done $0x0  }
0x238: {  	[sflag:s31] =	ssyncadd.s32 $0xFFFFFE00  }
0x239: {  	_ =	swait.ge [sflag:s31], $0x200  }
0x23a: {  	[sflag:s31] =	ssyncset.done $0x0  }
0x23b: {  	[sflag:s31] =	ssyncadd.s32 $0xFFFFFE00  }
0x23c: {  	[tilespmem:s0], [sflag:$0x2] =	stream.indirect.gather [hbm4b:s18+s26], $0x10, s29, s26, $0xb8;
	[tilespmem:$0x1CF00] =	vst v63  }
0x23d: {  	_ =	swait.ge [sflag:s3], $0x2000  }
0x23e: {  	[sflag:s3] =	ssyncset.done $0x0  }
0x23f: {  	[sflag:s3] =	ssyncadd.s32 $0xFFFFE000  }
0x240: {  	[spmem:s1] =	stream.indirect.scatter.add.f32 [tilespmem:s28], [sflag:$0x5], $0x10, s26, s26, $0xb8;
	[tilespmem:$0x1CF00] =	vst v63  }
0x241: {  	_ =	swait.ge [sflag:s25], $0x2000  }
0x242: {  	s6 =	sadd.s32 $0xFFFFD000, s9;
	[sflag:s25] =	ssyncset.done $0x0  }
0x243: {  	s19 =	sadd.s32 $0xFFFFD000, s10;
	s17 =	sadd.s32 $0x3080, s6;
	[sflag:s25] =	ssyncadd.s32 $0xFFFFE000  }
0x244: {  	[tilespmem:s2], [sflag:$0x3] =	stream.linear.gather [hbm4b:s17+s2], $0x200, $0x38;
	[tilespmem:$0x1CF00] =	vst v63  }
0x245: {  	s20 =	sadd.s32 $0x3080, s19  }
0x246: {  	[tilespmem:s26], [sflag:$0x3] =	stream.linear.gather [hbm4b:s20+s2], $0x200, $0x38;
	[tilespmem:$0x1CF00] =	vst v63  }
0x247: {  	_ =	swait.ge [sflag:s4], $0x200  }
0x248: {  	[sflag:s4] =	ssyncset.done $0x0  }
0x249: {  	[sflag:s4] =	ssyncadd.s32 $0xFFFFFE00  }
0x24a: {  	_ =	swait.ge [sflag:s4], $0x200  }
0x24b: {  	[sflag:s4] =	ssyncset.done $0x0  }
0x24c: {  	[sflag:s4] =	ssyncadd.s32 $0xFFFFFE00  }
0x24d: {  	[tilespmem:s28], [sflag:$0x1] =	stream.indirect.gather [hbm4b:s18+s26], $0x10, s2, s26, $0xb8;
	[tilespmem:$0x1CF00] =	vst v63  }
0x24e: {  	_ =	swait.ge [sflag:s7], $0x2000  }
0x24f: {  	[sflag:s7] =	ssyncset.done $0x0  }
0x250: {  	[sflag:s7] =	ssyncadd.s32 $0xFFFFE000  }
0x251: {  	[spmem:s1] =	stream.indirect.scatter.add.f32 [tilespmem:s0], [sflag:$0x5], $0x10, s30, s26, $0xb8;
	[tilespmem:$0x1CF00] =	vst v63  }
0x252: {  	_ =	swait.ge [sflag:s25], $0x2000  }
0x253: {  	s19 =	sadd.s32 $0x30C0, s19;
	[sflag:s25] =	ssyncset.done $0x0  }
0x254: {  	s6 =	sadd.s32 $0x30C0, s6;
	s17 =	simm.s32 $0xFFFFD080;
	[sflag:s25] =	ssyncadd.s32 $0xFFFFE000  }
0x255: {  	[tilespmem:s29], [sflag:$0x4] =	stream.linear.gather [hbm4b:s6+s2], $0x200, $0x38;
	[tilespmem:$0x1CF00] =	vst v63  }
.LBB2_8:
0x256: {  	[tilespmem:s30], [sflag:$0x4] =	stream.linear.gather [hbm4b:s19+s2], $0x200, $0x38;
	[tilespmem:$0x1CF00] =	vst v63  }
0x257: {  	s6 =	smov.u32 s17  }
0x258: {  	p0 =	sne.s32 s17, $0xFFFFFF80;
	s17 =	sadd.s32 $0x80, s17;
	_ =	swait.ge [sflag:s31], $0x200  }
0x259: {  	[sflag:s31] =	ssyncset.done $0x0  }
0x25a: {  	[sflag:s31] =	ssyncadd.s32 $0xFFFFFE00  }
0x25b: {  	_ =	swait.ge [sflag:s31], $0x200  }
0x25c: {  	[sflag:s31] =	ssyncset.done $0x0  }
0x25d: {  	[sflag:s31] =	ssyncadd.s32 $0xFFFFFE00  }
0x25e: {  	[tilespmem:s0], [sflag:$0x2] =	stream.indirect.gather [hbm4b:s18+s26], $0x10, s29, s26, $0xb8;
	[tilespmem:$0x1CF00] =	vst v63  }
0x25f: {  	_ =	swait.ge [sflag:s3], $0x2000  }
0x260: {  	[sflag:s3] =	ssyncset.done $0x0  }
0x261: {  	[sflag:s3] =	ssyncadd.s32 $0xFFFFE000  }
0x262: {  	[spmem:s1] =	stream.indirect.scatter.add.f32 [tilespmem:s28], [sflag:$0x5], $0x10, s26, s26, $0xb8;
	[tilespmem:$0x1CF00] =	vst v63  }
0x263: {  	_ =	swait.ge [sflag:s25], $0x2000  }
0x264: {  	s19 =	sadd.s32 s6, s9;
	[sflag:s25] =	ssyncset.done $0x0  }
0x265: {  	s6 =	sadd.s32 s6, s10;
	s20 =	sadd.s32 $0x3080, s19;
	[sflag:s25] =	ssyncadd.s32 $0xFFFFE000  }
0x266: {  	[tilespmem:s2], [sflag:$0x3] =	stream.linear.gather [hbm4b:s20+s2], $0x200, $0x38;
	[tilespmem:$0x1CF00] =	vst v63  }
0x267: {  	s20 =	sadd.s32 $0x3080, s6  }
0x268: {  	[tilespmem:s26], [sflag:$0x3] =	stream.linear.gather [hbm4b:s20+s2], $0x200, $0x38;
	[tilespmem:$0x1CF00] =	vst v63  }
0x269: {  	_ =	swait.ge [sflag:s4], $0x200  }
0x26a: {  	[sflag:s4] =	ssyncset.done $0x0  }
0x26b: {  	[sflag:s4] =	ssyncadd.s32 $0xFFFFFE00  }
0x26c: {  	_ =	swait.ge [sflag:s4], $0x200  }
0x26d: {  	[sflag:s4] =	ssyncset.done $0x0  }
0x26e: {  	[sflag:s4] =	ssyncadd.s32 $0xFFFFFE00  }
0x26f: {  	[tilespmem:s28], [sflag:$0x1] =	stream.indirect.gather [hbm4b:s18+s26], $0x10, s2, s26, $0xb8;
	[tilespmem:$0x1CF00] =	vst v63  }
0x270: {  	_ =	swait.ge [sflag:s7], $0x2000  }
0x271: {  	[sflag:s7] =	ssyncset.done $0x0  }
0x272: {  	[sflag:s7] =	ssyncadd.s32 $0xFFFFE000  }
0x273: {  	[spmem:s1] =	stream.indirect.scatter.add.f32 [tilespmem:s0], [sflag:$0x5], $0x10, s30, s26, $0xb8;
	[tilespmem:$0x1CF00] =	vst v63  }
.Ltmp3:
0x274: {  	_ =	swait.ge [sflag:s25], $0x2000;
	(pc) =	sbr.rel @p0 .LBB2_8-.Ltmp3, $4  }
0x275: {  	[sflag:s25] =	ssyncset.done $0x0  }
0x276: {  	s19 =	sadd.s32 $0x30C0, s19;
	[sflag:s25] =	ssyncadd.s32 $0xFFFFE000  }
0x277: {  	[tilespmem:s29], [sflag:$0x4] =	stream.linear.gather [hbm4b:s19+s2], $0x200, $0x38;
	[tilespmem:$0x1CF00] =	vst v63  }
0x278: {  	s19 =	sadd.s32 $0x30C0, s6  }
0x279: {  	[tilespmem:s30], [sflag:$0x4] =	stream.linear.gather [hbm4b:s19+s2], $0x200, $0x38;
	[tilespmem:$0x1CF00] =	vst v63  }
0x27a: {  	_ =	swait.ge [sflag:s31], $0x200  }
0x27b: {  	[sflag:s31] =	ssyncset.done $0x0  }
0x27c: {  	[sflag:s31] =	ssyncadd.s32 $0xFFFFFE00  }
0x27d: {  	_ =	swait.ge [sflag:s31], $0x200  }
0x27e: {  	[sflag:s31] =	ssyncset.done $0x0  }
0x27f: {  	[sflag:s31] =	ssyncadd.s32 $0xFFFFFE00  }
0x280: {  	[tilespmem:s0], [sflag:$0x2] =	stream.indirect.gather [hbm4b:s18+s26], $0x10, s29, s26, $0xb8;
	[tilespmem:$0x1CF00] =	vst v63  }
0x281: {  	_ =	swait.ge [sflag:s3], $0x2000  }
0x282: {  	[sflag:s3] =	ssyncset.done $0x0  }
0x283: {  	[sflag:s3] =	ssyncadd.s32 $0xFFFFE000  }
0x284: {  	[spmem:s1] =	stream.indirect.scatter.add.f32 [tilespmem:s28], [sflag:$0x5], $0x10, s26, s26, $0xb8;
	[tilespmem:$0x1CF00] =	vst v63  }
0x285: {  	_ =	swait.ge [sflag:s25], $0x2000  }
0x286: {  	[sflag:s25] =	ssyncset.done $0x0  }
0x287: {  	[sflag:s25] =	ssyncadd.s32 $0xFFFFE000  }
0x288: {  	[tilespmem:s2], [sflag:$0x3] =	stream.linear.gather [hbm4b:s23+s2], $0x200, $0x38;
	[tilespmem:$0x1CF00] =	vst v63  }
0x289: {  	_ = 	snop  }
0x28a: {  	[tilespmem:s26], [sflag:$0x3] =	stream.linear.gather [hbm4b:s24+s2], $0x200, $0x38;
	[tilespmem:$0x1CF00] =	vst v63  }
0x28b: {  	_ =	swait.ge [sflag:s4], $0x200  }
0x28c: {  	[sflag:s4] =	ssyncset.done $0x0  }
0x28d: {  	[sflag:s4] =	ssyncadd.s32 $0xFFFFFE00  }
0x28e: {  	_ =	swait.ge [sflag:s4], $0x200  }
0x28f: {  	[sflag:s4] =	ssyncset.done $0x0  }
0x290: {  	[sflag:s4] =	ssyncadd.s32 $0xFFFFFE00  }
0x291: {  	[tilespmem:s28], [sflag:$0x1] =	stream.indirect.gather [hbm4b:s18+s26], $0x10, s2, s26, $0xb8;
	[tilespmem:$0x1CF00] =	vst v63  }
0x292: {  	_ =	swait.ge [sflag:s7], $0x2000  }
0x293: {  	[sflag:s7] =	ssyncset.done $0x0  }
0x294: {  	[sflag:s7] =	ssyncadd.s32 $0xFFFFE000  }
0x295: {  	[spmem:s1] =	stream.indirect.scatter.add.f32 [tilespmem:s0], [sflag:$0x5], $0x10, s30, s26, $0xb8;
	[tilespmem:$0x1CF00] =	vst v63  }
0x296: {  	_ =	swait.ge [sflag:s25], $0x2000  }
0x297: {  	[sflag:s25] =	ssyncset.done $0x0  }
0x298: {  	[sflag:s25] =	ssyncadd.s32 $0xFFFFE000  }
0x299: {  	[tilespmem:s29], [sflag:$0x4] =	stream.linear.gather [hbm4b:s21+s2], $0x200, $0x38;
	[tilespmem:$0x1CF00] =	vst v63  }
0x29a: {  	_ = 	snop  }
0x29b: {  	[tilespmem:s30], [sflag:$0x4] =	stream.linear.gather [hbm4b:s22+s2], $0x200, $0x38;
	[tilespmem:$0x1CF00] =	vst v63  }
0x29c: {  	_ =	swait.ge [sflag:s31], $0x200  }
0x29d: {  	[sflag:s31] =	ssyncset.done $0x0  }
0x29e: {  	[sflag:s31] =	ssyncadd.s32 $0xFFFFFE00  }
0x29f: {  	_ =	swait.ge [sflag:s31], $0x200  }
0x2a0: {  	[sflag:s31] =	ssyncset.done $0x0  }
0x2a1: {  	[sflag:s31] =	ssyncadd.s32 $0xFFFFFE00  }
0x2a2: {  	[tilespmem:s0], [sflag:$0x2] =	stream.indirect.gather [hbm4b:s18+s26], $0x10, s29, s26, $0xb8;
	[tilespmem:$0x1CF00] =	vst v63  }
0x2a3: {  	_ =	swait.ge [sflag:s3], $0x2000  }
0x2a4: {  	[sflag:s3] =	ssyncset.done $0x0  }
0x2a5: {  	[sflag:s3] =	ssyncadd.s32 $0xFFFFE000  }
0x2a6: {  	[spmem:s1] =	stream.indirect.scatter.add.f32 [tilespmem:s28], [sflag:$0x5], $0x10, s26, s26, $0xb8;
	[tilespmem:$0x1CF00] =	vst v63  }
0x2a7: {  	_ =	swait.ge [sflag:s25], $0x2000  }
0x2a8: {  	[sflag:s25] =	ssyncset.done $0x0  }
0x2a9: {  	[sflag:s25] =	ssyncadd.s32 $0xFFFFE000  }
0x2aa: {  	[tilespmem:s2], [sflag:$0x3] =	stream.linear.gather [hbm4b:s21+s2], $0x200, $0x38;
	[tilespmem:$0x1CF00] =	vst v63  }
0x2ab: {  	_ = 	snop  }
0x2ac: {  	[tilespmem:s26], [sflag:$0x3] =	stream.linear.gather [hbm4b:s22+s2], $0x200, $0x38;
	[tilespmem:$0x1CF00] =	vst v63  }
0x2ad: {  	_ =	swait.ge [sflag:s4], $0x200  }
0x2ae: {  	[sflag:s4] =	ssyncset.done $0x0  }
0x2af: {  	[sflag:s4] =	ssyncadd.s32 $0xFFFFFE00  }
0x2b0: {  	_ =	swait.ge [sflag:s4], $0x200  }
0x2b1: {  	[sflag:s4] =	ssyncset.done $0x0  }
0x2b2: {  	[sflag:s4] =	ssyncadd.s32 $0xFFFFFE00  }
0x2b3: {  	[tilespmem:s28], [sflag:$0x1] =	stream.indirect.gather [hbm4b:s18+s26], $0x10, s2, s26, $0xb8;
	[tilespmem:$0x1CF00] =	vst v63  }
0x2b4: {  	_ =	swait.ge [sflag:s7], $0x2000  }
0x2b5: {  	[sflag:s7] =	ssyncset.done $0x0  }
0x2b6: {  	[sflag:s7] =	ssyncadd.s32 $0xFFFFE000  }
0x2b7: {  	[spmem:s1] =	stream.indirect.scatter.add.f32 [tilespmem:s0], [sflag:$0x5], $0x10, s30, s26, $0xb8;
	[tilespmem:$0x1CF00] =	vst v63  }
0x2b8: {  	_ =	swait.ge [sflag:s25], $0x2000  }
0x2b9: {  	[sflag:s25] =	ssyncset.done $0x0  }
0x2ba: {  	[sflag:s25] =	ssyncadd.s32 $0xFFFFE000  }
0x2bb: {  	[tilespmem:s29], [sflag:$0x4] =	stream.linear.gather [hbm4b:s21+s2], $0x200, $0x38;
	[tilespmem:$0x1CF00] =	vst v63  }
0x2bc: {  	_ = 	snop  }
0x2bd: {  	[tilespmem:s30], [sflag:$0x4] =	stream.linear.gather [hbm4b:s22+s2], $0x200, $0x38;
	[tilespmem:$0x1CF00] =	vst v63  }
0x2be: {  	_ =	swait.ge [sflag:s3], $0x2000  }
0x2bf: {  	[sflag:s3] =	ssyncset.done $0x0  }
0x2c0: {  	[sflag:s3] =	ssyncadd.s32 $0xFFFFE000  }
0x2c1: {  	_ =	swait.ge [sflag:s31], $0x200  }
0x2c2: {  	[sflag:s31] =	ssyncset.done $0x0  }
0x2c3: {  	[sflag:s31] =	ssyncadd.s32 $0xFFFFFE00  }
0x2c4: {  	_ =	swait.ge [sflag:s31], $0x200  }
0x2c5: {  	[sflag:s31] =	ssyncset.done $0x0  }
0x2c6: {  	[sflag:s31] =	ssyncadd.s32 $0xFFFFFE00  }
0x2c7: {  	[bflag:$0x0] =	sbarrier.arrive $0xFFFF  }
0x2c8: {  	s6 =	rddreg [dreg:$0x9]  }
0x2c9: {  	[hbm:s6], [sflag:s8] =	dma.local [spmem:s15], $0x30E0  }
0x2ca: {  	_ =	swait.ge [sflag:s25], $0x30E0  }
0x2cb: {  	s13 =	sadd.s32 $0x1, s13;
	s20 =	rddreg [dreg:$0xa]  }
0x2cc: {  	p0 =	sne.s32 s13, s20  }
.Ltmp4:
0x2cd: {  	_ = 	snop;
	(pc) =	sbr.rel @p0 .LBB2_1-.Ltmp4, $3  }
0x2ce: {  	[sflag:s25] =	ssyncset.done $0x0  }
0x2cf: {  	[sflag:s25] =	ssyncadd.s32 $0xFFFFCF20  }
0x2d0: {  	[bflag:$0x0] =	sbarrier.arrive $0xFFFF;
	_ =	sdelay $0x1  }
0x2d1: {  	_ =	sfence.sel $0x180000  }
0x2d2: {  	[bflag:$0x0] =	sbarrier.arrive $0xFFFF  }
0x2d3: {  	_ =	strace $0x9000004D  }
0x2d4: {  	s0 =	stileid.u32;
	[bflag:$0x2] =	sbarrier.arrive $0xFFFF  }
0x2d5: {  	p0 =	sne.s32 s0, $0x0;
	s0 =	rddreg [dreg:$0x2]  }
0x2d6: {  	s0 =	sadd.s32 @!p0 $0x100000, s0  }
0x2d7: {  	[sflag:s0] =	ssyncadd.tile.s32 @!p0 $0x1;
	_ =	shalt  }
.Lfunc_end2:
_tile_overlayer_lowered:
.L_overlay_start_2:
0x2d8: {  	(tag) =	ssettag $0x2  }
0x2d9: {  	s0 =	rddreg [dreg:$0x0];
	s2 =	stileid.u32  }
0x2da: {  	s1 =	rddreg [dreg:$0x1];
	p0 =	sne.s32 s2, $0x0  }
0x2db: {  	s3 =	rddreg [dreg:$0x2];
	[bflag:$0x3] =	sbarrier.arrive $0xFFFF;
	s2 =	simm.s32 @!p0 $0x1C05  }
0x2dc: {  	[timem:s3], [sflag:s2] =	dma.local @!p0 [hbm:s0], s1  }
0x2dd: {  	s0 =	simm.s32 @!p0 $0x5  }
0x2de: {  	_ =	swait.ge @!p0 [sflag:s0], s1  }
0x2df: {  	s1 =	ssub.s32 @!p0 $0x0, s1;
	[sflag:s0] =	ssyncset.done @!p0 $0x0  }
0x2e0: {  	[sflag:s0] =	ssyncadd.s32 @!p0 s1  }
0x2e1: {  	[bflag:$0x3] =	sbarrier.arrive $0xFFFF  }
0x2e2: {  	_ =	shalt  }

// kernel: kernel.8.cloned.1.call-start
scs
__scs_entry_jumppad:
0x0: {  	(pc) =	sbr.rel $0x88, $3  }
0x1: {  	(tag) =	ssettag $0x0;
	lr =	simm.s32 $0x1  }
0x2: {  	[smem:$0x3F9B] =	sst lr;
	_ =	strace $0xD0000000  }
0x3: {  	_ = 	snop  }
0x4: {  	_ = 	snop  }
0x5: {  	_ = 	snop  }
0x6: {  	_ = 	snop  }
0x7: {  	_ = 	snop  }
__scs_overlays_trampoline_lowered:
0x8: {  	[smem:$0x3FAA] =	sst s0  }
0x9: {  	[smem:$0x3FAB] =	sst s1  }
0xa: {  	[smem:$0x3FAC] =	sst s2  }
0xb: {  	[smem:$0x3FAD] =	sst s3  }
0xc: {  	[smem:$0x3FAE] =	sst s4  }
0xd: {  	[smem:$0x3FAF] =	sst s5  }
0xe: {  	[smem:$0x3FB0] =	sst s6  }
0xf: {  	[smem:$0x3FB1] =	sst s7  }
0x10: {  	[smem:$0x3FB2] =	sst s8  }
0x11: {  	[smem:$0x3FB3] =	sst s9;
	s0 =	simm.s32 @!p0 $0x0  }
0x12: {  	s1 =	sld [smem:$0x3F99];
	s0 =	simm.s32 @p0 $0x1  }
0x13: {  	[smem:$0x3FB4] =	sst s0;
	s0 =	simm.s32 @!p1 $0x0  }
0x14: {  	s2 =	sld [smem:$0x3F98];
	s0 =	simm.s32 @p1 $0x1  }
0x15: {  	[smem:$0x3FB5] =	sst s0;
	s0 =	simm.s32 @!p2 $0x0  }
0x16: {  	s3 =	sld [smem:$0x3FDB];
	s0 =	simm.s32 @p2 $0x1  }
0x17: {  	s4 =	simm.s32 $0x1BF5;
	[smem:$0x3FB7] =	sst s0  }
0x18: {  	s0 =	sld [smem:$0x3F9A];
	_ =	swait.ge [sflag:s4], $0x0  }
0x19: {  	s7 =	sld [smem:$0x3F9B]  }
0x1a: {  	s8 =	sadd.s32 $0xFFFFE003, lr  }
0x1b: {  	s9 =	sadd.s32 $0xFFFFFEF7, lr;
	s5 =	simm.s32 $0xFFFFFFFF;
	p2 =	slt.u32 s8, $0xFFFFF086  }
0x1c: {  	p1 =	slt.u32 s9, $0xF7A;
	s5 =	simm.s32 @!p2 $0x0  }
0x1d: {  	s5 =	simm.s32 @p1 $0x1;
	p0 =	seq.s32 s7, s2  }
0x1e: {  	s7 =	smul.u32 @!p0 $0xF7A, s2;
	p2 =	seq.s32 @!p0 s5, $0x0  }
0x1f: {  	s9 =	smul.u32 $0xF7A, s1;
	s8 =	simm.s32 @!p0 $0x1BF5;
	p2 =	por !p2, p0  }
0x20: {  	[sflag:s8] =	ssyncset.s32 @!p0 $0xFFFFF086;
	s6 =	sadd.s32 @!p0 s3, s7;
	s7 =	simm.s32 @!p0 $0x108  }
0x21: {  	s3 =	sadd.s32 s3, s9;
	s6 =	sadd.s32 @!p0 $0x88, s6;
	s7 =	simm.s32 @p2 $0x1082  }
0x22: {  	[simem:s7], [sflag:s8] =	dma.local @!p0 [hbm:s6], $0xF7A  }
0x23: {  	s9 =	sor.u32 $0xD0000000, s2;
	s6 =	simm.s32 $0x108;
	_ =	swait.ge @!p0 [sflag:s8], $0x0  }
0x24: {  	s3 =	sadd.s32 $0x88, s3;
	s6 =	simm.s32 @!p1 $0x1082;
	[sflag:s4] =	ssyncset.s32 $0xFFFFF086  }
0x25: {  	[simem:s6], [sflag:s4] =	dma.local [hbm:s3], $0xF7A  }
0x26: {  	[smem:$0x3F9B] =	sst s1;
	(tag) =	ssettag s2;
	_ =	strace s9  }
0x27: {  	s1 =	sld [smem:$0x3FAB]  }
0x28: {  	s2 =	sld [smem:$0x3FAC]  }
0x29: {  	s4 =	sld [smem:$0x3FAE]  }
0x2a: {  	p0 =	seq.s32 s5, $0x0;
	s5 =	sld [smem:$0x3FAF]  }
0x2b: {  	s6 =	sld [smem:$0x3FB0]  }
0x2c: {  	s7 =	sld [smem:$0x3FB1]  }
0x2d: {  	s3 =	simm.s32 $0x108;
	s8 =	sld [smem:$0x3FB2]  }
0x2e: {  	s3 =	simm.s32 @!p0 $0x1082;
	s9 =	sld [smem:$0x3FB3]  }
0x2f: {  	lr =	sadd.s32 s0, s3;
	s0 =	sld [smem:$0x3FAA]  }
0x30: {  	s3 =	sld [smem:$0x3FAD]  }
0x31: {  	[smem:$0x3FB6] =	sst s10  }
0x32: {  	s10 =	sld [smem:$0x3FB4];
	_ =	sdelay $0x3  }
0x33: {  	p0 =	seq.s32 s10, $0x1;
	s10 =	sld [smem:$0x3FB6];
	_ =	sdelay $0x3  }
0x34: {  	[smem:$0x3FB6] =	sst s10  }
0x35: {  	s10 =	sld [smem:$0x3FB5];
	_ =	sdelay $0x3  }
0x36: {  	p1 =	seq.s32 s10, $0x1;
	s10 =	sld [smem:$0x3FB6];
	_ =	sdelay $0x3  }
0x37: {  	[smem:$0x3FB6] =	sst s10  }
0x38: {  	s10 =	sld [smem:$0x3FB7]  }
0x39: {  	_ = 	snop;
	(pc) =	sbr.ind lr, $3  }
0x3a: {  	_ = 	snop  }
0x3b: {  	_ = 	snop  }
0x3c: {  	p2 =	seq.s32 s10, $0x1;
	s10 =	sld [smem:$0x3FB6]  }
0x3d: {  	_ =	shalt  }
0x3e: {  	_ =	shalt  }
0x3f: {  	_ =	shalt  }
0x40: {  	_ =	shalt  }
0x41: {  	_ =	shalt  }
0x42: {  	_ =	shalt  }
0x43: {  	_ =	shalt  }
0x44: {  	_ =	shalt  }
0x45: {  	_ =	shalt  }
0x46: {  	_ =	shalt  }
0x47: {  	_ =	shalt  }
0x48: {  	_ =	shalt  }
0x49: {  	_ =	shalt  }
0x4a: {  	_ =	shalt  }
0x4b: {  	_ =	shalt  }
0x4c: {  	_ =	shalt  }
0x4d: {  	_ =	shalt  }
0x4e: {  	_ =	shalt  }
0x4f: {  	_ =	shalt  }
0x50: {  	_ =	shalt  }
0x51: {  	_ =	shalt  }
0x52: {  	_ =	shalt  }
0x53: {  	_ =	shalt  }
0x54: {  	_ =	shalt  }
0x55: {  	_ =	shalt  }
0x56: {  	_ =	shalt  }
0x57: {  	_ =	shalt  }
0x58: {  	_ =	shalt  }
0x59: {  	_ =	shalt  }
0x5a: {  	_ =	shalt  }
0x5b: {  	_ =	shalt  }
0x5c: {  	_ =	shalt  }
0x5d: {  	_ =	shalt  }
0x5e: {  	_ =	shalt  }
0x5f: {  	_ =	shalt  }
0x60: {  	_ =	shalt  }
0x61: {  	_ =	shalt  }
0x62: {  	_ =	shalt  }
0x63: {  	_ =	shalt  }
0x64: {  	_ =	shalt  }
0x65: {  	_ =	shalt  }
0x66: {  	_ =	shalt  }
0x67: {  	_ =	shalt  }
0x68: {  	_ =	shalt  }
0x69: {  	_ =	shalt  }
0x6a: {  	_ =	shalt  }
0x6b: {  	_ =	shalt  }
0x6c: {  	_ =	shalt  }
0x6d: {  	_ =	shalt  }
0x6e: {  	_ =	shalt  }
0x6f: {  	_ =	shalt  }
0x70: {  	_ =	shalt  }
0x71: {  	_ =	shalt  }
0x72: {  	_ =	shalt  }
0x73: {  	_ =	shalt  }
0x74: {  	_ =	shalt  }
0x75: {  	_ =	shalt  }
0x76: {  	_ =	shalt  }
0x77: {  	_ =	shalt  }
0x78: {  	_ =	shalt  }
0x79: {  	_ =	shalt  }
0x7a: {  	_ =	shalt  }
0x7b: {  	_ =	shalt  }
0x7c: {  	_ =	shalt  }
0x7d: {  	_ =	shalt  }
0x7e: {  	_ =	shalt  }
0x7f: {  	_ =	shalt  }
0x80: {  	_ =	shalt  }
0x81: {  	_ =	shalt  }
0x82: {  	_ =	shalt  }
0x83: {  	_ =	shalt  }
0x84: {  	_ =	shalt  }
0x85: {  	_ =	shalt  }
0x86: {  	_ =	shalt  }
0x87: {  	_ =	shalt  }
.Lfunc_end0:
.L_simem_size_0:
called_computation_lowered:
.L_overlay_start_0:
0x88: {  	s2 =	sld [smem:$0x3FD9]  }
0x89: {  	s3 =	sld [smem:$0x3FFE];
	_ =	sdelay $0x1  }
0x8a: {  	s1 =	srdreg.scid  }
0x8b: {  	s0 =	sand.u32 $0x1, s1  }
0x8c: {  	s16 =	sshll.u32 s0, $0xA;
	s2 =	sadd.s32 s3, s2  }
0x8d: {  	s2 =	sadd.s32 s2, s16  }
0x8e: {  	[smem:$0x3FC2] =	sst s2  }
0x8f: {  	_ = 	snop  }
0x90: {  	(tm) =	ssettm $0x1  }
0x91: {  	s17 =	sld [smem:$0x3FFB];
	_ =	sdelay $0x3  }
0x92: {  	_ =	strace s17  }
0x93: {  	s2 =	sld [smem:$0x3FFC];
	_ =	sdelay $0x3  }
0x94: {  	_ =	strace s2  }
0x95: {  	s2 =	sld [smem:$0x3FFD];
	_ =	sdelay $0x3  }
0x96: {  	_ =	strace s2  }
0x97: {  	_ =	strace $0x8FFFFFFF  }
0x98: {  	s18 =	sld [smem:$0x3FDB];
	_ =	sdelay $0x1  }
0x99: {  	s19 =	simm.s32 $_scs_section_size  }
0x9a: {  	s4 =	simm.s32 $_size__tile_overlayer_lowered;
	s5 =	simm.s32 $_tile_overlayer_lowered  }
0x9b: {  	s22 =	simm.s32 $0x1BFF;
	s21 =	sshll.u32 s5, $0x1;
	s2 =	sadd.s32 s19, s18  }
0x9c: {  	s6 =	simm.s32 $0x0;
	s20 =	sshll.u32 s4, $0x1;
	s4 =	sadd.s32 s21, s2  }
0x9d: {  	[timem:s6], [sflag:s22] =	dma.local [hbm:s4], s20  }
0x9e: {  	_ =	swait.ge [sflag:s22], s20  }
0x9f: {  	s3 =	ssub.s32 $0x0, s20;
	[sflag:s22] =	ssyncset.done $0x0  }
0xa0: {  	[sflag:s22] =	ssyncadd.s32 s3;
	_ =	sdelay $0x1  }
0xa1: {  	s23 =	simm.s32 $0x1B8B  }
0xa2: {  	_ =	swait.ge [sflag:s23], $0x1  }
0xa3: {  	[sflag:s23] =	ssyncset.done $0x0  }
0xa4: {  	s25 =	simm.s32 $0x1B8E;
	s24 =	sld [smem:$0x3FFE];
	[sflag:s23] =	ssyncadd.s32 $0xFFFFFFFF  }
0xa5: {  	s26 =	simm.s32 $execute0_lowered;
	[smem:$0x3FD2] =	sst s25  }
0xa6: {  	s4 =	sshll.u32 s26, $0x1;
	_ =	strace $0x80000046;
	[dreg:$0x1] =	wrdreg $0xFFFFFFFF  }
0xa7: {  	s28 =	simm.s32 $_size_execute0_lowered;
	s2 =	sadd.s32 s2, s4;
	[dreg:$0x0] =	wrdreg $0x0  }
0xa8: {  	s4 =	sshll.u32 s28, $0x1;
	[dreg:$0x2] =	wrdreg s2  }
0xa9: {  	[dreg:$0x3] =	wrdreg s4  }
0xaa: {  	[dreg:$0x4] =	wrdreg $0xC0  }
0xab: {  	_ =	task [dreg:s6], $0x5FFFF  }
0xac: {  	[dreg:$0x1] =	wrdreg $0xFFFFFFFF  }
0xad: {  	[dreg:$0x0] =	wrdreg $0x60  }
0xae: {  	[dreg:$0x2] =	wrdreg s24  }
0xaf: {  	[dreg:$0x3] =	wrdreg $0x22000  }
0xb0: {  	[dreg:$0x4] =	wrdreg $0x9  }
0xb1: {  	_ =	task.clear_ibuf [dreg:s6], $0x5FFFF;
	_ =	strace $0x90000046  }
0xb2: {  	s29 =	simm.s32 $0x9;
	_ =	strace $0x80000048  }
0xb3: {  	_ =	swait.ge [sflag:s29], $0x1  }
0xb4: {  	[sflag:s29] =	ssyncadd.s32 $0xFFFFFFFF  }
0xb5: {  	_ =	strace $0x90000048  }
0xb6: {  	_ =	sfence  }
0xb7: {  	s30 =	sld [smem:$0x0];
	_ =	sdelay $0x2  }
0xb8: {  	s31 =	sshll.u32 s1, $0xD;
	s1 =	sshrl.u32 s1, $0x2  }
0xb9: {  	s3 =	sand.u32 $0x4000, s31;
	s1 =	sadd.s32 s1, s30  }
0xba: {  	s0 =	sor.u32 s3, s0;
	s1 =	sshll.u32 s1, $0x11  }
0xbb: {  	s0 =	sor.u32 s1, s0  }
0xbc: {  	s0 =	sadd.s32 $0x8F2B, s0  }
0xbd: {  	[sflag:s0] =	ssyncadd.remote.s32 $0x1  }
0xbe: {  	_ =	sfence.sel $0xFFFF  }
0xbf: {  	[dreg:$0x0] =	wrdreg $0xFFFFFFFF;
	(pc) =	sbr.abs _section_cstart, $3  }
0xc0: {  	[dreg:$0x1] =	wrdreg $0xFFFFFFFF  }
0xc1: {  	_ =	task.clear_ibuf [dreg:s6], $0x2FFFF;
	_ =	strace $0x9FFFFFFF  }
0xc2: {  	(tm) =	ssettm $0x7FFFFFFF  }
0xc3: {  	_ =	shalt  }
tec
execute0_lowered:
.L_overlay_start_1:
0x0: {  	(tag) =	ssettag $0x1  }
0x1: {  	s6 =	rddreg [dreg:$0x0]  }
0x2: {  	s1 =	rddreg [dreg:$0x1];
	s2 =	srdreg.scid  }
0x3: {  	s0 =	rddreg [dreg:$0x2];
	s7 =	sand.u32 $0x1, s2  }
0x4: {  	s2 =	stileid.u32;
	s4 =	smul.u32 $0x18800, s7  }
0x5: {  	s3 =	simm.s32 $0x0;
	s13 =	simm.s32 $0x0;
	s8 =	smul.u32 $0x30E0, s2  }
0x6: {  	[smem:$0x7FF] =	sst s3;
	s5 =	sadd.s32 $0x32E00, s6;
	s10 =	smul.u32 $0x30E00, s7  }
0x7: {  	_ =	strace $0x80000047;
	s11 =	smul.u32 $0x61C00, s2;
	s7 =	ssub.s32 $0x2, s7  }
0x8: {  	s28 =	smul.u32 $0x1880, s2;
	s31 =	sshll.u32 s2, $0x6;
	s29 =	sshrl.u32 s7, $0x1  }
0x9: {  	s9 =	sadd.s32 s4, s6;
	s4 =	sadd.s32 $0x33200, s6;
	s8 =	sadd.s32 s8, s10  }
0xa: {  	s11 =	sshrl.u32 s11, $0x2;
	s7 =	ssub.s32 s7, s29;
	s10 =	simm.s32 $0x1  }
0xb: {  	s6 =	sadd.s32 s8, s6;
	s12 =	sadd.s32 s11, s1;
	s30 =	sadd.s32 s28, s9  }
0xc: {  	s7 =	smax.u32 s7, $0x1;
	s9 =	simm.s32 $0x200;
	s11 =	sor.u32 $0x1C01, s31  }
0xd: {  	s6 =	sadd.s32 $0x36400, s6;
	s8 =	sadd.s32 $0x1E00, s30;
	s12 =	sshrl.u32 s12, $0x3  }
.LBB2_1:
0xe: {  	[tilespmem:s9], [sflag:$0x1] =	stream.linear.gather [hbm4b:s5+s3], $0x2000, $0x38;
	[tilespmem:$0x1A900] =	vst v63  }
0xf: {  	_ =	swait.ge [sflag:s10], $0x2000  }
0x10: {  	[sflag:s10] =	ssyncset.done $0x0  }
0x11: {  	[sflag:s10] =	ssyncadd.s32 $0xFFFFE000  }
0x12: {  	[spmem:s12], [sflag:s11] =	dma.local [hbm:s4], $0x30E0  }
0x13: {  	_ =	swait.ge [sflag:s10], $0x30E0  }
0x14: {  	[sflag:s10] =	ssyncset.done $0x0  }
0x15: {  	[sflag:s10] =	ssyncadd.s32 $0xFFFFCF20  }
0x16: {  	s14 =	sadd.s32 $0x0, s8;
	[bflag:$0x0] =	sbarrier.arrive $0xFFFF  }
0x17: {  	[tilespmem:s3], [sflag:$0x1] =	stream.linear.gather [hbm4b:s14+s3], $0x200, $0x38;
	[tilespmem:$0x1A900] =	vst v63  }
0x18: {  	_ =	swait.ge [sflag:s10], $0x200  }
0x19: {  	[sflag:s10] =	ssyncset.done $0x0  }
0x1a: {  	[sflag:s10] =	ssyncadd.s32 $0xFFFFFE00  }
0x1b: {  	[spmem:s1] =	stream.indirect.scatter.add.f32 [tilespmem:s9], [sflag:$0x1], $0x10, s3, s9, $0xb8;
	[tilespmem:$0x1A900] =	vst v63  }
0x1c: {  	_ =	swait.ge [sflag:s10], $0x2000  }
0x1d: {  	s15 =	simm.s32 $0x80;
	s14 =	simm.s32 $0x40;
	[sflag:s10] =	ssyncset.done $0x0  }
.LBB2_2:
0x1e: {  	s16 =	sadd.s32 s14, s8  }
0x1f: {  	[sflag:s10] =	ssyncadd.s32 $0xFFFFE000;
	s14 =	smov.u32 s15;
	s17 =	sadd.s32 $0x40, s15  }
0x20: {  	[tilespmem:s3], [sflag:$0x1] =	stream.linear.gather [hbm4b:s16+s3], $0x200, $0x38;
	[tilespmem:$0x1A900] =	vst v63  }
0x21: {  	p0 =	sne.s32 s15, $0x1840;
	_ =	swait.ge [sflag:s10], $0x200  }
.Ltmp0:
0x22: {  	[sflag:s10] =	ssyncset.done $0x0;
	(pc) =	sbr.rel @p0 .LBB2_2-.Ltmp0, $4  }
0x23: {  	[sflag:s10] =	ssyncadd.s32 $0xFFFFFE00  }
0x24: {  	[spmem:s1] =	stream.indirect.scatter.add.f32 [tilespmem:s9], [sflag:$0x1], $0x10, s3, s9, $0xb8;
	[tilespmem:$0x1A900] =	vst v63  }
0x25: {  	_ =	swait.ge [sflag:s10], $0x2000  }
0x26: {  	s15 =	smov.u32 s17;
	[sflag:s10] =	ssyncset.done $0x0  }
0x27: {  	s14 =	sadd.s32 s14, s8;
	[sflag:s10] =	ssyncadd.s32 $0xFFFFE000  }
0x28: {  	[tilespmem:s3], [sflag:$0x1] =	stream.linear.gather [hbm4b:s14+s3], $0x200, $0x38;
	[tilespmem:$0x1A900] =	vst v63  }
0x29: {  	_ =	swait.ge [sflag:s10], $0x200  }
0x2a: {  	[sflag:s10] =	ssyncset.done $0x0  }
0x2b: {  	[sflag:s10] =	ssyncadd.s32 $0xFFFFFE00  }
0x2c: {  	[spmem:s1] =	stream.indirect.scatter.add.f32 [tilespmem:s9], [sflag:$0x1], $0x10, s3, s9, $0xb8;
	[tilespmem:$0x1A900] =	vst v63  }
0x2d: {  	_ =	swait.ge [sflag:s10], $0x2000  }
0x2e: {  	s13 =	sadd.s32 $0x1, s13;
	[sflag:s10] =	ssyncset.done $0x0  }
0x2f: {  	p0 =	sne.s32 s13, s7;
	[sflag:s10] =	ssyncadd.s32 $0xFFFFE000  }
.Ltmp1:
0x30: {  	[bflag:$0x0] =	sbarrier.arrive $0xFFFF;
	(pc) =	sbr.rel @p0 .LBB2_1-.Ltmp1, $4  }
0x31: {  	[hbm:s6], [sflag:s11] =	dma.local [spmem:s12], $0x30E0  }
0x32: {  	_ =	swait.ge [sflag:s10], $0x30E0  }
0x33: {  	[sflag:s10] =	ssyncset.done $0x0  }
0x34: {  	[sflag:s10] =	ssyncadd.s32 $0xFFFFCF20  }
0x35: {  	_ =	sfence.sel $0x180000  }
0x36: {  	[bflag:$0x0] =	sbarrier.arrive $0xFFFF  }
0x37: {  	p0 =	sne.s32 s2, $0x0;
	_ =	strace $0x90000047  }
0x38: {  	s0 =	sadd.s32 @!p0 $0x100000, s0;
	[bflag:$0x2] =	sbarrier.arrive $0xFFFF  }
0x39: {  	[sflag:s0] =	ssyncadd.tile.s32 @!p0 $0x1;
	_ =	shalt  }
.Lfunc_end2:
_tile_overlayer_lowered:
.L_overlay_start_2:
0x3a: {  	(tag) =	ssettag $0x2  }
0x3b: {  	s0 =	rddreg [dreg:$0x0];
	s2 =	stileid.u32  }
0x3c: {  	s1 =	rddreg [dreg:$0x1];
	p0 =	sne.s32 s2, $0x0  }
0x3d: {  	s3 =	rddreg [dreg:$0x2];
	[bflag:$0x3] =	sbarrier.arrive $0xFFFF;
	s2 =	simm.s32 @!p0 $0x1C01  }
0x3e: {  	[timem:s3], [sflag:s2] =	dma.local @!p0 [hbm:s0], s1  }
0x3f: {  	s0 =	simm.s32 @!p0 $0x1  }
0x40: {  	_ =	swait.ge @!p0 [sflag:s0], s1  }
0x41: {  	s1 =	ssub.s32 @!p0 $0x0, s1;
	[sflag:s0] =	ssyncset.done @!p0 $0x0  }
0x42: {  	[sflag:s0] =	ssyncadd.s32 @!p0 s1  }
0x43: {  	[bflag:$0x3] =	sbarrier.arrive $0xFFFF  }
0x44: {  	_ =	shalt  }

</sc_bundles>
